<compile_context>
chip_gen: v7x
topology: tpu7x:2x2x1
jax: 0.10.2.dev20260603
libtpu: 0.0.44.dev20260713+nightly
codegen_flags: <defaults>
</compile_context>

<pallas_src>
import functools

import jax
import jax.numpy as jnp
from jax import lax
from jax.experimental import pallas as pl
from jax.experimental.pallas import tpu as pltpu
from jax.experimental.pallas import tpu_sc as plsc

N = 10000
D = 128
C = 64
E = 320000

NPAD = 10240
NH = NPAD // 2
BLK = 128
EROWS = E // BLK
NW = 32
WROWS = EROWS // NW
ROWS_PER_TILE = NPAD // 16
DEGW = 16
TCB = 640

_MESH = plsc.VectorSubcoreMesh(core_axis_name="c", subcore_axis_name="s")
_SC_PARAMS = pltpu.CompilerParams(use_tc_tiling_on_sc=False)


def _sc_degree(dst_r):

    @functools.partial(
        pl.kernel,
        mesh=_MESH,
        out_type=jax.ShapeDtypeStruct((2 * NPAD, 64), jnp.float32),
        scratch_types=[
            pltpu.VMEM((WROWS + 1, BLK), jnp.int32),
            pltpu.VMEM((BLK, DEGW), jnp.float32),
            pltpu.VMEM((BLK, DEGW), jnp.float32),
            pltpu.VMEM((ROWS_PER_TILE, DEGW), jnp.float32),
            pltpu.VMEM((ROWS_PER_TILE, 64), jnp.float32),
            pltpu.VMEM_SHARED((NPAD, DEGW), jnp.float32),
            pltpu.SemaphoreType.DMA,
            pltpu.SemaphoreType.DMA,
        ],
        compiler_params=_SC_PARAMS,
    )
    def degk(dst_hbm, out_hbm, didx, obuf, zbuf, r16, r64, acc, isem, zsem):
        c = lax.axis_index("c")
        s = lax.axis_index("s")
        w = c * 16 + s

        ih = pltpu.async_copy(dst_hbm.at[pl.ds(w * WROWS, WROWS)],
                              didx.at[pl.ds(0, WROWS)], isem)

        @pl.loop(0, BLK)
        def _(i):
            zbuf[pl.ds(i, 1), :] = jnp.zeros((1, DEGW), jnp.float32)
            obuf[pl.ds(i, 1), :] = jnp.ones((1, DEGW), jnp.float32)

        for k in range(ROWS_PER_TILE // BLK):
            pltpu.async_copy(
                zbuf, acc.at[pl.ds(s * ROWS_PER_TILE + k * BLK, BLK)], zsem)
        for k in range(ROWS_PER_TILE // BLK):
            pltpu.make_async_copy(
                zbuf, acc.at[pl.ds(s * ROWS_PER_TILE + k * BLK, BLK)],
                zsem).wait()
        ih.wait()
        plsc.subcore_barrier()

        @pl.loop(0, WROWS)
        def _(j):
            pltpu.sync_copy(obuf, acc.at[didx.at[j]], add=True)

        @pl.when(w < 4)
        def _():
            pltpu.sync_copy(dst_hbm.at[pl.ds(NW * WROWS + w, 1)],
                            didx.at[pl.ds(WROWS, 1)])
            pltpu.sync_copy(obuf, acc.at[didx.at[WROWS]], add=True)

        plsc.subcore_barrier()

        off = s * ROWS_PER_TILE
        pltpu.sync_copy(acc.at[pl.ds(off, ROWS_PER_TILE)], r16)

        @pl.loop(0, ROWS_PER_TILE)
        def _(i):
            v = r16[pl.ds(i, 1), :]
            for k in range(4):
                r64[pl.ds(i, 1), pl.ds(DEGW * k, DEGW)] = v

        pltpu.sync_copy(r64, out_hbm.at[pl.ds(c * NPAD + off, ROWS_PER_TILE)])

    return degk(dst_r)


def _sc_hop(t, src_r, dst_r):

    @functools.partial(
        pl.kernel,
        mesh=_MESH,
        out_type=jax.ShapeDtypeStruct((2 * NPAD, C), jnp.float32),
        scratch_types=[
            pltpu.VMEM((WROWS + 1, BLK), jnp.int32),
            pltpu.VMEM((WROWS + 1, BLK), jnp.int32),
            pltpu.VMEM((4, BLK, C), jnp.float32),
            pltpu.VMEM_SHARED((NPAD, C), jnp.float32),
            pltpu.SemaphoreType.DMA,
            pltpu.SemaphoreType.DMA,
            pltpu.SemaphoreType.DMA,
            pltpu.SemaphoreType.DMA,
            pltpu.SemaphoreType.DMA,
            pltpu.SemaphoreType.DMA,
            pltpu.SemaphoreType.DMA,
            pltpu.SemaphoreType.DMA,
        ],
        compiler_params=_SC_PARAMS,
    )
    def hop(t_hbm, src_hbm, dst_hbm, out_hbm,
            sidx, didx, bufs, acc, g0, g1, g2, g3, s0, s1, s2, s3):
        c = lax.axis_index("c")
        s = lax.axis_index("s")
        w = c * 16 + s
        gsem = (g0, g1, g2, g3)
        ssem = (s0, s1, s2, s3)

        def gather(blk, b):
            pltpu.async_copy(t_hbm.at[sidx.at[blk]], bufs.at[b], gsem[b])

        def gwait(b):
            pltpu.make_async_copy(t_hbm.at[sidx.at[0]], bufs.at[b],
                                  gsem[b]).wait()

        def scat(blk, b):
            pltpu.async_copy(bufs.at[b], acc.at[didx.at[blk]], ssem[b],
                             add=True)

        def swait(b):
            pltpu.make_async_copy(bufs.at[b], acc.at[didx.at[0]],
                                  ssem[b]).wait()

        ih1 = pltpu.async_copy(src_hbm.at[pl.ds(w * WROWS, WROWS)],
                               sidx.at[pl.ds(0, WROWS)], g2)
        ih2 = pltpu.async_copy(dst_hbm.at[pl.ds(w * WROWS, WROWS)],
                               didx.at[pl.ds(0, WROWS)], g3)

        @pl.loop(0, BLK)
        def _(i):
            for j in range(C // 16):
                bufs[pl.ds(0, 1), pl.ds(i, 1), pl.ds(16 * j, 16)] = jnp.zeros(
                    (1, 1, 16), jnp.float32)

        for k in range(ROWS_PER_TILE // BLK):
            pltpu.async_copy(
                bufs.at[0], acc.at[pl.ds(s * ROWS_PER_TILE + k * BLK, BLK)],
                s0)
        for k in range(ROWS_PER_TILE // BLK):
            pltpu.make_async_copy(
                bufs.at[0], acc.at[pl.ds(s * ROWS_PER_TILE + k * BLK, BLK)],
                s0).wait()
        ih1.wait()
        ih2.wait()

        gather(0, 0)
        gather(1, 1)
        plsc.subcore_barrier()

        gwait(0); scat(0, 0); gather(2, 2)
        gwait(1); scat(1, 1); gather(3, 3)
        gwait(2); scat(2, 2); swait(0); gather(4, 0)
        gwait(3); scat(3, 3); swait(1); gather(5, 1)

        @pl.loop(4, WROWS - 2, step=4)
        def _(j):
            for b in range(4):
                blk = j + b
                gwait(b)
                scat(blk, b)
                nb = (b + 2) % 4
                swait(nb)
                gather(blk + 2, nb)

        gwait(0); scat(WROWS - 2, 0); swait(2)
        gwait(1); scat(WROWS - 1, 1); swait(3)
        swait(0)
        swait(1)

        @pl.when(w < 4)
        def _():
            pltpu.sync_copy(src_hbm.at[pl.ds(NW * WROWS + w, 1)],
                            sidx.at[pl.ds(WROWS, 1)])
            pltpu.sync_copy(dst_hbm.at[pl.ds(NW * WROWS + w, 1)],
                            didx.at[pl.ds(WROWS, 1)])
            pltpu.sync_copy(t_hbm.at[sidx.at[WROWS]], bufs.at[2])
            pltpu.sync_copy(bufs.at[2], acc.at[didx.at[WROWS]], add=True)

        plsc.subcore_barrier()

        off = s * ROWS_PER_TILE
        pltpu.sync_copy(acc.at[pl.ds(off, ROWS_PER_TILE)],
                        out_hbm.at[pl.ds(c * NPAD + off, ROWS_PER_TILE)])

    return hop(t, src_r, dst_r)



_GRID = NH // TCB


def _dinv(dsum, base):
    deg = dsum + 1.0
    rows = lax.broadcasted_iota(jnp.int32, (dsum.shape[0], 1), 0) + base
    return jnp.where(rows < N // 2, lax.rsqrt(deg), 0.0)


def _tc_input(x3, W, degq):
    def body(x_ref, w_ref, da_ref, db_ref, o_ref):
        s = _dinv(da_ref[...] + db_ref[...], pl.program_id(0) * TCB)
        dn = (((1,), (1,)), ((), ()))
        he = lax.dot_general(x_ref[:, 0, :], w_ref[...], dn,
                             preferred_element_type=jnp.float32)
        ho = lax.dot_general(x_ref[:, 1, :], w_ref[...], dn,
                             preferred_element_type=jnp.float32)
        o_ref[...] = jnp.concatenate([he, ho], axis=1) * s

    return pl.pallas_call(
        body,
        grid=(_GRID,),
        in_specs=[
            pl.BlockSpec((TCB, 2, D), lambda i: (i, 0, 0)),
            pl.BlockSpec((C, D), lambda i: (0, 0)),
            pl.BlockSpec((TCB, 128), lambda i: (i, 0)),
            pl.BlockSpec((TCB, 128), lambda i: (_GRID + i, 0)),
        ],
        out_specs=pl.BlockSpec((TCB, 128), lambda i: (i, 0)),
        out_shape=jax.ShapeDtypeStruct((NH, 128), jnp.float32),
    )(x3, W, degq, degq)


def _tc_mid(pv, u2, degq):
    def body(pa_ref, pb_ref, u_ref, da_ref, db_ref, o_ref):
        s = _dinv(da_ref[...] + db_ref[...], pl.program_id(0) * TCB)
        cmb = pa_ref[...] + pb_ref[...] + u_ref[...]
        o_ref[...] = cmb * (s * s)

    return pl.pallas_call(
        body,
        grid=(_GRID,),
        in_specs=[
            pl.BlockSpec((TCB, 128), lambda i: (i, 0)),
            pl.BlockSpec((TCB, 128), lambda i: (_GRID + i, 0)),
            pl.BlockSpec((TCB, 128), lambda i: (i, 0)),
            pl.BlockSpec((TCB, 128), lambda i: (i, 0)),
            pl.BlockSpec((TCB, 128), lambda i: (_GRID + i, 0)),
        ],
        out_specs=pl.BlockSpec((TCB, 128), lambda i: (i, 0)),
        out_shape=jax.ShapeDtypeStruct((NH, 128), jnp.float32),
    )(pv, pv, u2, degq, degq)


def _tc_final(qv, w2, degq, bb):
    def body(qa_ref, qb_ref, w_ref, da_ref, db_ref, b_ref, o_ref):
        s = _dinv(da_ref[...] + db_ref[...], pl.program_id(0) * TCB)
        z = (qa_ref[...] + qb_ref[...] + w_ref[...]) * s + b_ref[...]
        ze = z[:, 0:C]
        zo = z[:, C:128]
        lse_e = jnp.max(ze, axis=1, keepdims=True)
        lse_o = jnp.max(zo, axis=1, keepdims=True)
        lse_e = lse_e + jnp.log(
            jnp.sum(jnp.exp(ze - lse_e), axis=1, keepdims=True))
        lse_o = lse_o + jnp.log(
            jnp.sum(jnp.exp(zo - lse_o), axis=1, keepdims=True))
        o_ref[...] = jnp.concatenate([ze - lse_e, zo - lse_o], axis=1)

    return pl.pallas_call(
        body,
        grid=(_GRID,),
        in_specs=[
            pl.BlockSpec((TCB, 128), lambda i: (i, 0)),
            pl.BlockSpec((TCB, 128), lambda i: (_GRID + i, 0)),
            pl.BlockSpec((TCB, 128), lambda i: (i, 0)),
            pl.BlockSpec((TCB, 128), lambda i: (i, 0)),
            pl.BlockSpec((TCB, 128), lambda i: (_GRID + i, 0)),
            pl.BlockSpec((1, 128), lambda i: (0, 0)),
        ],
        out_specs=pl.BlockSpec((TCB, 128), lambda i: (i, 0)),
        out_shape=jax.ShapeDtypeStruct((NH, 128), jnp.float32),
    )(qv, qv, w2, degq, degq, bb)


def _to_rows(col):
    if col.dtype == jnp.int64:
        c32 = lax.bitcast_convert_type(col, jnp.int32)
        col = c32[:, 0] + c32[:, 1]
    return jnp.reshape(col.astype(jnp.int32), (EROWS, BLK))


def kernel(x, edge_index, W, b):
    dst_r = _to_rows(edge_index[1])
    ei_b = lax.optimization_barrier(edge_index)
    src_r = _to_rows(ei_b[0])
    x3 = jnp.pad(x, ((0, NPAD - N), (0, 0))).reshape(NH, 2, D)
    bb = jnp.reshape(jnp.concatenate([b, b]), (1, 128))

    deg2 = _sc_degree(dst_r)
    degq = jnp.reshape(deg2, (2 * NPAD * 64 // 128, 128))
    u2 = _tc_input(x3, W, degq)
    p = _sc_hop(jnp.reshape(u2, (NPAD, C)), src_r, dst_r)
    w2 = _tc_mid(jnp.reshape(p, (NPAD, 128)), u2, degq)
    q = _sc_hop(jnp.reshape(w2, (NPAD, C)), src_r, dst_r)
    out2 = _tc_final(jnp.reshape(q, (NPAD, 128)), w2, degq, bb)
    return jnp.reshape(out2, (NPAD, C))[0:N]

# --- scband reference (transcript-rebuilt; emitter-appended) ---
"""Pipeline reference for scband-sgc-14018773254536 (READ-ONLY COPY).

The authoritative reference and input builder live on the scoring server;
editing this copy changes nothing except your own understanding.
"""

import jax, jax.numpy as jnp
import numpy as np

N = 10000
E = 320000
D = 128
C = 64
K = 2

def setup_inputs(seed: int = 0) -> dict:
    key = jax.random.key(seed)
    k1, k2, k3 = jax.random.split(key, 3)
    x = jax.random.normal(k1, (N, D), dtype=jnp.float32)
    edge_index = jax.random.randint(k2, (2, E), 0, N, dtype=jnp.int64)
    W = jax.random.normal(k3, (C, D), dtype=jnp.float32) * 0.05
    b = jnp.zeros((C,), dtype=jnp.float32)
    return {"x": x, "edge_index": edge_index, "W": W, "b": b}

def reference(x, edge_index, W, b):
    # SGConv with K=2 and gcn_norm (symmetric normalization, add self-loops)
    src = edge_index[0]
    dst = edge_index[1]
    loop = jnp.arange(N, dtype=src.dtype)
    src = jnp.concatenate([src, loop])
    dst = jnp.concatenate([dst, loop])
    ew = jnp.ones((src.shape[0],), dtype=x.dtype)
    deg = jax.ops.segment_sum(ew, dst, num_segments=N)
    dinv = jnp.where(deg > 0, deg ** -0.5, 0.0)
    norm = dinv[src] * dinv[dst]
    h = x
    for _ in range(K):
        h = jax.ops.segment_sum(h[src] * norm[:, None], dst, num_segments=N)
    out = h @ W.T + b
    return jax.nn.log_softmax(out, axis=1)

if __name__ == "__main__":
    import jax
    _d = setup_inputs()
    print(jax.jit(kernel)(*tuple(_d.values())))

</pallas_src>

<mosaic_0001>
#map = affine_map<(d0, d1) -> (0, 0)>
module attributes {stable_mosaic.version = 14 : i64} {
  func.func @hop(%arg0: i32, %arg1: i32, %arg2: memref<10240x64xf32, #tpu.memory_space<hbm>>, %arg3: memref<2500x128xi32, #tpu.memory_space<hbm>>, %arg4: memref<2500x128xi32, #tpu.memory_space<hbm>>, %arg5: memref<20480x64xf32, #tpu.memory_space<hbm>>, %arg6: memref<79x128xi32, #tpu.memory_space<vmem>>, %arg7: memref<79x128xi32, #tpu.memory_space<vmem>>, %arg8: memref<4x128x64xf32, #tpu.memory_space<vmem>>, %arg9: memref<10240x64xf32, #tpu.memory_space<vmem_shared>>, %arg10: memref<!tpu.dma_semaphore, #tpu.memory_space<semaphore_mem>>, %arg11: memref<!tpu.dma_semaphore, #tpu.memory_space<semaphore_mem>>, %arg12: memref<!tpu.dma_semaphore, #tpu.memory_space<semaphore_mem>>, %arg13: memref<!tpu.dma_semaphore, #tpu.memory_space<semaphore_mem>>, %arg14: memref<!tpu.dma_semaphore, #tpu.memory_space<semaphore_mem>>, %arg15: memref<!tpu.dma_semaphore, #tpu.memory_space<semaphore_mem>>, %arg16: memref<!tpu.dma_semaphore, #tpu.memory_space<semaphore_mem>>, %arg17: memref<!tpu.dma_semaphore, #tpu.memory_space<semaphore_mem>>) attributes {dimension_semantics = [#tpu.dimension_semantics<core_parallel>, #tpu.dimension_semantics<subcore_parallel>], iteration_bounds = array<i64: 2, 16>, scalar_prefetch = 0 : i64, scratch_operands = 12 : i64, tpu.core_type = #tpu.core_type<sc_vector_subcore>, window_params = [{transform_indices = #map}, {transform_indices = #map}, {transform_indices = #map}, {transform_indices = #map}]} {
    %mul3A = arith.constant 16 : i32
    %mul3A_0 = arith.muli %arg0, %mul3A : i32
    %add3A = arith.addi %mul3A_0, %arg1 : i32
    %mul3A_1 = arith.constant 78 : i32
    %mul3A_2 = arith.muli %add3A, %mul3A_1 : i32
    %dma_start3A = arith.constant 0 : i32
    %dma_start3A_3 = arith.constant 0 : i32
    %dma_start3A_4 = tpu.memref_slice %arg6[%dma_start3A, %dma_start3A_3] : memref<79x128xi32, #tpu.memory_space<vmem>> -> memref<78x128xi32, #tpu.memory_space<vmem>>
    %dma_start3A_5 = arith.constant 0 : i32
    %dma_start3A_6 = tpu.memref_slice %arg3[%mul3A_2, %dma_start3A_5] : memref<2500x128xi32, #tpu.memory_space<hbm>> -> memref<78x128xi32, #tpu.memory_space<hbm>>
    %dma_start3A_7 = arith.constant 0 : i32
    %dma_start3A_8 = arith.constant 0 : i32
    %dma_start3A_9 = tpu.memref_slice %arg6[%dma_start3A_7, %dma_start3A_8] : memref<79x128xi32, #tpu.memory_space<vmem>> -> memref<78x128xi32, #tpu.memory_space<vmem>>
    %dma_start3A_10 = arith.constant 0 : i32
    %dma_start3A_11 = tpu.memref_slice %arg3[%mul3A_2, %dma_start3A_10] : memref<2500x128xi32, #tpu.memory_space<hbm>> -> memref<78x128xi32, #tpu.memory_space<hbm>>
    tpu.enqueue_dma source(%dma_start3A_11 : memref<78x128xi32, #tpu.memory_space<hbm>>) target(%dma_start3A_9 : memref<78x128xi32, #tpu.memory_space<vmem>>) target_semaphore(%arg12 : memref<!tpu.dma_semaphore, #tpu.memory_space<semaphore_mem>>)
    %mul3A_12 = arith.constant 78 : i32
    %mul3A_13 = arith.muli %add3A, %mul3A_12 : i32
    %dma_start3A_14 = arith.constant 0 : i32
    %dma_start3A_15 = arith.constant 0 : i32
    %dma_start3A_16 = tpu.memref_slice %arg7[%dma_start3A_14, %dma_start3A_15] : memref<79x128xi32, #tpu.memory_space<vmem>> -> memref<78x128xi32, #tpu.memory_space<vmem>>
    %dma_start3A_17 = arith.constant 0 : i32
    %dma_start3A_18 = tpu.memref_slice %arg4[%mul3A_13, %dma_start3A_17] : memref<2500x128xi32, #tpu.memory_space<hbm>> -> memref<78x128xi32, #tpu.memory_space<hbm>>
    %dma_start3A_19 = arith.constant 0 : i32
    %dma_start3A_20 = arith.constant 0 : i32
    %dma_start3A_21 = tpu.memref_slice %arg7[%dma_start3A_19, %dma_start3A_20] : memref<79x128xi32, #tpu.memory_space<vmem>> -> memref<78x128xi32, #tpu.memory_space<vmem>>
    %dma_start3A_22 = arith.constant 0 : i32
    %dma_start3A_23 = tpu.memref_slice %arg4[%mul3A_13, %dma_start3A_22] : memref<2500x128xi32, #tpu.memory_space<hbm>> -> memref<78x128xi32, #tpu.memory_space<hbm>>
    tpu.enqueue_dma source(%dma_start3A_23 : memref<78x128xi32, #tpu.memory_space<hbm>>) target(%dma_start3A_21 : memref<78x128xi32, #tpu.memory_space<vmem>>) target_semaphore(%arg13 : memref<!tpu.dma_semaphore, #tpu.memory_space<semaphore_mem>>)
    %scan3A = arith.constant 0 : i32
    %scan3A_24 = arith.constant 128 : i32
    %scan3A_25 = arith.addi %scan3A, %scan3A_24 : i32
    %scan3A_26 = arith.constant 1 : i32
    scf.for %scan3A_518 = %scan3A to %scan3A_25 step %scan3A_26  : i32 {
      %mul3A_519 = arith.constant 1 : i32
      %mul3A_520 = arith.muli %scan3A_518, %mul3A_519 : i32
      %add3A_521 = arith.constant 0 : i32
      %add3A_522 = arith.addi %add3A_521, %mul3A_520 : i32
      %broadcast_in_dim3A = arith.constant 0.000000e+00 : f32
      %broadcast_in_dim3A_523 = vector.broadcast %broadcast_in_dim3A : f32 to vector<1x1x16xf32>
      %swap3A = arith.constant 0 : index
      %swap3A_524 = arith.index_cast %add3A_522 : i32 to index
      %swap3A_525 = arith.constant 0 : index
      %swap3A_526 = tpu.vector_load %arg8[%swap3A, %swap3A_524, %swap3A_525] {strides = array<i32>} : memref<4x128x64xf32, #tpu.memory_space<vmem>>, vector<1x1x16xf32>,
      %swap3A_527 = vector.shape_cast %swap3A_526 : vector<1x1x16xf32> to vector<1x1x16xf32>
      %swap3A_528 = vector.shape_cast %broadcast_in_dim3A_523 : vector<1x1x16xf32> to vector<1x1x16xf32>
      tpu.vector_store %arg8[%swap3A, %swap3A_524, %swap3A_525], %swap3A_528 {strides = array<i32>} : memref<4x128x64xf32, #tpu.memory_space<vmem>>, vector<1x1x16xf32>,
      %broadcast_in_dim3A_529 = arith.constant 0.000000e+00 : f32
      %broadcast_in_dim3A_530 = vector.broadcast %broadcast_in_dim3A_529 : f32 to vector<1x1x16xf32>
      %swap3A_531 = arith.constant 0 : index
      %swap3A_532 = arith.index_cast %add3A_522 : i32 to index
      %swap3A_533 = arith.constant 16 : index
      %swap3A_534 = tpu.vector_load %arg8[%swap3A_531, %swap3A_532, %swap3A_533] {strides = array<i32>} : memref<4x128x64xf32, #tpu.memory_space<vmem>>, vector<1x1x16xf32>,
      %swap3A_535 = vector.shape_cast %swap3A_534 : vector<1x1x16xf32> to vector<1x1x16xf32>
      %swap3A_536 = vector.shape_cast %broadcast_in_dim3A_530 : vector<1x1x16xf32> to vector<1x1x16xf32>
      tpu.vector_store %arg8[%swap3A_531, %swap3A_532, %swap3A_533], %swap3A_536 {strides = array<i32>} : memref<4x128x64xf32, #tpu.memory_space<vmem>>, vector<1x1x16xf32>,
      %broadcast_in_dim3A_537 = arith.constant 0.000000e+00 : f32
      %broadcast_in_dim3A_538 = vector.broadcast %broadcast_in_dim3A_537 : f32 to vector<1x1x16xf32>
      %swap3A_539 = arith.constant 0 : index
      %swap3A_540 = arith.index_cast %add3A_522 : i32 to index
      %swap3A_541 = arith.constant 32 : index
      %swap3A_542 = tpu.vector_load %arg8[%swap3A_539, %swap3A_540, %swap3A_541] {strides = array<i32>} : memref<4x128x64xf32, #tpu.memory_space<vmem>>, vector<1x1x16xf32>,
      %swap3A_543 = vector.shape_cast %swap3A_542 : vector<1x1x16xf32> to vector<1x1x16xf32>
      %swap3A_544 = vector.shape_cast %broadcast_in_dim3A_538 : vector<1x1x16xf32> to vector<1x1x16xf32>
      tpu.vector_store %arg8[%swap3A_539, %swap3A_540, %swap3A_541], %swap3A_544 {strides = array<i32>} : memref<4x128x64xf32, #tpu.memory_space<vmem>>, vector<1x1x16xf32>,
      %broadcast_in_dim3A_545 = arith.constant 0.000000e+00 : f32
      %broadcast_in_dim3A_546 = vector.broadcast %broadcast_in_dim3A_545 : f32 to vector<1x1x16xf32>
      %swap3A_547 = arith.constant 0 : index
      %swap3A_548 = arith.index_cast %add3A_522 : i32 to index
      %swap3A_549 = arith.constant 48 : index
      %swap3A_550 = tpu.vector_load %arg8[%swap3A_547, %swap3A_548, %swap3A_549] {strides = array<i32>} : memref<4x128x64xf32, #tpu.memory_space<vmem>>, vector<1x1x16xf32>,
      %swap3A_551 = vector.shape_cast %swap3A_550 : vector<1x1x16xf32> to vector<1x1x16xf32>
      %swap3A_552 = vector.shape_cast %broadcast_in_dim3A_546 : vector<1x1x16xf32> to vector<1x1x16xf32>
      tpu.vector_store %arg8[%swap3A_547, %swap3A_548, %swap3A_549], %swap3A_552 {strides = array<i32>} : memref<4x128x64xf32, #tpu.memory_space<vmem>>, vector<1x1x16xf32>,
    }
    %scan3A_27 = arith.constant 128 : i32
    %mul3A_28 = arith.constant 640 : i32
    %mul3A_29 = arith.muli %arg1, %mul3A_28 : i32
    %add3A_30 = arith.constant 0 : i32
    %add3A_31 = arith.addi %mul3A_29, %add3A_30 : i32
    %dma_start3A_32 = arith.constant 0 : i32
    %dma_start3A_33 = arith.constant 0 : i32
    %dma_start3A_34 = arith.constant 0 : i32
    %dma_start3A_35 = tpu.memref_slice %arg8[%dma_start3A_32, %dma_start3A_33, %dma_start3A_34] : memref<4x128x64xf32, #tpu.memory_space<vmem>> -> memref<1x128x64xf32, #tpu.memory_space<vmem>>
    %dma_start3A_36 = tpu.memref_squeeze %dma_start3A_35 : memref<1x128x64xf32, #tpu.memory_space<vmem>> -> memref<128x64xf32, #tpu.memory_space<vmem>>
    %dma_start3A_37 = arith.constant 0 : i32
    %dma_start3A_38 = tpu.memref_slice %arg9[%add3A_31, %dma_start3A_37] : memref<10240x64xf32, #tpu.memory_space<vmem_shared>> -> memref<128x64xf32, #tpu.memory_space<vmem_shared>>
    %dma_start3A_39 = arith.constant 0 : i32
    %dma_start3A_40 = tpu.memref_slice %arg9[%add3A_31, %dma_start3A_39] : memref<10240x64xf32, #tpu.memory_space<vmem_shared>> -> memref<128x64xf32, #tpu.memory_space<vmem_shared>>
    %dma_start3A_41 = arith.constant 0 : i32
    %dma_start3A_42 = arith.constant 0 : i32
    %dma_start3A_43 = tpu.memref_slice %arg8[%dma_start3A_32, %dma_start3A_41, %dma_start3A_42] : memref<4x128x64xf32, #tpu.memory_space<vmem>> -> memref<1x128x64xf32, #tpu.memory_space<vmem>>
    %dma_start3A_44 = tpu.memref_squeeze %dma_start3A_43 : memref<1x128x64xf32, #tpu.memory_space<vmem>> -> memref<128x64xf32, #tpu.memory_space<vmem>>
    tpu.enqueue_dma source(%dma_start3A_44 : memref<128x64xf32, #tpu.memory_space<vmem>>) target(%dma_start3A_40 : memref<128x64xf32, #tpu.memory_space<vmem_shared>>) target_semaphore(%arg14 : memref<!tpu.dma_semaphore, #tpu.memory_space<semaphore_mem>>)
    %mul3A_45 = arith.constant 640 : i32
    %mul3A_46 = arith.muli %arg1, %mul3A_45 : i32
    %add3A_47 = arith.constant 128 : i32
    %add3A_48 = arith.addi %mul3A_46, %add3A_47 : i32
    %dma_start3A_49 = arith.constant 0 : i32
    %dma_start3A_50 = arith.constant 0 : i32
    %dma_start3A_51 = arith.constant 0 : i32
    %dma_start3A_52 = tpu.memref_slice %arg8[%dma_start3A_49, %dma_start3A_50, %dma_start3A_51] : memref<4x128x64xf32, #tpu.memory_space<vmem>> -> memref<1x128x64xf32, #tpu.memory_space<vmem>>
    %dma_start3A_53 = tpu.memref_squeeze %dma_start3A_52 : memref<1x128x64xf32, #tpu.memory_space<vmem>> -> memref<128x64xf32, #tpu.memory_space<vmem>>
    %dma_start3A_54 = arith.constant 0 : i32
    %dma_start3A_55 = tpu.memref_slice %arg9[%add3A_48, %dma_start3A_54] : memref<10240x64xf32, #tpu.memory_space<vmem_shared>> -> memref<128x64xf32, #tpu.memory_space<vmem_shared>>
    %dma_start3A_56 = arith.constant 0 : i32
    %dma_start3A_57 = tpu.memref_slice %arg9[%add3A_48, %dma_start3A_56] : memref<10240x64xf32, #tpu.memory_space<vmem_shared>> -> memref<128x64xf32, #tpu.memory_space<vmem_shared>>
    %dma_start3A_58 = arith.constant 0 : i32
    %dma_start3A_59 = arith.constant 0 : i32
    %dma_start3A_60 = tpu.memref_slice %arg8[%dma_start3A_49, %dma_start3A_58, %dma_start3A_59] : memref<4x128x64xf32, #tpu.memory_space<vmem>> -> memref<1x128x64xf32, #tpu.memory_space<vmem>>
    %dma_start3A_61 = tpu.memref_squeeze %dma_start3A_60 : memref<1x128x64xf32, #tpu.memory_space<vmem>> -> memref<128x64xf32, #tpu.memory_space<vmem>>
    tpu.enqueue_dma source(%dma_start3A_61 : memref<128x64xf32, #tpu.memory_space<vmem>>) target(%dma_start3A_57 : memref<128x64xf32, #tpu.memory_space<vmem_shared>>) target_semaphore(%arg14 : memref<!tpu.dma_semaphore, #tpu.memory_space<semaphore_mem>>)
    %mul3A_62 = arith.constant 640 : i32
    %mul3A_63 = arith.muli %arg1, %mul3A_62 : i32
    %add3A_64 = arith.constant 256 : i32
    %add3A_65 = arith.addi %mul3A_63, %add3A_64 : i32
    %dma_start3A_66 = arith.constant 0 : i32
    %dma_start3A_67 = arith.constant 0 : i32
    %dma_start3A_68 = arith.constant 0 : i32
    %dma_start3A_69 = tpu.memref_slice %arg8[%dma_start3A_66, %dma_start3A_67, %dma_start3A_68] : memref<4x128x64xf32, #tpu.memory_space<vmem>> -> memref<1x128x64xf32, #tpu.memory_space<vmem>>
    %dma_start3A_70 = tpu.memref_squeeze %dma_start3A_69 : memref<1x128x64xf32, #tpu.memory_space<vmem>> -> memref<128x64xf32, #tpu.memory_space<vmem>>
    %dma_start3A_71 = arith.constant 0 : i32
    %dma_start3A_72 = tpu.memref_slice %arg9[%add3A_65, %dma_start3A_71] : memref<10240x64xf32, #tpu.memory_space<vmem_shared>> -> memref<128x64xf32, #tpu.memory_space<vmem_shared>>
    %dma_start3A_73 = arith.constant 0 : i32
    %dma_start3A_74 = tpu.memref_slice %arg9[%add3A_65, %dma_start3A_73] : memref<10240x64xf32, #tpu.memory_space<vmem_shared>> -> memref<128x64xf32, #tpu.memory_space<vmem_shared>>
    %dma_start3A_75 = arith.constant 0 : i32
    %dma_start3A_76 = arith.constant 0 : i32
    %dma_start3A_77 = tpu.memref_slice %arg8[%dma_start3A_66, %dma_start3A_75, %dma_start3A_76] : memref<4x128x64xf32, #tpu.memory_space<vmem>> -> memref<1x128x64xf32, #tpu.memory_space<vmem>>
    %dma_start3A_78 = tpu.memref_squeeze %dma_start3A_77 : memref<1x128x64xf32, #tpu.memory_space<vmem>> -> memref<128x64xf32, #tpu.memory_space<vmem>>
    tpu.enqueue_dma source(%dma_start3A_78 : memref<128x64xf32, #tpu.memory_space<vmem>>) target(%dma_start3A_74 : memref<128x64xf32, #tpu.memory_space<vmem_shared>>) target_semaphore(%arg14 : memref<!tpu.dma_semaphore, #tpu.memory_space<semaphore_mem>>)
    %mul3A_79 = arith.constant 640 : i32
    %mul3A_80 = arith.muli %arg1, %mul3A_79 : i32
    %add3A_81 = arith.constant 384 : i32
    %add3A_82 = arith.addi %mul3A_80, %add3A_81 : i32
    %dma_start3A_83 = arith.constant 0 : i32
    %dma_start3A_84 = arith.constant 0 : i32
    %dma_start3A_85 = arith.constant 0 : i32
    %dma_start3A_86 = tpu.memref_slice %arg8[%dma_start3A_83, %dma_start3A_84, %dma_start3A_85] : memref<4x128x64xf32, #tpu.memory_space<vmem>> -> memref<1x128x64xf32, #tpu.memory_space<vmem>>
    %dma_start3A_87 = tpu.memref_squeeze %dma_start3A_86 : memref<1x128x64xf32, #tpu.memory_space<vmem>> -> memref<128x64xf32, #tpu.memory_space<vmem>>
    %dma_start3A_88 = arith.constant 0 : i32
    %dma_start3A_89 = tpu.memref_slice %arg9[%add3A_82, %dma_start3A_88] : memref<10240x64xf32, #tpu.memory_space<vmem_shared>> -> memref<128x64xf32, #tpu.memory_space<vmem_shared>>
    %dma_start3A_90 = arith.constant 0 : i32
    %dma_start3A_91 = tpu.memref_slice %arg9[%add3A_82, %dma_start3A_90] : memref<10240x64xf32, #tpu.memory_space<vmem_shared>> -> memref<128x64xf32, #tpu.memory_space<vmem_shared>>
    %dma_start3A_92 = arith.constant 0 : i32
    %dma_start3A_93 = arith.constant 0 : i32
    %dma_start3A_94 = tpu.memref_slice %arg8[%dma_start3A_83, %dma_start3A_92, %dma_start3A_93] : memref<4x128x64xf32, #tpu.memory_space<vmem>> -> memref<1x128x64xf32, #tpu.memory_space<vmem>>
    %dma_start3A_95 = tpu.memref_squeeze %dma_start3A_94 : memref<1x128x64xf32, #tpu.memory_space<vmem>> -> memref<128x64xf32, #tpu.memory_space<vmem>>
    tpu.enqueue_dma source(%dma_start3A_95 : memref<128x64xf32, #tpu.memory_space<vmem>>) target(%dma_start3A_91 : memref<128x64xf32, #tpu.memory_space<vmem_shared>>) target_semaphore(%arg14 : memref<!tpu.dma_semaphore, #tpu.memory_space<semaphore_mem>>)
    %mul3A_96 = arith.constant 640 : i32
    %mul3A_97 = arith.muli %arg1, %mul3A_96 : i32
    %add3A_98 = arith.constant 512 : i32
    %add3A_99 = arith.addi %mul3A_97, %add3A_98 : i32
    %dma_start3A_100 = arith.constant 0 : i32
    %dma_start3A_101 = arith.constant 0 : i32
    %dma_start3A_102 = arith.constant 0 : i32
    %dma_start3A_103 = tpu.memref_slice %arg8[%dma_start3A_100, %dma_start3A_101, %dma_start3A_102] : memref<4x128x64xf32, #tpu.memory_space<vmem>> -> memref<1x128x64xf32, #tpu.memory_space<vmem>>
    %dma_start3A_104 = tpu.memref_squeeze %dma_start3A_103 : memref<1x128x64xf32, #tpu.memory_space<vmem>> -> memref<128x64xf32, #tpu.memory_space<vmem>>
    %dma_start3A_105 = arith.constant 0 : i32
    %dma_start3A_106 = tpu.memref_slice %arg9[%add3A_99, %dma_start3A_105] : memref<10240x64xf32, #tpu.memory_space<vmem_shared>> -> memref<128x64xf32, #tpu.memory_space<vmem_shared>>
    %dma_start3A_107 = arith.constant 0 : i32
    %dma_start3A_108 = tpu.memref_slice %arg9[%add3A_99, %dma_start3A_107] : memref<10240x64xf32, #tpu.memory_space<vmem_shared>> -> memref<128x64xf32, #tpu.memory_space<vmem_shared>>
    %dma_start3A_109 = arith.constant 0 : i32
    %dma_start3A_110 = arith.constant 0 : i32
    %dma_start3A_111 = tpu.memref_slice %arg8[%dma_start3A_100, %dma_start3A_109, %dma_start3A_110] : memref<4x128x64xf32, #tpu.memory_space<vmem>> -> memref<1x128x64xf32, #tpu.memory_space<vmem>>
    %dma_start3A_112 = tpu.memref_squeeze %dma_start3A_111 : memref<1x128x64xf32, #tpu.memory_space<vmem>> -> memref<128x64xf32, #tpu.memory_space<vmem>>
    tpu.enqueue_dma source(%dma_start3A_112 : memref<128x64xf32, #tpu.memory_space<vmem>>) target(%dma_start3A_108 : memref<128x64xf32, #tpu.memory_space<vmem_shared>>) target_semaphore(%arg14 : memref<!tpu.dma_semaphore, #tpu.memory_space<semaphore_mem>>)
    %mul3A_113 = arith.constant 640 : i32
    %mul3A_114 = arith.muli %arg1, %mul3A_113 : i32
    %add3A_115 = arith.constant 0 : i32
    %add3A_116 = arith.addi %mul3A_114, %add3A_115 : i32
    %dma_wait3A = arith.constant 0 : i32
    %dma_wait3A_117 = arith.constant 0 : i32
    %dma_wait3A_118 = arith.constant 0 : i32
    %dma_wait3A_119 = tpu.memref_slice %arg8[%dma_wait3A, %dma_wait3A_117, %dma_wait3A_118] : memref<4x128x64xf32, #tpu.memory_space<vmem>> -> memref<1x128x64xf32, #tpu.memory_space<vmem>>
    %dma_wait3A_120 = tpu.memref_squeeze %dma_wait3A_119 : memref<1x128x64xf32, #tpu.memory_space<vmem>> -> memref<128x64xf32, #tpu.memory_space<vmem>>
    %dma_wait3A_121 = arith.constant 0 : i32
    %dma_wait3A_122 = tpu.memref_slice %arg9[%add3A_116, %dma_wait3A_121] : memref<10240x64xf32, #tpu.memory_space<vmem_shared>> -> memref<128x64xf32, #tpu.memory_space<vmem_shared>>
    %dma_wait3A_123 = arith.constant 0 : i32
    %dma_wait3A_124 = tpu.memref_slice %arg9[%add3A_116, %dma_wait3A_123] : memref<10240x64xf32, #tpu.memory_space<vmem_shared>> -> memref<128x64xf32, #tpu.memory_space<vmem_shared>>
    %dma_wait3A_125 = arith.constant 0 : i32
    %dma_wait3A_126 = arith.constant 0 : i32
    %dma_wait3A_127 = tpu.memref_slice %arg8[%dma_wait3A, %dma_wait3A_125, %dma_wait3A_126] : memref<4x128x64xf32, #tpu.memory_space<vmem>> -> memref<1x128x64xf32, #tpu.memory_space<vmem>>
    %dma_wait3A_128 = tpu.memref_squeeze %dma_wait3A_127 : memref<1x128x64xf32, #tpu.memory_space<vmem>> -> memref<128x64xf32, #tpu.memory_space<vmem>>
    tpu.wait_dma2 semaphore(%arg14 : memref<!tpu.dma_semaphore, #tpu.memory_space<semaphore_mem>>) src(%dma_wait3A_128 : memref<128x64xf32, #tpu.memory_space<vmem>>) dst(%dma_wait3A_124 : memref<128x64xf32, #tpu.memory_space<vmem_shared>>)
    %mul3A_129 = arith.constant 640 : i32
    %mul3A_130 = arith.muli %arg1, %mul3A_129 : i32
    %add3A_131 = arith.constant 128 : i32
    %add3A_132 = arith.addi %mul3A_130, %add3A_131 : i32
    %dma_wait3A_133 = arith.constant 0 : i32
    %dma_wait3A_134 = arith.constant 0 : i32
    %dma_wait3A_135 = arith.constant 0 : i32
    %dma_wait3A_136 = tpu.memref_slice %arg8[%dma_wait3A_133, %dma_wait3A_134, %dma_wait3A_135] : memref<4x128x64xf32, #tpu.memory_space<vmem>> -> memref<1x128x64xf32, #tpu.memory_space<vmem>>
    %dma_wait3A_137 = tpu.memref_squeeze %dma_wait3A_136 : memref<1x128x64xf32, #tpu.memory_space<vmem>> -> memref<128x64xf32, #tpu.memory_space<vmem>>
    %dma_wait3A_138 = arith.constant 0 : i32
    %dma_wait3A_139 = tpu.memref_slice %arg9[%add3A_132, %dma_wait3A_138] : memref<10240x64xf32, #tpu.memory_space<vmem_shared>> -> memref<128x64xf32, #tpu.memory_space<vmem_shared>>
    %dma_wait3A_140 = arith.constant 0 : i32
    %dma_wait3A_141 = tpu.memref_slice %arg9[%add3A_132, %dma_wait3A_140] : memref<10240x64xf32, #tpu.memory_space<vmem_shared>> -> memref<128x64xf32, #tpu.memory_space<vmem_shared>>
    %dma_wait3A_142 = arith.constant 0 : i32
    %dma_wait3A_143 = arith.constant 0 : i32
    %dma_wait3A_144 = tpu.memref_slice %arg8[%dma_wait3A_133, %dma_wait3A_142, %dma_wait3A_143] : memref<4x128x64xf32, #tpu.memory_space<vmem>> -> memref<1x128x64xf32, #tpu.memory_space<vmem>>
    %dma_wait3A_145 = tpu.memref_squeeze %dma_wait3A_144 : memref<1x128x64xf32, #tpu.memory_space<vmem>> -> memref<128x64xf32, #tpu.memory_space<vmem>>
    tpu.wait_dma2 semaphore(%arg14 : memref<!tpu.dma_semaphore, #tpu.memory_space<semaphore_mem>>) src(%dma_wait3A_145 : memref<128x64xf32, #tpu.memory_space<vmem>>) dst(%dma_wait3A_141 : memref<128x64xf32, #tpu.memory_space<vmem_shared>>)
    %mul3A_146 = arith.constant 640 : i32
    %mul3A_147 = arith.muli %arg1, %mul3A_146 : i32
    %add3A_148 = arith.constant 256 : i32
    %add3A_149 = arith.addi %mul3A_147, %add3A_148 : i32
    %dma_wait3A_150 = arith.constant 0 : i32
    %dma_wait3A_151 = arith.constant 0 : i32
    %dma_wait3A_152 = arith.constant 0 : i32
    %dma_wait3A_153 = tpu.memref_slice %arg8[%dma_wait3A_150, %dma_wait3A_151, %dma_wait3A_152] : memref<4x128x64xf32, #tpu.memory_space<vmem>> -> memref<1x128x64xf32, #tpu.memory_space<vmem>>
    %dma_wait3A_154 = tpu.memref_squeeze %dma_wait3A_153 : memref<1x128x64xf32, #tpu.memory_space<vmem>> -> memref<128x64xf32, #tpu.memory_space<vmem>>
    %dma_wait3A_155 = arith.constant 0 : i32
    %dma_wait3A_156 = tpu.memref_slice %arg9[%add3A_149, %dma_wait3A_155] : memref<10240x64xf32, #tpu.memory_space<vmem_shared>> -> memref<128x64xf32, #tpu.memory_space<vmem_shared>>
    %dma_wait3A_157 = arith.constant 0 : i32
    %dma_wait3A_158 = tpu.memref_slice %arg9[%add3A_149, %dma_wait3A_157] : memref<10240x64xf32, #tpu.memory_space<vmem_shared>> -> memref<128x64xf32, #tpu.memory_space<vmem_shared>>
    %dma_wait3A_159 = arith.constant 0 : i32
    %dma_wait3A_160 = arith.constant 0 : i32
    %dma_wait3A_161 = tpu.memref_slice %arg8[%dma_wait3A_150, %dma_wait3A_159, %dma_wait3A_160] : memref<4x128x64xf32, #tpu.memory_space<vmem>> -> memref<1x128x64xf32, #tpu.memory_space<vmem>>
    %dma_wait3A_162 = tpu.memref_squeeze %dma_wait3A_161 : memref<1x128x64xf32, #tpu.memory_space<vmem>> -> memref<128x64xf32, #tpu.memory_space<vmem>>
    tpu.wait_dma2 semaphore(%arg14 : memref<!tpu.dma_semaphore, #tpu.memory_space<semaphore_mem>>) src(%dma_wait3A_162 : memref<128x64xf32, #tpu.memory_space<vmem>>) dst(%dma_wait3A_158 : memref<128x64xf32, #tpu.memory_space<vmem_shared>>)
    %mul3A_163 = arith.constant 640 : i32
    %mul3A_164 = arith.muli %arg1, %mul3A_163 : i32
    %add3A_165 = arith.constant 384 : i32
    %add3A_166 = arith.addi %mul3A_164, %add3A_165 : i32
    %dma_wait3A_167 = arith.constant 0 : i32
    %dma_wait3A_168 = arith.constant 0 : i32
    %dma_wait3A_169 = arith.constant 0 : i32
    %dma_wait3A_170 = tpu.memref_slice %arg8[%dma_wait3A_167, %dma_wait3A_168, %dma_wait3A_169] : memref<4x128x64xf32, #tpu.memory_space<vmem>> -> memref<1x128x64xf32, #tpu.memory_space<vmem>>
    %dma_wait3A_171 = tpu.memref_squeeze %dma_wait3A_170 : memref<1x128x64xf32, #tpu.memory_space<vmem>> -> memref<128x64xf32, #tpu.memory_space<vmem>>
    %dma_wait3A_172 = arith.constant 0 : i32
    %dma_wait3A_173 = tpu.memref_slice %arg9[%add3A_166, %dma_wait3A_172] : memref<10240x64xf32, #tpu.memory_space<vmem_shared>> -> memref<128x64xf32, #tpu.memory_space<vmem_shared>>
    %dma_wait3A_174 = arith.constant 0 : i32
    %dma_wait3A_175 = tpu.memref_slice %arg9[%add3A_166, %dma_wait3A_174] : memref<10240x64xf32, #tpu.memory_space<vmem_shared>> -> memref<128x64xf32, #tpu.memory_space<vmem_shared>>
    %dma_wait3A_176 = arith.constant 0 : i32
    %dma_wait3A_177 = arith.constant 0 : i32
    %dma_wait3A_178 = tpu.memref_slice %arg8[%dma_wait3A_167, %dma_wait3A_176, %dma_wait3A_177] : memref<4x128x64xf32, #tpu.memory_space<vmem>> -> memref<1x128x64xf32, #tpu.memory_space<vmem>>
    %dma_wait3A_179 = tpu.memref_squeeze %dma_wait3A_178 : memref<1x128x64xf32, #tpu.memory_space<vmem>> -> memref<128x64xf32, #tpu.memory_space<vmem>>
    tpu.wait_dma2 semaphore(%arg14 : memref<!tpu.dma_semaphore, #tpu.memory_space<semaphore_mem>>) src(%dma_wait3A_179 : memref<128x64xf32, #tpu.memory_space<vmem>>) dst(%dma_wait3A_175 : memref<128x64xf32, #tpu.memory_space<vmem_shared>>)
    %mul3A_180 = arith.constant 640 : i32
    %mul3A_181 = arith.muli %arg1, %mul3A_180 : i32
    %add3A_182 = arith.constant 512 : i32
    %add3A_183 = arith.addi %mul3A_181, %add3A_182 : i32
    %dma_wait3A_184 = arith.constant 0 : i32
    %dma_wait3A_185 = arith.constant 0 : i32
    %dma_wait3A_186 = arith.constant 0 : i32
    %dma_wait3A_187 = tpu.memref_slice %arg8[%dma_wait3A_184, %dma_wait3A_185, %dma_wait3A_186] : memref<4x128x64xf32, #tpu.memory_space<vmem>> -> memref<1x128x64xf32, #tpu.memory_space<vmem>>
    %dma_wait3A_188 = tpu.memref_squeeze %dma_wait3A_187 : memref<1x128x64xf32, #tpu.memory_space<vmem>> -> memref<128x64xf32, #tpu.memory_space<vmem>>
    %dma_wait3A_189 = arith.constant 0 : i32
    %dma_wait3A_190 = tpu.memref_slice %arg9[%add3A_183, %dma_wait3A_189] : memref<10240x64xf32, #tpu.memory_space<vmem_shared>> -> memref<128x64xf32, #tpu.memory_space<vmem_shared>>
    %dma_wait3A_191 = arith.constant 0 : i32
    %dma_wait3A_192 = tpu.memref_slice %arg9[%add3A_183, %dma_wait3A_191] : memref<10240x64xf32, #tpu.memory_space<vmem_shared>> -> memref<128x64xf32, #tpu.memory_space<vmem_shared>>
    %dma_wait3A_193 = arith.constant 0 : i32
    %dma_wait3A_194 = arith.constant 0 : i32
    %dma_wait3A_195 = tpu.memref_slice %arg8[%dma_wait3A_184, %dma_wait3A_193, %dma_wait3A_194] : memref<4x128x64xf32, #tpu.memory_space<vmem>> -> memref<1x128x64xf32, #tpu.memory_space<vmem>>
    %dma_wait3A_196 = tpu.memref_squeeze %dma_wait3A_195 : memref<1x128x64xf32, #tpu.memory_space<vmem>> -> memref<128x64xf32, #tpu.memory_space<vmem>>
    tpu.wait_dma2 semaphore(%arg14 : memref<!tpu.dma_semaphore, #tpu.memory_space<semaphore_mem>>) src(%dma_wait3A_196 : memref<128x64xf32, #tpu.memory_space<vmem>>) dst(%dma_wait3A_192 : memref<128x64xf32, #tpu.memory_space<vmem_shared>>)
    %dma_wait3A_197 = arith.constant 0 : i32
    %dma_wait3A_198 = arith.constant 0 : i32
    %dma_wait3A_199 = tpu.memref_slice %arg6[%dma_wait3A_197, %dma_wait3A_198] : memref<79x128xi32, #tpu.memory_space<vmem>> -> memref<78x128xi32, #tpu.memory_space<vmem>>
    %dma_wait3A_200 = arith.constant 0 : i32
    %dma_wait3A_201 = tpu.memref_slice %arg3[%mul3A_2, %dma_wait3A_200] : memref<2500x128xi32, #tpu.memory_space<hbm>> -> memref<78x128xi32, #tpu.memory_space<hbm>>
    %dma_wait3A_202 = arith.constant 0 : i32
    %dma_wait3A_203 = arith.constant 0 : i32
    %dma_wait3A_204 = tpu.memref_slice %arg6[%dma_wait3A_202, %dma_wait3A_203] : memref<79x128xi32, #tpu.memory_space<vmem>> -> memref<78x128xi32, #tpu.memory_space<vmem>>
    %dma_wait3A_205 = arith.constant 0 : i32
    %dma_wait3A_206 = tpu.memref_slice %arg3[%mul3A_2, %dma_wait3A_205] : memref<2500x128xi32, #tpu.memory_space<hbm>> -> memref<78x128xi32, #tpu.memory_space<hbm>>
    tpu.wait_dma2 semaphore(%arg12 : memref<!tpu.dma_semaphore, #tpu.memory_space<semaphore_mem>>) src(%dma_wait3A_206 : memref<78x128xi32, #tpu.memory_space<hbm>>) dst(%dma_wait3A_204 : memref<78x128xi32, #tpu.memory_space<vmem>>)
    %dma_wait3A_207 = arith.constant 0 : i32
    %dma_wait3A_208 = arith.constant 0 : i32
    %dma_wait3A_209 = tpu.memref_slice %arg7[%dma_wait3A_207, %dma_wait3A_208] : memref<79x128xi32, #tpu.memory_space<vmem>> -> memref<78x128xi32, #tpu.memory_space<vmem>>
    %dma_wait3A_210 = arith.constant 0 : i32
    %dma_wait3A_211 = tpu.memref_slice %arg4[%mul3A_13, %dma_wait3A_210] : memref<2500x128xi32, #tpu.memory_space<hbm>> -> memref<78x128xi32, #tpu.memory_space<hbm>>
    %dma_wait3A_212 = arith.constant 0 : i32
    %dma_wait3A_213 = arith.constant 0 : i32
    %dma_wait3A_214 = tpu.memref_slice %arg7[%dma_wait3A_212, %dma_wait3A_213] : memref<79x128xi32, #tpu.memory_space<vmem>> -> memref<78x128xi32, #tpu.memory_space<vmem>>
    %dma_wait3A_215 = arith.constant 0 : i32
    %dma_wait3A_216 = tpu.memref_slice %arg4[%mul3A_13, %dma_wait3A_215] : memref<2500x128xi32, #tpu.memory_space<hbm>> -> memref<78x128xi32, #tpu.memory_space<hbm>>
    tpu.wait_dma2 semaphore(%arg13 : memref<!tpu.dma_semaphore, #tpu.memory_space<semaphore_mem>>) src(%dma_wait3A_216 : memref<78x128xi32, #tpu.memory_space<hbm>>) dst(%dma_wait3A_214 : memref<78x128xi32, #tpu.memory_space<vmem>>)
    %dma_start3A_217 = arith.constant 0 : i32
    %dma_start3A_218 = arith.constant 0 : i32
    %dma_start3A_219 = arith.constant 0 : i32
    %dma_start3A_220 = arith.constant 0 : i32
    %dma_start3A_221 = tpu.memref_slice %arg8[%dma_start3A_218, %dma_start3A_219, %dma_start3A_220] : memref<4x128x64xf32, #tpu.memory_space<vmem>> -> memref<1x128x64xf32, #tpu.memory_space<vmem>>
    %dma_start3A_222 = tpu.memref_squeeze %dma_start3A_221 : memref<1x128x64xf32, #tpu.memory_space<vmem>> -> memref<128x64xf32, #tpu.memory_space<vmem>>
    %dma_start3A_223 = arith.constant 0 : i32
    %dma_start3A_224 = tpu.memref_slice %arg6[%dma_start3A_217, %dma_start3A_223] : memref<79x128xi32, #tpu.memory_space<vmem>> -> memref<1x128xi32, #tpu.memory_space<vmem>>
    %dma_start3A_225 = tpu.memref_squeeze %dma_start3A_224 : memref<1x128xi32, #tpu.memory_space<vmem>> -> memref<128xi32, #tpu.memory_space<vmem>>
    %dma_start3A_226 = arith.constant 0 : i32
    %dma_start3A_227 = arith.constant 0 : i32
    %dma_start3A_228 = tpu.memref_slice %arg2[%dma_start3A_226, %dma_start3A_227] : memref<10240x64xf32, #tpu.memory_space<hbm>> -> memref<10240x64xf32, #tpu.memory_space<hbm>>
    tpu.enqueue_indirect_dma source(%dma_start3A_228 : memref<10240x64xf32, #tpu.memory_space<hbm>>) target(%dma_start3A_222 : memref<128x64xf32, #tpu.memory_space<vmem>>) offsets(%dma_start3A_225 : memref<128xi32, #tpu.memory_space<vmem>>) semaphore(%arg10 : memref<!tpu.dma_semaphore, #tpu.memory_space<semaphore_mem>>)
    %dma_start3A_229 = arith.constant 1 : i32
    %dma_start3A_230 = arith.constant 1 : i32
    %dma_start3A_231 = arith.constant 0 : i32
    %dma_start3A_232 = arith.constant 0 : i32
    %dma_start3A_233 = tpu.memref_slice %arg8[%dma_start3A_230, %dma_start3A_231, %dma_start3A_232] : memref<4x128x64xf32, #tpu.memory_space<vmem>> -> memref<1x128x64xf32, #tpu.memory_space<vmem>>
    %dma_start3A_234 = tpu.memref_squeeze %dma_start3A_233 : memref<1x128x64xf32, #tpu.memory_space<vmem>> -> memref<128x64xf32, #tpu.memory_space<vmem>>
    %dma_start3A_235 = arith.constant 0 : i32
    %dma_start3A_236 = tpu.memref_slice %arg6[%dma_start3A_229, %dma_start3A_235] : memref<79x128xi32, #tpu.memory_space<vmem>> -> memref<1x128xi32, #tpu.memory_space<vmem>>
    %dma_start3A_237 = tpu.memref_squeeze %dma_start3A_236 : memref<1x128xi32, #tpu.memory_space<vmem>> -> memref<128xi32, #tpu.memory_space<vmem>>
    %dma_start3A_238 = arith.constant 0 : i32
    %dma_start3A_239 = arith.constant 0 : i32
    %dma_start3A_240 = tpu.memref_slice %arg2[%dma_start3A_238, %dma_start3A_239] : memref<10240x64xf32, #tpu.memory_space<hbm>> -> memref<10240x64xf32, #tpu.memory_space<hbm>>
    tpu.enqueue_indirect_dma source(%dma_start3A_240 : memref<10240x64xf32, #tpu.memory_space<hbm>>) target(%dma_start3A_234 : memref<128x64xf32, #tpu.memory_space<vmem>>) offsets(%dma_start3A_237 : memref<128xi32, #tpu.memory_space<vmem>>) semaphore(%arg11 : memref<!tpu.dma_semaphore, #tpu.memory_space<semaphore_mem>>)
    %barrier3A = arith.constant 0 : index
    tpu.barrier barrier_id(%barrier3A)
    %dma_wait3A_241 = arith.constant 0 : i32
    %dma_wait3A_242 = arith.constant 0 : i32
    %dma_wait3A_243 = arith.constant 0 : i32
    %dma_wait3A_244 = arith.constant 0 : i32
    %dma_wait3A_245 = tpu.memref_slice %arg8[%dma_wait3A_242, %dma_wait3A_243, %dma_wait3A_244] : memref<4x128x64xf32, #tpu.memory_space<vmem>> -> memref<1x128x64xf32, #tpu.memory_space<vmem>>
    %dma_wait3A_246 = tpu.memref_squeeze %dma_wait3A_245 : memref<1x128x64xf32, #tpu.memory_space<vmem>> -> memref<128x64xf32, #tpu.memory_space<vmem>>
    %dma_wait3A_247 = arith.constant 0 : i32
    %dma_wait3A_248 = tpu.memref_slice %arg6[%dma_wait3A_241, %dma_wait3A_247] : memref<79x128xi32, #tpu.memory_space<vmem>> -> memref<1x128xi32, #tpu.memory_space<vmem>>
    %dma_wait3A_249 = tpu.memref_squeeze %dma_wait3A_248 : memref<1x128xi32, #tpu.memory_space<vmem>> -> memref<128xi32, #tpu.memory_space<vmem>>
    %dma_wait3A_250 = arith.constant 0 : i32
    %dma_wait3A_251 = arith.constant 0 : i32
    %dma_wait3A_252 = tpu.memref_slice %arg2[%dma_wait3A_250, %dma_wait3A_251] : memref<10240x64xf32, #tpu.memory_space<hbm>> -> memref<10240x64xf32, #tpu.memory_space<hbm>>
    tpu.wait_indirect_dma semaphore(%arg10 : memref<!tpu.dma_semaphore, #tpu.memory_space<semaphore_mem>>) src(%dma_wait3A_252 : memref<10240x64xf32, #tpu.memory_space<hbm>>) dst(%dma_wait3A_246 : memref<128x64xf32, #tpu.memory_space<vmem>>)
    %dma_start3A_253 = arith.constant 0 : i32
    %dma_start3A_254 = arith.constant 0 : i32
    %dma_start3A_255 = arith.constant 0 : i32
    %dma_start3A_256 = arith.constant 0 : i32
    %dma_start3A_257 = tpu.memref_slice %arg8[%dma_start3A_253, %dma_start3A_255, %dma_start3A_256] : memref<4x128x64xf32, #tpu.memory_space<vmem>> -> memref<1x128x64xf32, #tpu.memory_space<vmem>>
    %dma_start3A_258 = tpu.memref_squeeze %dma_start3A_257 : memref<1x128x64xf32, #tpu.memory_space<vmem>> -> memref<128x64xf32, #tpu.memory_space<vmem>>
    %dma_start3A_259 = arith.constant 0 : i32
    %dma_start3A_260 = tpu.memref_slice %arg7[%dma_start3A_254, %dma_start3A_259] : memref<79x128xi32, #tpu.memory_space<vmem>> -> memref<1x128xi32, #tpu.memory_space<vmem>>
    %dma_start3A_261 = tpu.memref_squeeze %dma_start3A_260 : memref<1x128xi32, #tpu.memory_space<vmem>> -> memref<128xi32, #tpu.memory_space<vmem>>
    %dma_start3A_262 = arith.constant 0 : i32
    %dma_start3A_263 = arith.constant 0 : i32
    %dma_start3A_264 = tpu.memref_slice %arg9[%dma_start3A_262, %dma_start3A_263] : memref<10240x64xf32, #tpu.memory_space<vmem_shared>> -> memref<10240x64xf32, #tpu.memory_space<vmem_shared>>
    tpu.enqueue_indirect_dma source(%dma_start3A_258 : memref<128x64xf32, #tpu.memory_space<vmem>>) target(%dma_start3A_264 : memref<10240x64xf32, #tpu.memory_space<vmem_shared>>) offsets(%dma_start3A_261 : memref<128xi32, #tpu.memory_space<vmem>>) semaphore(%arg14 : memref<!tpu.dma_semaphore, #tpu.memory_space<semaphore_mem>>) {add = true}
    %dma_start3A_265 = arith.constant 2 : i32
    %dma_start3A_266 = arith.constant 2 : i32
    %dma_start3A_267 = arith.constant 0 : i32
    %dma_start3A_268 = arith.constant 0 : i32
    %dma_start3A_269 = tpu.memref_slice %arg8[%dma_start3A_266, %dma_start3A_267, %dma_start3A_268] : memref<4x128x64xf32, #tpu.memory_space<vmem>> -> memref<1x128x64xf32, #tpu.memory_space<vmem>>
    %dma_start3A_270 = tpu.memref_squeeze %dma_start3A_269 : memref<1x128x64xf32, #tpu.memory_space<vmem>> -> memref<128x64xf32, #tpu.memory_space<vmem>>
    %dma_start3A_271 = arith.constant 0 : i32
    %dma_start3A_272 = tpu.memref_slice %arg6[%dma_start3A_265, %dma_start3A_271] : memref<79x128xi32, #tpu.memory_space<vmem>> -> memref<1x128xi32, #tpu.memory_space<vmem>>
    %dma_start3A_273 = tpu.memref_squeeze %dma_start3A_272 : memref<1x128xi32, #tpu.memory_space<vmem>> -> memref<128xi32, #tpu.memory_space<vmem>>
    %dma_start3A_274 = arith.constant 0 : i32
    %dma_start3A_275 = arith.constant 0 : i32
    %dma_start3A_276 = tpu.memref_slice %arg2[%dma_start3A_274, %dma_start3A_275] : memref<10240x64xf32, #tpu.memory_space<hbm>> -> memref<10240x64xf32, #tpu.memory_space<hbm>>
    tpu.enqueue_indirect_dma source(%dma_start3A_276 : memref<10240x64xf32, #tpu.memory_space<hbm>>) target(%dma_start3A_270 : memref<128x64xf32, #tpu.memory_space<vmem>>) offsets(%dma_start3A_273 : memref<128xi32, #tpu.memory_space<vmem>>) semaphore(%arg12 : memref<!tpu.dma_semaphore, #tpu.memory_space<semaphore_mem>>)
    %dma_wait3A_277 = arith.constant 0 : i32
    %dma_wait3A_278 = arith.constant 1 : i32
    %dma_wait3A_279 = arith.constant 0 : i32
    %dma_wait3A_280 = arith.constant 0 : i32
    %dma_wait3A_281 = tpu.memref_slice %arg8[%dma_wait3A_278, %dma_wait3A_279, %dma_wait3A_280] : memref<4x128x64xf32, #tpu.memory_space<vmem>> -> memref<1x128x64xf32, #tpu.memory_space<vmem>>
    %dma_wait3A_282 = tpu.memref_squeeze %dma_wait3A_281 : memref<1x128x64xf32, #tpu.memory_space<vmem>> -> memref<128x64xf32, #tpu.memory_space<vmem>>
    %dma_wait3A_283 = arith.constant 0 : i32
    %dma_wait3A_284 = tpu.memref_slice %arg6[%dma_wait3A_277, %dma_wait3A_283] : memref<79x128xi32, #tpu.memory_space<vmem>> -> memref<1x128xi32, #tpu.memory_space<vmem>>
    %dma_wait3A_285 = tpu.memref_squeeze %dma_wait3A_284 : memref<1x128xi32, #tpu.memory_space<vmem>> -> memref<128xi32, #tpu.memory_space<vmem>>
    %dma_wait3A_286 = arith.constant 0 : i32
    %dma_wait3A_287 = arith.constant 0 : i32
    %dma_wait3A_288 = tpu.memref_slice %arg2[%dma_wait3A_286, %dma_wait3A_287] : memref<10240x64xf32, #tpu.memory_space<hbm>> -> memref<10240x64xf32, #tpu.memory_space<hbm>>
    tpu.wait_indirect_dma semaphore(%arg11 : memref<!tpu.dma_semaphore, #tpu.memory_space<semaphore_mem>>) src(%dma_wait3A_288 : memref<10240x64xf32, #tpu.memory_space<hbm>>) dst(%dma_wait3A_282 : memref<128x64xf32, #tpu.memory_space<vmem>>)
    %dma_start3A_289 = arith.constant 1 : i32
    %dma_start3A_290 = arith.constant 1 : i32
    %dma_start3A_291 = arith.constant 0 : i32
    %dma_start3A_292 = arith.constant 0 : i32
    %dma_start3A_293 = tpu.memref_slice %arg8[%dma_start3A_289, %dma_start3A_291, %dma_start3A_292] : memref<4x128x64xf32, #tpu.memory_space<vmem>> -> memref<1x128x64xf32, #tpu.memory_space<vmem>>
    %dma_start3A_294 = tpu.memref_squeeze %dma_start3A_293 : memref<1x128x64xf32, #tpu.memory_space<vmem>> -> memref<128x64xf32, #tpu.memory_space<vmem>>
    %dma_start3A_295 = arith.constant 0 : i32
    %dma_start3A_296 = tpu.memref_slice %arg7[%dma_start3A_290, %dma_start3A_295] : memref<79x128xi32, #tpu.memory_space<vmem>> -> memref<1x128xi32, #tpu.memory_space<vmem>>
    %dma_start3A_297 = tpu.memref_squeeze %dma_start3A_296 : memref<1x128xi32, #tpu.memory_space<vmem>> -> memref<128xi32, #tpu.memory_space<vmem>>
    %dma_start3A_298 = arith.constant 0 : i32
    %dma_start3A_299 = arith.constant 0 : i32
    %dma_start3A_300 = tpu.memref_slice %arg9[%dma_start3A_298, %dma_start3A_299] : memref<10240x64xf32, #tpu.memory_space<vmem_shared>> -> memref<10240x64xf32, #tpu.memory_space<vmem_shared>>
    tpu.enqueue_indirect_dma source(%dma_start3A_294 : memref<128x64xf32, #tpu.memory_space<vmem>>) target(%dma_start3A_300 : memref<10240x64xf32, #tpu.memory_space<vmem_shared>>) offsets(%dma_start3A_297 : memref<128xi32, #tpu.memory_space<vmem>>) semaphore(%arg15 : memref<!tpu.dma_semaphore, #tpu.memory_space<semaphore_mem>>) {add = true}
    %dma_start3A_301 = arith.constant 3 : i32
    %dma_start3A_302 = arith.constant 3 : i32
    %dma_start3A_303 = arith.constant 0 : i32
    %dma_start3A_304 = arith.constant 0 : i32
    %dma_start3A_305 = tpu.memref_slice %arg8[%dma_start3A_302, %dma_start3A_303, %dma_start3A_304] : memref<4x128x64xf32, #tpu.memory_space<vmem>> -> memref<1x128x64xf32, #tpu.memory_space<vmem>>
    %dma_start3A_306 = tpu.memref_squeeze %dma_start3A_305 : memref<1x128x64xf32, #tpu.memory_space<vmem>> -> memref<128x64xf32, #tpu.memory_space<vmem>>
    %dma_start3A_307 = arith.constant 0 : i32
    %dma_start3A_308 = tpu.memref_slice %arg6[%dma_start3A_301, %dma_start3A_307] : memref<79x128xi32, #tpu.memory_space<vmem>> -> memref<1x128xi32, #tpu.memory_space<vmem>>
    %dma_start3A_309 = tpu.memref_squeeze %dma_start3A_308 : memref<1x128xi32, #tpu.memory_space<vmem>> -> memref<128xi32, #tpu.memory_space<vmem>>
    %dma_start3A_310 = arith.constant 0 : i32
    %dma_start3A_311 = arith.constant 0 : i32
    %dma_start3A_312 = tpu.memref_slice %arg2[%dma_start3A_310, %dma_start3A_311] : memref<10240x64xf32, #tpu.memory_space<hbm>> -> memref<10240x64xf32, #tpu.memory_space<hbm>>
    tpu.enqueue_indirect_dma source(%dma_start3A_312 : memref<10240x64xf32, #tpu.memory_space<hbm>>) target(%dma_start3A_306 : memref<128x64xf32, #tpu.memory_space<vmem>>) offsets(%dma_start3A_309 : memref<128xi32, #tpu.memory_space<vmem>>) semaphore(%arg13 : memref<!tpu.dma_semaphore, #tpu.memory_space<semaphore_mem>>)
    %dma_wait3A_313 = arith.constant 0 : i32
    %dma_wait3A_314 = arith.constant 2 : i32
    %dma_wait3A_315 = arith.constant 0 : i32
    %dma_wait3A_316 = arith.constant 0 : i32
    %dma_wait3A_317 = tpu.memref_slice %arg8[%dma_wait3A_314, %dma_wait3A_315, %dma_wait3A_316] : memref<4x128x64xf32, #tpu.memory_space<vmem>> -> memref<1x128x64xf32, #tpu.memory_space<vmem>>
    %dma_wait3A_318 = tpu.memref_squeeze %dma_wait3A_317 : memref<1x128x64xf32, #tpu.memory_space<vmem>> -> memref<128x64xf32, #tpu.memory_space<vmem>>
    %dma_wait3A_319 = arith.constant 0 : i32
    %dma_wait3A_320 = tpu.memref_slice %arg6[%dma_wait3A_313, %dma_wait3A_319] : memref<79x128xi32, #tpu.memory_space<vmem>> -> memref<1x128xi32, #tpu.memory_space<vmem>>
    %dma_wait3A_321 = tpu.memref_squeeze %dma_wait3A_320 : memref<1x128xi32, #tpu.memory_space<vmem>> -> memref<128xi32, #tpu.memory_space<vmem>>
    %dma_wait3A_322 = arith.constant 0 : i32
    %dma_wait3A_323 = arith.constant 0 : i32
    %dma_wait3A_324 = tpu.memref_slice %arg2[%dma_wait3A_322, %dma_wait3A_323] : memref<10240x64xf32, #tpu.memory_space<hbm>> -> memref<10240x64xf32, #tpu.memory_space<hbm>>
    tpu.wait_indirect_dma semaphore(%arg12 : memref<!tpu.dma_semaphore, #tpu.memory_space<semaphore_mem>>) src(%dma_wait3A_324 : memref<10240x64xf32, #tpu.memory_space<hbm>>) dst(%dma_wait3A_318 : memref<128x64xf32, #tpu.memory_space<vmem>>)
    %dma_start3A_325 = arith.constant 2 : i32
    %dma_start3A_326 = arith.constant 2 : i32
    %dma_start3A_327 = arith.constant 0 : i32
    %dma_start3A_328 = arith.constant 0 : i32
    %dma_start3A_329 = tpu.memref_slice %arg8[%dma_start3A_325, %dma_start3A_327, %dma_start3A_328] : memref<4x128x64xf32, #tpu.memory_space<vmem>> -> memref<1x128x64xf32, #tpu.memory_space<vmem>>
    %dma_start3A_330 = tpu.memref_squeeze %dma_start3A_329 : memref<1x128x64xf32, #tpu.memory_space<vmem>> -> memref<128x64xf32, #tpu.memory_space<vmem>>
    %dma_start3A_331 = arith.constant 0 : i32
    %dma_start3A_332 = tpu.memref_slice %arg7[%dma_start3A_326, %dma_start3A_331] : memref<79x128xi32, #tpu.memory_space<vmem>> -> memref<1x128xi32, #tpu.memory_space<vmem>>
    %dma_start3A_333 = tpu.memref_squeeze %dma_start3A_332 : memref<1x128xi32, #tpu.memory_space<vmem>> -> memref<128xi32, #tpu.memory_space<vmem>>
    %dma_start3A_334 = arith.constant 0 : i32
    %dma_start3A_335 = arith.constant 0 : i32
    %dma_start3A_336 = tpu.memref_slice %arg9[%dma_start3A_334, %dma_start3A_335] : memref<10240x64xf32, #tpu.memory_space<vmem_shared>> -> memref<10240x64xf32, #tpu.memory_space<vmem_shared>>
    tpu.enqueue_indirect_dma source(%dma_start3A_330 : memref<128x64xf32, #tpu.memory_space<vmem>>) target(%dma_start3A_336 : memref<10240x64xf32, #tpu.memory_space<vmem_shared>>) offsets(%dma_start3A_333 : memref<128xi32, #tpu.memory_space<vmem>>) semaphore(%arg16 : memref<!tpu.dma_semaphore, #tpu.memory_space<semaphore_mem>>) {add = true}
    %dma_wait3A_337 = arith.constant 0 : i32
    %dma_wait3A_338 = arith.constant 0 : i32
    %dma_wait3A_339 = arith.constant 0 : i32
    %dma_wait3A_340 = arith.constant 0 : i32
    %dma_wait3A_341 = tpu.memref_slice %arg8[%dma_wait3A_337, %dma_wait3A_339, %dma_wait3A_340] : memref<4x128x64xf32, #tpu.memory_space<vmem>> -> memref<1x128x64xf32, #tpu.memory_space<vmem>>
    %dma_wait3A_342 = tpu.memref_squeeze %dma_wait3A_341 : memref<1x128x64xf32, #tpu.memory_space<vmem>> -> memref<128x64xf32, #tpu.memory_space<vmem>>
    %dma_wait3A_343 = arith.constant 0 : i32
    %dma_wait3A_344 = tpu.memref_slice %arg7[%dma_wait3A_338, %dma_wait3A_343] : memref<79x128xi32, #tpu.memory_space<vmem>> -> memref<1x128xi32, #tpu.memory_space<vmem>>
    %dma_wait3A_345 = tpu.memref_squeeze %dma_wait3A_344 : memref<1x128xi32, #tpu.memory_space<vmem>> -> memref<128xi32, #tpu.memory_space<vmem>>
    %dma_wait3A_346 = arith.constant 0 : i32
    %dma_wait3A_347 = arith.constant 0 : i32
    %dma_wait3A_348 = tpu.memref_slice %arg9[%dma_wait3A_346, %dma_wait3A_347] : memref<10240x64xf32, #tpu.memory_space<vmem_shared>> -> memref<10240x64xf32, #tpu.memory_space<vmem_shared>>
    tpu.wait_indirect_dma semaphore(%arg14 : memref<!tpu.dma_semaphore, #tpu.memory_space<semaphore_mem>>) src(%dma_wait3A_342 : memref<128x64xf32, #tpu.memory_space<vmem>>) dst(%dma_wait3A_348 : memref<10240x64xf32, #tpu.memory_space<vmem_shared>>)
    %dma_start3A_349 = arith.constant 4 : i32
    %dma_start3A_350 = arith.constant 0 : i32
    %dma_start3A_351 = arith.constant 0 : i32
    %dma_start3A_352 = arith.constant 0 : i32
    %dma_start3A_353 = tpu.memref_slice %arg8[%dma_start3A_350, %dma_start3A_351, %dma_start3A_352] : memref<4x128x64xf32, #tpu.memory_space<vmem>> -> memref<1x128x64xf32, #tpu.memory_space<vmem>>
    %dma_start3A_354 = tpu.memref_squeeze %dma_start3A_353 : memref<1x128x64xf32, #tpu.memory_space<vmem>> -> memref<128x64xf32, #tpu.memory_space<vmem>>
    %dma_start3A_355 = arith.constant 0 : i32
    %dma_start3A_356 = tpu.memref_slice %arg6[%dma_start3A_349, %dma_start3A_355] : memref<79x128xi32, #tpu.memory_space<vmem>> -> memref<1x128xi32, #tpu.memory_space<vmem>>
    %dma_start3A_357 = tpu.memref_squeeze %dma_start3A_356 : memref<1x128xi32, #tpu.memory_space<vmem>> -> memref<128xi32, #tpu.memory_space<vmem>>
    %dma_start3A_358 = arith.constant 0 : i32
    %dma_start3A_359 = arith.constant 0 : i32
    %dma_start3A_360 = tpu.memref_slice %arg2[%dma_start3A_358, %dma_start3A_359] : memref<10240x64xf32, #tpu.memory_space<hbm>> -> memref<10240x64xf32, #tpu.memory_space<hbm>>
    tpu.enqueue_indirect_dma source(%dma_start3A_360 : memref<10240x64xf32, #tpu.memory_space<hbm>>) target(%dma_start3A_354 : memref<128x64xf32, #tpu.memory_space<vmem>>) offsets(%dma_start3A_357 : memref<128xi32, #tpu.memory_space<vmem>>) semaphore(%arg10 : memref<!tpu.dma_semaphore, #tpu.memory_space<semaphore_mem>>)
    %dma_wait3A_361 = arith.constant 0 : i32
    %dma_wait3A_362 = arith.constant 3 : i32
    %dma_wait3A_363 = arith.constant 0 : i32
    %dma_wait3A_364 = arith.constant 0 : i32
    %dma_wait3A_365 = tpu.memref_slice %arg8[%dma_wait3A_362, %dma_wait3A_363, %dma_wait3A_364] : memref<4x128x64xf32, #tpu.memory_space<vmem>> -> memref<1x128x64xf32, #tpu.memory_space<vmem>>
    %dma_wait3A_366 = tpu.memref_squeeze %dma_wait3A_365 : memref<1x128x64xf32, #tpu.memory_space<vmem>> -> memref<128x64xf32, #tpu.memory_space<vmem>>
    %dma_wait3A_367 = arith.constant 0 : i32
    %dma_wait3A_368 = tpu.memref_slice %arg6[%dma_wait3A_361, %dma_wait3A_367] : memref<79x128xi32, #tpu.memory_space<vmem>> -> memref<1x128xi32, #tpu.memory_space<vmem>>
    %dma_wait3A_369 = tpu.memref_squeeze %dma_wait3A_368 : memref<1x128xi32, #tpu.memory_space<vmem>> -> memref<128xi32, #tpu.memory_space<vmem>>
    %dma_wait3A_370 = arith.constant 0 : i32
    %dma_wait3A_371 = arith.constant 0 : i32
    %dma_wait3A_372 = tpu.memref_slice %arg2[%dma_wait3A_370, %dma_wait3A_371] : memref<10240x64xf32, #tpu.memory_space<hbm>> -> memref<10240x64xf32, #tpu.memory_space<hbm>>
    tpu.wait_indirect_dma semaphore(%arg13 : memref<!tpu.dma_semaphore, #tpu.memory_space<semaphore_mem>>) src(%dma_wait3A_372 : memref<10240x64xf32, #tpu.memory_space<hbm>>) dst(%dma_wait3A_366 : memref<128x64xf32, #tpu.memory_space<vmem>>)
    %dma_start3A_373 = arith.constant 3 : i32
    %dma_start3A_374 = arith.constant 3 : i32
    %dma_start3A_375 = arith.constant 0 : i32
    %dma_start3A_376 = arith.constant 0 : i32
    %dma_start3A_377 = tpu.memref_slice %arg8[%dma_start3A_373, %dma_start3A_375, %dma_start3A_376] : memref<4x128x64xf32, #tpu.memory_space<vmem>> -> memref<1x128x64xf32, #tpu.memory_space<vmem>>
    %dma_start3A_378 = tpu.memref_squeeze %dma_start3A_377 : memref<1x128x64xf32, #tpu.memory_space<vmem>> -> memref<128x64xf32, #tpu.memory_space<vmem>>
    %dma_start3A_379 = arith.constant 0 : i32
    %dma_start3A_380 = tpu.memref_slice %arg7[%dma_start3A_374, %dma_start3A_379] : memref<79x128xi32, #tpu.memory_space<vmem>> -> memref<1x128xi32, #tpu.memory_space<vmem>>
    %dma_start3A_381 = tpu.memref_squeeze %dma_start3A_380 : memref<1x128xi32, #tpu.memory_space<vmem>> -> memref<128xi32, #tpu.memory_space<vmem>>
    %dma_start3A_382 = arith.constant 0 : i32
    %dma_start3A_383 = arith.constant 0 : i32
    %dma_start3A_384 = tpu.memref_slice %arg9[%dma_start3A_382, %dma_start3A_383] : memref<10240x64xf32, #tpu.memory_space<vmem_shared>> -> memref<10240x64xf32, #tpu.memory_space<vmem_shared>>
    tpu.enqueue_indirect_dma source(%dma_start3A_378 : memref<128x64xf32, #tpu.memory_space<vmem>>) target(%dma_start3A_384 : memref<10240x64xf32, #tpu.memory_space<vmem_shared>>) offsets(%dma_start3A_381 : memref<128xi32, #tpu.memory_space<vmem>>) semaphore(%arg17 : memref<!tpu.dma_semaphore, #tpu.memory_space<semaphore_mem>>) {add = true}
    %dma_wait3A_385 = arith.constant 1 : i32
    %dma_wait3A_386 = arith.constant 0 : i32
    %dma_wait3A_387 = arith.constant 0 : i32
    %dma_wait3A_388 = arith.constant 0 : i32
    %dma_wait3A_389 = tpu.memref_slice %arg8[%dma_wait3A_385, %dma_wait3A_387, %dma_wait3A_388] : memref<4x128x64xf32, #tpu.memory_space<vmem>> -> memref<1x128x64xf32, #tpu.memory_space<vmem>>
    %dma_wait3A_390 = tpu.memref_squeeze %dma_wait3A_389 : memref<1x128x64xf32, #tpu.memory_space<vmem>> -> memref<128x64xf32, #tpu.memory_space<vmem>>
    %dma_wait3A_391 = arith.constant 0 : i32
    %dma_wait3A_392 = tpu.memref_slice %arg7[%dma_wait3A_386, %dma_wait3A_391] : memref<79x128xi32, #tpu.memory_space<vmem>> -> memref<1x128xi32, #tpu.memory_space<vmem>>
    %dma_wait3A_393 = tpu.memref_squeeze %dma_wait3A_392 : memref<1x128xi32, #tpu.memory_space<vmem>> -> memref<128xi32, #tpu.memory_space<vmem>>
    %dma_wait3A_394 = arith.constant 0 : i32
    %dma_wait3A_395 = arith.constant 0 : i32
    %dma_wait3A_396 = tpu.memref_slice %arg9[%dma_wait3A_394, %dma_wait3A_395] : memref<10240x64xf32, #tpu.memory_space<vmem_shared>> -> memref<10240x64xf32, #tpu.memory_space<vmem_shared>>
    tpu.wait_indirect_dma semaphore(%arg15 : memref<!tpu.dma_semaphore, #tpu.memory_space<semaphore_mem>>) src(%dma_wait3A_390 : memref<128x64xf32, #tpu.memory_space<vmem>>) dst(%dma_wait3A_396 : memref<10240x64xf32, #tpu.memory_space<vmem_shared>>)
    %dma_start3A_397 = arith.constant 5 : i32
    %dma_start3A_398 = arith.constant 1 : i32
    %dma_start3A_399 = arith.constant 0 : i32
    %dma_start3A_400 = arith.constant 0 : i32
    %dma_start3A_401 = tpu.memref_slice %arg8[%dma_start3A_398, %dma_start3A_399, %dma_start3A_400] : memref<4x128x64xf32, #tpu.memory_space<vmem>> -> memref<1x128x64xf32, #tpu.memory_space<vmem>>
    %dma_start3A_402 = tpu.memref_squeeze %dma_start3A_401 : memref<1x128x64xf32, #tpu.memory_space<vmem>> -> memref<128x64xf32, #tpu.memory_space<vmem>>
    %dma_start3A_403 = arith.constant 0 : i32
    %dma_start3A_404 = tpu.memref_slice %arg6[%dma_start3A_397, %dma_start3A_403] : memref<79x128xi32, #tpu.memory_space<vmem>> -> memref<1x128xi32, #tpu.memory_space<vmem>>
    %dma_start3A_405 = tpu.memref_squeeze %dma_start3A_404 : memref<1x128xi32, #tpu.memory_space<vmem>> -> memref<128xi32, #tpu.memory_space<vmem>>
    %dma_start3A_406 = arith.constant 0 : i32
    %dma_start3A_407 = arith.constant 0 : i32
    %dma_start3A_408 = tpu.memref_slice %arg2[%dma_start3A_406, %dma_start3A_407] : memref<10240x64xf32, #tpu.memory_space<hbm>> -> memref<10240x64xf32, #tpu.memory_space<hbm>>
    tpu.enqueue_indirect_dma source(%dma_start3A_408 : memref<10240x64xf32, #tpu.memory_space<hbm>>) target(%dma_start3A_402 : memref<128x64xf32, #tpu.memory_space<vmem>>) offsets(%dma_start3A_405 : memref<128xi32, #tpu.memory_space<vmem>>) semaphore(%arg11 : memref<!tpu.dma_semaphore, #tpu.memory_space<semaphore_mem>>)
    %scan3A_409 = arith.constant 0 : i32
    %scan3A_410 = arith.constant 18 : i32
    %scan3A_411 = arith.addi %scan3A_409, %scan3A_410 : i32
    %scan3A_412 = arith.constant 1 : i32
    scf.for %scan3A_518 = %scan3A_409 to %scan3A_411 step %scan3A_412  : i32 {
      %mul3A_519 = arith.constant 4 : i32
      %mul3A_520 = arith.muli %scan3A_518, %mul3A_519 : i32
      %add3A_521 = arith.constant 4 : i32
      %add3A_522 = arith.addi %add3A_521, %mul3A_520 : i32
      %add3A_523 = arith.constant 0 : i32
      %add3A_524 = arith.addi %add3A_522, %add3A_523 : i32
      %dma_wait3A_525 = arith.constant 0 : i32
      %dma_wait3A_526 = arith.constant 0 : i32
      %dma_wait3A_527 = arith.constant 0 : i32
      %dma_wait3A_528 = arith.constant 0 : i32
      %dma_wait3A_529 = tpu.memref_slice %arg8[%dma_wait3A_526, %dma_wait3A_527, %dma_wait3A_528] : memref<4x128x64xf32, #tpu.memory_space<vmem>> -> memref<1x128x64xf32, #tpu.memory_space<vmem>>
      %dma_wait3A_530 = tpu.memref_squeeze %dma_wait3A_529 : memref<1x128x64xf32, #tpu.memory_space<vmem>> -> memref<128x64xf32, #tpu.memory_space<vmem>>
      %dma_wait3A_531 = arith.constant 0 : i32
      %dma_wait3A_532 = tpu.memref_slice %arg6[%dma_wait3A_525, %dma_wait3A_531] : memref<79x128xi32, #tpu.memory_space<vmem>> -> memref<1x128xi32, #tpu.memory_space<vmem>>
      %dma_wait3A_533 = tpu.memref_squeeze %dma_wait3A_532 : memref<1x128xi32, #tpu.memory_space<vmem>> -> memref<128xi32, #tpu.memory_space<vmem>>
      %dma_wait3A_534 = arith.constant 0 : i32
      %dma_wait3A_535 = arith.constant 0 : i32
      %dma_wait3A_536 = tpu.memref_slice %arg2[%dma_wait3A_534, %dma_wait3A_535] : memref<10240x64xf32, #tpu.memory_space<hbm>> -> memref<10240x64xf32, #tpu.memory_space<hbm>>
      tpu.wait_indirect_dma semaphore(%arg10 : memref<!tpu.dma_semaphore, #tpu.memory_space<semaphore_mem>>) src(%dma_wait3A_536 : memref<10240x64xf32, #tpu.memory_space<hbm>>) dst(%dma_wait3A_530 : memref<128x64xf32, #tpu.memory_space<vmem>>)
      %dma_start3A_537 = arith.constant 0 : i32
      %dma_start3A_538 = arith.constant 0 : i32
      %dma_start3A_539 = arith.constant 0 : i32
      %dma_start3A_540 = tpu.memref_slice %arg8[%dma_start3A_537, %dma_start3A_538, %dma_start3A_539] : memref<4x128x64xf32, #tpu.memory_space<vmem>> -> memref<1x128x64xf32, #tpu.memory_space<vmem>>
      %dma_start3A_541 = tpu.memref_squeeze %dma_start3A_540 : memref<1x128x64xf32, #tpu.memory_space<vmem>> -> memref<128x64xf32, #tpu.memory_space<vmem>>
      %dma_start3A_542 = arith.constant 0 : i32
      %dma_start3A_543 = tpu.memref_slice %arg7[%add3A_524, %dma_start3A_542] : memref<79x128xi32, #tpu.memory_space<vmem>> -> memref<1x128xi32, #tpu.memory_space<vmem>>
      %dma_start3A_544 = tpu.memref_squeeze %dma_start3A_543 : memref<1x128xi32, #tpu.memory_space<vmem>> -> memref<128xi32, #tpu.memory_space<vmem>>
      %dma_start3A_545 = arith.constant 0 : i32
      %dma_start3A_546 = arith.constant 0 : i32
      %dma_start3A_547 = tpu.memref_slice %arg9[%dma_start3A_545, %dma_start3A_546] : memref<10240x64xf32, #tpu.memory_space<vmem_shared>> -> memref<10240x64xf32, #tpu.memory_space<vmem_shared>>
      tpu.enqueue_indirect_dma source(%dma_start3A_541 : memref<128x64xf32, #tpu.memory_space<vmem>>) target(%dma_start3A_547 : memref<10240x64xf32, #tpu.memory_space<vmem_shared>>) offsets(%dma_start3A_544 : memref<128xi32, #tpu.memory_space<vmem>>) semaphore(%arg14 : memref<!tpu.dma_semaphore, #tpu.memory_space<semaphore_mem>>) {add = true}
      %dma_wait3A_548 = arith.constant 2 : i32
      %dma_wait3A_549 = arith.constant 0 : i32
      %dma_wait3A_550 = arith.constant 0 : i32
      %dma_wait3A_551 = arith.constant 0 : i32
      %dma_wait3A_552 = tpu.memref_slice %arg8[%dma_wait3A_548, %dma_wait3A_550, %dma_wait3A_551] : memref<4x128x64xf32, #tpu.memory_space<vmem>> -> memref<1x128x64xf32, #tpu.memory_space<vmem>>
      %dma_wait3A_553 = tpu.memref_squeeze %dma_wait3A_552 : memref<1x128x64xf32, #tpu.memory_space<vmem>> -> memref<128x64xf32, #tpu.memory_space<vmem>>
      %dma_wait3A_554 = arith.constant 0 : i32
      %dma_wait3A_555 = tpu.memref_slice %arg7[%dma_wait3A_549, %dma_wait3A_554] : memref<79x128xi32, #tpu.memory_space<vmem>> -> memref<1x128xi32, #tpu.memory_space<vmem>>
      %dma_wait3A_556 = tpu.memref_squeeze %dma_wait3A_555 : memref<1x128xi32, #tpu.memory_space<vmem>> -> memref<128xi32, #tpu.memory_space<vmem>>
      %dma_wait3A_557 = arith.constant 0 : i32
      %dma_wait3A_558 = arith.constant 0 : i32
      %dma_wait3A_559 = tpu.memref_slice %arg9[%dma_wait3A_557, %dma_wait3A_558] : memref<10240x64xf32, #tpu.memory_space<vmem_shared>> -> memref<10240x64xf32, #tpu.memory_space<vmem_shared>>
      tpu.wait_indirect_dma semaphore(%arg16 : memref<!tpu.dma_semaphore, #tpu.memory_space<semaphore_mem>>) src(%dma_wait3A_553 : memref<128x64xf32, #tpu.memory_space<vmem>>) dst(%dma_wait3A_559 : memref<10240x64xf32, #tpu.memory_space<vmem_shared>>)
      %add3A_560 = arith.constant 2 : i32
      %add3A_561 = arith.addi %add3A_524, %add3A_560 : i32
      %dma_start3A_562 = arith.constant 2 : i32
      %dma_start3A_563 = arith.constant 0 : i32
      %dma_start3A_564 = arith.constant 0 : i32
      %dma_start3A_565 = tpu.memref_slice %arg8[%dma_start3A_562, %dma_start3A_563, %dma_start3A_564] : memref<4x128x64xf32, #tpu.memory_space<vmem>> -> memref<1x128x64xf32, #tpu.memory_space<vmem>>
      %dma_start3A_566 = tpu.memref_squeeze %dma_start3A_565 : memref<1x128x64xf32, #tpu.memory_space<vmem>> -> memref<128x64xf32, #tpu.memory_space<vmem>>
      %dma_start3A_567 = arith.constant 0 : i32
      %dma_start3A_568 = tpu.memref_slice %arg6[%add3A_561, %dma_start3A_567] : memref<79x128xi32, #tpu.memory_space<vmem>> -> memref<1x128xi32, #tpu.memory_space<vmem>>
      %dma_start3A_569 = tpu.memref_squeeze %dma_start3A_568 : memref<1x128xi32, #tpu.memory_space<vmem>> -> memref<128xi32, #tpu.memory_space<vmem>>
      %dma_start3A_570 = arith.constant 0 : i32
      %dma_start3A_571 = arith.constant 0 : i32
      %dma_start3A_572 = tpu.memref_slice %arg2[%dma_start3A_570, %dma_start3A_571] : memref<10240x64xf32, #tpu.memory_space<hbm>> -> memref<10240x64xf32, #tpu.memory_space<hbm>>
      tpu.enqueue_indirect_dma source(%dma_start3A_572 : memref<10240x64xf32, #tpu.memory_space<hbm>>) target(%dma_start3A_566 : memref<128x64xf32, #tpu.memory_space<vmem>>) offsets(%dma_start3A_569 : memref<128xi32, #tpu.memory_space<vmem>>) semaphore(%arg12 : memref<!tpu.dma_semaphore, #tpu.memory_space<semaphore_mem>>)
      %add3A_573 = arith.constant 1 : i32
      %add3A_574 = arith.addi %add3A_522, %add3A_573 : i32
      %dma_wait3A_575 = arith.constant 0 : i32
      %dma_wait3A_576 = arith.constant 1 : i32
      %dma_wait3A_577 = arith.constant 0 : i32
      %dma_wait3A_578 = arith.constant 0 : i32
      %dma_wait3A_579 = tpu.memref_slice %arg8[%dma_wait3A_576, %dma_wait3A_577, %dma_wait3A_578] : memref<4x128x64xf32, #tpu.memory_space<vmem>> -> memref<1x128x64xf32, #tpu.memory_space<vmem>>
      %dma_wait3A_580 = tpu.memref_squeeze %dma_wait3A_579 : memref<1x128x64xf32, #tpu.memory_space<vmem>> -> memref<128x64xf32, #tpu.memory_space<vmem>>
      %dma_wait3A_581 = arith.constant 0 : i32
      %dma_wait3A_582 = tpu.memref_slice %arg6[%dma_wait3A_575, %dma_wait3A_581] : memref<79x128xi32, #tpu.memory_space<vmem>> -> memref<1x128xi32, #tpu.memory_space<vmem>>
      %dma_wait3A_583 = tpu.memref_squeeze %dma_wait3A_582 : memref<1x128xi32, #tpu.memory_space<vmem>> -> memref<128xi32, #tpu.memory_space<vmem>>
      %dma_wait3A_584 = arith.constant 0 : i32
      %dma_wait3A_585 = arith.constant 0 : i32
      %dma_wait3A_586 = tpu.memref_slice %arg2[%dma_wait3A_584, %dma_wait3A_585] : memref<10240x64xf32, #tpu.memory_space<hbm>> -> memref<10240x64xf32, #tpu.memory_space<hbm>>
      tpu.wait_indirect_dma semaphore(%arg11 : memref<!tpu.dma_semaphore, #tpu.memory_space<semaphore_mem>>) src(%dma_wait3A_586 : memref<10240x64xf32, #tpu.memory_space<hbm>>) dst(%dma_wait3A_580 : memref<128x64xf32, #tpu.memory_space<vmem>>)
      %dma_start3A_587 = arith.constant 1 : i32
      %dma_start3A_588 = arith.constant 0 : i32
      %dma_start3A_589 = arith.constant 0 : i32
      %dma_start3A_590 = tpu.memref_slice %arg8[%dma_start3A_587, %dma_start3A_588, %dma_start3A_589] : memref<4x128x64xf32, #tpu.memory_space<vmem>> -> memref<1x128x64xf32, #tpu.memory_space<vmem>>
      %dma_start3A_591 = tpu.memref_squeeze %dma_start3A_590 : memref<1x128x64xf32, #tpu.memory_space<vmem>> -> memref<128x64xf32, #tpu.memory_space<vmem>>
      %dma_start3A_592 = arith.constant 0 : i32
      %dma_start3A_593 = tpu.memref_slice %arg7[%add3A_574, %dma_start3A_592] : memref<79x128xi32, #tpu.memory_space<vmem>> -> memref<1x128xi32, #tpu.memory_space<vmem>>
      %dma_start3A_594 = tpu.memref_squeeze %dma_start3A_593 : memref<1x128xi32, #tpu.memory_space<vmem>> -> memref<128xi32, #tpu.memory_space<vmem>>
      %dma_start3A_595 = arith.constant 0 : i32
      %dma_start3A_596 = arith.constant 0 : i32
      %dma_start3A_597 = tpu.memref_slice %arg9[%dma_start3A_595, %dma_start3A_596] : memref<10240x64xf32, #tpu.memory_space<vmem_shared>> -> memref<10240x64xf32, #tpu.memory_space<vmem_shared>>
      tpu.enqueue_indirect_dma source(%dma_start3A_591 : memref<128x64xf32, #tpu.memory_space<vmem>>) target(%dma_start3A_597 : memref<10240x64xf32, #tpu.memory_space<vmem_shared>>) offsets(%dma_start3A_594 : memref<128xi32, #tpu.memory_space<vmem>>) semaphore(%arg15 : memref<!tpu.dma_semaphore, #tpu.memory_space<semaphore_mem>>) {add = true}
      %dma_wait3A_598 = arith.constant 3 : i32
      %dma_wait3A_599 = arith.constant 0 : i32
      %dma_wait3A_600 = arith.constant 0 : i32
      %dma_wait3A_601 = arith.constant 0 : i32
      %dma_wait3A_602 = tpu.memref_slice %arg8[%dma_wait3A_598, %dma_wait3A_600, %dma_wait3A_601] : memref<4x128x64xf32, #tpu.memory_space<vmem>> -> memref<1x128x64xf32, #tpu.memory_space<vmem>>
      %dma_wait3A_603 = tpu.memref_squeeze %dma_wait3A_602 : memref<1x128x64xf32, #tpu.memory_space<vmem>> -> memref<128x64xf32, #tpu.memory_space<vmem>>
      %dma_wait3A_604 = arith.constant 0 : i32
      %dma_wait3A_605 = tpu.memref_slice %arg7[%dma_wait3A_599, %dma_wait3A_604] : memref<79x128xi32, #tpu.memory_space<vmem>> -> memref<1x128xi32, #tpu.memory_space<vmem>>
      %dma_wait3A_606 = tpu.memref_squeeze %dma_wait3A_605 : memref<1x128xi32, #tpu.memory_space<vmem>> -> memref<128xi32, #tpu.memory_space<vmem>>
      %dma_wait3A_607 = arith.constant 0 : i32
      %dma_wait3A_608 = arith.constant 0 : i32
      %dma_wait3A_609 = tpu.memref_slice %arg9[%dma_wait3A_607, %dma_wait3A_608] : memref<10240x64xf32, #tpu.memory_space<vmem_shared>> -> memref<10240x64xf32, #tpu.memory_space<vmem_shared>>
      tpu.wait_indirect_dma semaphore(%arg17 : memref<!tpu.dma_semaphore, #tpu.memory_space<semaphore_mem>>) src(%dma_wait3A_603 : memref<128x64xf32, #tpu.memory_space<vmem>>) dst(%dma_wait3A_609 : memref<10240x64xf32, #tpu.memory_space<vmem_shared>>)
      %add3A_610 = arith.constant 2 : i32
      %add3A_611 = arith.addi %add3A_574, %add3A_610 : i32
      %dma_start3A_612 = arith.constant 3 : i32
      %dma_start3A_613 = arith.constant 0 : i32
      %dma_start3A_614 = arith.constant 0 : i32
      %dma_start3A_615 = tpu.memref_slice %arg8[%dma_start3A_612, %dma_start3A_613, %dma_start3A_614] : memref<4x128x64xf32, #tpu.memory_space<vmem>> -> memref<1x128x64xf32, #tpu.memory_space<vmem>>
      %dma_start3A_616 = tpu.memref_squeeze %dma_start3A_615 : memref<1x128x64xf32, #tpu.memory_space<vmem>> -> memref<128x64xf32, #tpu.memory_space<vmem>>
      %dma_start3A_617 = arith.constant 0 : i32
      %dma_start3A_618 = tpu.memref_slice %arg6[%add3A_611, %dma_start3A_617] : memref<79x128xi32, #tpu.memory_space<vmem>> -> memref<1x128xi32, #tpu.memory_space<vmem>>
      %dma_start3A_619 = tpu.memref_squeeze %dma_start3A_618 : memref<1x128xi32, #tpu.memory_space<vmem>> -> memref<128xi32, #tpu.memory_space<vmem>>
      %dma_start3A_620 = arith.constant 0 : i32
      %dma_start3A_621 = arith.constant 0 : i32
      %dma_start3A_622 = tpu.memref_slice %arg2[%dma_start3A_620, %dma_start3A_621] : memref<10240x64xf32, #tpu.memory_space<hbm>> -> memref<10240x64xf32, #tpu.memory_space<hbm>>
      tpu.enqueue_indirect_dma source(%dma_start3A_622 : memref<10240x64xf32, #tpu.memory_space<hbm>>) target(%dma_start3A_616 : memref<128x64xf32, #tpu.memory_space<vmem>>) offsets(%dma_start3A_619 : memref<128xi32, #tpu.memory_space<vmem>>) semaphore(%arg13 : memref<!tpu.dma_semaphore, #tpu.memory_space<semaphore_mem>>)
      %add3A_623 = arith.constant 2 : i32
      %add3A_624 = arith.addi %add3A_522, %add3A_623 : i32
      %dma_wait3A_625 = arith.constant 0 : i32
      %dma_wait3A_626 = arith.constant 2 : i32
      %dma_wait3A_627 = arith.constant 0 : i32
      %dma_wait3A_628 = arith.constant 0 : i32
      %dma_wait3A_629 = tpu.memref_slice %arg8[%dma_wait3A_626, %dma_wait3A_627, %dma_wait3A_628] : memref<4x128x64xf32, #tpu.memory_space<vmem>> -> memref<1x128x64xf32, #tpu.memory_space<vmem>>
      %dma_wait3A_630 = tpu.memref_squeeze %dma_wait3A_629 : memref<1x128x64xf32, #tpu.memory_space<vmem>> -> memref<128x64xf32, #tpu.memory_space<vmem>>
      %dma_wait3A_631 = arith.constant 0 : i32
      %dma_wait3A_632 = tpu.memref_slice %arg6[%dma_wait3A_625, %dma_wait3A_631] : memref<79x128xi32, #tpu.memory_space<vmem>> -> memref<1x128xi32, #tpu.memory_space<vmem>>
      %dma_wait3A_633 = tpu.memref_squeeze %dma_wait3A_632 : memref<1x128xi32, #tpu.memory_space<vmem>> -> memref<128xi32, #tpu.memory_space<vmem>>
      %dma_wait3A_634 = arith.constant 0 : i32
      %dma_wait3A_635 = arith.constant 0 : i32
      %dma_wait3A_636 = tpu.memref_slice %arg2[%dma_wait3A_634, %dma_wait3A_635] : memref<10240x64xf32, #tpu.memory_space<hbm>> -> memref<10240x64xf32, #tpu.memory_space<hbm>>
      tpu.wait_indirect_dma semaphore(%arg12 : memref<!tpu.dma_semaphore, #tpu.memory_space<semaphore_mem>>) src(%dma_wait3A_636 : memref<10240x64xf32, #tpu.memory_space<hbm>>) dst(%dma_wait3A_630 : memref<128x64xf32, #tpu.memory_space<vmem>>)
      %dma_start3A_637 = arith.constant 2 : i32
      %dma_start3A_638 = arith.constant 0 : i32
      %dma_start3A_639 = arith.constant 0 : i32
      %dma_start3A_640 = tpu.memref_slice %arg8[%dma_start3A_637, %dma_start3A_638, %dma_start3A_639] : memref<4x128x64xf32, #tpu.memory_space<vmem>> -> memref<1x128x64xf32, #tpu.memory_space<vmem>>
      %dma_start3A_641 = tpu.memref_squeeze %dma_start3A_640 : memref<1x128x64xf32, #tpu.memory_space<vmem>> -> memref<128x64xf32, #tpu.memory_space<vmem>>
      %dma_start3A_642 = arith.constant 0 : i32
      %dma_start3A_643 = tpu.memref_slice %arg7[%add3A_624, %dma_start3A_642] : memref<79x128xi32, #tpu.memory_space<vmem>> -> memref<1x128xi32, #tpu.memory_space<vmem>>
      %dma_start3A_644 = tpu.memref_squeeze %dma_start3A_643 : memref<1x128xi32, #tpu.memory_space<vmem>> -> memref<128xi32, #tpu.memory_space<vmem>>
      %dma_start3A_645 = arith.constant 0 : i32
      %dma_start3A_646 = arith.constant 0 : i32
      %dma_start3A_647 = tpu.memref_slice %arg9[%dma_start3A_645, %dma_start3A_646] : memref<10240x64xf32, #tpu.memory_space<vmem_shared>> -> memref<10240x64xf32, #tpu.memory_space<vmem_shared>>
      tpu.enqueue_indirect_dma source(%dma_start3A_641 : memref<128x64xf32, #tpu.memory_space<vmem>>) target(%dma_start3A_647 : memref<10240x64xf32, #tpu.memory_space<vmem_shared>>) offsets(%dma_start3A_644 : memref<128xi32, #tpu.memory_space<vmem>>) semaphore(%arg16 : memref<!tpu.dma_semaphore, #tpu.memory_space<semaphore_mem>>) {add = true}
      %dma_wait3A_648 = arith.constant 0 : i32
      %dma_wait3A_649 = arith.constant 0 : i32
      %dma_wait3A_650 = arith.constant 0 : i32
      %dma_wait3A_651 = arith.constant 0 : i32
      %dma_wait3A_652 = tpu.memref_slice %arg8[%dma_wait3A_648, %dma_wait3A_650, %dma_wait3A_651] : memref<4x128x64xf32, #tpu.memory_space<vmem>> -> memref<1x128x64xf32, #tpu.memory_space<vmem>>
      %dma_wait3A_653 = tpu.memref_squeeze %dma_wait3A_652 : memref<1x128x64xf32, #tpu.memory_space<vmem>> -> memref<128x64xf32, #tpu.memory_space<vmem>>
      %dma_wait3A_654 = arith.constant 0 : i32
      %dma_wait3A_655 = tpu.memref_slice %arg7[%dma_wait3A_649, %dma_wait3A_654] : memref<79x128xi32, #tpu.memory_space<vmem>> -> memref<1x128xi32, #tpu.memory_space<vmem>>
      %dma_wait3A_656 = tpu.memref_squeeze %dma_wait3A_655 : memref<1x128xi32, #tpu.memory_space<vmem>> -> memref<128xi32, #tpu.memory_space<vmem>>
      %dma_wait3A_657 = arith.constant 0 : i32
      %dma_wait3A_658 = arith.constant 0 : i32
      %dma_wait3A_659 = tpu.memref_slice %arg9[%dma_wait3A_657, %dma_wait3A_658] : memref<10240x64xf32, #tpu.memory_space<vmem_shared>> -> memref<10240x64xf32, #tpu.memory_space<vmem_shared>>
      tpu.wait_indirect_dma semaphore(%arg14 : memref<!tpu.dma_semaphore, #tpu.memory_space<semaphore_mem>>) src(%dma_wait3A_653 : memref<128x64xf32, #tpu.memory_space<vmem>>) dst(%dma_wait3A_659 : memref<10240x64xf32, #tpu.memory_space<vmem_shared>>)
      %add3A_660 = arith.constant 2 : i32
      %add3A_661 = arith.addi %add3A_624, %add3A_660 : i32
      %dma_start3A_662 = arith.constant 0 : i32
      %dma_start3A_663 = arith.constant 0 : i32
      %dma_start3A_664 = arith.constant 0 : i32
      %dma_start3A_665 = tpu.memref_slice %arg8[%dma_start3A_662, %dma_start3A_663, %dma_start3A_664] : memref<4x128x64xf32, #tpu.memory_space<vmem>> -> memref<1x128x64xf32, #tpu.memory_space<vmem>>
      %dma_start3A_666 = tpu.memref_squeeze %dma_start3A_665 : memref<1x128x64xf32, #tpu.memory_space<vmem>> -> memref<128x64xf32, #tpu.memory_space<vmem>>
      %dma_start3A_667 = arith.constant 0 : i32
      %dma_start3A_668 = tpu.memref_slice %arg6[%add3A_661, %dma_start3A_667] : memref<79x128xi32, #tpu.memory_space<vmem>> -> memref<1x128xi32, #tpu.memory_space<vmem>>
      %dma_start3A_669 = tpu.memref_squeeze %dma_start3A_668 : memref<1x128xi32, #tpu.memory_space<vmem>> -> memref<128xi32, #tpu.memory_space<vmem>>
      %dma_start3A_670 = arith.constant 0 : i32
      %dma_start3A_671 = arith.constant 0 : i32
      %dma_start3A_672 = tpu.memref_slice %arg2[%dma_start3A_670, %dma_start3A_671] : memref<10240x64xf32, #tpu.memory_space<hbm>> -> memref<10240x64xf32, #tpu.memory_space<hbm>>
      tpu.enqueue_indirect_dma source(%dma_start3A_672 : memref<10240x64xf32, #tpu.memory_space<hbm>>) target(%dma_start3A_666 : memref<128x64xf32, #tpu.memory_space<vmem>>) offsets(%dma_start3A_669 : memref<128xi32, #tpu.memory_space<vmem>>) semaphore(%arg10 : memref<!tpu.dma_semaphore, #tpu.memory_space<semaphore_mem>>)
      %add3A_673 = arith.constant 3 : i32
      %add3A_674 = arith.addi %add3A_522, %add3A_673 : i32
      %dma_wait3A_675 = arith.constant 0 : i32
      %dma_wait3A_676 = arith.constant 3 : i32
      %dma_wait3A_677 = arith.constant 0 : i32
      %dma_wait3A_678 = arith.constant 0 : i32
      %dma_wait3A_679 = tpu.memref_slice %arg8[%dma_wait3A_676, %dma_wait3A_677, %dma_wait3A_678] : memref<4x128x64xf32, #tpu.memory_space<vmem>> -> memref<1x128x64xf32, #tpu.memory_space<vmem>>
      %dma_wait3A_680 = tpu.memref_squeeze %dma_wait3A_679 : memref<1x128x64xf32, #tpu.memory_space<vmem>> -> memref<128x64xf32, #tpu.memory_space<vmem>>
      %dma_wait3A_681 = arith.constant 0 : i32
      %dma_wait3A_682 = tpu.memref_slice %arg6[%dma_wait3A_675, %dma_wait3A_681] : memref<79x128xi32, #tpu.memory_space<vmem>> -> memref<1x128xi32, #tpu.memory_space<vmem>>
      %dma_wait3A_683 = tpu.memref_squeeze %dma_wait3A_682 : memref<1x128xi32, #tpu.memory_space<vmem>> -> memref<128xi32, #tpu.memory_space<vmem>>
      %dma_wait3A_684 = arith.constant 0 : i32
      %dma_wait3A_685 = arith.constant 0 : i32
      %dma_wait3A_686 = tpu.memref_slice %arg2[%dma_wait3A_684, %dma_wait3A_685] : memref<10240x64xf32, #tpu.memory_space<hbm>> -> memref<10240x64xf32, #tpu.memory_space<hbm>>
      tpu.wait_indirect_dma semaphore(%arg13 : memref<!tpu.dma_semaphore, #tpu.memory_space<semaphore_mem>>) src(%dma_wait3A_686 : memref<10240x64xf32, #tpu.memory_space<hbm>>) dst(%dma_wait3A_680 : memref<128x64xf32, #tpu.memory_space<vmem>>)
      %dma_start3A_687 = arith.constant 3 : i32
      %dma_start3A_688 = arith.constant 0 : i32
      %dma_start3A_689 = arith.constant 0 : i32
      %dma_start3A_690 = tpu.memref_slice %arg8[%dma_start3A_687, %dma_start3A_688, %dma_start3A_689] : memref<4x128x64xf32, #tpu.memory_space<vmem>> -> memref<1x128x64xf32, #tpu.memory_space<vmem>>
      %dma_start3A_691 = tpu.memref_squeeze %dma_start3A_690 : memref<1x128x64xf32, #tpu.memory_space<vmem>> -> memref<128x64xf32, #tpu.memory_space<vmem>>
      %dma_start3A_692 = arith.constant 0 : i32
      %dma_start3A_693 = tpu.memref_slice %arg7[%add3A_674, %dma_start3A_692] : memref<79x128xi32, #tpu.memory_space<vmem>> -> memref<1x128xi32, #tpu.memory_space<vmem>>
      %dma_start3A_694 = tpu.memref_squeeze %dma_start3A_693 : memref<1x128xi32, #tpu.memory_space<vmem>> -> memref<128xi32, #tpu.memory_space<vmem>>
      %dma_start3A_695 = arith.constant 0 : i32
      %dma_start3A_696 = arith.constant 0 : i32
      %dma_start3A_697 = tpu.memref_slice %arg9[%dma_start3A_695, %dma_start3A_696] : memref<10240x64xf32, #tpu.memory_space<vmem_shared>> -> memref<10240x64xf32, #tpu.memory_space<vmem_shared>>
      tpu.enqueue_indirect_dma source(%dma_start3A_691 : memref<128x64xf32, #tpu.memory_space<vmem>>) target(%dma_start3A_697 : memref<10240x64xf32, #tpu.memory_space<vmem_shared>>) offsets(%dma_start3A_694 : memref<128xi32, #tpu.memory_space<vmem>>) semaphore(%arg17 : memref<!tpu.dma_semaphore, #tpu.memory_space<semaphore_mem>>) {add = true}
      %dma_wait3A_698 = arith.constant 1 : i32
      %dma_wait3A_699 = arith.constant 0 : i32
      %dma_wait3A_700 = arith.constant 0 : i32
      %dma_wait3A_701 = arith.constant 0 : i32
      %dma_wait3A_702 = tpu.memref_slice %arg8[%dma_wait3A_698, %dma_wait3A_700, %dma_wait3A_701] : memref<4x128x64xf32, #tpu.memory_space<vmem>> -> memref<1x128x64xf32, #tpu.memory_space<vmem>>
      %dma_wait3A_703 = tpu.memref_squeeze %dma_wait3A_702 : memref<1x128x64xf32, #tpu.memory_space<vmem>> -> memref<128x64xf32, #tpu.memory_space<vmem>>
      %dma_wait3A_704 = arith.constant 0 : i32
      %dma_wait3A_705 = tpu.memref_slice %arg7[%dma_wait3A_699, %dma_wait3A_704] : memref<79x128xi32, #tpu.memory_space<vmem>> -> memref<1x128xi32, #tpu.memory_space<vmem>>
      %dma_wait3A_706 = tpu.memref_squeeze %dma_wait3A_705 : memref<1x128xi32, #tpu.memory_space<vmem>> -> memref<128xi32, #tpu.memory_space<vmem>>
      %dma_wait3A_707 = arith.constant 0 : i32
      %dma_wait3A_708 = arith.constant 0 : i32
      %dma_wait3A_709 = tpu.memref_slice %arg9[%dma_wait3A_707, %dma_wait3A_708] : memref<10240x64xf32, #tpu.memory_space<vmem_shared>> -> memref<10240x64xf32, #tpu.memory_space<vmem_shared>>
      tpu.wait_indirect_dma semaphore(%arg15 : memref<!tpu.dma_semaphore, #tpu.memory_space<semaphore_mem>>) src(%dma_wait3A_703 : memref<128x64xf32, #tpu.memory_space<vmem>>) dst(%dma_wait3A_709 : memref<10240x64xf32, #tpu.memory_space<vmem_shared>>)
      %add3A_710 = arith.constant 2 : i32
      %add3A_711 = arith.addi %add3A_674, %add3A_710 : i32
      %dma_start3A_712 = arith.constant 1 : i32
      %dma_start3A_713 = arith.constant 0 : i32
      %dma_start3A_714 = arith.constant 0 : i32
      %dma_start3A_715 = tpu.memref_slice %arg8[%dma_start3A_712, %dma_start3A_713, %dma_start3A_714] : memref<4x128x64xf32, #tpu.memory_space<vmem>> -> memref<1x128x64xf32, #tpu.memory_space<vmem>>
      %dma_start3A_716 = tpu.memref_squeeze %dma_start3A_715 : memref<1x128x64xf32, #tpu.memory_space<vmem>> -> memref<128x64xf32, #tpu.memory_space<vmem>>
      %dma_start3A_717 = arith.constant 0 : i32
      %dma_start3A_718 = tpu.memref_slice %arg6[%add3A_711, %dma_start3A_717] : memref<79x128xi32, #tpu.memory_space<vmem>> -> memref<1x128xi32, #tpu.memory_space<vmem>>
      %dma_start3A_719 = tpu.memref_squeeze %dma_start3A_718 : memref<1x128xi32, #tpu.memory_space<vmem>> -> memref<128xi32, #tpu.memory_space<vmem>>
      %dma_start3A_720 = arith.constant 0 : i32
      %dma_start3A_721 = arith.constant 0 : i32
      %dma_start3A_722 = tpu.memref_slice %arg2[%dma_start3A_720, %dma_start3A_721] : memref<10240x64xf32, #tpu.memory_space<hbm>> -> memref<10240x64xf32, #tpu.memory_space<hbm>>
      tpu.enqueue_indirect_dma source(%dma_start3A_722 : memref<10240x64xf32, #tpu.memory_space<hbm>>) target(%dma_start3A_716 : memref<128x64xf32, #tpu.memory_space<vmem>>) offsets(%dma_start3A_719 : memref<128xi32, #tpu.memory_space<vmem>>) semaphore(%arg11 : memref<!tpu.dma_semaphore, #tpu.memory_space<semaphore_mem>>)
    }
    %scan3A_413 = arith.constant 18 : i32
    %dma_wait3A_414 = arith.constant 0 : i32
    %dma_wait3A_415 = arith.constant 0 : i32
    %dma_wait3A_416 = arith.constant 0 : i32
    %dma_wait3A_417 = arith.constant 0 : i32
    %dma_wait3A_418 = tpu.memref_slice %arg8[%dma_wait3A_415, %dma_wait3A_416, %dma_wait3A_417] : memref<4x128x64xf32, #tpu.memory_space<vmem>> -> memref<1x128x64xf32, #tpu.memory_space<vmem>>
    %dma_wait3A_419 = tpu.memref_squeeze %dma_wait3A_418 : memref<1x128x64xf32, #tpu.memory_space<vmem>> -> memref<128x64xf32, #tpu.memory_space<vmem>>
    %dma_wait3A_420 = arith.constant 0 : i32
    %dma_wait3A_421 = tpu.memref_slice %arg6[%dma_wait3A_414, %dma_wait3A_420] : memref<79x128xi32, #tpu.memory_space<vmem>> -> memref<1x128xi32, #tpu.memory_space<vmem>>
    %dma_wait3A_422 = tpu.memref_squeeze %dma_wait3A_421 : memref<1x128xi32, #tpu.memory_space<vmem>> -> memref<128xi32, #tpu.memory_space<vmem>>
    %dma_wait3A_423 = arith.constant 0 : i32
    %dma_wait3A_424 = arith.constant 0 : i32
    %dma_wait3A_425 = tpu.memref_slice %arg2[%dma_wait3A_423, %dma_wait3A_424] : memref<10240x64xf32, #tpu.memory_space<hbm>> -> memref<10240x64xf32, #tpu.memory_space<hbm>>
    tpu.wait_indirect_dma semaphore(%arg10 : memref<!tpu.dma_semaphore, #tpu.memory_space<semaphore_mem>>) src(%dma_wait3A_425 : memref<10240x64xf32, #tpu.memory_space<hbm>>) dst(%dma_wait3A_419 : memref<128x64xf32, #tpu.memory_space<vmem>>)
    %dma_start3A_426 = arith.constant 0 : i32
    %dma_start3A_427 = arith.constant 76 : i32
    %dma_start3A_428 = arith.constant 0 : i32
    %dma_start3A_429 = arith.constant 0 : i32
    %dma_start3A_430 = tpu.memref_slice %arg8[%dma_start3A_426, %dma_start3A_428, %dma_start3A_429] : memref<4x128x64xf32, #tpu.memory_space<vmem>> -> memref<1x128x64xf32, #tpu.memory_space<vmem>>
    %dma_start3A_431 = tpu.memref_squeeze %dma_start3A_430 : memref<1x128x64xf32, #tpu.memory_space<vmem>> -> memref<128x64xf32, #tpu.memory_space<vmem>>
    %dma_start3A_432 = arith.constant 0 : i32
    %dma_start3A_433 = tpu.memref_slice %arg7[%dma_start3A_427, %dma_start3A_432] : memref<79x128xi32, #tpu.memory_space<vmem>> -> memref<1x128xi32, #tpu.memory_space<vmem>>
    %dma_start3A_434 = tpu.memref_squeeze %dma_start3A_433 : memref<1x128xi32, #tpu.memory_space<vmem>> -> memref<128xi32, #tpu.memory_space<vmem>>
    %dma_start3A_435 = arith.constant 0 : i32
    %dma_start3A_436 = arith.constant 0 : i32
    %dma_start3A_437 = tpu.memref_slice %arg9[%dma_start3A_435, %dma_start3A_436] : memref<10240x64xf32, #tpu.memory_space<vmem_shared>> -> memref<10240x64xf32, #tpu.memory_space<vmem_shared>>
    tpu.enqueue_indirect_dma source(%dma_start3A_431 : memref<128x64xf32, #tpu.memory_space<vmem>>) target(%dma_start3A_437 : memref<10240x64xf32, #tpu.memory_space<vmem_shared>>) offsets(%dma_start3A_434 : memref<128xi32, #tpu.memory_space<vmem>>) semaphore(%arg14 : memref<!tpu.dma_semaphore, #tpu.memory_space<semaphore_mem>>) {add = true}
    %dma_wait3A_438 = arith.constant 2 : i32
    %dma_wait3A_439 = arith.constant 0 : i32
    %dma_wait3A_440 = arith.constant 0 : i32
    %dma_wait3A_441 = arith.constant 0 : i32
    %dma_wait3A_442 = tpu.memref_slice %arg8[%dma_wait3A_438, %dma_wait3A_440, %dma_wait3A_441] : memref<4x128x64xf32, #tpu.memory_space<vmem>> -> memref<1x128x64xf32, #tpu.memory_space<vmem>>
    %dma_wait3A_443 = tpu.memref_squeeze %dma_wait3A_442 : memref<1x128x64xf32, #tpu.memory_space<vmem>> -> memref<128x64xf32, #tpu.memory_space<vmem>>
    %dma_wait3A_444 = arith.constant 0 : i32
    %dma_wait3A_445 = tpu.memref_slice %arg7[%dma_wait3A_439, %dma_wait3A_444] : memref<79x128xi32, #tpu.memory_space<vmem>> -> memref<1x128xi32, #tpu.memory_space<vmem>>
    %dma_wait3A_446 = tpu.memref_squeeze %dma_wait3A_445 : memref<1x128xi32, #tpu.memory_space<vmem>> -> memref<128xi32, #tpu.memory_space<vmem>>
    %dma_wait3A_447 = arith.constant 0 : i32
    %dma_wait3A_448 = arith.constant 0 : i32
    %dma_wait3A_449 = tpu.memref_slice %arg9[%dma_wait3A_447, %dma_wait3A_448] : memref<10240x64xf32, #tpu.memory_space<vmem_shared>> -> memref<10240x64xf32, #tpu.memory_space<vmem_shared>>
    tpu.wait_indirect_dma semaphore(%arg16 : memref<!tpu.dma_semaphore, #tpu.memory_space<semaphore_mem>>) src(%dma_wait3A_443 : memref<128x64xf32, #tpu.memory_space<vmem>>) dst(%dma_wait3A_449 : memref<10240x64xf32, #tpu.memory_space<vmem_shared>>)
    %dma_wait3A_450 = arith.constant 0 : i32
    %dma_wait3A_451 = arith.constant 1 : i32
    %dma_wait3A_452 = arith.constant 0 : i32
    %dma_wait3A_453 = arith.constant 0 : i32
    %dma_wait3A_454 = tpu.memref_slice %arg8[%dma_wait3A_451, %dma_wait3A_452, %dma_wait3A_453] : memref<4x128x64xf32, #tpu.memory_space<vmem>> -> memref<1x128x64xf32, #tpu.memory_space<vmem>>
    %dma_wait3A_455 = tpu.memref_squeeze %dma_wait3A_454 : memref<1x128x64xf32, #tpu.memory_space<vmem>> -> memref<128x64xf32, #tpu.memory_space<vmem>>
    %dma_wait3A_456 = arith.constant 0 : i32
    %dma_wait3A_457 = tpu.memref_slice %arg6[%dma_wait3A_450, %dma_wait3A_456] : memref<79x128xi32, #tpu.memory_space<vmem>> -> memref<1x128xi32, #tpu.memory_space<vmem>>
    %dma_wait3A_458 = tpu.memref_squeeze %dma_wait3A_457 : memref<1x128xi32, #tpu.memory_space<vmem>> -> memref<128xi32, #tpu.memory_space<vmem>>
    %dma_wait3A_459 = arith.constant 0 : i32
    %dma_wait3A_460 = arith.constant 0 : i32
    %dma_wait3A_461 = tpu.memref_slice %arg2[%dma_wait3A_459, %dma_wait3A_460] : memref<10240x64xf32, #tpu.memory_space<hbm>> -> memref<10240x64xf32, #tpu.memory_space<hbm>>
    tpu.wait_indirect_dma semaphore(%arg11 : memref<!tpu.dma_semaphore, #tpu.memory_space<semaphore_mem>>) src(%dma_wait3A_461 : memref<10240x64xf32, #tpu.memory_space<hbm>>) dst(%dma_wait3A_455 : memref<128x64xf32, #tpu.memory_space<vmem>>)
    %dma_start3A_462 = arith.constant 1 : i32
    %dma_start3A_463 = arith.constant 77 : i32
    %dma_start3A_464 = arith.constant 0 : i32
    %dma_start3A_465 = arith.constant 0 : i32
    %dma_start3A_466 = tpu.memref_slice %arg8[%dma_start3A_462, %dma_start3A_464, %dma_start3A_465] : memref<4x128x64xf32, #tpu.memory_space<vmem>> -> memref<1x128x64xf32, #tpu.memory_space<vmem>>
    %dma_start3A_467 = tpu.memref_squeeze %dma_start3A_466 : memref<1x128x64xf32, #tpu.memory_space<vmem>> -> memref<128x64xf32, #tpu.memory_space<vmem>>
    %dma_start3A_468 = arith.constant 0 : i32
    %dma_start3A_469 = tpu.memref_slice %arg7[%dma_start3A_463, %dma_start3A_468] : memref<79x128xi32, #tpu.memory_space<vmem>> -> memref<1x128xi32, #tpu.memory_space<vmem>>
    %dma_start3A_470 = tpu.memref_squeeze %dma_start3A_469 : memref<1x128xi32, #tpu.memory_space<vmem>> -> memref<128xi32, #tpu.memory_space<vmem>>
    %dma_start3A_471 = arith.constant 0 : i32
    %dma_start3A_472 = arith.constant 0 : i32
    %dma_start3A_473 = tpu.memref_slice %arg9[%dma_start3A_471, %dma_start3A_472] : memref<10240x64xf32, #tpu.memory_space<vmem_shared>> -> memref<10240x64xf32, #tpu.memory_space<vmem_shared>>
    tpu.enqueue_indirect_dma source(%dma_start3A_467 : memref<128x64xf32, #tpu.memory_space<vmem>>) target(%dma_start3A_473 : memref<10240x64xf32, #tpu.memory_space<vmem_shared>>) offsets(%dma_start3A_470 : memref<128xi32, #tpu.memory_space<vmem>>) semaphore(%arg15 : memref<!tpu.dma_semaphore, #tpu.memory_space<semaphore_mem>>) {add = true}
    %dma_wait3A_474 = arith.constant 3 : i32
    %dma_wait3A_475 = arith.constant 0 : i32
    %dma_wait3A_476 = arith.constant 0 : i32
    %dma_wait3A_477 = arith.constant 0 : i32
    %dma_wait3A_478 = tpu.memref_slice %arg8[%dma_wait3A_474, %dma_wait3A_476, %dma_wait3A_477] : memref<4x128x64xf32, #tpu.memory_space<vmem>> -> memref<1x128x64xf32, #tpu.memory_space<vmem>>
    %dma_wait3A_479 = tpu.memref_squeeze %dma_wait3A_478 : memref<1x128x64xf32, #tpu.memory_space<vmem>> -> memref<128x64xf32, #tpu.memory_space<vmem>>
    %dma_wait3A_480 = arith.constant 0 : i32
    %dma_wait3A_481 = tpu.memref_slice %arg7[%dma_wait3A_475, %dma_wait3A_480] : memref<79x128xi32, #tpu.memory_space<vmem>> -> memref<1x128xi32, #tpu.memory_space<vmem>>
    %dma_wait3A_482 = tpu.memref_squeeze %dma_wait3A_481 : memref<1x128xi32, #tpu.memory_space<vmem>> -> memref<128xi32, #tpu.memory_space<vmem>>
    %dma_wait3A_483 = arith.constant 0 : i32
    %dma_wait3A_484 = arith.constant 0 : i32
    %dma_wait3A_485 = tpu.memref_slice %arg9[%dma_wait3A_483, %dma_wait3A_484] : memref<10240x64xf32, #tpu.memory_space<vmem_shared>> -> memref<10240x64xf32, #tpu.memory_space<vmem_shared>>
    tpu.wait_indirect_dma semaphore(%arg17 : memref<!tpu.dma_semaphore, #tpu.memory_space<semaphore_mem>>) src(%dma_wait3A_479 : memref<128x64xf32, #tpu.memory_space<vmem>>) dst(%dma_wait3A_485 : memref<10240x64xf32, #tpu.memory_space<vmem_shared>>)
    %dma_wait3A_486 = arith.constant 0 : i32
    %dma_wait3A_487 = arith.constant 0 : i32
    %dma_wait3A_488 = arith.constant 0 : i32
    %dma_wait3A_489 = arith.constant 0 : i32
    %dma_wait3A_490 = tpu.memref_slice %arg8[%dma_wait3A_486, %dma_wait3A_488, %dma_wait3A_489] : memref<4x128x64xf32, #tpu.memory_space<vmem>> -> memref<1x128x64xf32, #tpu.memory_space<vmem>>
    %dma_wait3A_491 = tpu.memref_squeeze %dma_wait3A_490 : memref<1x128x64xf32, #tpu.memory_space<vmem>> -> memref<128x64xf32, #tpu.memory_space<vmem>>
    %dma_wait3A_492 = arith.constant 0 : i32
    %dma_wait3A_493 = tpu.memref_slice %arg7[%dma_wait3A_487, %dma_wait3A_492] : memref<79x128xi32, #tpu.memory_space<vmem>> -> memref<1x128xi32, #tpu.memory_space<vmem>>
    %dma_wait3A_494 = tpu.memref_squeeze %dma_wait3A_493 : memref<1x128xi32, #tpu.memory_space<vmem>> -> memref<128xi32, #tpu.memory_space<vmem>>
    %dma_wait3A_495 = arith.constant 0 : i32
    %dma_wait3A_496 = arith.constant 0 : i32
    %dma_wait3A_497 = tpu.memref_slice %arg9[%dma_wait3A_495, %dma_wait3A_496] : memref<10240x64xf32, #tpu.memory_space<vmem_shared>> -> memref<10240x64xf32, #tpu.memory_space<vmem_shared>>
    tpu.wait_indirect_dma semaphore(%arg14 : memref<!tpu.dma_semaphore, #tpu.memory_space<semaphore_mem>>) src(%dma_wait3A_491 : memref<128x64xf32, #tpu.memory_space<vmem>>) dst(%dma_wait3A_497 : memref<10240x64xf32, #tpu.memory_space<vmem_shared>>)
    %dma_wait3A_498 = arith.constant 1 : i32
    %dma_wait3A_499 = arith.constant 0 : i32
    %dma_wait3A_500 = arith.constant 0 : i32
    %dma_wait3A_501 = arith.constant 0 : i32
    %dma_wait3A_502 = tpu.memref_slice %arg8[%dma_wait3A_498, %dma_wait3A_500, %dma_wait3A_501] : memref<4x128x64xf32, #tpu.memory_space<vmem>> -> memref<1x128x64xf32, #tpu.memory_space<vmem>>
    %dma_wait3A_503 = tpu.memref_squeeze %dma_wait3A_502 : memref<1x128x64xf32, #tpu.memory_space<vmem>> -> memref<128x64xf32, #tpu.memory_space<vmem>>
    %dma_wait3A_504 = arith.constant 0 : i32
    %dma_wait3A_505 = tpu.memref_slice %arg7[%dma_wait3A_499, %dma_wait3A_504] : memref<79x128xi32, #tpu.memory_space<vmem>> -> memref<1x128xi32, #tpu.memory_space<vmem>>
    %dma_wait3A_506 = tpu.memref_squeeze %dma_wait3A_505 : memref<1x128xi32, #tpu.memory_space<vmem>> -> memref<128xi32, #tpu.memory_space<vmem>>
    %dma_wait3A_507 = arith.constant 0 : i32
    %dma_wait3A_508 = arith.constant 0 : i32
    %dma_wait3A_509 = tpu.memref_slice %arg9[%dma_wait3A_507, %dma_wait3A_508] : memref<10240x64xf32, #tpu.memory_space<vmem_shared>> -> memref<10240x64xf32, #tpu.memory_space<vmem_shared>>
    tpu.wait_indirect_dma semaphore(%arg15 : memref<!tpu.dma_semaphore, #tpu.memory_space<semaphore_mem>>) src(%dma_wait3A_503 : memref<128x64xf32, #tpu.memory_space<vmem>>) dst(%dma_wait3A_509 : memref<10240x64xf32, #tpu.memory_space<vmem_shared>>)
    %lt3A = arith.constant 4 : i32
    %lt3A_510 = arith.cmpi slt, %add3A, %lt3A : i32
    %convert_element_type3A = arith.extui %lt3A_510 : i1 to i32
    %cond3A = arith.constant 0 : i32
    %cond3A_511 = arith.cmpi ne, %convert_element_type3A, %cond3A : i32
    scf.if %cond3A_511 {
      %add3A_518 = arith.constant 2496 : i32
      %add3A_519 = arith.addi %add3A_518, %add3A : i32
      "tpu.region"() ({
        %run_scoped3A_525 = tpu.sem_alloc : memref<!tpu.dma_semaphore, #tpu.memory_space<semaphore_mem>>
        %dma_start3A_526 = arith.constant 78 : i32
        %dma_start3A_527 = arith.constant 0 : i32
        %dma_start3A_528 = tpu.memref_slice %arg6[%dma_start3A_526, %dma_start3A_527] : memref<79x128xi32, #tpu.memory_space<vmem>> -> memref<1x128xi32, #tpu.memory_space<vmem>>
        %dma_start3A_529 = arith.constant 0 : i32
        %dma_start3A_530 = tpu.memref_slice %arg3[%add3A_519, %dma_start3A_529] : memref<2500x128xi32, #tpu.memory_space<hbm>> -> memref<1x128xi32, #tpu.memory_space<hbm>>
        %dma_start3A_531 = arith.constant 78 : i32
        %dma_start3A_532 = arith.constant 0 : i32
        %dma_start3A_533 = tpu.memref_slice %arg6[%dma_start3A_531, %dma_start3A_532] : memref<79x128xi32, #tpu.memory_space<vmem>> -> memref<1x128xi32, #tpu.memory_space<vmem>>
        %dma_start3A_534 = arith.constant 0 : i32
        %dma_start3A_535 = tpu.memref_slice %arg3[%add3A_519, %dma_start3A_534] : memref<2500x128xi32, #tpu.memory_space<hbm>> -> memref<1x128xi32, #tpu.memory_space<hbm>>
        tpu.enqueue_dma source(%dma_start3A_535 : memref<1x128xi32, #tpu.memory_space<hbm>>) target(%dma_start3A_533 : memref<1x128xi32, #tpu.memory_space<vmem>>) target_semaphore(%run_scoped3A_525 : memref<!tpu.dma_semaphore, #tpu.memory_space<semaphore_mem>>)
        %dma_wait3A_536 = arith.constant 78 : i32
        %dma_wait3A_537 = arith.constant 0 : i32
        %dma_wait3A_538 = tpu.memref_slice %arg6[%dma_wait3A_536, %dma_wait3A_537] : memref<79x128xi32, #tpu.memory_space<vmem>> -> memref<1x128xi32, #tpu.memory_space<vmem>>
        %dma_wait3A_539 = arith.constant 0 : i32
        %dma_wait3A_540 = tpu.memref_slice %arg3[%add3A_519, %dma_wait3A_539] : memref<2500x128xi32, #tpu.memory_space<hbm>> -> memref<1x128xi32, #tpu.memory_space<hbm>>
        %dma_wait3A_541 = arith.constant 78 : i32
        %dma_wait3A_542 = arith.constant 0 : i32
        %dma_wait3A_543 = tpu.memref_slice %arg6[%dma_wait3A_541, %dma_wait3A_542] : memref<79x128xi32, #tpu.memory_space<vmem>> -> memref<1x128xi32, #tpu.memory_space<vmem>>
        %dma_wait3A_544 = arith.constant 0 : i32
        %dma_wait3A_545 = tpu.memref_slice %arg3[%add3A_519, %dma_wait3A_544] : memref<2500x128xi32, #tpu.memory_space<hbm>> -> memref<1x128xi32, #tpu.memory_space<hbm>>
        tpu.wait_dma2 semaphore(%run_scoped3A_525 : memref<!tpu.dma_semaphore, #tpu.memory_space<semaphore_mem>>) src(%dma_wait3A_545 : memref<1x128xi32, #tpu.memory_space<hbm>>) dst(%dma_wait3A_543 : memref<1x128xi32, #tpu.memory_space<vmem>>)
        tpu.yield
      }) : () -> ()
      %add3A_520 = arith.constant 2496 : i32
      %add3A_521 = arith.addi %add3A_520, %add3A : i32
      "tpu.region"() ({
        %run_scoped3A_525 = tpu.sem_alloc : memref<!tpu.dma_semaphore, #tpu.memory_space<semaphore_mem>>
        %dma_start3A_526 = arith.constant 78 : i32
        %dma_start3A_527 = arith.constant 0 : i32
        %dma_start3A_528 = tpu.memref_slice %arg7[%dma_start3A_526, %dma_start3A_527] : memref<79x128xi32, #tpu.memory_space<vmem>> -> memref<1x128xi32, #tpu.memory_space<vmem>>
        %dma_start3A_529 = arith.constant 0 : i32
        %dma_start3A_530 = tpu.memref_slice %arg4[%add3A_521, %dma_start3A_529] : memref<2500x128xi32, #tpu.memory_space<hbm>> -> memref<1x128xi32, #tpu.memory_space<hbm>>
        %dma_start3A_531 = arith.constant 78 : i32
        %dma_start3A_532 = arith.constant 0 : i32
        %dma_start3A_533 = tpu.memref_slice %arg7[%dma_start3A_531, %dma_start3A_532] : memref<79x128xi32, #tpu.memory_space<vmem>> -> memref<1x128xi32, #tpu.memory_space<vmem>>
        %dma_start3A_534 = arith.constant 0 : i32
        %dma_start3A_535 = tpu.memref_slice %arg4[%add3A_521, %dma_start3A_534] : memref<2500x128xi32, #tpu.memory_space<hbm>> -> memref<1x128xi32, #tpu.memory_space<hbm>>
        tpu.enqueue_dma source(%dma_start3A_535 : memref<1x128xi32, #tpu.memory_space<hbm>>) target(%dma_start3A_533 : memref<1x128xi32, #tpu.memory_space<vmem>>) target_semaphore(%run_scoped3A_525 : memref<!tpu.dma_semaphore, #tpu.memory_space<semaphore_mem>>)
        %dma_wait3A_536 = arith.constant 78 : i32
        %dma_wait3A_537 = arith.constant 0 : i32
        %dma_wait3A_538 = tpu.memref_slice %arg7[%dma_wait3A_536, %dma_wait3A_537] : memref<79x128xi32, #tpu.memory_space<vmem>> -> memref<1x128xi32, #tpu.memory_space<vmem>>
        %dma_wait3A_539 = arith.constant 0 : i32
        %dma_wait3A_540 = tpu.memref_slice %arg4[%add3A_521, %dma_wait3A_539] : memref<2500x128xi32, #tpu.memory_space<hbm>> -> memref<1x128xi32, #tpu.memory_space<hbm>>
        %dma_wait3A_541 = arith.constant 78 : i32
        %dma_wait3A_542 = arith.constant 0 : i32
        %dma_wait3A_543 = tpu.memref_slice %arg7[%dma_wait3A_541, %dma_wait3A_542] : memref<79x128xi32, #tpu.memory_space<vmem>> -> memref<1x128xi32, #tpu.memory_space<vmem>>
        %dma_wait3A_544 = arith.constant 0 : i32
        %dma_wait3A_545 = tpu.memref_slice %arg4[%add3A_521, %dma_wait3A_544] : memref<2500x128xi32, #tpu.memory_space<hbm>> -> memref<1x128xi32, #tpu.memory_space<hbm>>
        tpu.wait_dma2 semaphore(%run_scoped3A_525 : memref<!tpu.dma_semaphore, #tpu.memory_space<semaphore_mem>>) src(%dma_wait3A_545 : memref<1x128xi32, #tpu.memory_space<hbm>>) dst(%dma_wait3A_543 : memref<1x128xi32, #tpu.memory_space<vmem>>)
        tpu.yield
      }) : () -> ()
      %run_scoped3A = arith.constant 78 : i32
      %run_scoped3A_522 = arith.constant 2 : i32
      "tpu.region"() ({
        %run_scoped3A_525 = tpu.sem_alloc : memref<!tpu.dma_semaphore, #tpu.memory_space<semaphore_mem>>
        %dma_start3A_526 = arith.constant 0 : i32
        %dma_start3A_527 = arith.constant 0 : i32
        %dma_start3A_528 = tpu.memref_slice %arg8[%run_scoped3A_522, %dma_start3A_526, %dma_start3A_527] : memref<4x128x64xf32, #tpu.memory_space<vmem>> -> memref<1x128x64xf32, #tpu.memory_space<vmem>>
        %dma_start3A_529 = tpu.memref_squeeze %dma_start3A_528 : memref<1x128x64xf32, #tpu.memory_space<vmem>> -> memref<128x64xf32, #tpu.memory_space<vmem>>
        %dma_start3A_530 = arith.constant 0 : i32
        %dma_start3A_531 = tpu.memref_slice %arg6[%run_scoped3A, %dma_start3A_530] : memref<79x128xi32, #tpu.memory_space<vmem>> -> memref<1x128xi32, #tpu.memory_space<vmem>>
        %dma_start3A_532 = tpu.memref_squeeze %dma_start3A_531 : memref<1x128xi32, #tpu.memory_space<vmem>> -> memref<128xi32, #tpu.memory_space<vmem>>
        %dma_start3A_533 = arith.constant 0 : i32
        %dma_start3A_534 = arith.constant 0 : i32
        %dma_start3A_535 = tpu.memref_slice %arg2[%dma_start3A_533, %dma_start3A_534] : memref<10240x64xf32, #tpu.memory_space<hbm>> -> memref<10240x64xf32, #tpu.memory_space<hbm>>
        tpu.enqueue_indirect_dma source(%dma_start3A_535 : memref<10240x64xf32, #tpu.memory_space<hbm>>) target(%dma_start3A_529 : memref<128x64xf32, #tpu.memory_space<vmem>>) offsets(%dma_start3A_532 : memref<128xi32, #tpu.memory_space<vmem>>) semaphore(%run_scoped3A_525 : memref<!tpu.dma_semaphore, #tpu.memory_space<semaphore_mem>>)
        %dma_wait3A_536 = arith.constant 0 : i32
        %dma_wait3A_537 = arith.constant 0 : i32
        %dma_wait3A_538 = tpu.memref_slice %arg8[%run_scoped3A_522, %dma_wait3A_536, %dma_wait3A_537] : memref<4x128x64xf32, #tpu.memory_space<vmem>> -> memref<1x128x64xf32, #tpu.memory_space<vmem>>
        %dma_wait3A_539 = tpu.memref_squeeze %dma_wait3A_538 : memref<1x128x64xf32, #tpu.memory_space<vmem>> -> memref<128x64xf32, #tpu.memory_space<vmem>>
        %dma_wait3A_540 = arith.constant 0 : i32
        %dma_wait3A_541 = tpu.memref_slice %arg6[%run_scoped3A, %dma_wait3A_540] : memref<79x128xi32, #tpu.memory_space<vmem>> -> memref<1x128xi32, #tpu.memory_space<vmem>>
        %dma_wait3A_542 = tpu.memref_squeeze %dma_wait3A_541 : memref<1x128xi32, #tpu.memory_space<vmem>> -> memref<128xi32, #tpu.memory_space<vmem>>
        %dma_wait3A_543 = arith.constant 0 : i32
        %dma_wait3A_544 = arith.constant 0 : i32
        %dma_wait3A_545 = tpu.memref_slice %arg2[%dma_wait3A_543, %dma_wait3A_544] : memref<10240x64xf32, #tpu.memory_space<hbm>> -> memref<10240x64xf32, #tpu.memory_space<hbm>>
        tpu.wait_indirect_dma semaphore(%run_scoped3A_525 : memref<!tpu.dma_semaphore, #tpu.memory_space<semaphore_mem>>) src(%dma_wait3A_545 : memref<10240x64xf32, #tpu.memory_space<hbm>>) dst(%dma_wait3A_539 : memref<128x64xf32, #tpu.memory_space<vmem>>)
        tpu.yield
      }) : () -> ()
      %run_scoped3A_523 = arith.constant 2 : i32
      %run_scoped3A_524 = arith.constant 78 : i32
      "tpu.region"() ({
        %run_scoped3A_525 = tpu.sem_alloc : memref<!tpu.dma_semaphore, #tpu.memory_space<semaphore_mem>>
        %dma_start3A_526 = arith.constant 0 : i32
        %dma_start3A_527 = arith.constant 0 : i32
        %dma_start3A_528 = tpu.memref_slice %arg8[%run_scoped3A_523, %dma_start3A_526, %dma_start3A_527] : memref<4x128x64xf32, #tpu.memory_space<vmem>> -> memref<1x128x64xf32, #tpu.memory_space<vmem>>
        %dma_start3A_529 = tpu.memref_squeeze %dma_start3A_528 : memref<1x128x64xf32, #tpu.memory_space<vmem>> -> memref<128x64xf32, #tpu.memory_space<vmem>>
        %dma_start3A_530 = arith.constant 0 : i32
        %dma_start3A_531 = tpu.memref_slice %arg7[%run_scoped3A_524, %dma_start3A_530] : memref<79x128xi32, #tpu.memory_space<vmem>> -> memref<1x128xi32, #tpu.memory_space<vmem>>
        %dma_start3A_532 = tpu.memref_squeeze %dma_start3A_531 : memref<1x128xi32, #tpu.memory_space<vmem>> -> memref<128xi32, #tpu.memory_space<vmem>>
        %dma_start3A_533 = arith.constant 0 : i32
        %dma_start3A_534 = arith.constant 0 : i32
        %dma_start3A_535 = tpu.memref_slice %arg9[%dma_start3A_533, %dma_start3A_534] : memref<10240x64xf32, #tpu.memory_space<vmem_shared>> -> memref<10240x64xf32, #tpu.memory_space<vmem_shared>>
        tpu.enqueue_indirect_dma source(%dma_start3A_529 : memref<128x64xf32, #tpu.memory_space<vmem>>) target(%dma_start3A_535 : memref<10240x64xf32, #tpu.memory_space<vmem_shared>>) offsets(%dma_start3A_532 : memref<128xi32, #tpu.memory_space<vmem>>) semaphore(%run_scoped3A_525 : memref<!tpu.dma_semaphore, #tpu.memory_space<semaphore_mem>>) {add = true}
        %dma_wait3A_536 = arith.constant 0 : i32
        %dma_wait3A_537 = arith.constant 0 : i32
        %dma_wait3A_538 = tpu.memref_slice %arg8[%run_scoped3A_523, %dma_wait3A_536, %dma_wait3A_537] : memref<4x128x64xf32, #tpu.memory_space<vmem>> -> memref<1x128x64xf32, #tpu.memory_space<vmem>>
        %dma_wait3A_539 = tpu.memref_squeeze %dma_wait3A_538 : memref<1x128x64xf32, #tpu.memory_space<vmem>> -> memref<128x64xf32, #tpu.memory_space<vmem>>
        %dma_wait3A_540 = arith.constant 0 : i32
        %dma_wait3A_541 = tpu.memref_slice %arg7[%run_scoped3A_524, %dma_wait3A_540] : memref<79x128xi32, #tpu.memory_space<vmem>> -> memref<1x128xi32, #tpu.memory_space<vmem>>
        %dma_wait3A_542 = tpu.memref_squeeze %dma_wait3A_541 : memref<1x128xi32, #tpu.memory_space<vmem>> -> memref<128xi32, #tpu.memory_space<vmem>>
        %dma_wait3A_543 = arith.constant 0 : i32
        %dma_wait3A_544 = arith.constant 0 : i32
        %dma_wait3A_545 = tpu.memref_slice %arg9[%dma_wait3A_543, %dma_wait3A_544] : memref<10240x64xf32, #tpu.memory_space<vmem_shared>> -> memref<10240x64xf32, #tpu.memory_space<vmem_shared>>
        tpu.wait_indirect_dma semaphore(%run_scoped3A_525 : memref<!tpu.dma_semaphore, #tpu.memory_space<semaphore_mem>>) src(%dma_wait3A_539 : memref<128x64xf32, #tpu.memory_space<vmem>>) dst(%dma_wait3A_545 : memref<10240x64xf32, #tpu.memory_space<vmem_shared>>)
        tpu.yield
      }) : () -> ()
    } else {
    }
    %barrier3A_512 = arith.constant 0 : index
    tpu.barrier barrier_id(%barrier3A_512)
    %mul3A_513 = arith.constant 640 : i32
    %mul3A_514 = arith.muli %arg1, %mul3A_513 : i32
    %mul3A_515 = arith.constant 10240 : i32
    %mul3A_516 = arith.muli %arg0, %mul3A_515 : i32
    %add3A_517 = arith.addi %mul3A_516, %mul3A_514 : i32
    "tpu.region"() ({
      %run_scoped3A = tpu.sem_alloc : memref<!tpu.dma_semaphore, #tpu.memory_space<semaphore_mem>>
      %dma_start3A_518 = arith.constant 0 : i32
      %dma_start3A_519 = tpu.memref_slice %arg5[%add3A_517, %dma_start3A_518] : memref<20480x64xf32, #tpu.memory_space<hbm>> -> memref<640x64xf32, #tpu.memory_space<hbm>>
      %dma_start3A_520 = arith.constant 0 : i32
      %dma_start3A_521 = tpu.memref_slice %arg9[%mul3A_514, %dma_start3A_520] : memref<10240x64xf32, #tpu.memory_space<vmem_shared>> -> memref<640x64xf32, #tpu.memory_space<vmem_shared>>
      tpu.enqueue_dma source(%dma_start3A_521 : memref<640x64xf32, #tpu.memory_space<vmem_shared>>) target(%dma_start3A_519 : memref<640x64xf32, #tpu.memory_space<hbm>>) target_semaphore(%run_scoped3A : memref<!tpu.dma_semaphore, #tpu.memory_space<semaphore_mem>>)
      %dma_wait3A_522 = arith.constant 0 : i32
      %dma_wait3A_523 = tpu.memref_slice %arg5[%add3A_517, %dma_wait3A_522] : memref<20480x64xf32, #tpu.memory_space<hbm>> -> memref<640x64xf32, #tpu.memory_space<hbm>>
      %dma_wait3A_524 = arith.constant 0 : i32
      %dma_wait3A_525 = tpu.memref_slice %arg9[%mul3A_514, %dma_wait3A_524] : memref<10240x64xf32, #tpu.memory_space<vmem_shared>> -> memref<640x64xf32, #tpu.memory_space<vmem_shared>>
      tpu.wait_dma2 semaphore(%run_scoped3A : memref<!tpu.dma_semaphore, #tpu.memory_space<semaphore_mem>>) src(%dma_wait3A_525 : memref<640x64xf32, #tpu.memory_space<vmem_shared>>) dst(%dma_wait3A_523 : memref<640x64xf32, #tpu.memory_space<hbm>>)
      tpu.yield
    }) : () -> ()
    return
  }
}

#map = affine_map<(d0, d1) -> (0, 0)>
module attributes {stable_mosaic.version = 14 : i64} {
  func.func @degk(%arg0: i32, %arg1: i32, %arg2: memref<2500x128xi32, #tpu.memory_space<hbm>>, %arg3: memref<20480x64xf32, #tpu.memory_space<hbm>>, %arg4: memref<79x128xi32, #tpu.memory_space<vmem>>, %arg5: memref<128x16xf32, #tpu.memory_space<vmem>>, %arg6: memref<128x16xf32, #tpu.memory_space<vmem>>, %arg7: memref<640x16xf32, #tpu.memory_space<vmem>>, %arg8: memref<640x64xf32, #tpu.memory_space<vmem>>, %arg9: memref<10240x16xf32, #tpu.memory_space<vmem_shared>>, %arg10: memref<!tpu.dma_semaphore, #tpu.memory_space<semaphore_mem>>, %arg11: memref<!tpu.dma_semaphore, #tpu.memory_space<semaphore_mem>>) attributes {dimension_semantics = [#tpu.dimension_semantics<core_parallel>, #tpu.dimension_semantics<subcore_parallel>], iteration_bounds = array<i64: 2, 16>, scalar_prefetch = 0 : i64, scratch_operands = 8 : i64, tpu.core_type = #tpu.core_type<sc_vector_subcore>, window_params = [{transform_indices = #map}, {transform_indices = #map}]} {
    %mul3A = arith.constant 16 : i32
    %mul3A_0 = arith.muli %arg0, %mul3A : i32
    %add3A = arith.addi %mul3A_0, %arg1 : i32
    %mul3A_1 = arith.constant 78 : i32
    %mul3A_2 = arith.muli %add3A, %mul3A_1 : i32
    %dma_start3A = arith.constant 0 : i32
    %dma_start3A_3 = arith.constant 0 : i32
    %dma_start3A_4 = tpu.memref_slice %arg4[%dma_start3A, %dma_start3A_3] : memref<79x128xi32, #tpu.memory_space<vmem>> -> memref<78x128xi32, #tpu.memory_space<vmem>>
    %dma_start3A_5 = arith.constant 0 : i32
    %dma_start3A_6 = tpu.memref_slice %arg2[%mul3A_2, %dma_start3A_5] : memref<2500x128xi32, #tpu.memory_space<hbm>> -> memref<78x128xi32, #tpu.memory_space<hbm>>
    %dma_start3A_7 = arith.constant 0 : i32
    %dma_start3A_8 = arith.constant 0 : i32
    %dma_start3A_9 = tpu.memref_slice %arg4[%dma_start3A_7, %dma_start3A_8] : memref<79x128xi32, #tpu.memory_space<vmem>> -> memref<78x128xi32, #tpu.memory_space<vmem>>
    %dma_start3A_10 = arith.constant 0 : i32
    %dma_start3A_11 = tpu.memref_slice %arg2[%mul3A_2, %dma_start3A_10] : memref<2500x128xi32, #tpu.memory_space<hbm>> -> memref<78x128xi32, #tpu.memory_space<hbm>>
    tpu.enqueue_dma source(%dma_start3A_11 : memref<78x128xi32, #tpu.memory_space<hbm>>) target(%dma_start3A_9 : memref<78x128xi32, #tpu.memory_space<vmem>>) target_semaphore(%arg10 : memref<!tpu.dma_semaphore, #tpu.memory_space<semaphore_mem>>)
    %scan3A = arith.constant 0 : i32
    %scan3A_12 = arith.constant 128 : i32
    %scan3A_13 = arith.addi %scan3A, %scan3A_12 : i32
    %scan3A_14 = arith.constant 1 : i32
    scf.for %scan3A_123 = %scan3A to %scan3A_13 step %scan3A_14  : i32 {
      %mul3A_124 = arith.constant 1 : i32
      %mul3A_125 = arith.muli %scan3A_123, %mul3A_124 : i32
      %add3A_126 = arith.constant 0 : i32
      %add3A_127 = arith.addi %add3A_126, %mul3A_125 : i32
      %broadcast_in_dim3A = arith.constant 0.000000e+00 : f32
      %broadcast_in_dim3A_128 = vector.broadcast %broadcast_in_dim3A : f32 to vector<1x16xf32>
      %swap3A = arith.index_cast %add3A_127 : i32 to index
      %swap3A_129 = arith.constant 0 : index
      %swap3A_130 = tpu.vector_load %arg6[%swap3A, %swap3A_129] {strides = array<i32>} : memref<128x16xf32, #tpu.memory_space<vmem>>, vector<1x16xf32>,
      %swap3A_131 = vector.shape_cast %swap3A_130 : vector<1x16xf32> to vector<1x16xf32>
      %swap3A_132 = vector.shape_cast %broadcast_in_dim3A_128 : vector<1x16xf32> to vector<1x16xf32>
      tpu.vector_store %arg6[%swap3A, %swap3A_129], %swap3A_132 {strides = array<i32>} : memref<128x16xf32, #tpu.memory_space<vmem>>, vector<1x16xf32>,
      %broadcast_in_dim3A_133 = arith.constant 1.000000e+00 : f32
      %broadcast_in_dim3A_134 = vector.broadcast %broadcast_in_dim3A_133 : f32 to vector<1x16xf32>
      %swap3A_135 = arith.index_cast %add3A_127 : i32 to index
      %swap3A_136 = arith.constant 0 : index
      %swap3A_137 = tpu.vector_load %arg5[%swap3A_135, %swap3A_136] {strides = array<i32>} : memref<128x16xf32, #tpu.memory_space<vmem>>, vector<1x16xf32>,
      %swap3A_138 = vector.shape_cast %swap3A_137 : vector<1x16xf32> to vector<1x16xf32>
      %swap3A_139 = vector.shape_cast %broadcast_in_dim3A_134 : vector<1x16xf32> to vector<1x16xf32>
      tpu.vector_store %arg5[%swap3A_135, %swap3A_136], %swap3A_139 {strides = array<i32>} : memref<128x16xf32, #tpu.memory_space<vmem>>, vector<1x16xf32>,
    }
    %scan3A_15 = arith.constant 128 : i32
    %mul3A_16 = arith.constant 640 : i32
    %mul3A_17 = arith.muli %arg1, %mul3A_16 : i32
    %add3A_18 = arith.constant 0 : i32
    %add3A_19 = arith.addi %mul3A_17, %add3A_18 : i32
    %dma_start3A_20 = arith.constant 0 : i32
    %dma_start3A_21 = tpu.memref_slice %arg9[%add3A_19, %dma_start3A_20] : memref<10240x16xf32, #tpu.memory_space<vmem_shared>> -> memref<128x16xf32, #tpu.memory_space<vmem_shared>>
    %dma_start3A_22 = arith.constant 0 : i32
    %dma_start3A_23 = tpu.memref_slice %arg9[%add3A_19, %dma_start3A_22] : memref<10240x16xf32, #tpu.memory_space<vmem_shared>> -> memref<128x16xf32, #tpu.memory_space<vmem_shared>>
    tpu.enqueue_dma source(%arg6 : memref<128x16xf32, #tpu.memory_space<vmem>>) target(%dma_start3A_23 : memref<128x16xf32, #tpu.memory_space<vmem_shared>>) target_semaphore(%arg11 : memref<!tpu.dma_semaphore, #tpu.memory_space<semaphore_mem>>)
    %mul3A_24 = arith.constant 640 : i32
    %mul3A_25 = arith.muli %arg1, %mul3A_24 : i32
    %add3A_26 = arith.constant 128 : i32
    %add3A_27 = arith.addi %mul3A_25, %add3A_26 : i32
    %dma_start3A_28 = arith.constant 0 : i32
    %dma_start3A_29 = tpu.memref_slice %arg9[%add3A_27, %dma_start3A_28] : memref<10240x16xf32, #tpu.memory_space<vmem_shared>> -> memref<128x16xf32, #tpu.memory_space<vmem_shared>>
    %dma_start3A_30 = arith.constant 0 : i32
    %dma_start3A_31 = tpu.memref_slice %arg9[%add3A_27, %dma_start3A_30] : memref<10240x16xf32, #tpu.memory_space<vmem_shared>> -> memref<128x16xf32, #tpu.memory_space<vmem_shared>>
    tpu.enqueue_dma source(%arg6 : memref<128x16xf32, #tpu.memory_space<vmem>>) target(%dma_start3A_31 : memref<128x16xf32, #tpu.memory_space<vmem_shared>>) target_semaphore(%arg11 : memref<!tpu.dma_semaphore, #tpu.memory_space<semaphore_mem>>)
    %mul3A_32 = arith.constant 640 : i32
    %mul3A_33 = arith.muli %arg1, %mul3A_32 : i32
    %add3A_34 = arith.constant 256 : i32
    %add3A_35 = arith.addi %mul3A_33, %add3A_34 : i32
    %dma_start3A_36 = arith.constant 0 : i32
    %dma_start3A_37 = tpu.memref_slice %arg9[%add3A_35, %dma_start3A_36] : memref<10240x16xf32, #tpu.memory_space<vmem_shared>> -> memref<128x16xf32, #tpu.memory_space<vmem_shared>>
    %dma_start3A_38 = arith.constant 0 : i32
    %dma_start3A_39 = tpu.memref_slice %arg9[%add3A_35, %dma_start3A_38] : memref<10240x16xf32, #tpu.memory_space<vmem_shared>> -> memref<128x16xf32, #tpu.memory_space<vmem_shared>>
    tpu.enqueue_dma source(%arg6 : memref<128x16xf32, #tpu.memory_space<vmem>>) target(%dma_start3A_39 : memref<128x16xf32, #tpu.memory_space<vmem_shared>>) target_semaphore(%arg11 : memref<!tpu.dma_semaphore, #tpu.memory_space<semaphore_mem>>)
    %mul3A_40 = arith.constant 640 : i32
    %mul3A_41 = arith.muli %arg1, %mul3A_40 : i32
    %add3A_42 = arith.constant 384 : i32
    %add3A_43 = arith.addi %mul3A_41, %add3A_42 : i32
    %dma_start3A_44 = arith.constant 0 : i32
    %dma_start3A_45 = tpu.memref_slice %arg9[%add3A_43, %dma_start3A_44] : memref<10240x16xf32, #tpu.memory_space<vmem_shared>> -> memref<128x16xf32, #tpu.memory_space<vmem_shared>>
    %dma_start3A_46 = arith.constant 0 : i32
    %dma_start3A_47 = tpu.memref_slice %arg9[%add3A_43, %dma_start3A_46] : memref<10240x16xf32, #tpu.memory_space<vmem_shared>> -> memref<128x16xf32, #tpu.memory_space<vmem_shared>>
    tpu.enqueue_dma source(%arg6 : memref<128x16xf32, #tpu.memory_space<vmem>>) target(%dma_start3A_47 : memref<128x16xf32, #tpu.memory_space<vmem_shared>>) target_semaphore(%arg11 : memref<!tpu.dma_semaphore, #tpu.memory_space<semaphore_mem>>)
    %mul3A_48 = arith.constant 640 : i32
    %mul3A_49 = arith.muli %arg1, %mul3A_48 : i32
    %add3A_50 = arith.constant 512 : i32
    %add3A_51 = arith.addi %mul3A_49, %add3A_50 : i32
    %dma_start3A_52 = arith.constant 0 : i32
    %dma_start3A_53 = tpu.memref_slice %arg9[%add3A_51, %dma_start3A_52] : memref<10240x16xf32, #tpu.memory_space<vmem_shared>> -> memref<128x16xf32, #tpu.memory_space<vmem_shared>>
    %dma_start3A_54 = arith.constant 0 : i32
    %dma_start3A_55 = tpu.memref_slice %arg9[%add3A_51, %dma_start3A_54] : memref<10240x16xf32, #tpu.memory_space<vmem_shared>> -> memref<128x16xf32, #tpu.memory_space<vmem_shared>>
    tpu.enqueue_dma source(%arg6 : memref<128x16xf32, #tpu.memory_space<vmem>>) target(%dma_start3A_55 : memref<128x16xf32, #tpu.memory_space<vmem_shared>>) target_semaphore(%arg11 : memref<!tpu.dma_semaphore, #tpu.memory_space<semaphore_mem>>)
    %mul3A_56 = arith.constant 640 : i32
    %mul3A_57 = arith.muli %arg1, %mul3A_56 : i32
    %add3A_58 = arith.constant 0 : i32
    %add3A_59 = arith.addi %mul3A_57, %add3A_58 : i32
    %dma_wait3A = arith.constant 0 : i32
    %dma_wait3A_60 = tpu.memref_slice %arg9[%add3A_59, %dma_wait3A] : memref<10240x16xf32, #tpu.memory_space<vmem_shared>> -> memref<128x16xf32, #tpu.memory_space<vmem_shared>>
    %dma_wait3A_61 = arith.constant 0 : i32
    %dma_wait3A_62 = tpu.memref_slice %arg9[%add3A_59, %dma_wait3A_61] : memref<10240x16xf32, #tpu.memory_space<vmem_shared>> -> memref<128x16xf32, #tpu.memory_space<vmem_shared>>
    tpu.wait_dma2 semaphore(%arg11 : memref<!tpu.dma_semaphore, #tpu.memory_space<semaphore_mem>>) src(%arg6 : memref<128x16xf32, #tpu.memory_space<vmem>>) dst(%dma_wait3A_62 : memref<128x16xf32, #tpu.memory_space<vmem_shared>>)
    %mul3A_63 = arith.constant 640 : i32
    %mul3A_64 = arith.muli %arg1, %mul3A_63 : i32
    %add3A_65 = arith.constant 128 : i32
    %add3A_66 = arith.addi %mul3A_64, %add3A_65 : i32
    %dma_wait3A_67 = arith.constant 0 : i32
    %dma_wait3A_68 = tpu.memref_slice %arg9[%add3A_66, %dma_wait3A_67] : memref<10240x16xf32, #tpu.memory_space<vmem_shared>> -> memref<128x16xf32, #tpu.memory_space<vmem_shared>>
    %dma_wait3A_69 = arith.constant 0 : i32
    %dma_wait3A_70 = tpu.memref_slice %arg9[%add3A_66, %dma_wait3A_69] : memref<10240x16xf32, #tpu.memory_space<vmem_shared>> -> memref<128x16xf32, #tpu.memory_space<vmem_shared>>
    tpu.wait_dma2 semaphore(%arg11 : memref<!tpu.dma_semaphore, #tpu.memory_space<semaphore_mem>>) src(%arg6 : memref<128x16xf32, #tpu.memory_space<vmem>>) dst(%dma_wait3A_70 : memref<128x16xf32, #tpu.memory_space<vmem_shared>>)
    %mul3A_71 = arith.constant 640 : i32
    %mul3A_72 = arith.muli %arg1, %mul3A_71 : i32
    %add3A_73 = arith.constant 256 : i32
    %add3A_74 = arith.addi %mul3A_72, %add3A_73 : i32
    %dma_wait3A_75 = arith.constant 0 : i32
    %dma_wait3A_76 = tpu.memref_slice %arg9[%add3A_74, %dma_wait3A_75] : memref<10240x16xf32, #tpu.memory_space<vmem_shared>> -> memref<128x16xf32, #tpu.memory_space<vmem_shared>>
    %dma_wait3A_77 = arith.constant 0 : i32
    %dma_wait3A_78 = tpu.memref_slice %arg9[%add3A_74, %dma_wait3A_77] : memref<10240x16xf32, #tpu.memory_space<vmem_shared>> -> memref<128x16xf32, #tpu.memory_space<vmem_shared>>
    tpu.wait_dma2 semaphore(%arg11 : memref<!tpu.dma_semaphore, #tpu.memory_space<semaphore_mem>>) src(%arg6 : memref<128x16xf32, #tpu.memory_space<vmem>>) dst(%dma_wait3A_78 : memref<128x16xf32, #tpu.memory_space<vmem_shared>>)
    %mul3A_79 = arith.constant 640 : i32
    %mul3A_80 = arith.muli %arg1, %mul3A_79 : i32
    %add3A_81 = arith.constant 384 : i32
    %add3A_82 = arith.addi %mul3A_80, %add3A_81 : i32
    %dma_wait3A_83 = arith.constant 0 : i32
    %dma_wait3A_84 = tpu.memref_slice %arg9[%add3A_82, %dma_wait3A_83] : memref<10240x16xf32, #tpu.memory_space<vmem_shared>> -> memref<128x16xf32, #tpu.memory_space<vmem_shared>>
    %dma_wait3A_85 = arith.constant 0 : i32
    %dma_wait3A_86 = tpu.memref_slice %arg9[%add3A_82, %dma_wait3A_85] : memref<10240x16xf32, #tpu.memory_space<vmem_shared>> -> memref<128x16xf32, #tpu.memory_space<vmem_shared>>
    tpu.wait_dma2 semaphore(%arg11 : memref<!tpu.dma_semaphore, #tpu.memory_space<semaphore_mem>>) src(%arg6 : memref<128x16xf32, #tpu.memory_space<vmem>>) dst(%dma_wait3A_86 : memref<128x16xf32, #tpu.memory_space<vmem_shared>>)
    %mul3A_87 = arith.constant 640 : i32
    %mul3A_88 = arith.muli %arg1, %mul3A_87 : i32
    %add3A_89 = arith.constant 512 : i32
    %add3A_90 = arith.addi %mul3A_88, %add3A_89 : i32
    %dma_wait3A_91 = arith.constant 0 : i32
    %dma_wait3A_92 = tpu.memref_slice %arg9[%add3A_90, %dma_wait3A_91] : memref<10240x16xf32, #tpu.memory_space<vmem_shared>> -> memref<128x16xf32, #tpu.memory_space<vmem_shared>>
    %dma_wait3A_93 = arith.constant 0 : i32
    %dma_wait3A_94 = tpu.memref_slice %arg9[%add3A_90, %dma_wait3A_93] : memref<10240x16xf32, #tpu.memory_space<vmem_shared>> -> memref<128x16xf32, #tpu.memory_space<vmem_shared>>
    tpu.wait_dma2 semaphore(%arg11 : memref<!tpu.dma_semaphore, #tpu.memory_space<semaphore_mem>>) src(%arg6 : memref<128x16xf32, #tpu.memory_space<vmem>>) dst(%dma_wait3A_94 : memref<128x16xf32, #tpu.memory_space<vmem_shared>>)
    %dma_wait3A_95 = arith.constant 0 : i32
    %dma_wait3A_96 = arith.constant 0 : i32
    %dma_wait3A_97 = tpu.memref_slice %arg4[%dma_wait3A_95, %dma_wait3A_96] : memref<79x128xi32, #tpu.memory_space<vmem>> -> memref<78x128xi32, #tpu.memory_space<vmem>>
    %dma_wait3A_98 = arith.constant 0 : i32
    %dma_wait3A_99 = tpu.memref_slice %arg2[%mul3A_2, %dma_wait3A_98] : memref<2500x128xi32, #tpu.memory_space<hbm>> -> memref<78x128xi32, #tpu.memory_space<hbm>>
    %dma_wait3A_100 = arith.constant 0 : i32
    %dma_wait3A_101 = arith.constant 0 : i32
    %dma_wait3A_102 = tpu.memref_slice %arg4[%dma_wait3A_100, %dma_wait3A_101] : memref<79x128xi32, #tpu.memory_space<vmem>> -> memref<78x128xi32, #tpu.memory_space<vmem>>
    %dma_wait3A_103 = arith.constant 0 : i32
    %dma_wait3A_104 = tpu.memref_slice %arg2[%mul3A_2, %dma_wait3A_103] : memref<2500x128xi32, #tpu.memory_space<hbm>> -> memref<78x128xi32, #tpu.memory_space<hbm>>
    tpu.wait_dma2 semaphore(%arg10 : memref<!tpu.dma_semaphore, #tpu.memory_space<semaphore_mem>>) src(%dma_wait3A_104 : memref<78x128xi32, #tpu.memory_space<hbm>>) dst(%dma_wait3A_102 : memref<78x128xi32, #tpu.memory_space<vmem>>)
    %barrier3A = arith.constant 0 : index
    tpu.barrier barrier_id(%barrier3A)
    %scan3A_105 = arith.constant 0 : i32
    %scan3A_106 = arith.constant 78 : i32
    %scan3A_107 = arith.addi %scan3A_105, %scan3A_106 : i32
    %scan3A_108 = arith.constant 1 : i32
    scf.for %scan3A_123 = %scan3A_105 to %scan3A_107 step %scan3A_108  : i32 {
      %mul3A_124 = arith.constant 1 : i32
      %mul3A_125 = arith.muli %scan3A_123, %mul3A_124 : i32
      %add3A_126 = arith.constant 0 : i32
      %add3A_127 = arith.addi %add3A_126, %mul3A_125 : i32
      "tpu.region"() ({
        %run_scoped3A = tpu.sem_alloc : memref<!tpu.dma_semaphore, #tpu.memory_space<semaphore_mem>>
        %dma_start3A_128 = arith.constant 0 : i32
        %dma_start3A_129 = tpu.memref_slice %arg4[%add3A_127, %dma_start3A_128] : memref<79x128xi32, #tpu.memory_space<vmem>> -> memref<1x128xi32, #tpu.memory_space<vmem>>
        %dma_start3A_130 = tpu.memref_squeeze %dma_start3A_129 : memref<1x128xi32, #tpu.memory_space<vmem>> -> memref<128xi32, #tpu.memory_space<vmem>>
        %dma_start3A_131 = arith.constant 0 : i32
        %dma_start3A_132 = arith.constant 0 : i32
        %dma_start3A_133 = tpu.memref_slice %arg9[%dma_start3A_131, %dma_start3A_132] : memref<10240x16xf32, #tpu.memory_space<vmem_shared>> -> memref<10240x16xf32, #tpu.memory_space<vmem_shared>>
        tpu.enqueue_indirect_dma source(%arg5 : memref<128x16xf32, #tpu.memory_space<vmem>>) target(%dma_start3A_133 : memref<10240x16xf32, #tpu.memory_space<vmem_shared>>) offsets(%dma_start3A_130 : memref<128xi32, #tpu.memory_space<vmem>>) semaphore(%run_scoped3A : memref<!tpu.dma_semaphore, #tpu.memory_space<semaphore_mem>>) {add = true}
        %dma_wait3A_134 = arith.constant 0 : i32
        %dma_wait3A_135 = tpu.memref_slice %arg4[%add3A_127, %dma_wait3A_134] : memref<79x128xi32, #tpu.memory_space<vmem>> -> memref<1x128xi32, #tpu.memory_space<vmem>>
        %dma_wait3A_136 = tpu.memref_squeeze %dma_wait3A_135 : memref<1x128xi32, #tpu.memory_space<vmem>> -> memref<128xi32, #tpu.memory_space<vmem>>
        %dma_wait3A_137 = arith.constant 0 : i32
        %dma_wait3A_138 = arith.constant 0 : i32
        %dma_wait3A_139 = tpu.memref_slice %arg9[%dma_wait3A_137, %dma_wait3A_138] : memref<10240x16xf32, #tpu.memory_space<vmem_shared>> -> memref<10240x16xf32, #tpu.memory_space<vmem_shared>>
        tpu.wait_indirect_dma semaphore(%run_scoped3A : memref<!tpu.dma_semaphore, #tpu.memory_space<semaphore_mem>>) src(%arg5 : memref<128x16xf32, #tpu.memory_space<vmem>>) dst(%dma_wait3A_139 : memref<10240x16xf32, #tpu.memory_space<vmem_shared>>)
        tpu.yield
      }) : () -> ()
    }
    %scan3A_109 = arith.constant 78 : i32
    %lt3A = arith.constant 4 : i32
    %lt3A_110 = arith.cmpi slt, %add3A, %lt3A : i32
    %convert_element_type3A = arith.extui %lt3A_110 : i1 to i32
    %cond3A = arith.constant 0 : i32
    %cond3A_111 = arith.cmpi ne, %convert_element_type3A, %cond3A : i32
    scf.if %cond3A_111 {
      %add3A_123 = arith.constant 2496 : i32
      %add3A_124 = arith.addi %add3A_123, %add3A : i32
      "tpu.region"() ({
        %run_scoped3A_125 = tpu.sem_alloc : memref<!tpu.dma_semaphore, #tpu.memory_space<semaphore_mem>>
        %dma_start3A_126 = arith.constant 78 : i32
        %dma_start3A_127 = arith.constant 0 : i32
        %dma_start3A_128 = tpu.memref_slice %arg4[%dma_start3A_126, %dma_start3A_127] : memref<79x128xi32, #tpu.memory_space<vmem>> -> memref<1x128xi32, #tpu.memory_space<vmem>>
        %dma_start3A_129 = arith.constant 0 : i32
        %dma_start3A_130 = tpu.memref_slice %arg2[%add3A_124, %dma_start3A_129] : memref<2500x128xi32, #tpu.memory_space<hbm>> -> memref<1x128xi32, #tpu.memory_space<hbm>>
        %dma_start3A_131 = arith.constant 78 : i32
        %dma_start3A_132 = arith.constant 0 : i32
        %dma_start3A_133 = tpu.memref_slice %arg4[%dma_start3A_131, %dma_start3A_132] : memref<79x128xi32, #tpu.memory_space<vmem>> -> memref<1x128xi32, #tpu.memory_space<vmem>>
        %dma_start3A_134 = arith.constant 0 : i32
        %dma_start3A_135 = tpu.memref_slice %arg2[%add3A_124, %dma_start3A_134] : memref<2500x128xi32, #tpu.memory_space<hbm>> -> memref<1x128xi32, #tpu.memory_space<hbm>>
        tpu.enqueue_dma source(%dma_start3A_135 : memref<1x128xi32, #tpu.memory_space<hbm>>) target(%dma_start3A_133 : memref<1x128xi32, #tpu.memory_space<vmem>>) target_semaphore(%run_scoped3A_125 : memref<!tpu.dma_semaphore, #tpu.memory_space<semaphore_mem>>)
        %dma_wait3A_136 = arith.constant 78 : i32
        %dma_wait3A_137 = arith.constant 0 : i32
        %dma_wait3A_138 = tpu.memref_slice %arg4[%dma_wait3A_136, %dma_wait3A_137] : memref<79x128xi32, #tpu.memory_space<vmem>> -> memref<1x128xi32, #tpu.memory_space<vmem>>
        %dma_wait3A_139 = arith.constant 0 : i32
        %dma_wait3A_140 = tpu.memref_slice %arg2[%add3A_124, %dma_wait3A_139] : memref<2500x128xi32, #tpu.memory_space<hbm>> -> memref<1x128xi32, #tpu.memory_space<hbm>>
        %dma_wait3A_141 = arith.constant 78 : i32
        %dma_wait3A_142 = arith.constant 0 : i32
        %dma_wait3A_143 = tpu.memref_slice %arg4[%dma_wait3A_141, %dma_wait3A_142] : memref<79x128xi32, #tpu.memory_space<vmem>> -> memref<1x128xi32, #tpu.memory_space<vmem>>
        %dma_wait3A_144 = arith.constant 0 : i32
        %dma_wait3A_145 = tpu.memref_slice %arg2[%add3A_124, %dma_wait3A_144] : memref<2500x128xi32, #tpu.memory_space<hbm>> -> memref<1x128xi32, #tpu.memory_space<hbm>>
        tpu.wait_dma2 semaphore(%run_scoped3A_125 : memref<!tpu.dma_semaphore, #tpu.memory_space<semaphore_mem>>) src(%dma_wait3A_145 : memref<1x128xi32, #tpu.memory_space<hbm>>) dst(%dma_wait3A_143 : memref<1x128xi32, #tpu.memory_space<vmem>>)
        tpu.yield
      }) : () -> ()
      %run_scoped3A = arith.constant 78 : i32
      "tpu.region"() ({
        %run_scoped3A_125 = tpu.sem_alloc : memref<!tpu.dma_semaphore, #tpu.memory_space<semaphore_mem>>
        %dma_start3A_126 = arith.constant 0 : i32
        %dma_start3A_127 = tpu.memref_slice %arg4[%run_scoped3A, %dma_start3A_126] : memref<79x128xi32, #tpu.memory_space<vmem>> -> memref<1x128xi32, #tpu.memory_space<vmem>>
        %dma_start3A_128 = tpu.memref_squeeze %dma_start3A_127 : memref<1x128xi32, #tpu.memory_space<vmem>> -> memref<128xi32, #tpu.memory_space<vmem>>
        %dma_start3A_129 = arith.constant 0 : i32
        %dma_start3A_130 = arith.constant 0 : i32
        %dma_start3A_131 = tpu.memref_slice %arg9[%dma_start3A_129, %dma_start3A_130] : memref<10240x16xf32, #tpu.memory_space<vmem_shared>> -> memref<10240x16xf32, #tpu.memory_space<vmem_shared>>
        tpu.enqueue_indirect_dma source(%arg5 : memref<128x16xf32, #tpu.memory_space<vmem>>) target(%dma_start3A_131 : memref<10240x16xf32, #tpu.memory_space<vmem_shared>>) offsets(%dma_start3A_128 : memref<128xi32, #tpu.memory_space<vmem>>) semaphore(%run_scoped3A_125 : memref<!tpu.dma_semaphore, #tpu.memory_space<semaphore_mem>>) {add = true}
        %dma_wait3A_132 = arith.constant 0 : i32
        %dma_wait3A_133 = tpu.memref_slice %arg4[%run_scoped3A, %dma_wait3A_132] : memref<79x128xi32, #tpu.memory_space<vmem>> -> memref<1x128xi32, #tpu.memory_space<vmem>>
        %dma_wait3A_134 = tpu.memref_squeeze %dma_wait3A_133 : memref<1x128xi32, #tpu.memory_space<vmem>> -> memref<128xi32, #tpu.memory_space<vmem>>
        %dma_wait3A_135 = arith.constant 0 : i32
        %dma_wait3A_136 = arith.constant 0 : i32
        %dma_wait3A_137 = tpu.memref_slice %arg9[%dma_wait3A_135, %dma_wait3A_136] : memref<10240x16xf32, #tpu.memory_space<vmem_shared>> -> memref<10240x16xf32, #tpu.memory_space<vmem_shared>>
        tpu.wait_indirect_dma semaphore(%run_scoped3A_125 : memref<!tpu.dma_semaphore, #tpu.memory_space<semaphore_mem>>) src(%arg5 : memref<128x16xf32, #tpu.memory_space<vmem>>) dst(%dma_wait3A_137 : memref<10240x16xf32, #tpu.memory_space<vmem_shared>>)
        tpu.yield
      }) : () -> ()
    } else {
    }
    %barrier3A_112 = arith.constant 0 : index
    tpu.barrier barrier_id(%barrier3A_112)
    %mul3A_113 = arith.constant 640 : i32
    %mul3A_114 = arith.muli %arg1, %mul3A_113 : i32
    "tpu.region"() ({
      %run_scoped3A = tpu.sem_alloc : memref<!tpu.dma_semaphore, #tpu.memory_space<semaphore_mem>>
      %dma_start3A_123 = arith.constant 0 : i32
      %dma_start3A_124 = tpu.memref_slice %arg9[%mul3A_114, %dma_start3A_123] : memref<10240x16xf32, #tpu.memory_space<vmem_shared>> -> memref<640x16xf32, #tpu.memory_space<vmem_shared>>
      %dma_start3A_125 = arith.constant 0 : i32
      %dma_start3A_126 = tpu.memref_slice %arg9[%mul3A_114, %dma_start3A_125] : memref<10240x16xf32, #tpu.memory_space<vmem_shared>> -> memref<640x16xf32, #tpu.memory_space<vmem_shared>>
      tpu.enqueue_dma source(%dma_start3A_126 : memref<640x16xf32, #tpu.memory_space<vmem_shared>>) target(%arg7 : memref<640x16xf32, #tpu.memory_space<vmem>>) target_semaphore(%run_scoped3A : memref<!tpu.dma_semaphore, #tpu.memory_space<semaphore_mem>>)
      %dma_wait3A_127 = arith.constant 0 : i32
      %dma_wait3A_128 = tpu.memref_slice %arg9[%mul3A_114, %dma_wait3A_127] : memref<10240x16xf32, #tpu.memory_space<vmem_shared>> -> memref<640x16xf32, #tpu.memory_space<vmem_shared>>
      %dma_wait3A_129 = arith.constant 0 : i32
      %dma_wait3A_130 = tpu.memref_slice %arg9[%mul3A_114, %dma_wait3A_129] : memref<10240x16xf32, #tpu.memory_space<vmem_shared>> -> memref<640x16xf32, #tpu.memory_space<vmem_shared>>
      tpu.wait_dma2 semaphore(%run_scoped3A : memref<!tpu.dma_semaphore, #tpu.memory_space<semaphore_mem>>) src(%dma_wait3A_130 : memref<640x16xf32, #tpu.memory_space<vmem_shared>>) dst(%arg7 : memref<640x16xf32, #tpu.memory_space<vmem>>)
      tpu.yield
    }) : () -> ()
    %scan3A_115 = arith.constant 0 : i32
    %scan3A_116 = arith.constant 640 : i32
    %scan3A_117 = arith.addi %scan3A_115, %scan3A_116 : i32
    %scan3A_118 = arith.constant 1 : i32
    scf.for %scan3A_123 = %scan3A_115 to %scan3A_117 step %scan3A_118  : i32 {
      %mul3A_124 = arith.constant 1 : i32
      %mul3A_125 = arith.muli %scan3A_123, %mul3A_124 : i32
      %add3A_126 = arith.constant 0 : i32
      %add3A_127 = arith.addi %add3A_126, %mul3A_125 : i32
      %get3A = arith.index_cast %add3A_127 : i32 to index
      %get3A_128 = arith.constant 0 : index
      %get3A_129 = tpu.vector_load %arg7[%get3A, %get3A_128] {strides = array<i32>} : memref<640x16xf32, #tpu.memory_space<vmem>>, vector<1x16xf32>,
      %get3A_130 = vector.shape_cast %get3A_129 : vector<1x16xf32> to vector<1x16xf32>
      %swap3A = arith.index_cast %add3A_127 : i32 to index
      %swap3A_131 = arith.constant 0 : index
      %swap3A_132 = tpu.vector_load %arg8[%swap3A, %swap3A_131] {strides = array<i32>} : memref<640x64xf32, #tpu.memory_space<vmem>>, vector<1x16xf32>,
      %swap3A_133 = vector.shape_cast %swap3A_132 : vector<1x16xf32> to vector<1x16xf32>
      %swap3A_134 = vector.shape_cast %get3A_130 : vector<1x16xf32> to vector<1x16xf32>
      tpu.vector_store %arg8[%swap3A, %swap3A_131], %swap3A_134 {strides = array<i32>} : memref<640x64xf32, #tpu.memory_space<vmem>>, vector<1x16xf32>,
      %swap3A_135 = arith.index_cast %add3A_127 : i32 to index
      %swap3A_136 = arith.constant 16 : index
      %swap3A_137 = tpu.vector_load %arg8[%swap3A_135, %swap3A_136] {strides = array<i32>} : memref<640x64xf32, #tpu.memory_space<vmem>>, vector<1x16xf32>,
      %swap3A_138 = vector.shape_cast %swap3A_137 : vector<1x16xf32> to vector<1x16xf32>
      %swap3A_139 = vector.shape_cast %get3A_130 : vector<1x16xf32> to vector<1x16xf32>
      tpu.vector_store %arg8[%swap3A_135, %swap3A_136], %swap3A_139 {strides = array<i32>} : memref<640x64xf32, #tpu.memory_space<vmem>>, vector<1x16xf32>,
      %swap3A_140 = arith.index_cast %add3A_127 : i32 to index
      %swap3A_141 = arith.constant 32 : index
      %swap3A_142 = tpu.vector_load %arg8[%swap3A_140, %swap3A_141] {strides = array<i32>} : memref<640x64xf32, #tpu.memory_space<vmem>>, vector<1x16xf32>,
      %swap3A_143 = vector.shape_cast %swap3A_142 : vector<1x16xf32> to vector<1x16xf32>
      %swap3A_144 = vector.shape_cast %get3A_130 : vector<1x16xf32> to vector<1x16xf32>
      tpu.vector_store %arg8[%swap3A_140, %swap3A_141], %swap3A_144 {strides = array<i32>} : memref<640x64xf32, #tpu.memory_space<vmem>>, vector<1x16xf32>,
      %swap3A_145 = arith.index_cast %add3A_127 : i32 to index
      %swap3A_146 = arith.constant 48 : index
      %swap3A_147 = tpu.vector_load %arg8[%swap3A_145, %swap3A_146] {strides = array<i32>} : memref<640x64xf32, #tpu.memory_space<vmem>>, vector<1x16xf32>,
      %swap3A_148 = vector.shape_cast %swap3A_147 : vector<1x16xf32> to vector<1x16xf32>
      %swap3A_149 = vector.shape_cast %get3A_130 : vector<1x16xf32> to vector<1x16xf32>
      tpu.vector_store %arg8[%swap3A_145, %swap3A_146], %swap3A_149 {strides = array<i32>} : memref<640x64xf32, #tpu.memory_space<vmem>>, vector<1x16xf32>,
    }
    %scan3A_119 = arith.constant 640 : i32
    %mul3A_120 = arith.constant 10240 : i32
    %mul3A_121 = arith.muli %arg0, %mul3A_120 : i32
    %add3A_122 = arith.addi %mul3A_121, %mul3A_114 : i32
    "tpu.region"() ({
      %run_scoped3A = tpu.sem_alloc : memref<!tpu.dma_semaphore, #tpu.memory_space<semaphore_mem>>
      %dma_start3A_123 = arith.constant 0 : i32
      %dma_start3A_124 = tpu.memref_slice %arg3[%add3A_122, %dma_start3A_123] : memref<20480x64xf32, #tpu.memory_space<hbm>> -> memref<640x64xf32, #tpu.memory_space<hbm>>
      %dma_start3A_125 = arith.constant 0 : i32
      %dma_start3A_126 = tpu.memref_slice %arg3[%add3A_122, %dma_start3A_125] : memref<20480x64xf32, #tpu.memory_space<hbm>> -> memref<640x64xf32, #tpu.memory_space<hbm>>
      tpu.enqueue_dma source(%arg8 : memref<640x64xf32, #tpu.memory_space<vmem>>) target(%dma_start3A_126 : memref<640x64xf32, #tpu.memory_space<hbm>>) target_semaphore(%run_scoped3A : memref<!tpu.dma_semaphore, #tpu.memory_space<semaphore_mem>>)
      %dma_wait3A_127 = arith.constant 0 : i32
      %dma_wait3A_128 = tpu.memref_slice %arg3[%add3A_122, %dma_wait3A_127] : memref<20480x64xf32, #tpu.memory_space<hbm>> -> memref<640x64xf32, #tpu.memory_space<hbm>>
      %dma_wait3A_129 = arith.constant 0 : i32
      %dma_wait3A_130 = tpu.memref_slice %arg3[%add3A_122, %dma_wait3A_129] : memref<20480x64xf32, #tpu.memory_space<hbm>> -> memref<640x64xf32, #tpu.memory_space<hbm>>
      tpu.wait_dma2 semaphore(%run_scoped3A : memref<!tpu.dma_semaphore, #tpu.memory_space<semaphore_mem>>) src(%arg8 : memref<640x64xf32, #tpu.memory_space<vmem>>) dst(%dma_wait3A_130 : memref<640x64xf32, #tpu.memory_space<hbm>>)
      tpu.yield
    }) : () -> ()
    return
  }
}

#map = affine_map<(d0, d1) -> (0, 0)>
module attributes {stable_mosaic.version = 14 : i64} {
  func.func @hop(%arg0: i32, %arg1: i32, %arg2: memref<10240x64xf32, #tpu.memory_space<hbm>>, %arg3: memref<2500x128xi32, #tpu.memory_space<hbm>>, %arg4: memref<2500x128xi32, #tpu.memory_space<hbm>>, %arg5: memref<20480x64xf32, #tpu.memory_space<hbm>>, %arg6: memref<79x128xi32, #tpu.memory_space<vmem>>, %arg7: memref<79x128xi32, #tpu.memory_space<vmem>>, %arg8: memref<4x128x64xf32, #tpu.memory_space<vmem>>, %arg9: memref<10240x64xf32, #tpu.memory_space<vmem_shared>>, %arg10: memref<!tpu.dma_semaphore, #tpu.memory_space<semaphore_mem>>, %arg11: memref<!tpu.dma_semaphore, #tpu.memory_space<semaphore_mem>>, %arg12: memref<!tpu.dma_semaphore, #tpu.memory_space<semaphore_mem>>, %arg13: memref<!tpu.dma_semaphore, #tpu.memory_space<semaphore_mem>>, %arg14: memref<!tpu.dma_semaphore, #tpu.memory_space<semaphore_mem>>, %arg15: memref<!tpu.dma_semaphore, #tpu.memory_space<semaphore_mem>>, %arg16: memref<!tpu.dma_semaphore, #tpu.memory_space<semaphore_mem>>, %arg17: memref<!tpu.dma_semaphore, #tpu.memory_space<semaphore_mem>>) attributes {dimension_semantics = [#tpu.dimension_semantics<core_parallel>, #tpu.dimension_semantics<subcore_parallel>], iteration_bounds = array<i64: 2, 16>, scalar_prefetch = 0 : i64, scratch_operands = 12 : i64, tpu.core_type = #tpu.core_type<sc_vector_subcore>, window_params = [{transform_indices = #map}, {transform_indices = #map}, {transform_indices = #map}, {transform_indices = #map}]} {
    %mul3A = arith.constant 16 : i32
    %mul3A_0 = arith.muli %arg0, %mul3A : i32
    %add3A = arith.addi %mul3A_0, %arg1 : i32
    %mul3A_1 = arith.constant 78 : i32
    %mul3A_2 = arith.muli %add3A, %mul3A_1 : i32
    %dma_start3A = arith.constant 0 : i32
    %dma_start3A_3 = arith.constant 0 : i32
    %dma_start3A_4 = tpu.memref_slice %arg6[%dma_start3A, %dma_start3A_3] : memref<79x128xi32, #tpu.memory_space<vmem>> -> memref<78x128xi32, #tpu.memory_space<vmem>>
    %dma_start3A_5 = arith.constant 0 : i32
    %dma_start3A_6 = tpu.memref_slice %arg3[%mul3A_2, %dma_start3A_5] : memref<2500x128xi32, #tpu.memory_space<hbm>> -> memref<78x128xi32, #tpu.memory_space<hbm>>
    %dma_start3A_7 = arith.constant 0 : i32
    %dma_start3A_8 = arith.constant 0 : i32
    %dma_start3A_9 = tpu.memref_slice %arg6[%dma_start3A_7, %dma_start3A_8] : memref<79x128xi32, #tpu.memory_space<vmem>> -> memref<78x128xi32, #tpu.memory_space<vmem>>
    %dma_start3A_10 = arith.constant 0 : i32
    %dma_start3A_11 = tpu.memref_slice %arg3[%mul3A_2, %dma_start3A_10] : memref<2500x128xi32, #tpu.memory_space<hbm>> -> memref<78x128xi32, #tpu.memory_space<hbm>>
    tpu.enqueue_dma source(%dma_start3A_11 : memref<78x128xi32, #tpu.memory_space<hbm>>) target(%dma_start3A_9 : memref<78x128xi32, #tpu.memory_space<vmem>>) target_semaphore(%arg12 : memref<!tpu.dma_semaphore, #tpu.memory_space<semaphore_mem>>)
    %mul3A_12 = arith.constant 78 : i32
    %mul3A_13 = arith.muli %add3A, %mul3A_12 : i32
    %dma_start3A_14 = arith.constant 0 : i32
    %dma_start3A_15 = arith.constant 0 : i32
    %dma_start3A_16 = tpu.memref_slice %arg7[%dma_start3A_14, %dma_start3A_15] : memref<79x128xi32, #tpu.memory_space<vmem>> -> memref<78x128xi32, #tpu.memory_space<vmem>>
    %dma_start3A_17 = arith.constant 0 : i32
    %dma_start3A_18 = tpu.memref_slice %arg4[%mul3A_13, %dma_start3A_17] : memref<2500x128xi32, #tpu.memory_space<hbm>> -> memref<78x128xi32, #tpu.memory_space<hbm>>
    %dma_start3A_19 = arith.constant 0 : i32
    %dma_start3A_20 = arith.constant 0 : i32
    %dma_start3A_21 = tpu.memref_slice %arg7[%dma_start3A_19, %dma_start3A_20] : memref<79x128xi32, #tpu.memory_space<vmem>> -> memref<78x128xi32, #tpu.memory_space<vmem>>
    %dma_start3A_22 = arith.constant 0 : i32
    %dma_start3A_23 = tpu.memref_slice %arg4[%mul3A_13, %dma_start3A_22] : memref<2500x128xi32, #tpu.memory_space<hbm>> -> memref<78x128xi32, #tpu.memory_space<hbm>>
    tpu.enqueue_dma source(%dma_start3A_23 : memref<78x128xi32, #tpu.memory_space<hbm>>) target(%dma_start3A_21 : memref<78x128xi32, #tpu.memory_space<vmem>>) target_semaphore(%arg13 : memref<!tpu.dma_semaphore, #tpu.memory_space<semaphore_mem>>)
    %scan3A = arith.constant 0 : i32
    %scan3A_24 = arith.constant 128 : i32
    %scan3A_25 = arith.addi %scan3A, %scan3A_24 : i32
    %scan3A_26 = arith.constant 1 : i32
    scf.for %scan3A_518 = %scan3A to %scan3A_25 step %scan3A_26  : i32 {
      %mul3A_519 = arith.constant 1 : i32
      %mul3A_520 = arith.muli %scan3A_518, %mul3A_519 : i32
      %add3A_521 = arith.constant 0 : i32
      %add3A_522 = arith.addi %add3A_521, %mul3A_520 : i32
      %broadcast_in_dim3A = arith.constant 0.000000e+00 : f32
      %broadcast_in_dim3A_523 = vector.broadcast %broadcast_in_dim3A : f32 to vector<1x1x16xf32>
      %swap3A = arith.constant 0 : index
      %swap3A_524 = arith.index_cast %add3A_522 : i32 to index
      %swap3A_525 = arith.constant 0 : index
      %swap3A_526 = tpu.vector_load %arg8[%swap3A, %swap3A_524, %swap3A_525] {strides = array<i32>} : memref<4x128x64xf32, #tpu.memory_space<vmem>>, vector<1x1x16xf32>,
      %swap3A_527 = vector.shape_cast %swap3A_526 : vector<1x1x16xf32> to vector<1x1x16xf32>
      %swap3A_528 = vector.shape_cast %broadcast_in_dim3A_523 : vector<1x1x16xf32> to vector<1x1x16xf32>
      tpu.vector_store %arg8[%swap3A, %swap3A_524, %swap3A_525], %swap3A_528 {strides = array<i32>} : memref<4x128x64xf32, #tpu.memory_space<vmem>>, vector<1x1x16xf32>,
      %broadcast_in_dim3A_529 = arith.constant 0.000000e+00 : f32
      %broadcast_in_dim3A_530 = vector.broadcast %broadcast_in_dim3A_529 : f32 to vector<1x1x16xf32>
      %swap3A_531 = arith.constant 0 : index
      %swap3A_532 = arith.index_cast %add3A_522 : i32 to index
      %swap3A_533 = arith.constant 16 : index
      %swap3A_534 = tpu.vector_load %arg8[%swap3A_531, %swap3A_532, %swap3A_533] {strides = array<i32>} : memref<4x128x64xf32, #tpu.memory_space<vmem>>, vector<1x1x16xf32>,
      %swap3A_535 = vector.shape_cast %swap3A_534 : vector<1x1x16xf32> to vector<1x1x16xf32>
      %swap3A_536 = vector.shape_cast %broadcast_in_dim3A_530 : vector<1x1x16xf32> to vector<1x1x16xf32>
      tpu.vector_store %arg8[%swap3A_531, %swap3A_532, %swap3A_533], %swap3A_536 {strides = array<i32>} : memref<4x128x64xf32, #tpu.memory_space<vmem>>, vector<1x1x16xf32>,
      %broadcast_in_dim3A_537 = arith.constant 0.000000e+00 : f32
      %broadcast_in_dim3A_538 = vector.broadcast %broadcast_in_dim3A_537 : f32 to vector<1x1x16xf32>
      %swap3A_539 = arith.constant 0 : index
      %swap3A_540 = arith.index_cast %add3A_522 : i32 to index
      %swap3A_541 = arith.constant 32 : index
      %swap3A_542 = tpu.vector_load %arg8[%swap3A_539, %swap3A_540, %swap3A_541] {strides = array<i32>} : memref<4x128x64xf32, #tpu.memory_space<vmem>>, vector<1x1x16xf32>,
      %swap3A_543 = vector.shape_cast %swap3A_542 : vector<1x1x16xf32> to vector<1x1x16xf32>
      %swap3A_544 = vector.shape_cast %broadcast_in_dim3A_538 : vector<1x1x16xf32> to vector<1x1x16xf32>
      tpu.vector_store %arg8[%swap3A_539, %swap3A_540, %swap3A_541], %swap3A_544 {strides = array<i32>} : memref<4x128x64xf32, #tpu.memory_space<vmem>>, vector<1x1x16xf32>,
      %broadcast_in_dim3A_545 = arith.constant 0.000000e+00 : f32
      %broadcast_in_dim3A_546 = vector.broadcast %broadcast_in_dim3A_545 : f32 to vector<1x1x16xf32>
      %swap3A_547 = arith.constant 0 : index
      %swap3A_548 = arith.index_cast %add3A_522 : i32 to index
      %swap3A_549 = arith.constant 48 : index
      %swap3A_550 = tpu.vector_load %arg8[%swap3A_547, %swap3A_548, %swap3A_549] {strides = array<i32>} : memref<4x128x64xf32, #tpu.memory_space<vmem>>, vector<1x1x16xf32>,
      %swap3A_551 = vector.shape_cast %swap3A_550 : vector<1x1x16xf32> to vector<1x1x16xf32>
      %swap3A_552 = vector.shape_cast %broadcast_in_dim3A_546 : vector<1x1x16xf32> to vector<1x1x16xf32>
      tpu.vector_store %arg8[%swap3A_547, %swap3A_548, %swap3A_549], %swap3A_552 {strides = array<i32>} : memref<4x128x64xf32, #tpu.memory_space<vmem>>, vector<1x1x16xf32>,
    }
    %scan3A_27 = arith.constant 128 : i32
    %mul3A_28 = arith.constant 640 : i32
    %mul3A_29 = arith.muli %arg1, %mul3A_28 : i32
    %add3A_30 = arith.constant 0 : i32
    %add3A_31 = arith.addi %mul3A_29, %add3A_30 : i32
    %dma_start3A_32 = arith.constant 0 : i32
    %dma_start3A_33 = arith.constant 0 : i32
    %dma_start3A_34 = arith.constant 0 : i32
    %dma_start3A_35 = tpu.memref_slice %arg8[%dma_start3A_32, %dma_start3A_33, %dma_start3A_34] : memref<4x128x64xf32, #tpu.memory_space<vmem>> -> memref<1x128x64xf32, #tpu.memory_space<vmem>>
    %dma_start3A_36 = tpu.memref_squeeze %dma_start3A_35 : memref<1x128x64xf32, #tpu.memory_space<vmem>> -> memref<128x64xf32, #tpu.memory_space<vmem>>
    %dma_start3A_37 = arith.constant 0 : i32
    %dma_start3A_38 = tpu.memref_slice %arg9[%add3A_31, %dma_start3A_37] : memref<10240x64xf32, #tpu.memory_space<vmem_shared>> -> memref<128x64xf32, #tpu.memory_space<vmem_shared>>
    %dma_start3A_39 = arith.constant 0 : i32
    %dma_start3A_40 = tpu.memref_slice %arg9[%add3A_31, %dma_start3A_39] : memref<10240x64xf32, #tpu.memory_space<vmem_shared>> -> memref<128x64xf32, #tpu.memory_space<vmem_shared>>
    %dma_start3A_41 = arith.constant 0 : i32
    %dma_start3A_42 = arith.constant 0 : i32
    %dma_start3A_43 = tpu.memref_slice %arg8[%dma_start3A_32, %dma_start3A_41, %dma_start3A_42] : memref<4x128x64xf32, #tpu.memory_space<vmem>> -> memref<1x128x64xf32, #tpu.memory_space<vmem>>
    %dma_start3A_44 = tpu.memref_squeeze %dma_start3A_43 : memref<1x128x64xf32, #tpu.memory_space<vmem>> -> memref<128x64xf32, #tpu.memory_space<vmem>>
    tpu.enqueue_dma source(%dma_start3A_44 : memref<128x64xf32, #tpu.memory_space<vmem>>) target(%dma_start3A_40 : memref<128x64xf32, #tpu.memory_space<vmem_shared>>) target_semaphore(%arg14 : memref<!tpu.dma_semaphore, #tpu.memory_space<semaphore_mem>>)
    %mul3A_45 = arith.constant 640 : i32
    %mul3A_46 = arith.muli %arg1, %mul3A_45 : i32
    %add3A_47 = arith.constant 128 : i32
    %add3A_48 = arith.addi %mul3A_46, %add3A_47 : i32
    %dma_start3A_49 = arith.constant 0 : i32
    %dma_start3A_50 = arith.constant 0 : i32
    %dma_start3A_51 = arith.constant 0 : i32
    %dma_start3A_52 = tpu.memref_slice %arg8[%dma_start3A_49, %dma_start3A_50, %dma_start3A_51] : memref<4x128x64xf32, #tpu.memory_space<vmem>> -> memref<1x128x64xf32, #tpu.memory_space<vmem>>
    %dma_start3A_53 = tpu.memref_squeeze %dma_start3A_52 : memref<1x128x64xf32, #tpu.memory_space<vmem>> -> memref<128x64xf32, #tpu.memory_space<vmem>>
    %dma_start3A_54 = arith.constant 0 : i32
    %dma_start3A_55 = tpu.memref_slice %arg9[%add3A_48, %dma_start3A_54] : memref<10240x64xf32, #tpu.memory_space<vmem_shared>> -> memref<128x64xf32, #tpu.memory_space<vmem_shared>>
    %dma_start3A_56 = arith.constant 0 : i32
    %dma_start3A_57 = tpu.memref_slice %arg9[%add3A_48, %dma_start3A_56] : memref<10240x64xf32, #tpu.memory_space<vmem_shared>> -> memref<128x64xf32, #tpu.memory_space<vmem_shared>>
    %dma_start3A_58 = arith.constant 0 : i32
    %dma_start3A_59 = arith.constant 0 : i32
    %dma_start3A_60 = tpu.memref_slice %arg8[%dma_start3A_49, %dma_start3A_58, %dma_start3A_59] : memref<4x128x64xf32, #tpu.memory_space<vmem>> -> memref<1x128x64xf32, #tpu.memory_space<vmem>>
    %dma_start3A_61 = tpu.memref_squeeze %dma_start3A_60 : memref<1x128x64xf32, #tpu.memory_space<vmem>> -> memref<128x64xf32, #tpu.memory_space<vmem>>
    tpu.enqueue_dma source(%dma_start3A_61 : memref<128x64xf32, #tpu.memory_space<vmem>>) target(%dma_start3A_57 : memref<128x64xf32, #tpu.memory_space<vmem_shared>>) target_semaphore(%arg14 : memref<!tpu.dma_semaphore, #tpu.memory_space<semaphore_mem>>)
    %mul3A_62 = arith.constant 640 : i32
    %mul3A_63 = arith.muli %arg1, %mul3A_62 : i32
    %add3A_64 = arith.constant 256 : i32
    %add3A_65 = arith.addi %mul3A_63, %add3A_64 : i32
    %dma_start3A_66 = arith.constant 0 : i32
    %dma_start3A_67 = arith.constant 0 : i32
    %dma_start3A_68 = arith.constant 0 : i32
    %dma_start3A_69 = tpu.memref_slice %arg8[%dma_start3A_66, %dma_start3A_67, %dma_start3A_68] : memref<4x128x64xf32, #tpu.memory_space<vmem>> -> memref<1x128x64xf32, #tpu.memory_space<vmem>>
    %dma_start3A_70 = tpu.memref_squeeze %dma_start3A_69 : memref<1x128x64xf32, #tpu.memory_space<vmem>> -> memref<128x64xf32, #tpu.memory_space<vmem>>
    %dma_start3A_71 = arith.constant 0 : i32
    %dma_start3A_72 = tpu.memref_slice %arg9[%add3A_65, %dma_start3A_71] : memref<10240x64xf32, #tpu.memory_space<vmem_shared>> -> memref<128x64xf32, #tpu.memory_space<vmem_shared>>
    %dma_start3A_73 = arith.constant 0 : i32
    %dma_start3A_74 = tpu.memref_slice %arg9[%add3A_65, %dma_start3A_73] : memref<10240x64xf32, #tpu.memory_space<vmem_shared>> -> memref<128x64xf32, #tpu.memory_space<vmem_shared>>
    %dma_start3A_75 = arith.constant 0 : i32
    %dma_start3A_76 = arith.constant 0 : i32
    %dma_start3A_77 = tpu.memref_slice %arg8[%dma_start3A_66, %dma_start3A_75, %dma_start3A_76] : memref<4x128x64xf32, #tpu.memory_space<vmem>> -> memref<1x128x64xf32, #tpu.memory_space<vmem>>
    %dma_start3A_78 = tpu.memref_squeeze %dma_start3A_77 : memref<1x128x64xf32, #tpu.memory_space<vmem>> -> memref<128x64xf32, #tpu.memory_space<vmem>>
    tpu.enqueue_dma source(%dma_start3A_78 : memref<128x64xf32, #tpu.memory_space<vmem>>) target(%dma_start3A_74 : memref<128x64xf32, #tpu.memory_space<vmem_shared>>) target_semaphore(%arg14 : memref<!tpu.dma_semaphore, #tpu.memory_space<semaphore_mem>>)
    %mul3A_79 = arith.constant 640 : i32
    %mul3A_80 = arith.muli %arg1, %mul3A_79 : i32
    %add3A_81 = arith.constant 384 : i32
    %add3A_82 = arith.addi %mul3A_80, %add3A_81 : i32
    %dma_start3A_83 = arith.constant 0 : i32
    %dma_start3A_84 = arith.constant 0 : i32
    %dma_start3A_85 = arith.constant 0 : i32
    %dma_start3A_86 = tpu.memref_slice %arg8[%dma_start3A_83, %dma_start3A_84, %dma_start3A_85] : memref<4x128x64xf32, #tpu.memory_space<vmem>> -> memref<1x128x64xf32, #tpu.memory_space<vmem>>
    %dma_start3A_87 = tpu.memref_squeeze %dma_start3A_86 : memref<1x128x64xf32, #tpu.memory_space<vmem>> -> memref<128x64xf32, #tpu.memory_space<vmem>>
    %dma_start3A_88 = arith.constant 0 : i32
    %dma_start3A_89 = tpu.memref_slice %arg9[%add3A_82, %dma_start3A_88] : memref<10240x64xf32, #tpu.memory_space<vmem_shared>> -> memref<128x64xf32, #tpu.memory_space<vmem_shared>>
    %dma_start3A_90 = arith.constant 0 : i32
    %dma_start3A_91 = tpu.memref_slice %arg9[%add3A_82, %dma_start3A_90] : memref<10240x64xf32, #tpu.memory_space<vmem_shared>> -> memref<128x64xf32, #tpu.memory_space<vmem_shared>>
    %dma_start3A_92 = arith.constant 0 : i32
    %dma_start3A_93 = arith.constant 0 : i32
    %dma_start3A_94 = tpu.memref_slice %arg8[%dma_start3A_83, %dma_start3A_92, %dma_start3A_93] : memref<4x128x64xf32, #tpu.memory_space<vmem>> -> memref<1x128x64xf32, #tpu.memory_space<vmem>>
    %dma_start3A_95 = tpu.memref_squeeze %dma_start3A_94 : memref<1x128x64xf32, #tpu.memory_space<vmem>> -> memref<128x64xf32, #tpu.memory_space<vmem>>
    tpu.enqueue_dma source(%dma_start3A_95 : memref<128x64xf32, #tpu.memory_space<vmem>>) target(%dma_start3A_91 : memref<128x64xf32, #tpu.memory_space<vmem_shared>>) target_semaphore(%arg14 : memref<!tpu.dma_semaphore, #tpu.memory_space<semaphore_mem>>)
    %mul3A_96 = arith.constant 640 : i32
    %mul3A_97 = arith.muli %arg1, %mul3A_96 : i32
    %add3A_98 = arith.constant 512 : i32
    %add3A_99 = arith.addi %mul3A_97, %add3A_98 : i32
    %dma_start3A_100 = arith.constant 0 : i32
    %dma_start3A_101 = arith.constant 0 : i32
    %dma_start3A_102 = arith.constant 0 : i32
    %dma_start3A_103 = tpu.memref_slice %arg8[%dma_start3A_100, %dma_start3A_101, %dma_start3A_102] : memref<4x128x64xf32, #tpu.memory_space<vmem>> -> memref<1x128x64xf32, #tpu.memory_space<vmem>>
    %dma_start3A_104 = tpu.memref_squeeze %dma_start3A_103 : memref<1x128x64xf32, #tpu.memory_space<vmem>> -> memref<128x64xf32, #tpu.memory_space<vmem>>
    %dma_start3A_105 = arith.constant 0 : i32
    %dma_start3A_106 = tpu.memref_slice %arg9[%add3A_99, %dma_start3A_105] : memref<10240x64xf32, #tpu.memory_space<vmem_shared>> -> memref<128x64xf32, #tpu.memory_space<vmem_shared>>
    %dma_start3A_107 = arith.constant 0 : i32
    %dma_start3A_108 = tpu.memref_slice %arg9[%add3A_99, %dma_start3A_107] : memref<10240x64xf32, #tpu.memory_space<vmem_shared>> -> memref<128x64xf32, #tpu.memory_space<vmem_shared>>
    %dma_start3A_109 = arith.constant 0 : i32
    %dma_start3A_110 = arith.constant 0 : i32
    %dma_start3A_111 = tpu.memref_slice %arg8[%dma_start3A_100, %dma_start3A_109, %dma_start3A_110] : memref<4x128x64xf32, #tpu.memory_space<vmem>> -> memref<1x128x64xf32, #tpu.memory_space<vmem>>
    %dma_start3A_112 = tpu.memref_squeeze %dma_start3A_111 : memref<1x128x64xf32, #tpu.memory_space<vmem>> -> memref<128x64xf32, #tpu.memory_space<vmem>>
    tpu.enqueue_dma source(%dma_start3A_112 : memref<128x64xf32, #tpu.memory_space<vmem>>) target(%dma_start3A_108 : memref<128x64xf32, #tpu.memory_space<vmem_shared>>) target_semaphore(%arg14 : memref<!tpu.dma_semaphore, #tpu.memory_space<semaphore_mem>>)
    %mul3A_113 = arith.constant 640 : i32
    %mul3A_114 = arith.muli %arg1, %mul3A_113 : i32
    %add3A_115 = arith.constant 0 : i32
    %add3A_116 = arith.addi %mul3A_114, %add3A_115 : i32
    %dma_wait3A = arith.constant 0 : i32
    %dma_wait3A_117 = arith.constant 0 : i32
    %dma_wait3A_118 = arith.constant 0 : i32
    %dma_wait3A_119 = tpu.memref_slice %arg8[%dma_wait3A, %dma_wait3A_117, %dma_wait3A_118] : memref<4x128x64xf32, #tpu.memory_space<vmem>> -> memref<1x128x64xf32, #tpu.memory_space<vmem>>
    %dma_wait3A_120 = tpu.memref_squeeze %dma_wait3A_119 : memref<1x128x64xf32, #tpu.memory_space<vmem>> -> memref<128x64xf32, #tpu.memory_space<vmem>>
    %dma_wait3A_121 = arith.constant 0 : i32
    %dma_wait3A_122 = tpu.memref_slice %arg9[%add3A_116, %dma_wait3A_121] : memref<10240x64xf32, #tpu.memory_space<vmem_shared>> -> memref<128x64xf32, #tpu.memory_space<vmem_shared>>
    %dma_wait3A_123 = arith.constant 0 : i32
    %dma_wait3A_124 = tpu.memref_slice %arg9[%add3A_116, %dma_wait3A_123] : memref<10240x64xf32, #tpu.memory_space<vmem_shared>> -> memref<128x64xf32, #tpu.memory_space<vmem_shared>>
    %dma_wait3A_125 = arith.constant 0 : i32
    %dma_wait3A_126 = arith.constant 0 : i32
    %dma_wait3A_127 = tpu.memref_slice %arg8[%dma_wait3A, %dma_wait3A_125, %dma_wait3A_126] : memref<4x128x64xf32, #tpu.memory_space<vmem>> -> memref<1x128x64xf32, #tpu.memory_space<vmem>>
    %dma_wait3A_128 = tpu.memref_squeeze %dma_wait3A_127 : memref<1x128x64xf32, #tpu.memory_space<vmem>> -> memref<128x64xf32, #tpu.memory_space<vmem>>
    tpu.wait_dma2 semaphore(%arg14 : memref<!tpu.dma_semaphore, #tpu.memory_space<semaphore_mem>>) src(%dma_wait3A_128 : memref<128x64xf32, #tpu.memory_space<vmem>>) dst(%dma_wait3A_124 : memref<128x64xf32, #tpu.memory_space<vmem_shared>>)
    %mul3A_129 = arith.constant 640 : i32
    %mul3A_130 = arith.muli %arg1, %mul3A_129 : i32
    %add3A_131 = arith.constant 128 : i32
    %add3A_132 = arith.addi %mul3A_130, %add3A_131 : i32
    %dma_wait3A_133 = arith.constant 0 : i32
    %dma_wait3A_134 = arith.constant 0 : i32
    %dma_wait3A_135 = arith.constant 0 : i32
    %dma_wait3A_136 = tpu.memref_slice %arg8[%dma_wait3A_133, %dma_wait3A_134, %dma_wait3A_135] : memref<4x128x64xf32, #tpu.memory_space<vmem>> -> memref<1x128x64xf32, #tpu.memory_space<vmem>>
    %dma_wait3A_137 = tpu.memref_squeeze %dma_wait3A_136 : memref<1x128x64xf32, #tpu.memory_space<vmem>> -> memref<128x64xf32, #tpu.memory_space<vmem>>
    %dma_wait3A_138 = arith.constant 0 : i32
    %dma_wait3A_139 = tpu.memref_slice %arg9[%add3A_132, %dma_wait3A_138] : memref<10240x64xf32, #tpu.memory_space<vmem_shared>> -> memref<128x64xf32, #tpu.memory_space<vmem_shared>>
    %dma_wait3A_140 = arith.constant 0 : i32
    %dma_wait3A_141 = tpu.memref_slice %arg9[%add3A_132, %dma_wait3A_140] : memref<10240x64xf32, #tpu.memory_space<vmem_shared>> -> memref<128x64xf32, #tpu.memory_space<vmem_shared>>
    %dma_wait3A_142 = arith.constant 0 : i32
    %dma_wait3A_143 = arith.constant 0 : i32
    %dma_wait3A_144 = tpu.memref_slice %arg8[%dma_wait3A_133, %dma_wait3A_142, %dma_wait3A_143] : memref<4x128x64xf32, #tpu.memory_space<vmem>> -> memref<1x128x64xf32, #tpu.memory_space<vmem>>
    %dma_wait3A_145 = tpu.memref_squeeze %dma_wait3A_144 : memref<1x128x64xf32, #tpu.memory_space<vmem>> -> memref<128x64xf32, #tpu.memory_space<vmem>>
    tpu.wait_dma2 semaphore(%arg14 : memref<!tpu.dma_semaphore, #tpu.memory_space<semaphore_mem>>) src(%dma_wait3A_145 : memref<128x64xf32, #tpu.memory_space<vmem>>) dst(%dma_wait3A_141 : memref<128x64xf32, #tpu.memory_space<vmem_shared>>)
    %mul3A_146 = arith.constant 640 : i32
    %mul3A_147 = arith.muli %arg1, %mul3A_146 : i32
    %add3A_148 = arith.constant 256 : i32
    %add3A_149 = arith.addi %mul3A_147, %add3A_148 : i32
    %dma_wait3A_150 = arith.constant 0 : i32
    %dma_wait3A_151 = arith.constant 0 : i32
    %dma_wait3A_152 = arith.constant 0 : i32
    %dma_wait3A_153 = tpu.memref_slice %arg8[%dma_wait3A_150, %dma_wait3A_151, %dma_wait3A_152] : memref<4x128x64xf32, #tpu.memory_space<vmem>> -> memref<1x128x64xf32, #tpu.memory_space<vmem>>
    %dma_wait3A_154 = tpu.memref_squeeze %dma_wait3A_153 : memref<1x128x64xf32, #tpu.memory_space<vmem>> -> memref<128x64xf32, #tpu.memory_space<vmem>>
    %dma_wait3A_155 = arith.constant 0 : i32
    %dma_wait3A_156 = tpu.memref_slice %arg9[%add3A_149, %dma_wait3A_155] : memref<10240x64xf32, #tpu.memory_space<vmem_shared>> -> memref<128x64xf32, #tpu.memory_space<vmem_shared>>
    %dma_wait3A_157 = arith.constant 0 : i32
    %dma_wait3A_158 = tpu.memref_slice %arg9[%add3A_149, %dma_wait3A_157] : memref<10240x64xf32, #tpu.memory_space<vmem_shared>> -> memref<128x64xf32, #tpu.memory_space<vmem_shared>>
    %dma_wait3A_159 = arith.constant 0 : i32
    %dma_wait3A_160 = arith.constant 0 : i32
    %dma_wait3A_161 = tpu.memref_slice %arg8[%dma_wait3A_150, %dma_wait3A_159, %dma_wait3A_160] : memref<4x128x64xf32, #tpu.memory_space<vmem>> -> memref<1x128x64xf32, #tpu.memory_space<vmem>>
    %dma_wait3A_162 = tpu.memref_squeeze %dma_wait3A_161 : memref<1x128x64xf32, #tpu.memory_space<vmem>> -> memref<128x64xf32, #tpu.memory_space<vmem>>
    tpu.wait_dma2 semaphore(%arg14 : memref<!tpu.dma_semaphore, #tpu.memory_space<semaphore_mem>>) src(%dma_wait3A_162 : memref<128x64xf32, #tpu.memory_space<vmem>>) dst(%dma_wait3A_158 : memref<128x64xf32, #tpu.memory_space<vmem_shared>>)
    %mul3A_163 = arith.constant 640 : i32
    %mul3A_164 = arith.muli %arg1, %mul3A_163 : i32
    %add3A_165 = arith.constant 384 : i32
    %add3A_166 = arith.addi %mul3A_164, %add3A_165 : i32
    %dma_wait3A_167 = arith.constant 0 : i32
    %dma_wait3A_168 = arith.constant 0 : i32
    %dma_wait3A_169 = arith.constant 0 : i32
    %dma_wait3A_170 = tpu.memref_slice %arg8[%dma_wait3A_167, %dma_wait3A_168, %dma_wait3A_169] : memref<4x128x64xf32, #tpu.memory_space<vmem>> -> memref<1x128x64xf32, #tpu.memory_space<vmem>>
    %dma_wait3A_171 = tpu.memref_squeeze %dma_wait3A_170 : memref<1x128x64xf32, #tpu.memory_space<vmem>> -> memref<128x64xf32, #tpu.memory_space<vmem>>
    %dma_wait3A_172 = arith.constant 0 : i32
    %dma_wait3A_173 = tpu.memref_slice %arg9[%add3A_166, %dma_wait3A_172] : memref<10240x64xf32, #tpu.memory_space<vmem_shared>> -> memref<128x64xf32, #tpu.memory_space<vmem_shared>>
    %dma_wait3A_174 = arith.constant 0 : i32
    %dma_wait3A_175 = tpu.memref_slice %arg9[%add3A_166, %dma_wait3A_174] : memref<10240x64xf32, #tpu.memory_space<vmem_shared>> -> memref<128x64xf32, #tpu.memory_space<vmem_shared>>
    %dma_wait3A_176 = arith.constant 0 : i32
    %dma_wait3A_177 = arith.constant 0 : i32
    %dma_wait3A_178 = tpu.memref_slice %arg8[%dma_wait3A_167, %dma_wait3A_176, %dma_wait3A_177] : memref<4x128x64xf32, #tpu.memory_space<vmem>> -> memref<1x128x64xf32, #tpu.memory_space<vmem>>
    %dma_wait3A_179 = tpu.memref_squeeze %dma_wait3A_178 : memref<1x128x64xf32, #tpu.memory_space<vmem>> -> memref<128x64xf32, #tpu.memory_space<vmem>>
    tpu.wait_dma2 semaphore(%arg14 : memref<!tpu.dma_semaphore, #tpu.memory_space<semaphore_mem>>) src(%dma_wait3A_179 : memref<128x64xf32, #tpu.memory_space<vmem>>) dst(%dma_wait3A_175 : memref<128x64xf32, #tpu.memory_space<vmem_shared>>)
    %mul3A_180 = arith.constant 640 : i32
    %mul3A_181 = arith.muli %arg1, %mul3A_180 : i32
    %add3A_182 = arith.constant 512 : i32
    %add3A_183 = arith.addi %mul3A_181, %add3A_182 : i32
    %dma_wait3A_184 = arith.constant 0 : i32
    %dma_wait3A_185 = arith.constant 0 : i32
    %dma_wait3A_186 = arith.constant 0 : i32
    %dma_wait3A_187 = tpu.memref_slice %arg8[%dma_wait3A_184, %dma_wait3A_185, %dma_wait3A_186] : memref<4x128x64xf32, #tpu.memory_space<vmem>> -> memref<1x128x64xf32, #tpu.memory_space<vmem>>
    %dma_wait3A_188 = tpu.memref_squeeze %dma_wait3A_187 : memref<1x128x64xf32, #tpu.memory_space<vmem>> -> memref<128x64xf32, #tpu.memory_space<vmem>>
    %dma_wait3A_189 = arith.constant 0 : i32
    %dma_wait3A_190 = tpu.memref_slice %arg9[%add3A_183, %dma_wait3A_189] : memref<10240x64xf32, #tpu.memory_space<vmem_shared>> -> memref<128x64xf32, #tpu.memory_space<vmem_shared>>
    %dma_wait3A_191 = arith.constant 0 : i32
    %dma_wait3A_192 = tpu.memref_slice %arg9[%add3A_183, %dma_wait3A_191] : memref<10240x64xf32, #tpu.memory_space<vmem_shared>> -> memref<128x64xf32, #tpu.memory_space<vmem_shared>>
    %dma_wait3A_193 = arith.constant 0 : i32
    %dma_wait3A_194 = arith.constant 0 : i32
    %dma_wait3A_195 = tpu.memref_slice %arg8[%dma_wait3A_184, %dma_wait3A_193, %dma_wait3A_194] : memref<4x128x64xf32, #tpu.memory_space<vmem>> -> memref<1x128x64xf32, #tpu.memory_space<vmem>>
    %dma_wait3A_196 = tpu.memref_squeeze %dma_wait3A_195 : memref<1x128x64xf32, #tpu.memory_space<vmem>> -> memref<128x64xf32, #tpu.memory_space<vmem>>
    tpu.wait_dma2 semaphore(%arg14 : memref<!tpu.dma_semaphore, #tpu.memory_space<semaphore_mem>>) src(%dma_wait3A_196 : memref<128x64xf32, #tpu.memory_space<vmem>>) dst(%dma_wait3A_192 : memref<128x64xf32, #tpu.memory_space<vmem_shared>>)
    %dma_wait3A_197 = arith.constant 0 : i32
    %dma_wait3A_198 = arith.constant 0 : i32
    %dma_wait3A_199 = tpu.memref_slice %arg6[%dma_wait3A_197, %dma_wait3A_198] : memref<79x128xi32, #tpu.memory_space<vmem>> -> memref<78x128xi32, #tpu.memory_space<vmem>>
    %dma_wait3A_200 = arith.constant 0 : i32
    %dma_wait3A_201 = tpu.memref_slice %arg3[%mul3A_2, %dma_wait3A_200] : memref<2500x128xi32, #tpu.memory_space<hbm>> -> memref<78x128xi32, #tpu.memory_space<hbm>>
    %dma_wait3A_202 = arith.constant 0 : i32
    %dma_wait3A_203 = arith.constant 0 : i32
    %dma_wait3A_204 = tpu.memref_slice %arg6[%dma_wait3A_202, %dma_wait3A_203] : memref<79x128xi32, #tpu.memory_space<vmem>> -> memref<78x128xi32, #tpu.memory_space<vmem>>
    %dma_wait3A_205 = arith.constant 0 : i32
    %dma_wait3A_206 = tpu.memref_slice %arg3[%mul3A_2, %dma_wait3A_205] : memref<2500x128xi32, #tpu.memory_space<hbm>> -> memref<78x128xi32, #tpu.memory_space<hbm>>
    tpu.wait_dma2 semaphore(%arg12 : memref<!tpu.dma_semaphore, #tpu.memory_space<semaphore_mem>>) src(%dma_wait3A_206 : memref<78x128xi32, #tpu.memory_space<hbm>>) dst(%dma_wait3A_204 : memref<78x128xi32, #tpu.memory_space<vmem>>)
    %dma_wait3A_207 = arith.constant 0 : i32
    %dma_wait3A_208 = arith.constant 0 : i32
    %dma_wait3A_209 = tpu.memref_slice %arg7[%dma_wait3A_207, %dma_wait3A_208] : memref<79x128xi32, #tpu.memory_space<vmem>> -> memref<78x128xi32, #tpu.memory_space<vmem>>
    %dma_wait3A_210 = arith.constant 0 : i32
    %dma_wait3A_211 = tpu.memref_slice %arg4[%mul3A_13, %dma_wait3A_210] : memref<2500x128xi32, #tpu.memory_space<hbm>> -> memref<78x128xi32, #tpu.memory_space<hbm>>
    %dma_wait3A_212 = arith.constant 0 : i32
    %dma_wait3A_213 = arith.constant 0 : i32
    %dma_wait3A_214 = tpu.memref_slice %arg7[%dma_wait3A_212, %dma_wait3A_213] : memref<79x128xi32, #tpu.memory_space<vmem>> -> memref<78x128xi32, #tpu.memory_space<vmem>>
    %dma_wait3A_215 = arith.constant 0 : i32
    %dma_wait3A_216 = tpu.memref_slice %arg4[%mul3A_13, %dma_wait3A_215] : memref<2500x128xi32, #tpu.memory_space<hbm>> -> memref<78x128xi32, #tpu.memory_space<hbm>>
    tpu.wait_dma2 semaphore(%arg13 : memref<!tpu.dma_semaphore, #tpu.memory_space<semaphore_mem>>) src(%dma_wait3A_216 : memref<78x128xi32, #tpu.memory_space<hbm>>) dst(%dma_wait3A_214 : memref<78x128xi32, #tpu.memory_space<vmem>>)
    %dma_start3A_217 = arith.constant 0 : i32
    %dma_start3A_218 = arith.constant 0 : i32
    %dma_start3A_219 = arith.constant 0 : i32
    %dma_start3A_220 = arith.constant 0 : i32
    %dma_start3A_221 = tpu.memref_slice %arg8[%dma_start3A_218, %dma_start3A_219, %dma_start3A_220] : memref<4x128x64xf32, #tpu.memory_space<vmem>> -> memref<1x128x64xf32, #tpu.memory_space<vmem>>
    %dma_start3A_222 = tpu.memref_squeeze %dma_start3A_221 : memref<1x128x64xf32, #tpu.memory_space<vmem>> -> memref<128x64xf32, #tpu.memory_space<vmem>>
    %dma_start3A_223 = arith.constant 0 : i32
    %dma_start3A_224 = tpu.memref_slice %arg6[%dma_start3A_217, %dma_start3A_223] : memref<79x128xi32, #tpu.memory_space<vmem>> -> memref<1x128xi32, #tpu.memory_space<vmem>>
    %dma_start3A_225 = tpu.memref_squeeze %dma_start3A_224 : memref<1x128xi32, #tpu.memory_space<vmem>> -> memref<128xi32, #tpu.memory_space<vmem>>
    %dma_start3A_226 = arith.constant 0 : i32
    %dma_start3A_227 = arith.constant 0 : i32
    %dma_start3A_228 = tpu.memref_slice %arg2[%dma_start3A_226, %dma_start3A_227] : memref<10240x64xf32, #tpu.memory_space<hbm>> -> memref<10240x64xf32, #tpu.memory_space<hbm>>
    tpu.enqueue_indirect_dma source(%dma_start3A_228 : memref<10240x64xf32, #tpu.memory_space<hbm>>) target(%dma_start3A_222 : memref<128x64xf32, #tpu.memory_space<vmem>>) offsets(%dma_start3A_225 : memref<128xi32, #tpu.memory_space<vmem>>) semaphore(%arg10 : memref<!tpu.dma_semaphore, #tpu.memory_space<semaphore_mem>>)
    %dma_start3A_229 = arith.constant 1 : i32
    %dma_start3A_230 = arith.constant 1 : i32
    %dma_start3A_231 = arith.constant 0 : i32
    %dma_start3A_232 = arith.constant 0 : i32
    %dma_start3A_233 = tpu.memref_slice %arg8[%dma_start3A_230, %dma_start3A_231, %dma_start3A_232] : memref<4x128x64xf32, #tpu.memory_space<vmem>> -> memref<1x128x64xf32, #tpu.memory_space<vmem>>
    %dma_start3A_234 = tpu.memref_squeeze %dma_start3A_233 : memref<1x128x64xf32, #tpu.memory_space<vmem>> -> memref<128x64xf32, #tpu.memory_space<vmem>>
    %dma_start3A_235 = arith.constant 0 : i32
    %dma_start3A_236 = tpu.memref_slice %arg6[%dma_start3A_229, %dma_start3A_235] : memref<79x128xi32, #tpu.memory_space<vmem>> -> memref<1x128xi32, #tpu.memory_space<vmem>>
    %dma_start3A_237 = tpu.memref_squeeze %dma_start3A_236 : memref<1x128xi32, #tpu.memory_space<vmem>> -> memref<128xi32, #tpu.memory_space<vmem>>
    %dma_start3A_238 = arith.constant 0 : i32
    %dma_start3A_239 = arith.constant 0 : i32
    %dma_start3A_240 = tpu.memref_slice %arg2[%dma_start3A_238, %dma_start3A_239] : memref<10240x64xf32, #tpu.memory_space<hbm>> -> memref<10240x64xf32, #tpu.memory_space<hbm>>
    tpu.enqueue_indirect_dma source(%dma_start3A_240 : memref<10240x64xf32, #tpu.memory_space<hbm>>) target(%dma_start3A_234 : memref<128x64xf32, #tpu.memory_space<vmem>>) offsets(%dma_start3A_237 : memref<128xi32, #tpu.memory_space<vmem>>) semaphore(%arg11 : memref<!tpu.dma_semaphore, #tpu.memory_space<semaphore_mem>>)
    %barrier3A = arith.constant 0 : index
    tpu.barrier barrier_id(%barrier3A)
    %dma_wait3A_241 = arith.constant 0 : i32
    %dma_wait3A_242 = arith.constant 0 : i32
    %dma_wait3A_243 = arith.constant 0 : i32
    %dma_wait3A_244 = arith.constant 0 : i32
    %dma_wait3A_245 = tpu.memref_slice %arg8[%dma_wait3A_242, %dma_wait3A_243, %dma_wait3A_244] : memref<4x128x64xf32, #tpu.memory_space<vmem>> -> memref<1x128x64xf32, #tpu.memory_space<vmem>>
    %dma_wait3A_246 = tpu.memref_squeeze %dma_wait3A_245 : memref<1x128x64xf32, #tpu.memory_space<vmem>> -> memref<128x64xf32, #tpu.memory_space<vmem>>
    %dma_wait3A_247 = arith.constant 0 : i32
    %dma_wait3A_248 = tpu.memref_slice %arg6[%dma_wait3A_241, %dma_wait3A_247] : memref<79x128xi32, #tpu.memory_space<vmem>> -> memref<1x128xi32, #tpu.memory_space<vmem>>
    %dma_wait3A_249 = tpu.memref_squeeze %dma_wait3A_248 : memref<1x128xi32, #tpu.memory_space<vmem>> -> memref<128xi32, #tpu.memory_space<vmem>>
    %dma_wait3A_250 = arith.constant 0 : i32
    %dma_wait3A_251 = arith.constant 0 : i32
    %dma_wait3A_252 = tpu.memref_slice %arg2[%dma_wait3A_250, %dma_wait3A_251] : memref<10240x64xf32, #tpu.memory_space<hbm>> -> memref<10240x64xf32, #tpu.memory_space<hbm>>
    tpu.wait_indirect_dma semaphore(%arg10 : memref<!tpu.dma_semaphore, #tpu.memory_space<semaphore_mem>>) src(%dma_wait3A_252 : memref<10240x64xf32, #tpu.memory_space<hbm>>) dst(%dma_wait3A_246 : memref<128x64xf32, #tpu.memory_space<vmem>>)
    %dma_start3A_253 = arith.constant 0 : i32
    %dma_start3A_254 = arith.constant 0 : i32
    %dma_start3A_255 = arith.constant 0 : i32
    %dma_start3A_256 = arith.constant 0 : i32
    %dma_start3A_257 = tpu.memref_slice %arg8[%dma_start3A_253, %dma_start3A_255, %dma_start3A_256] : memref<4x128x64xf32, #tpu.memory_space<vmem>> -> memref<1x128x64xf32, #tpu.memory_space<vmem>>
    %dma_start3A_258 = tpu.memref_squeeze %dma_start3A_257 : memref<1x128x64xf32, #tpu.memory_space<vmem>> -> memref<128x64xf32, #tpu.memory_space<vmem>>
    %dma_start3A_259 = arith.constant 0 : i32
    %dma_start3A_260 = tpu.memref_slice %arg7[%dma_start3A_254, %dma_start3A_259] : memref<79x128xi32, #tpu.memory_space<vmem>> -> memref<1x128xi32, #tpu.memory_space<vmem>>
    %dma_start3A_261 = tpu.memref_squeeze %dma_start3A_260 : memref<1x128xi32, #tpu.memory_space<vmem>> -> memref<128xi32, #tpu.memory_space<vmem>>
    %dma_start3A_262 = arith.constant 0 : i32
    %dma_start3A_263 = arith.constant 0 : i32
    %dma_start3A_264 = tpu.memref_slice %arg9[%dma_start3A_262, %dma_start3A_263] : memref<10240x64xf32, #tpu.memory_space<vmem_shared>> -> memref<10240x64xf32, #tpu.memory_space<vmem_shared>>
    tpu.enqueue_indirect_dma source(%dma_start3A_258 : memref<128x64xf32, #tpu.memory_space<vmem>>) target(%dma_start3A_264 : memref<10240x64xf32, #tpu.memory_space<vmem_shared>>) offsets(%dma_start3A_261 : memref<128xi32, #tpu.memory_space<vmem>>) semaphore(%arg14 : memref<!tpu.dma_semaphore, #tpu.memory_space<semaphore_mem>>) {add = true}
    %dma_start3A_265 = arith.constant 2 : i32
    %dma_start3A_266 = arith.constant 2 : i32
    %dma_start3A_267 = arith.constant 0 : i32
    %dma_start3A_268 = arith.constant 0 : i32
    %dma_start3A_269 = tpu.memref_slice %arg8[%dma_start3A_266, %dma_start3A_267, %dma_start3A_268] : memref<4x128x64xf32, #tpu.memory_space<vmem>> -> memref<1x128x64xf32, #tpu.memory_space<vmem>>
    %dma_start3A_270 = tpu.memref_squeeze %dma_start3A_269 : memref<1x128x64xf32, #tpu.memory_space<vmem>> -> memref<128x64xf32, #tpu.memory_space<vmem>>
    %dma_start3A_271 = arith.constant 0 : i32
    %dma_start3A_272 = tpu.memref_slice %arg6[%dma_start3A_265, %dma_start3A_271] : memref<79x128xi32, #tpu.memory_space<vmem>> -> memref<1x128xi32, #tpu.memory_space<vmem>>
    %dma_start3A_273 = tpu.memref_squeeze %dma_start3A_272 : memref<1x128xi32, #tpu.memory_space<vmem>> -> memref<128xi32, #tpu.memory_space<vmem>>
    %dma_start3A_274 = arith.constant 0 : i32
    %dma_start3A_275 = arith.constant 0 : i32
    %dma_start3A_276 = tpu.memref_slice %arg2[%dma_start3A_274, %dma_start3A_275] : memref<10240x64xf32, #tpu.memory_space<hbm>> -> memref<10240x64xf32, #tpu.memory_space<hbm>>
    tpu.enqueue_indirect_dma source(%dma_start3A_276 : memref<10240x64xf32, #tpu.memory_space<hbm>>) target(%dma_start3A_270 : memref<128x64xf32, #tpu.memory_space<vmem>>) offsets(%dma_start3A_273 : memref<128xi32, #tpu.memory_space<vmem>>) semaphore(%arg12 : memref<!tpu.dma_semaphore, #tpu.memory_space<semaphore_mem>>)
    %dma_wait3A_277 = arith.constant 0 : i32
    %dma_wait3A_278 = arith.constant 1 : i32
    %dma_wait3A_279 = arith.constant 0 : i32
    %dma_wait3A_280 = arith.constant 0 : i32
    %dma_wait3A_281 = tpu.memref_slice %arg8[%dma_wait3A_278, %dma_wait3A_279, %dma_wait3A_280] : memref<4x128x64xf32, #tpu.memory_space<vmem>> -> memref<1x128x64xf32, #tpu.memory_space<vmem>>
    %dma_wait3A_282 = tpu.memref_squeeze %dma_wait3A_281 : memref<1x128x64xf32, #tpu.memory_space<vmem>> -> memref<128x64xf32, #tpu.memory_space<vmem>>
    %dma_wait3A_283 = arith.constant 0 : i32
    %dma_wait3A_284 = tpu.memref_slice %arg6[%dma_wait3A_277, %dma_wait3A_283] : memref<79x128xi32, #tpu.memory_space<vmem>> -> memref<1x128xi32, #tpu.memory_space<vmem>>
    %dma_wait3A_285 = tpu.memref_squeeze %dma_wait3A_284 : memref<1x128xi32, #tpu.memory_space<vmem>> -> memref<128xi32, #tpu.memory_space<vmem>>
    %dma_wait3A_286 = arith.constant 0 : i32
    %dma_wait3A_287 = arith.constant 0 : i32
    %dma_wait3A_288 = tpu.memref_slice %arg2[%dma_wait3A_286, %dma_wait3A_287] : memref<10240x64xf32, #tpu.memory_space<hbm>> -> memref<10240x64xf32, #tpu.memory_space<hbm>>
    tpu.wait_indirect_dma semaphore(%arg11 : memref<!tpu.dma_semaphore, #tpu.memory_space<semaphore_mem>>) src(%dma_wait3A_288 : memref<10240x64xf32, #tpu.memory_space<hbm>>) dst(%dma_wait3A_282 : memref<128x64xf32, #tpu.memory_space<vmem>>)
    %dma_start3A_289 = arith.constant 1 : i32
    %dma_start3A_290 = arith.constant 1 : i32
    %dma_start3A_291 = arith.constant 0 : i32
    %dma_start3A_292 = arith.constant 0 : i32
    %dma_start3A_293 = tpu.memref_slice %arg8[%dma_start3A_289, %dma_start3A_291, %dma_start3A_292] : memref<4x128x64xf32, #tpu.memory_space<vmem>> -> memref<1x128x64xf32, #tpu.memory_space<vmem>>
    %dma_start3A_294 = tpu.memref_squeeze %dma_start3A_293 : memref<1x128x64xf32, #tpu.memory_space<vmem>> -> memref<128x64xf32, #tpu.memory_space<vmem>>
    %dma_start3A_295 = arith.constant 0 : i32
    %dma_start3A_296 = tpu.memref_slice %arg7[%dma_start3A_290, %dma_start3A_295] : memref<79x128xi32, #tpu.memory_space<vmem>> -> memref<1x128xi32, #tpu.memory_space<vmem>>
    %dma_start3A_297 = tpu.memref_squeeze %dma_start3A_296 : memref<1x128xi32, #tpu.memory_space<vmem>> -> memref<128xi32, #tpu.memory_space<vmem>>
    %dma_start3A_298 = arith.constant 0 : i32
    %dma_start3A_299 = arith.constant 0 : i32
    %dma_start3A_300 = tpu.memref_slice %arg9[%dma_start3A_298, %dma_start3A_299] : memref<10240x64xf32, #tpu.memory_space<vmem_shared>> -> memref<10240x64xf32, #tpu.memory_space<vmem_shared>>
    tpu.enqueue_indirect_dma source(%dma_start3A_294 : memref<128x64xf32, #tpu.memory_space<vmem>>) target(%dma_start3A_300 : memref<10240x64xf32, #tpu.memory_space<vmem_shared>>) offsets(%dma_start3A_297 : memref<128xi32, #tpu.memory_space<vmem>>) semaphore(%arg15 : memref<!tpu.dma_semaphore, #tpu.memory_space<semaphore_mem>>) {add = true}
    %dma_start3A_301 = arith.constant 3 : i32
    %dma_start3A_302 = arith.constant 3 : i32
    %dma_start3A_303 = arith.constant 0 : i32
    %dma_start3A_304 = arith.constant 0 : i32
    %dma_start3A_305 = tpu.memref_slice %arg8[%dma_start3A_302, %dma_start3A_303, %dma_start3A_304] : memref<4x128x64xf32, #tpu.memory_space<vmem>> -> memref<1x128x64xf32, #tpu.memory_space<vmem>>
    %dma_start3A_306 = tpu.memref_squeeze %dma_start3A_305 : memref<1x128x64xf32, #tpu.memory_space<vmem>> -> memref<128x64xf32, #tpu.memory_space<vmem>>
    %dma_start3A_307 = arith.constant 0 : i32
    %dma_start3A_308 = tpu.memref_slice %arg6[%dma_start3A_301, %dma_start3A_307] : memref<79x128xi32, #tpu.memory_space<vmem>> -> memref<1x128xi32, #tpu.memory_space<vmem>>
    %dma_start3A_309 = tpu.memref_squeeze %dma_start3A_308 : memref<1x128xi32, #tpu.memory_space<vmem>> -> memref<128xi32, #tpu.memory_space<vmem>>
    %dma_start3A_310 = arith.constant 0 : i32
    %dma_start3A_311 = arith.constant 0 : i32
    %dma_start3A_312 = tpu.memref_slice %arg2[%dma_start3A_310, %dma_start3A_311] : memref<10240x64xf32, #tpu.memory_space<hbm>> -> memref<10240x64xf32, #tpu.memory_space<hbm>>
    tpu.enqueue_indirect_dma source(%dma_start3A_312 : memref<10240x64xf32, #tpu.memory_space<hbm>>) target(%dma_start3A_306 : memref<128x64xf32, #tpu.memory_space<vmem>>) offsets(%dma_start3A_309 : memref<128xi32, #tpu.memory_space<vmem>>) semaphore(%arg13 : memref<!tpu.dma_semaphore, #tpu.memory_space<semaphore_mem>>)
    %dma_wait3A_313 = arith.constant 0 : i32
    %dma_wait3A_314 = arith.constant 2 : i32
    %dma_wait3A_315 = arith.constant 0 : i32
    %dma_wait3A_316 = arith.constant 0 : i32
    %dma_wait3A_317 = tpu.memref_slice %arg8[%dma_wait3A_314, %dma_wait3A_315, %dma_wait3A_316] : memref<4x128x64xf32, #tpu.memory_space<vmem>> -> memref<1x128x64xf32, #tpu.memory_space<vmem>>
    %dma_wait3A_318 = tpu.memref_squeeze %dma_wait3A_317 : memref<1x128x64xf32, #tpu.memory_space<vmem>> -> memref<128x64xf32, #tpu.memory_space<vmem>>
    %dma_wait3A_319 = arith.constant 0 : i32
    %dma_wait3A_320 = tpu.memref_slice %arg6[%dma_wait3A_313, %dma_wait3A_319] : memref<79x128xi32, #tpu.memory_space<vmem>> -> memref<1x128xi32, #tpu.memory_space<vmem>>
    %dma_wait3A_321 = tpu.memref_squeeze %dma_wait3A_320 : memref<1x128xi32, #tpu.memory_space<vmem>> -> memref<128xi32, #tpu.memory_space<vmem>>
    %dma_wait3A_322 = arith.constant 0 : i32
    %dma_wait3A_323 = arith.constant 0 : i32
    %dma_wait3A_324 = tpu.memref_slice %arg2[%dma_wait3A_322, %dma_wait3A_323] : memref<10240x64xf32, #tpu.memory_space<hbm>> -> memref<10240x64xf32, #tpu.memory_space<hbm>>
    tpu.wait_indirect_dma semaphore(%arg12 : memref<!tpu.dma_semaphore, #tpu.memory_space<semaphore_mem>>) src(%dma_wait3A_324 : memref<10240x64xf32, #tpu.memory_space<hbm>>) dst(%dma_wait3A_318 : memref<128x64xf32, #tpu.memory_space<vmem>>)
    %dma_start3A_325 = arith.constant 2 : i32
    %dma_start3A_326 = arith.constant 2 : i32
    %dma_start3A_327 = arith.constant 0 : i32
    %dma_start3A_328 = arith.constant 0 : i32
    %dma_start3A_329 = tpu.memref_slice %arg8[%dma_start3A_325, %dma_start3A_327, %dma_start3A_328] : memref<4x128x64xf32, #tpu.memory_space<vmem>> -> memref<1x128x64xf32, #tpu.memory_space<vmem>>
    %dma_start3A_330 = tpu.memref_squeeze %dma_start3A_329 : memref<1x128x64xf32, #tpu.memory_space<vmem>> -> memref<128x64xf32, #tpu.memory_space<vmem>>
    %dma_start3A_331 = arith.constant 0 : i32
    %dma_start3A_332 = tpu.memref_slice %arg7[%dma_start3A_326, %dma_start3A_331] : memref<79x128xi32, #tpu.memory_space<vmem>> -> memref<1x128xi32, #tpu.memory_space<vmem>>
    %dma_start3A_333 = tpu.memref_squeeze %dma_start3A_332 : memref<1x128xi32, #tpu.memory_space<vmem>> -> memref<128xi32, #tpu.memory_space<vmem>>
    %dma_start3A_334 = arith.constant 0 : i32
    %dma_start3A_335 = arith.constant 0 : i32
    %dma_start3A_336 = tpu.memref_slice %arg9[%dma_start3A_334, %dma_start3A_335] : memref<10240x64xf32, #tpu.memory_space<vmem_shared>> -> memref<10240x64xf32, #tpu.memory_space<vmem_shared>>
    tpu.enqueue_indirect_dma source(%dma_start3A_330 : memref<128x64xf32, #tpu.memory_space<vmem>>) target(%dma_start3A_336 : memref<10240x64xf32, #tpu.memory_space<vmem_shared>>) offsets(%dma_start3A_333 : memref<128xi32, #tpu.memory_space<vmem>>) semaphore(%arg16 : memref<!tpu.dma_semaphore, #tpu.memory_space<semaphore_mem>>) {add = true}
    %dma_wait3A_337 = arith.constant 0 : i32
    %dma_wait3A_338 = arith.constant 0 : i32
    %dma_wait3A_339 = arith.constant 0 : i32
    %dma_wait3A_340 = arith.constant 0 : i32
    %dma_wait3A_341 = tpu.memref_slice %arg8[%dma_wait3A_337, %dma_wait3A_339, %dma_wait3A_340] : memref<4x128x64xf32, #tpu.memory_space<vmem>> -> memref<1x128x64xf32, #tpu.memory_space<vmem>>
    %dma_wait3A_342 = tpu.memref_squeeze %dma_wait3A_341 : memref<1x128x64xf32, #tpu.memory_space<vmem>> -> memref<128x64xf32, #tpu.memory_space<vmem>>
    %dma_wait3A_343 = arith.constant 0 : i32
    %dma_wait3A_344 = tpu.memref_slice %arg7[%dma_wait3A_338, %dma_wait3A_343] : memref<79x128xi32, #tpu.memory_space<vmem>> -> memref<1x128xi32, #tpu.memory_space<vmem>>
    %dma_wait3A_345 = tpu.memref_squeeze %dma_wait3A_344 : memref<1x128xi32, #tpu.memory_space<vmem>> -> memref<128xi32, #tpu.memory_space<vmem>>
    %dma_wait3A_346 = arith.constant 0 : i32
    %dma_wait3A_347 = arith.constant 0 : i32
    %dma_wait3A_348 = tpu.memref_slice %arg9[%dma_wait3A_346, %dma_wait3A_347] : memref<10240x64xf32, #tpu.memory_space<vmem_shared>> -> memref<10240x64xf32, #tpu.memory_space<vmem_shared>>
    tpu.wait_indirect_dma semaphore(%arg14 : memref<!tpu.dma_semaphore, #tpu.memory_space<semaphore_mem>>) src(%dma_wait3A_342 : memref<128x64xf32, #tpu.memory_space<vmem>>) dst(%dma_wait3A_348 : memref<10240x64xf32, #tpu.memory_space<vmem_shared>>)
    %dma_start3A_349 = arith.constant 4 : i32
    %dma_start3A_350 = arith.constant 0 : i32
    %dma_start3A_351 = arith.constant 0 : i32
    %dma_start3A_352 = arith.constant 0 : i32
    %dma_start3A_353 = tpu.memref_slice %arg8[%dma_start3A_350, %dma_start3A_351, %dma_start3A_352] : memref<4x128x64xf32, #tpu.memory_space<vmem>> -> memref<1x128x64xf32, #tpu.memory_space<vmem>>
    %dma_start3A_354 = tpu.memref_squeeze %dma_start3A_353 : memref<1x128x64xf32, #tpu.memory_space<vmem>> -> memref<128x64xf32, #tpu.memory_space<vmem>>
    %dma_start3A_355 = arith.constant 0 : i32
    %dma_start3A_356 = tpu.memref_slice %arg6[%dma_start3A_349, %dma_start3A_355] : memref<79x128xi32, #tpu.memory_space<vmem>> -> memref<1x128xi32, #tpu.memory_space<vmem>>
    %dma_start3A_357 = tpu.memref_squeeze %dma_start3A_356 : memref<1x128xi32, #tpu.memory_space<vmem>> -> memref<128xi32, #tpu.memory_space<vmem>>
    %dma_start3A_358 = arith.constant 0 : i32
    %dma_start3A_359 = arith.constant 0 : i32
    %dma_start3A_360 = tpu.memref_slice %arg2[%dma_start3A_358, %dma_start3A_359] : memref<10240x64xf32, #tpu.memory_space<hbm>> -> memref<10240x64xf32, #tpu.memory_space<hbm>>
    tpu.enqueue_indirect_dma source(%dma_start3A_360 : memref<10240x64xf32, #tpu.memory_space<hbm>>) target(%dma_start3A_354 : memref<128x64xf32, #tpu.memory_space<vmem>>) offsets(%dma_start3A_357 : memref<128xi32, #tpu.memory_space<vmem>>) semaphore(%arg10 : memref<!tpu.dma_semaphore, #tpu.memory_space<semaphore_mem>>)
    %dma_wait3A_361 = arith.constant 0 : i32
    %dma_wait3A_362 = arith.constant 3 : i32
    %dma_wait3A_363 = arith.constant 0 : i32
    %dma_wait3A_364 = arith.constant 0 : i32
    %dma_wait3A_365 = tpu.memref_slice %arg8[%dma_wait3A_362, %dma_wait3A_363, %dma_wait3A_364] : memref<4x128x64xf32, #tpu.memory_space<vmem>> -> memref<1x128x64xf32, #tpu.memory_space<vmem>>
    %dma_wait3A_366 = tpu.memref_squeeze %dma_wait3A_365 : memref<1x128x64xf32, #tpu.memory_space<vmem>> -> memref<128x64xf32, #tpu.memory_space<vmem>>
    %dma_wait3A_367 = arith.constant 0 : i32
    %dma_wait3A_368 = tpu.memref_slice %arg6[%dma_wait3A_361, %dma_wait3A_367] : memref<79x128xi32, #tpu.memory_space<vmem>> -> memref<1x128xi32, #tpu.memory_space<vmem>>
    %dma_wait3A_369 = tpu.memref_squeeze %dma_wait3A_368 : memref<1x128xi32, #tpu.memory_space<vmem>> -> memref<128xi32, #tpu.memory_space<vmem>>
    %dma_wait3A_370 = arith.constant 0 : i32
    %dma_wait3A_371 = arith.constant 0 : i32
    %dma_wait3A_372 = tpu.memref_slice %arg2[%dma_wait3A_370, %dma_wait3A_371] : memref<10240x64xf32, #tpu.memory_space<hbm>> -> memref<10240x64xf32, #tpu.memory_space<hbm>>
    tpu.wait_indirect_dma semaphore(%arg13 : memref<!tpu.dma_semaphore, #tpu.memory_space<semaphore_mem>>) src(%dma_wait3A_372 : memref<10240x64xf32, #tpu.memory_space<hbm>>) dst(%dma_wait3A_366 : memref<128x64xf32, #tpu.memory_space<vmem>>)
    %dma_start3A_373 = arith.constant 3 : i32
    %dma_start3A_374 = arith.constant 3 : i32
    %dma_start3A_375 = arith.constant 0 : i32
    %dma_start3A_376 = arith.constant 0 : i32
    %dma_start3A_377 = tpu.memref_slice %arg8[%dma_start3A_373, %dma_start3A_375, %dma_start3A_376] : memref<4x128x64xf32, #tpu.memory_space<vmem>> -> memref<1x128x64xf32, #tpu.memory_space<vmem>>
    %dma_start3A_378 = tpu.memref_squeeze %dma_start3A_377 : memref<1x128x64xf32, #tpu.memory_space<vmem>> -> memref<128x64xf32, #tpu.memory_space<vmem>>
    %dma_start3A_379 = arith.constant 0 : i32
    %dma_start3A_380 = tpu.memref_slice %arg7[%dma_start3A_374, %dma_start3A_379] : memref<79x128xi32, #tpu.memory_space<vmem>> -> memref<1x128xi32, #tpu.memory_space<vmem>>
    %dma_start3A_381 = tpu.memref_squeeze %dma_start3A_380 : memref<1x128xi32, #tpu.memory_space<vmem>> -> memref<128xi32, #tpu.memory_space<vmem>>
    %dma_start3A_382 = arith.constant 0 : i32
    %dma_start3A_383 = arith.constant 0 : i32
    %dma_start3A_384 = tpu.memref_slice %arg9[%dma_start3A_382, %dma_start3A_383] : memref<10240x64xf32, #tpu.memory_space<vmem_shared>> -> memref<10240x64xf32, #tpu.memory_space<vmem_shared>>
    tpu.enqueue_indirect_dma source(%dma_start3A_378 : memref<128x64xf32, #tpu.memory_space<vmem>>) target(%dma_start3A_384 : memref<10240x64xf32, #tpu.memory_space<vmem_shared>>) offsets(%dma_start3A_381 : memref<128xi32, #tpu.memory_space<vmem>>) semaphore(%arg17 : memref<!tpu.dma_semaphore, #tpu.memory_space<semaphore_mem>>) {add = true}
    %dma_wait3A_385 = arith.constant 1 : i32
    %dma_wait3A_386 = arith.constant 0 : i32
    %dma_wait3A_387 = arith.constant 0 : i32
    %dma_wait3A_388 = arith.constant 0 : i32
    %dma_wait3A_389 = tpu.memref_slice %arg8[%dma_wait3A_385, %dma_wait3A_387, %dma_wait3A_388] : memref<4x128x64xf32, #tpu.memory_space<vmem>> -> memref<1x128x64xf32, #tpu.memory_space<vmem>>
    %dma_wait3A_390 = tpu.memref_squeeze %dma_wait3A_389 : memref<1x128x64xf32, #tpu.memory_space<vmem>> -> memref<128x64xf32, #tpu.memory_space<vmem>>
    %dma_wait3A_391 = arith.constant 0 : i32
    %dma_wait3A_392 = tpu.memref_slice %arg7[%dma_wait3A_386, %dma_wait3A_391] : memref<79x128xi32, #tpu.memory_space<vmem>> -> memref<1x128xi32, #tpu.memory_space<vmem>>
    %dma_wait3A_393 = tpu.memref_squeeze %dma_wait3A_392 : memref<1x128xi32, #tpu.memory_space<vmem>> -> memref<128xi32, #tpu.memory_space<vmem>>
    %dma_wait3A_394 = arith.constant 0 : i32
    %dma_wait3A_395 = arith.constant 0 : i32
    %dma_wait3A_396 = tpu.memref_slice %arg9[%dma_wait3A_394, %dma_wait3A_395] : memref<10240x64xf32, #tpu.memory_space<vmem_shared>> -> memref<10240x64xf32, #tpu.memory_space<vmem_shared>>
    tpu.wait_indirect_dma semaphore(%arg15 : memref<!tpu.dma_semaphore, #tpu.memory_space<semaphore_mem>>) src(%dma_wait3A_390 : memref<128x64xf32, #tpu.memory_space<vmem>>) dst(%dma_wait3A_396 : memref<10240x64xf32, #tpu.memory_space<vmem_shared>>)
    %dma_start3A_397 = arith.constant 5 : i32
    %dma_start3A_398 = arith.constant 1 : i32
    %dma_start3A_399 = arith.constant 0 : i32
    %dma_start3A_400 = arith.constant 0 : i32
    %dma_start3A_401 = tpu.memref_slice %arg8[%dma_start3A_398, %dma_start3A_399, %dma_start3A_400] : memref<4x128x64xf32, #tpu.memory_space<vmem>> -> memref<1x128x64xf32, #tpu.memory_space<vmem>>
    %dma_start3A_402 = tpu.memref_squeeze %dma_start3A_401 : memref<1x128x64xf32, #tpu.memory_space<vmem>> -> memref<128x64xf32, #tpu.memory_space<vmem>>
    %dma_start3A_403 = arith.constant 0 : i32
    %dma_start3A_404 = tpu.memref_slice %arg6[%dma_start3A_397, %dma_start3A_403] : memref<79x128xi32, #tpu.memory_space<vmem>> -> memref<1x128xi32, #tpu.memory_space<vmem>>
    %dma_start3A_405 = tpu.memref_squeeze %dma_start3A_404 : memref<1x128xi32, #tpu.memory_space<vmem>> -> memref<128xi32, #tpu.memory_space<vmem>>
    %dma_start3A_406 = arith.constant 0 : i32
    %dma_start3A_407 = arith.constant 0 : i32
    %dma_start3A_408 = tpu.memref_slice %arg2[%dma_start3A_406, %dma_start3A_407] : memref<10240x64xf32, #tpu.memory_space<hbm>> -> memref<10240x64xf32, #tpu.memory_space<hbm>>
    tpu.enqueue_indirect_dma source(%dma_start3A_408 : memref<10240x64xf32, #tpu.memory_space<hbm>>) target(%dma_start3A_402 : memref<128x64xf32, #tpu.memory_space<vmem>>) offsets(%dma_start3A_405 : memref<128xi32, #tpu.memory_space<vmem>>) semaphore(%arg11 : memref<!tpu.dma_semaphore, #tpu.memory_space<semaphore_mem>>)
    %scan3A_409 = arith.constant 0 : i32
    %scan3A_410 = arith.constant 18 : i32
    %scan3A_411 = arith.addi %scan3A_409, %scan3A_410 : i32
    %scan3A_412 = arith.constant 1 : i32
    scf.for %scan3A_518 = %scan3A_409 to %scan3A_411 step %scan3A_412  : i32 {
      %mul3A_519 = arith.constant 4 : i32
      %mul3A_520 = arith.muli %scan3A_518, %mul3A_519 : i32
      %add3A_521 = arith.constant 4 : i32
      %add3A_522 = arith.addi %add3A_521, %mul3A_520 : i32
      %add3A_523 = arith.constant 0 : i32
      %add3A_524 = arith.addi %add3A_522, %add3A_523 : i32
      %dma_wait3A_525 = arith.constant 0 : i32
      %dma_wait3A_526 = arith.constant 0 : i32
      %dma_wait3A_527 = arith.constant 0 : i32
      %dma_wait3A_528 = arith.constant 0 : i32
      %dma_wait3A_529 = tpu.memref_slice %arg8[%dma_wait3A_526, %dma_wait3A_527, %dma_wait3A_528] : memref<4x128x64xf32, #tpu.memory_space<vmem>> -> memref<1x128x64xf32, #tpu.memory_space<vmem>>
      %dma_wait3A_530 = tpu.memref_squeeze %dma_wait3A_529 : memref<1x128x64xf32, #tpu.memory_space<vmem>> -> memref<128x64xf32, #tpu.memory_space<vmem>>
      %dma_wait3A_531 = arith.constant 0 : i32
      %dma_wait3A_532 = tpu.memref_slice %arg6[%dma_wait3A_525, %dma_wait3A_531] : memref<79x128xi32, #tpu.memory_space<vmem>> -> memref<1x128xi32, #tpu.memory_space<vmem>>
      %dma_wait3A_533 = tpu.memref_squeeze %dma_wait3A_532 : memref<1x128xi32, #tpu.memory_space<vmem>> -> memref<128xi32, #tpu.memory_space<vmem>>
      %dma_wait3A_534 = arith.constant 0 : i32
      %dma_wait3A_535 = arith.constant 0 : i32
      %dma_wait3A_536 = tpu.memref_slice %arg2[%dma_wait3A_534, %dma_wait3A_535] : memref<10240x64xf32, #tpu.memory_space<hbm>> -> memref<10240x64xf32, #tpu.memory_space<hbm>>
      tpu.wait_indirect_dma semaphore(%arg10 : memref<!tpu.dma_semaphore, #tpu.memory_space<semaphore_mem>>) src(%dma_wait3A_536 : memref<10240x64xf32, #tpu.memory_space<hbm>>) dst(%dma_wait3A_530 : memref<128x64xf32, #tpu.memory_space<vmem>>)
      %dma_start3A_537 = arith.constant 0 : i32
      %dma_start3A_538 = arith.constant 0 : i32
      %dma_start3A_539 = arith.constant 0 : i32
      %dma_start3A_540 = tpu.memref_slice %arg8[%dma_start3A_537, %dma_start3A_538, %dma_start3A_539] : memref<4x128x64xf32, #tpu.memory_space<vmem>> -> memref<1x128x64xf32, #tpu.memory_space<vmem>>
      %dma_start3A_541 = tpu.memref_squeeze %dma_start3A_540 : memref<1x128x64xf32, #tpu.memory_space<vmem>> -> memref<128x64xf32, #tpu.memory_space<vmem>>
      %dma_start3A_542 = arith.constant 0 : i32
      %dma_start3A_543 = tpu.memref_slice %arg7[%add3A_524, %dma_start3A_542] : memref<79x128xi32, #tpu.memory_space<vmem>> -> memref<1x128xi32, #tpu.memory_space<vmem>>
      %dma_start3A_544 = tpu.memref_squeeze %dma_start3A_543 : memref<1x128xi32, #tpu.memory_space<vmem>> -> memref<128xi32, #tpu.memory_space<vmem>>
      %dma_start3A_545 = arith.constant 0 : i32
      %dma_start3A_546 = arith.constant 0 : i32
      %dma_start3A_547 = tpu.memref_slice %arg9[%dma_start3A_545, %dma_start3A_546] : memref<10240x64xf32, #tpu.memory_space<vmem_shared>> -> memref<10240x64xf32, #tpu.memory_space<vmem_shared>>
      tpu.enqueue_indirect_dma source(%dma_start3A_541 : memref<128x64xf32, #tpu.memory_space<vmem>>) target(%dma_start3A_547 : memref<10240x64xf32, #tpu.memory_space<vmem_shared>>) offsets(%dma_start3A_544 : memref<128xi32, #tpu.memory_space<vmem>>) semaphore(%arg14 : memref<!tpu.dma_semaphore, #tpu.memory_space<semaphore_mem>>) {add = true}
      %dma_wait3A_548 = arith.constant 2 : i32
      %dma_wait3A_549 = arith.constant 0 : i32
      %dma_wait3A_550 = arith.constant 0 : i32
      %dma_wait3A_551 = arith.constant 0 : i32
      %dma_wait3A_552 = tpu.memref_slice %arg8[%dma_wait3A_548, %dma_wait3A_550, %dma_wait3A_551] : memref<4x128x64xf32, #tpu.memory_space<vmem>> -> memref<1x128x64xf32, #tpu.memory_space<vmem>>
      %dma_wait3A_553 = tpu.memref_squeeze %dma_wait3A_552 : memref<1x128x64xf32, #tpu.memory_space<vmem>> -> memref<128x64xf32, #tpu.memory_space<vmem>>
      %dma_wait3A_554 = arith.constant 0 : i32
      %dma_wait3A_555 = tpu.memref_slice %arg7[%dma_wait3A_549, %dma_wait3A_554] : memref<79x128xi32, #tpu.memory_space<vmem>> -> memref<1x128xi32, #tpu.memory_space<vmem>>
      %dma_wait3A_556 = tpu.memref_squeeze %dma_wait3A_555 : memref<1x128xi32, #tpu.memory_space<vmem>> -> memref<128xi32, #tpu.memory_space<vmem>>
      %dma_wait3A_557 = arith.constant 0 : i32
      %dma_wait3A_558 = arith.constant 0 : i32
      %dma_wait3A_559 = tpu.memref_slice %arg9[%dma_wait3A_557, %dma_wait3A_558] : memref<10240x64xf32, #tpu.memory_space<vmem_shared>> -> memref<10240x64xf32, #tpu.memory_space<vmem_shared>>
      tpu.wait_indirect_dma semaphore(%arg16 : memref<!tpu.dma_semaphore, #tpu.memory_space<semaphore_mem>>) src(%dma_wait3A_553 : memref<128x64xf32, #tpu.memory_space<vmem>>) dst(%dma_wait3A_559 : memref<10240x64xf32, #tpu.memory_space<vmem_shared>>)
      %add3A_560 = arith.constant 2 : i32
      %add3A_561 = arith.addi %add3A_524, %add3A_560 : i32
      %dma_start3A_562 = arith.constant 2 : i32
      %dma_start3A_563 = arith.constant 0 : i32
      %dma_start3A_564 = arith.constant 0 : i32
      %dma_start3A_565 = tpu.memref_slice %arg8[%dma_start3A_562, %dma_start3A_563, %dma_start3A_564] : memref<4x128x64xf32, #tpu.memory_space<vmem>> -> memref<1x128x64xf32, #tpu.memory_space<vmem>>
      %dma_start3A_566 = tpu.memref_squeeze %dma_start3A_565 : memref<1x128x64xf32, #tpu.memory_space<vmem>> -> memref<128x64xf32, #tpu.memory_space<vmem>>
      %dma_start3A_567 = arith.constant 0 : i32
      %dma_start3A_568 = tpu.memref_slice %arg6[%add3A_561, %dma_start3A_567] : memref<79x128xi32, #tpu.memory_space<vmem>> -> memref<1x128xi32, #tpu.memory_space<vmem>>
      %dma_start3A_569 = tpu.memref_squeeze %dma_start3A_568 : memref<1x128xi32, #tpu.memory_space<vmem>> -> memref<128xi32, #tpu.memory_space<vmem>>
      %dma_start3A_570 = arith.constant 0 : i32
      %dma_start3A_571 = arith.constant 0 : i32
      %dma_start3A_572 = tpu.memref_slice %arg2[%dma_start3A_570, %dma_start3A_571] : memref<10240x64xf32, #tpu.memory_space<hbm>> -> memref<10240x64xf32, #tpu.memory_space<hbm>>
      tpu.enqueue_indirect_dma source(%dma_start3A_572 : memref<10240x64xf32, #tpu.memory_space<hbm>>) target(%dma_start3A_566 : memref<128x64xf32, #tpu.memory_space<vmem>>) offsets(%dma_start3A_569 : memref<128xi32, #tpu.memory_space<vmem>>) semaphore(%arg12 : memref<!tpu.dma_semaphore, #tpu.memory_space<semaphore_mem>>)
      %add3A_573 = arith.constant 1 : i32
      %add3A_574 = arith.addi %add3A_522, %add3A_573 : i32
      %dma_wait3A_575 = arith.constant 0 : i32
      %dma_wait3A_576 = arith.constant 1 : i32
      %dma_wait3A_577 = arith.constant 0 : i32
      %dma_wait3A_578 = arith.constant 0 : i32
      %dma_wait3A_579 = tpu.memref_slice %arg8[%dma_wait3A_576, %dma_wait3A_577, %dma_wait3A_578] : memref<4x128x64xf32, #tpu.memory_space<vmem>> -> memref<1x128x64xf32, #tpu.memory_space<vmem>>
      %dma_wait3A_580 = tpu.memref_squeeze %dma_wait3A_579 : memref<1x128x64xf32, #tpu.memory_space<vmem>> -> memref<128x64xf32, #tpu.memory_space<vmem>>
      %dma_wait3A_581 = arith.constant 0 : i32
      %dma_wait3A_582 = tpu.memref_slice %arg6[%dma_wait3A_575, %dma_wait3A_581] : memref<79x128xi32, #tpu.memory_space<vmem>> -> memref<1x128xi32, #tpu.memory_space<vmem>>
      %dma_wait3A_583 = tpu.memref_squeeze %dma_wait3A_582 : memref<1x128xi32, #tpu.memory_space<vmem>> -> memref<128xi32, #tpu.memory_space<vmem>>
      %dma_wait3A_584 = arith.constant 0 : i32
      %dma_wait3A_585 = arith.constant 0 : i32
      %dma_wait3A_586 = tpu.memref_slice %arg2[%dma_wait3A_584, %dma_wait3A_585] : memref<10240x64xf32, #tpu.memory_space<hbm>> -> memref<10240x64xf32, #tpu.memory_space<hbm>>
      tpu.wait_indirect_dma semaphore(%arg11 : memref<!tpu.dma_semaphore, #tpu.memory_space<semaphore_mem>>) src(%dma_wait3A_586 : memref<10240x64xf32, #tpu.memory_space<hbm>>) dst(%dma_wait3A_580 : memref<128x64xf32, #tpu.memory_space<vmem>>)
      %dma_start3A_587 = arith.constant 1 : i32
      %dma_start3A_588 = arith.constant 0 : i32
      %dma_start3A_589 = arith.constant 0 : i32
      %dma_start3A_590 = tpu.memref_slice %arg8[%dma_start3A_587, %dma_start3A_588, %dma_start3A_589] : memref<4x128x64xf32, #tpu.memory_space<vmem>> -> memref<1x128x64xf32, #tpu.memory_space<vmem>>
      %dma_start3A_591 = tpu.memref_squeeze %dma_start3A_590 : memref<1x128x64xf32, #tpu.memory_space<vmem>> -> memref<128x64xf32, #tpu.memory_space<vmem>>
      %dma_start3A_592 = arith.constant 0 : i32
      %dma_start3A_593 = tpu.memref_slice %arg7[%add3A_574, %dma_start3A_592] : memref<79x128xi32, #tpu.memory_space<vmem>> -> memref<1x128xi32, #tpu.memory_space<vmem>>
      %dma_start3A_594 = tpu.memref_squeeze %dma_start3A_593 : memref<1x128xi32, #tpu.memory_space<vmem>> -> memref<128xi32, #tpu.memory_space<vmem>>
      %dma_start3A_595 = arith.constant 0 : i32
      %dma_start3A_596 = arith.constant 0 : i32
      %dma_start3A_597 = tpu.memref_slice %arg9[%dma_start3A_595, %dma_start3A_596] : memref<10240x64xf32, #tpu.memory_space<vmem_shared>> -> memref<10240x64xf32, #tpu.memory_space<vmem_shared>>
      tpu.enqueue_indirect_dma source(%dma_start3A_591 : memref<128x64xf32, #tpu.memory_space<vmem>>) target(%dma_start3A_597 : memref<10240x64xf32, #tpu.memory_space<vmem_shared>>) offsets(%dma_start3A_594 : memref<128xi32, #tpu.memory_space<vmem>>) semaphore(%arg15 : memref<!tpu.dma_semaphore, #tpu.memory_space<semaphore_mem>>) {add = true}
      %dma_wait3A_598 = arith.constant 3 : i32
      %dma_wait3A_599 = arith.constant 0 : i32
      %dma_wait3A_600 = arith.constant 0 : i32
      %dma_wait3A_601 = arith.constant 0 : i32
      %dma_wait3A_602 = tpu.memref_slice %arg8[%dma_wait3A_598, %dma_wait3A_600, %dma_wait3A_601] : memref<4x128x64xf32, #tpu.memory_space<vmem>> -> memref<1x128x64xf32, #tpu.memory_space<vmem>>
      %dma_wait3A_603 = tpu.memref_squeeze %dma_wait3A_602 : memref<1x128x64xf32, #tpu.memory_space<vmem>> -> memref<128x64xf32, #tpu.memory_space<vmem>>
      %dma_wait3A_604 = arith.constant 0 : i32
      %dma_wait3A_605 = tpu.memref_slice %arg7[%dma_wait3A_599, %dma_wait3A_604] : memref<79x128xi32, #tpu.memory_space<vmem>> -> memref<1x128xi32, #tpu.memory_space<vmem>>
      %dma_wait3A_606 = tpu.memref_squeeze %dma_wait3A_605 : memref<1x128xi32, #tpu.memory_space<vmem>> -> memref<128xi32, #tpu.memory_space<vmem>>
      %dma_wait3A_607 = arith.constant 0 : i32
      %dma_wait3A_608 = arith.constant 0 : i32
      %dma_wait3A_609 = tpu.memref_slice %arg9[%dma_wait3A_607, %dma_wait3A_608] : memref<10240x64xf32, #tpu.memory_space<vmem_shared>> -> memref<10240x64xf32, #tpu.memory_space<vmem_shared>>
      tpu.wait_indirect_dma semaphore(%arg17 : memref<!tpu.dma_semaphore, #tpu.memory_space<semaphore_mem>>) src(%dma_wait3A_603 : memref<128x64xf32, #tpu.memory_space<vmem>>) dst(%dma_wait3A_609 : memref<10240x64xf32, #tpu.memory_space<vmem_shared>>)
      %add3A_610 = arith.constant 2 : i32
      %add3A_611 = arith.addi %add3A_574, %add3A_610 : i32
      %dma_start3A_612 = arith.constant 3 : i32
      %dma_start3A_613 = arith.constant 0 : i32
      %dma_start3A_614 = arith.constant 0 : i32
      %dma_start3A_615 = tpu.memref_slice %arg8[%dma_start3A_612, %dma_start3A_613, %dma_start3A_614] : memref<4x128x64xf32, #tpu.memory_space<vmem>> -> memref<1x128x64xf32, #tpu.memory_space<vmem>>
      %dma_start3A_616 = tpu.memref_squeeze %dma_start3A_615 : memref<1x128x64xf32, #tpu.memory_space<vmem>> -> memref<128x64xf32, #tpu.memory_space<vmem>>
      %dma_start3A_617 = arith.constant 0 : i32
      %dma_start3A_618 = tpu.memref_slice %arg6[%add3A_611, %dma_start3A_617] : memref<79x128xi32, #tpu.memory_space<vmem>> -> memref<1x128xi32, #tpu.memory_space<vmem>>
      %dma_start3A_619 = tpu.memref_squeeze %dma_start3A_618 : memref<1x128xi32, #tpu.memory_space<vmem>> -> memref<128xi32, #tpu.memory_space<vmem>>
      %dma_start3A_620 = arith.constant 0 : i32
      %dma_start3A_621 = arith.constant 0 : i32
      %dma_start3A_622 = tpu.memref_slice %arg2[%dma_start3A_620, %dma_start3A_621] : memref<10240x64xf32, #tpu.memory_space<hbm>> -> memref<10240x64xf32, #tpu.memory_space<hbm>>
      tpu.enqueue_indirect_dma source(%dma_start3A_622 : memref<10240x64xf32, #tpu.memory_space<hbm>>) target(%dma_start3A_616 : memref<128x64xf32, #tpu.memory_space<vmem>>) offsets(%dma_start3A_619 : memref<128xi32, #tpu.memory_space<vmem>>) semaphore(%arg13 : memref<!tpu.dma_semaphore, #tpu.memory_space<semaphore_mem>>)
      %add3A_623 = arith.constant 2 : i32
      %add3A_624 = arith.addi %add3A_522, %add3A_623 : i32
      %dma_wait3A_625 = arith.constant 0 : i32
      %dma_wait3A_626 = arith.constant 2 : i32
      %dma_wait3A_627 = arith.constant 0 : i32
      %dma_wait3A_628 = arith.constant 0 : i32
      %dma_wait3A_629 = tpu.memref_slice %arg8[%dma_wait3A_626, %dma_wait3A_627, %dma_wait3A_628] : memref<4x128x64xf32, #tpu.memory_space<vmem>> -> memref<1x128x64xf32, #tpu.memory_space<vmem>>
      %dma_wait3A_630 = tpu.memref_squeeze %dma_wait3A_629 : memref<1x128x64xf32, #tpu.memory_space<vmem>> -> memref<128x64xf32, #tpu.memory_space<vmem>>
      %dma_wait3A_631 = arith.constant 0 : i32
      %dma_wait3A_632 = tpu.memref_slice %arg6[%dma_wait3A_625, %dma_wait3A_631] : memref<79x128xi32, #tpu.memory_space<vmem>> -> memref<1x128xi32, #tpu.memory_space<vmem>>
      %dma_wait3A_633 = tpu.memref_squeeze %dma_wait3A_632 : memref<1x128xi32, #tpu.memory_space<vmem>> -> memref<128xi32, #tpu.memory_space<vmem>>
      %dma_wait3A_634 = arith.constant 0 : i32
      %dma_wait3A_635 = arith.constant 0 : i32
      %dma_wait3A_636 = tpu.memref_slice %arg2[%dma_wait3A_634, %dma_wait3A_635] : memref<10240x64xf32, #tpu.memory_space<hbm>> -> memref<10240x64xf32, #tpu.memory_space<hbm>>
      tpu.wait_indirect_dma semaphore(%arg12 : memref<!tpu.dma_semaphore, #tpu.memory_space<semaphore_mem>>) src(%dma_wait3A_636 : memref<10240x64xf32, #tpu.memory_space<hbm>>) dst(%dma_wait3A_630 : memref<128x64xf32, #tpu.memory_space<vmem>>)
      %dma_start3A_637 = arith.constant 2 : i32
      %dma_start3A_638 = arith.constant 0 : i32
      %dma_start3A_639 = arith.constant 0 : i32
      %dma_start3A_640 = tpu.memref_slice %arg8[%dma_start3A_637, %dma_start3A_638, %dma_start3A_639] : memref<4x128x64xf32, #tpu.memory_space<vmem>> -> memref<1x128x64xf32, #tpu.memory_space<vmem>>
      %dma_start3A_641 = tpu.memref_squeeze %dma_start3A_640 : memref<1x128x64xf32, #tpu.memory_space<vmem>> -> memref<128x64xf32, #tpu.memory_space<vmem>>
      %dma_start3A_642 = arith.constant 0 : i32
      %dma_start3A_643 = tpu.memref_slice %arg7[%add3A_624, %dma_start3A_642] : memref<79x128xi32, #tpu.memory_space<vmem>> -> memref<1x128xi32, #tpu.memory_space<vmem>>
      %dma_start3A_644 = tpu.memref_squeeze %dma_start3A_643 : memref<1x128xi32, #tpu.memory_space<vmem>> -> memref<128xi32, #tpu.memory_space<vmem>>
      %dma_start3A_645 = arith.constant 0 : i32
      %dma_start3A_646 = arith.constant 0 : i32
      %dma_start3A_647 = tpu.memref_slice %arg9[%dma_start3A_645, %dma_start3A_646] : memref<10240x64xf32, #tpu.memory_space<vmem_shared>> -> memref<10240x64xf32, #tpu.memory_space<vmem_shared>>
      tpu.enqueue_indirect_dma source(%dma_start3A_641 : memref<128x64xf32, #tpu.memory_space<vmem>>) target(%dma_start3A_647 : memref<10240x64xf32, #tpu.memory_space<vmem_shared>>) offsets(%dma_start3A_644 : memref<128xi32, #tpu.memory_space<vmem>>) semaphore(%arg16 : memref<!tpu.dma_semaphore, #tpu.memory_space<semaphore_mem>>) {add = true}
      %dma_wait3A_648 = arith.constant 0 : i32
      %dma_wait3A_649 = arith.constant 0 : i32
      %dma_wait3A_650 = arith.constant 0 : i32
      %dma_wait3A_651 = arith.constant 0 : i32
      %dma_wait3A_652 = tpu.memref_slice %arg8[%dma_wait3A_648, %dma_wait3A_650, %dma_wait3A_651] : memref<4x128x64xf32, #tpu.memory_space<vmem>> -> memref<1x128x64xf32, #tpu.memory_space<vmem>>
      %dma_wait3A_653 = tpu.memref_squeeze %dma_wait3A_652 : memref<1x128x64xf32, #tpu.memory_space<vmem>> -> memref<128x64xf32, #tpu.memory_space<vmem>>
      %dma_wait3A_654 = arith.constant 0 : i32
      %dma_wait3A_655 = tpu.memref_slice %arg7[%dma_wait3A_649, %dma_wait3A_654] : memref<79x128xi32, #tpu.memory_space<vmem>> -> memref<1x128xi32, #tpu.memory_space<vmem>>
      %dma_wait3A_656 = tpu.memref_squeeze %dma_wait3A_655 : memref<1x128xi32, #tpu.memory_space<vmem>> -> memref<128xi32, #tpu.memory_space<vmem>>
      %dma_wait3A_657 = arith.constant 0 : i32
      %dma_wait3A_658 = arith.constant 0 : i32
      %dma_wait3A_659 = tpu.memref_slice %arg9[%dma_wait3A_657, %dma_wait3A_658] : memref<10240x64xf32, #tpu.memory_space<vmem_shared>> -> memref<10240x64xf32, #tpu.memory_space<vmem_shared>>
      tpu.wait_indirect_dma semaphore(%arg14 : memref<!tpu.dma_semaphore, #tpu.memory_space<semaphore_mem>>) src(%dma_wait3A_653 : memref<128x64xf32, #tpu.memory_space<vmem>>) dst(%dma_wait3A_659 : memref<10240x64xf32, #tpu.memory_space<vmem_shared>>)
      %add3A_660 = arith.constant 2 : i32
      %add3A_661 = arith.addi %add3A_624, %add3A_660 : i32
      %dma_start3A_662 = arith.constant 0 : i32
      %dma_start3A_663 = arith.constant 0 : i32
      %dma_start3A_664 = arith.constant 0 : i32
      %dma_start3A_665 = tpu.memref_slice %arg8[%dma_start3A_662, %dma_start3A_663, %dma_start3A_664] : memref<4x128x64xf32, #tpu.memory_space<vmem>> -> memref<1x128x64xf32, #tpu.memory_space<vmem>>
      %dma_start3A_666 = tpu.memref_squeeze %dma_start3A_665 : memref<1x128x64xf32, #tpu.memory_space<vmem>> -> memref<128x64xf32, #tpu.memory_space<vmem>>
      %dma_start3A_667 = arith.constant 0 : i32
      %dma_start3A_668 = tpu.memref_slice %arg6[%add3A_661, %dma_start3A_667] : memref<79x128xi32, #tpu.memory_space<vmem>> -> memref<1x128xi32, #tpu.memory_space<vmem>>
      %dma_start3A_669 = tpu.memref_squeeze %dma_start3A_668 : memref<1x128xi32, #tpu.memory_space<vmem>> -> memref<128xi32, #tpu.memory_space<vmem>>
      %dma_start3A_670 = arith.constant 0 : i32
      %dma_start3A_671 = arith.constant 0 : i32
      %dma_start3A_672 = tpu.memref_slice %arg2[%dma_start3A_670, %dma_start3A_671] : memref<10240x64xf32, #tpu.memory_space<hbm>> -> memref<10240x64xf32, #tpu.memory_space<hbm>>
      tpu.enqueue_indirect_dma source(%dma_start3A_672 : memref<10240x64xf32, #tpu.memory_space<hbm>>) target(%dma_start3A_666 : memref<128x64xf32, #tpu.memory_space<vmem>>) offsets(%dma_start3A_669 : memref<128xi32, #tpu.memory_space<vmem>>) semaphore(%arg10 : memref<!tpu.dma_semaphore, #tpu.memory_space<semaphore_mem>>)
      %add3A_673 = arith.constant 3 : i32
      %add3A_674 = arith.addi %add3A_522, %add3A_673 : i32
      %dma_wait3A_675 = arith.constant 0 : i32
      %dma_wait3A_676 = arith.constant 3 : i32
      %dma_wait3A_677 = arith.constant 0 : i32
      %dma_wait3A_678 = arith.constant 0 : i32
      %dma_wait3A_679 = tpu.memref_slice %arg8[%dma_wait3A_676, %dma_wait3A_677, %dma_wait3A_678] : memref<4x128x64xf32, #tpu.memory_space<vmem>> -> memref<1x128x64xf32, #tpu.memory_space<vmem>>
      %dma_wait3A_680 = tpu.memref_squeeze %dma_wait3A_679 : memref<1x128x64xf32, #tpu.memory_space<vmem>> -> memref<128x64xf32, #tpu.memory_space<vmem>>
      %dma_wait3A_681 = arith.constant 0 : i32
      %dma_wait3A_682 = tpu.memref_slice %arg6[%dma_wait3A_675, %dma_wait3A_681] : memref<79x128xi32, #tpu.memory_space<vmem>> -> memref<1x128xi32, #tpu.memory_space<vmem>>
      %dma_wait3A_683 = tpu.memref_squeeze %dma_wait3A_682 : memref<1x128xi32, #tpu.memory_space<vmem>> -> memref<128xi32, #tpu.memory_space<vmem>>
      %dma_wait3A_684 = arith.constant 0 : i32
      %dma_wait3A_685 = arith.constant 0 : i32
      %dma_wait3A_686 = tpu.memref_slice %arg2[%dma_wait3A_684, %dma_wait3A_685] : memref<10240x64xf32, #tpu.memory_space<hbm>> -> memref<10240x64xf32, #tpu.memory_space<hbm>>
      tpu.wait_indirect_dma semaphore(%arg13 : memref<!tpu.dma_semaphore, #tpu.memory_space<semaphore_mem>>) src(%dma_wait3A_686 : memref<10240x64xf32, #tpu.memory_space<hbm>>) dst(%dma_wait3A_680 : memref<128x64xf32, #tpu.memory_space<vmem>>)
      %dma_start3A_687 = arith.constant 3 : i32
      %dma_start3A_688 = arith.constant 0 : i32
      %dma_start3A_689 = arith.constant 0 : i32
      %dma_start3A_690 = tpu.memref_slice %arg8[%dma_start3A_687, %dma_start3A_688, %dma_start3A_689] : memref<4x128x64xf32, #tpu.memory_space<vmem>> -> memref<1x128x64xf32, #tpu.memory_space<vmem>>
      %dma_start3A_691 = tpu.memref_squeeze %dma_start3A_690 : memref<1x128x64xf32, #tpu.memory_space<vmem>> -> memref<128x64xf32, #tpu.memory_space<vmem>>
      %dma_start3A_692 = arith.constant 0 : i32
      %dma_start3A_693 = tpu.memref_slice %arg7[%add3A_674, %dma_start3A_692] : memref<79x128xi32, #tpu.memory_space<vmem>> -> memref<1x128xi32, #tpu.memory_space<vmem>>
      %dma_start3A_694 = tpu.memref_squeeze %dma_start3A_693 : memref<1x128xi32, #tpu.memory_space<vmem>> -> memref<128xi32, #tpu.memory_space<vmem>>
      %dma_start3A_695 = arith.constant 0 : i32
      %dma_start3A_696 = arith.constant 0 : i32
      %dma_start3A_697 = tpu.memref_slice %arg9[%dma_start3A_695, %dma_start3A_696] : memref<10240x64xf32, #tpu.memory_space<vmem_shared>> -> memref<10240x64xf32, #tpu.memory_space<vmem_shared>>
      tpu.enqueue_indirect_dma source(%dma_start3A_691 : memref<128x64xf32, #tpu.memory_space<vmem>>) target(%dma_start3A_697 : memref<10240x64xf32, #tpu.memory_space<vmem_shared>>) offsets(%dma_start3A_694 : memref<128xi32, #tpu.memory_space<vmem>>) semaphore(%arg17 : memref<!tpu.dma_semaphore, #tpu.memory_space<semaphore_mem>>) {add = true}
      %dma_wait3A_698 = arith.constant 1 : i32
      %dma_wait3A_699 = arith.constant 0 : i32
      %dma_wait3A_700 = arith.constant 0 : i32
      %dma_wait3A_701 = arith.constant 0 : i32
      %dma_wait3A_702 = tpu.memref_slice %arg8[%dma_wait3A_698, %dma_wait3A_700, %dma_wait3A_701] : memref<4x128x64xf32, #tpu.memory_space<vmem>> -> memref<1x128x64xf32, #tpu.memory_space<vmem>>
      %dma_wait3A_703 = tpu.memref_squeeze %dma_wait3A_702 : memref<1x128x64xf32, #tpu.memory_space<vmem>> -> memref<128x64xf32, #tpu.memory_space<vmem>>
      %dma_wait3A_704 = arith.constant 0 : i32
      %dma_wait3A_705 = tpu.memref_slice %arg7[%dma_wait3A_699, %dma_wait3A_704] : memref<79x128xi32, #tpu.memory_space<vmem>> -> memref<1x128xi32, #tpu.memory_space<vmem>>
      %dma_wait3A_706 = tpu.memref_squeeze %dma_wait3A_705 : memref<1x128xi32, #tpu.memory_space<vmem>> -> memref<128xi32, #tpu.memory_space<vmem>>
      %dma_wait3A_707 = arith.constant 0 : i32
      %dma_wait3A_708 = arith.constant 0 : i32
      %dma_wait3A_709 = tpu.memref_slice %arg9[%dma_wait3A_707, %dma_wait3A_708] : memref<10240x64xf32, #tpu.memory_space<vmem_shared>> -> memref<10240x64xf32, #tpu.memory_space<vmem_shared>>
      tpu.wait_indirect_dma semaphore(%arg15 : memref<!tpu.dma_semaphore, #tpu.memory_space<semaphore_mem>>) src(%dma_wait3A_703 : memref<128x64xf32, #tpu.memory_space<vmem>>) dst(%dma_wait3A_709 : memref<10240x64xf32, #tpu.memory_space<vmem_shared>>)
      %add3A_710 = arith.constant 2 : i32
      %add3A_711 = arith.addi %add3A_674, %add3A_710 : i32
      %dma_start3A_712 = arith.constant 1 : i32
      %dma_start3A_713 = arith.constant 0 : i32
      %dma_start3A_714 = arith.constant 0 : i32
      %dma_start3A_715 = tpu.memref_slice %arg8[%dma_start3A_712, %dma_start3A_713, %dma_start3A_714] : memref<4x128x64xf32, #tpu.memory_space<vmem>> -> memref<1x128x64xf32, #tpu.memory_space<vmem>>
      %dma_start3A_716 = tpu.memref_squeeze %dma_start3A_715 : memref<1x128x64xf32, #tpu.memory_space<vmem>> -> memref<128x64xf32, #tpu.memory_space<vmem>>
      %dma_start3A_717 = arith.constant 0 : i32
      %dma_start3A_718 = tpu.memref_slice %arg6[%add3A_711, %dma_start3A_717] : memref<79x128xi32, #tpu.memory_space<vmem>> -> memref<1x128xi32, #tpu.memory_space<vmem>>
      %dma_start3A_719 = tpu.memref_squeeze %dma_start3A_718 : memref<1x128xi32, #tpu.memory_space<vmem>> -> memref<128xi32, #tpu.memory_space<vmem>>
      %dma_start3A_720 = arith.constant 0 : i32
      %dma_start3A_721 = arith.constant 0 : i32
      %dma_start3A_722 = tpu.memref_slice %arg2[%dma_start3A_720, %dma_start3A_721] : memref<10240x64xf32, #tpu.memory_space<hbm>> -> memref<10240x64xf32, #tpu.memory_space<hbm>>
      tpu.enqueue_indirect_dma source(%dma_start3A_722 : memref<10240x64xf32, #tpu.memory_space<hbm>>) target(%dma_start3A_716 : memref<128x64xf32, #tpu.memory_space<vmem>>) offsets(%dma_start3A_719 : memref<128xi32, #tpu.memory_space<vmem>>) semaphore(%arg11 : memref<!tpu.dma_semaphore, #tpu.memory_space<semaphore_mem>>)
    }
    %scan3A_413 = arith.constant 18 : i32
    %dma_wait3A_414 = arith.constant 0 : i32
    %dma_wait3A_415 = arith.constant 0 : i32
    %dma_wait3A_416 = arith.constant 0 : i32
    %dma_wait3A_417 = arith.constant 0 : i32
    %dma_wait3A_418 = tpu.memref_slice %arg8[%dma_wait3A_415, %dma_wait3A_416, %dma_wait3A_417] : memref<4x128x64xf32, #tpu.memory_space<vmem>> -> memref<1x128x64xf32, #tpu.memory_space<vmem>>
    %dma_wait3A_419 = tpu.memref_squeeze %dma_wait3A_418 : memref<1x128x64xf32, #tpu.memory_space<vmem>> -> memref<128x64xf32, #tpu.memory_space<vmem>>
    %dma_wait3A_420 = arith.constant 0 : i32
    %dma_wait3A_421 = tpu.memref_slice %arg6[%dma_wait3A_414, %dma_wait3A_420] : memref<79x128xi32, #tpu.memory_space<vmem>> -> memref<1x128xi32, #tpu.memory_space<vmem>>
    %dma_wait3A_422 = tpu.memref_squeeze %dma_wait3A_421 : memref<1x128xi32, #tpu.memory_space<vmem>> -> memref<128xi32, #tpu.memory_space<vmem>>
    %dma_wait3A_423 = arith.constant 0 : i32
    %dma_wait3A_424 = arith.constant 0 : i32
    %dma_wait3A_425 = tpu.memref_slice %arg2[%dma_wait3A_423, %dma_wait3A_424] : memref<10240x64xf32, #tpu.memory_space<hbm>> -> memref<10240x64xf32, #tpu.memory_space<hbm>>
    tpu.wait_indirect_dma semaphore(%arg10 : memref<!tpu.dma_semaphore, #tpu.memory_space<semaphore_mem>>) src(%dma_wait3A_425 : memref<10240x64xf32, #tpu.memory_space<hbm>>) dst(%dma_wait3A_419 : memref<128x64xf32, #tpu.memory_space<vmem>>)
    %dma_start3A_426 = arith.constant 0 : i32
    %dma_start3A_427 = arith.constant 76 : i32
    %dma_start3A_428 = arith.constant 0 : i32
    %dma_start3A_429 = arith.constant 0 : i32
    %dma_start3A_430 = tpu.memref_slice %arg8[%dma_start3A_426, %dma_start3A_428, %dma_start3A_429] : memref<4x128x64xf32, #tpu.memory_space<vmem>> -> memref<1x128x64xf32, #tpu.memory_space<vmem>>
    %dma_start3A_431 = tpu.memref_squeeze %dma_start3A_430 : memref<1x128x64xf32, #tpu.memory_space<vmem>> -> memref<128x64xf32, #tpu.memory_space<vmem>>
    %dma_start3A_432 = arith.constant 0 : i32
    %dma_start3A_433 = tpu.memref_slice %arg7[%dma_start3A_427, %dma_start3A_432] : memref<79x128xi32, #tpu.memory_space<vmem>> -> memref<1x128xi32, #tpu.memory_space<vmem>>
    %dma_start3A_434 = tpu.memref_squeeze %dma_start3A_433 : memref<1x128xi32, #tpu.memory_space<vmem>> -> memref<128xi32, #tpu.memory_space<vmem>>
    %dma_start3A_435 = arith.constant 0 : i32
    %dma_start3A_436 = arith.constant 0 : i32
    %dma_start3A_437 = tpu.memref_slice %arg9[%dma_start3A_435, %dma_start3A_436] : memref<10240x64xf32, #tpu.memory_space<vmem_shared>> -> memref<10240x64xf32, #tpu.memory_space<vmem_shared>>
    tpu.enqueue_indirect_dma source(%dma_start3A_431 : memref<128x64xf32, #tpu.memory_space<vmem>>) target(%dma_start3A_437 : memref<10240x64xf32, #tpu.memory_space<vmem_shared>>) offsets(%dma_start3A_434 : memref<128xi32, #tpu.memory_space<vmem>>) semaphore(%arg14 : memref<!tpu.dma_semaphore, #tpu.memory_space<semaphore_mem>>) {add = true}
    %dma_wait3A_438 = arith.constant 2 : i32
    %dma_wait3A_439 = arith.constant 0 : i32
    %dma_wait3A_440 = arith.constant 0 : i32
    %dma_wait3A_441 = arith.constant 0 : i32
    %dma_wait3A_442 = tpu.memref_slice %arg8[%dma_wait3A_438, %dma_wait3A_440, %dma_wait3A_441] : memref<4x128x64xf32, #tpu.memory_space<vmem>> -> memref<1x128x64xf32, #tpu.memory_space<vmem>>
    %dma_wait3A_443 = tpu.memref_squeeze %dma_wait3A_442 : memref<1x128x64xf32, #tpu.memory_space<vmem>> -> memref<128x64xf32, #tpu.memory_space<vmem>>
    %dma_wait3A_444 = arith.constant 0 : i32
    %dma_wait3A_445 = tpu.memref_slice %arg7[%dma_wait3A_439, %dma_wait3A_444] : memref<79x128xi32, #tpu.memory_space<vmem>> -> memref<1x128xi32, #tpu.memory_space<vmem>>
    %dma_wait3A_446 = tpu.memref_squeeze %dma_wait3A_445 : memref<1x128xi32, #tpu.memory_space<vmem>> -> memref<128xi32, #tpu.memory_space<vmem>>
    %dma_wait3A_447 = arith.constant 0 : i32
    %dma_wait3A_448 = arith.constant 0 : i32
    %dma_wait3A_449 = tpu.memref_slice %arg9[%dma_wait3A_447, %dma_wait3A_448] : memref<10240x64xf32, #tpu.memory_space<vmem_shared>> -> memref<10240x64xf32, #tpu.memory_space<vmem_shared>>
    tpu.wait_indirect_dma semaphore(%arg16 : memref<!tpu.dma_semaphore, #tpu.memory_space<semaphore_mem>>) src(%dma_wait3A_443 : memref<128x64xf32, #tpu.memory_space<vmem>>) dst(%dma_wait3A_449 : memref<10240x64xf32, #tpu.memory_space<vmem_shared>>)
    %dma_wait3A_450 = arith.constant 0 : i32
    %dma_wait3A_451 = arith.constant 1 : i32
    %dma_wait3A_452 = arith.constant 0 : i32
    %dma_wait3A_453 = arith.constant 0 : i32
    %dma_wait3A_454 = tpu.memref_slice %arg8[%dma_wait3A_451, %dma_wait3A_452, %dma_wait3A_453] : memref<4x128x64xf32, #tpu.memory_space<vmem>> -> memref<1x128x64xf32, #tpu.memory_space<vmem>>
    %dma_wait3A_455 = tpu.memref_squeeze %dma_wait3A_454 : memref<1x128x64xf32, #tpu.memory_space<vmem>> -> memref<128x64xf32, #tpu.memory_space<vmem>>
    %dma_wait3A_456 = arith.constant 0 : i32
    %dma_wait3A_457 = tpu.memref_slice %arg6[%dma_wait3A_450, %dma_wait3A_456] : memref<79x128xi32, #tpu.memory_space<vmem>> -> memref<1x128xi32, #tpu.memory_space<vmem>>
    %dma_wait3A_458 = tpu.memref_squeeze %dma_wait3A_457 : memref<1x128xi32, #tpu.memory_space<vmem>> -> memref<128xi32, #tpu.memory_space<vmem>>
    %dma_wait3A_459 = arith.constant 0 : i32
    %dma_wait3A_460 = arith.constant 0 : i32
    %dma_wait3A_461 = tpu.memref_slice %arg2[%dma_wait3A_459, %dma_wait3A_460] : memref<10240x64xf32, #tpu.memory_space<hbm>> -> memref<10240x64xf32, #tpu.memory_space<hbm>>
    tpu.wait_indirect_dma semaphore(%arg11 : memref<!tpu.dma_semaphore, #tpu.memory_space<semaphore_mem>>) src(%dma_wait3A_461 : memref<10240x64xf32, #tpu.memory_space<hbm>>) dst(%dma_wait3A_455 : memref<128x64xf32, #tpu.memory_space<vmem>>)
    %dma_start3A_462 = arith.constant 1 : i32
    %dma_start3A_463 = arith.constant 77 : i32
    %dma_start3A_464 = arith.constant 0 : i32
    %dma_start3A_465 = arith.constant 0 : i32
    %dma_start3A_466 = tpu.memref_slice %arg8[%dma_start3A_462, %dma_start3A_464, %dma_start3A_465] : memref<4x128x64xf32, #tpu.memory_space<vmem>> -> memref<1x128x64xf32, #tpu.memory_space<vmem>>
    %dma_start3A_467 = tpu.memref_squeeze %dma_start3A_466 : memref<1x128x64xf32, #tpu.memory_space<vmem>> -> memref<128x64xf32, #tpu.memory_space<vmem>>
    %dma_start3A_468 = arith.constant 0 : i32
    %dma_start3A_469 = tpu.memref_slice %arg7[%dma_start3A_463, %dma_start3A_468] : memref<79x128xi32, #tpu.memory_space<vmem>> -> memref<1x128xi32, #tpu.memory_space<vmem>>
    %dma_start3A_470 = tpu.memref_squeeze %dma_start3A_469 : memref<1x128xi32, #tpu.memory_space<vmem>> -> memref<128xi32, #tpu.memory_space<vmem>>
    %dma_start3A_471 = arith.constant 0 : i32
    %dma_start3A_472 = arith.constant 0 : i32
    %dma_start3A_473 = tpu.memref_slice %arg9[%dma_start3A_471, %dma_start3A_472] : memref<10240x64xf32, #tpu.memory_space<vmem_shared>> -> memref<10240x64xf32, #tpu.memory_space<vmem_shared>>
    tpu.enqueue_indirect_dma source(%dma_start3A_467 : memref<128x64xf32, #tpu.memory_space<vmem>>) target(%dma_start3A_473 : memref<10240x64xf32, #tpu.memory_space<vmem_shared>>) offsets(%dma_start3A_470 : memref<128xi32, #tpu.memory_space<vmem>>) semaphore(%arg15 : memref<!tpu.dma_semaphore, #tpu.memory_space<semaphore_mem>>) {add = true}
    %dma_wait3A_474 = arith.constant 3 : i32
    %dma_wait3A_475 = arith.constant 0 : i32
    %dma_wait3A_476 = arith.constant 0 : i32
    %dma_wait3A_477 = arith.constant 0 : i32
    %dma_wait3A_478 = tpu.memref_slice %arg8[%dma_wait3A_474, %dma_wait3A_476, %dma_wait3A_477] : memref<4x128x64xf32, #tpu.memory_space<vmem>> -> memref<1x128x64xf32, #tpu.memory_space<vmem>>
    %dma_wait3A_479 = tpu.memref_squeeze %dma_wait3A_478 : memref<1x128x64xf32, #tpu.memory_space<vmem>> -> memref<128x64xf32, #tpu.memory_space<vmem>>
    %dma_wait3A_480 = arith.constant 0 : i32
    %dma_wait3A_481 = tpu.memref_slice %arg7[%dma_wait3A_475, %dma_wait3A_480] : memref<79x128xi32, #tpu.memory_space<vmem>> -> memref<1x128xi32, #tpu.memory_space<vmem>>
    %dma_wait3A_482 = tpu.memref_squeeze %dma_wait3A_481 : memref<1x128xi32, #tpu.memory_space<vmem>> -> memref<128xi32, #tpu.memory_space<vmem>>
    %dma_wait3A_483 = arith.constant 0 : i32
    %dma_wait3A_484 = arith.constant 0 : i32
    %dma_wait3A_485 = tpu.memref_slice %arg9[%dma_wait3A_483, %dma_wait3A_484] : memref<10240x64xf32, #tpu.memory_space<vmem_shared>> -> memref<10240x64xf32, #tpu.memory_space<vmem_shared>>
    tpu.wait_indirect_dma semaphore(%arg17 : memref<!tpu.dma_semaphore, #tpu.memory_space<semaphore_mem>>) src(%dma_wait3A_479 : memref<128x64xf32, #tpu.memory_space<vmem>>) dst(%dma_wait3A_485 : memref<10240x64xf32, #tpu.memory_space<vmem_shared>>)
    %dma_wait3A_486 = arith.constant 0 : i32
    %dma_wait3A_487 = arith.constant 0 : i32
    %dma_wait3A_488 = arith.constant 0 : i32
    %dma_wait3A_489 = arith.constant 0 : i32
    %dma_wait3A_490 = tpu.memref_slice %arg8[%dma_wait3A_486, %dma_wait3A_488, %dma_wait3A_489] : memref<4x128x64xf32, #tpu.memory_space<vmem>> -> memref<1x128x64xf32, #tpu.memory_space<vmem>>
    %dma_wait3A_491 = tpu.memref_squeeze %dma_wait3A_490 : memref<1x128x64xf32, #tpu.memory_space<vmem>> -> memref<128x64xf32, #tpu.memory_space<vmem>>
    %dma_wait3A_492 = arith.constant 0 : i32
    %dma_wait3A_493 = tpu.memref_slice %arg7[%dma_wait3A_487, %dma_wait3A_492] : memref<79x128xi32, #tpu.memory_space<vmem>> -> memref<1x128xi32, #tpu.memory_space<vmem>>
    %dma_wait3A_494 = tpu.memref_squeeze %dma_wait3A_493 : memref<1x128xi32, #tpu.memory_space<vmem>> -> memref<128xi32, #tpu.memory_space<vmem>>
    %dma_wait3A_495 = arith.constant 0 : i32
    %dma_wait3A_496 = arith.constant 0 : i32
    %dma_wait3A_497 = tpu.memref_slice %arg9[%dma_wait3A_495, %dma_wait3A_496] : memref<10240x64xf32, #tpu.memory_space<vmem_shared>> -> memref<10240x64xf32, #tpu.memory_space<vmem_shared>>
    tpu.wait_indirect_dma semaphore(%arg14 : memref<!tpu.dma_semaphore, #tpu.memory_space<semaphore_mem>>) src(%dma_wait3A_491 : memref<128x64xf32, #tpu.memory_space<vmem>>) dst(%dma_wait3A_497 : memref<10240x64xf32, #tpu.memory_space<vmem_shared>>)
    %dma_wait3A_498 = arith.constant 1 : i32
    %dma_wait3A_499 = arith.constant 0 : i32
    %dma_wait3A_500 = arith.constant 0 : i32
    %dma_wait3A_501 = arith.constant 0 : i32
    %dma_wait3A_502 = tpu.memref_slice %arg8[%dma_wait3A_498, %dma_wait3A_500, %dma_wait3A_501] : memref<4x128x64xf32, #tpu.memory_space<vmem>> -> memref<1x128x64xf32, #tpu.memory_space<vmem>>
    %dma_wait3A_503 = tpu.memref_squeeze %dma_wait3A_502 : memref<1x128x64xf32, #tpu.memory_space<vmem>> -> memref<128x64xf32, #tpu.memory_space<vmem>>
    %dma_wait3A_504 = arith.constant 0 : i32
    %dma_wait3A_505 = tpu.memref_slice %arg7[%dma_wait3A_499, %dma_wait3A_504] : memref<79x128xi32, #tpu.memory_space<vmem>> -> memref<1x128xi32, #tpu.memory_space<vmem>>
    %dma_wait3A_506 = tpu.memref_squeeze %dma_wait3A_505 : memref<1x128xi32, #tpu.memory_space<vmem>> -> memref<128xi32, #tpu.memory_space<vmem>>
    %dma_wait3A_507 = arith.constant 0 : i32
    %dma_wait3A_508 = arith.constant 0 : i32
    %dma_wait3A_509 = tpu.memref_slice %arg9[%dma_wait3A_507, %dma_wait3A_508] : memref<10240x64xf32, #tpu.memory_space<vmem_shared>> -> memref<10240x64xf32, #tpu.memory_space<vmem_shared>>
    tpu.wait_indirect_dma semaphore(%arg15 : memref<!tpu.dma_semaphore, #tpu.memory_space<semaphore_mem>>) src(%dma_wait3A_503 : memref<128x64xf32, #tpu.memory_space<vmem>>) dst(%dma_wait3A_509 : memref<10240x64xf32, #tpu.memory_space<vmem_shared>>)
    %lt3A = arith.constant 4 : i32
    %lt3A_510 = arith.cmpi slt, %add3A, %lt3A : i32
    %convert_element_type3A = arith.extui %lt3A_510 : i1 to i32
    %cond3A = arith.constant 0 : i32
    %cond3A_511 = arith.cmpi ne, %convert_element_type3A, %cond3A : i32
    scf.if %cond3A_511 {
      %add3A_518 = arith.constant 2496 : i32
      %add3A_519 = arith.addi %add3A_518, %add3A : i32
      "tpu.region"() ({
        %run_scoped3A_525 = tpu.sem_alloc : memref<!tpu.dma_semaphore, #tpu.memory_space<semaphore_mem>>
        %dma_start3A_526 = arith.constant 78 : i32
        %dma_start3A_527 = arith.constant 0 : i32
        %dma_start3A_528 = tpu.memref_slice %arg6[%dma_start3A_526, %dma_start3A_527] : memref<79x128xi32, #tpu.memory_space<vmem>> -> memref<1x128xi32, #tpu.memory_space<vmem>>
        %dma_start3A_529 = arith.constant 0 : i32
        %dma_start3A_530 = tpu.memref_slice %arg3[%add3A_519, %dma_start3A_529] : memref<2500x128xi32, #tpu.memory_space<hbm>> -> memref<1x128xi32, #tpu.memory_space<hbm>>
        %dma_start3A_531 = arith.constant 78 : i32
        %dma_start3A_532 = arith.constant 0 : i32
        %dma_start3A_533 = tpu.memref_slice %arg6[%dma_start3A_531, %dma_start3A_532] : memref<79x128xi32, #tpu.memory_space<vmem>> -> memref<1x128xi32, #tpu.memory_space<vmem>>
        %dma_start3A_534 = arith.constant 0 : i32
        %dma_start3A_535 = tpu.memref_slice %arg3[%add3A_519, %dma_start3A_534] : memref<2500x128xi32, #tpu.memory_space<hbm>> -> memref<1x128xi32, #tpu.memory_space<hbm>>
        tpu.enqueue_dma source(%dma_start3A_535 : memref<1x128xi32, #tpu.memory_space<hbm>>) target(%dma_start3A_533 : memref<1x128xi32, #tpu.memory_space<vmem>>) target_semaphore(%run_scoped3A_525 : memref<!tpu.dma_semaphore, #tpu.memory_space<semaphore_mem>>)
        %dma_wait3A_536 = arith.constant 78 : i32
        %dma_wait3A_537 = arith.constant 0 : i32
        %dma_wait3A_538 = tpu.memref_slice %arg6[%dma_wait3A_536, %dma_wait3A_537] : memref<79x128xi32, #tpu.memory_space<vmem>> -> memref<1x128xi32, #tpu.memory_space<vmem>>
        %dma_wait3A_539 = arith.constant 0 : i32
        %dma_wait3A_540 = tpu.memref_slice %arg3[%add3A_519, %dma_wait3A_539] : memref<2500x128xi32, #tpu.memory_space<hbm>> -> memref<1x128xi32, #tpu.memory_space<hbm>>
        %dma_wait3A_541 = arith.constant 78 : i32
        %dma_wait3A_542 = arith.constant 0 : i32
        %dma_wait3A_543 = tpu.memref_slice %arg6[%dma_wait3A_541, %dma_wait3A_542] : memref<79x128xi32, #tpu.memory_space<vmem>> -> memref<1x128xi32, #tpu.memory_space<vmem>>
        %dma_wait3A_544 = arith.constant 0 : i32
        %dma_wait3A_545 = tpu.memref_slice %arg3[%add3A_519, %dma_wait3A_544] : memref<2500x128xi32, #tpu.memory_space<hbm>> -> memref<1x128xi32, #tpu.memory_space<hbm>>
        tpu.wait_dma2 semaphore(%run_scoped3A_525 : memref<!tpu.dma_semaphore, #tpu.memory_space<semaphore_mem>>) src(%dma_wait3A_545 : memref<1x128xi32, #tpu.memory_space<hbm>>) dst(%dma_wait3A_543 : memref<1x128xi32, #tpu.memory_space<vmem>>)
        tpu.yield
      }) : () -> ()
      %add3A_520 = arith.constant 2496 : i32
      %add3A_521 = arith.addi %add3A_520, %add3A : i32
      "tpu.region"() ({
        %run_scoped3A_525 = tpu.sem_alloc : memref<!tpu.dma_semaphore, #tpu.memory_space<semaphore_mem>>
        %dma_start3A_526 = arith.constant 78 : i32
        %dma_start3A_527 = arith.constant 0 : i32
        %dma_start3A_528 = tpu.memref_slice %arg7[%dma_start3A_526, %dma_start3A_527] : memref<79x128xi32, #tpu.memory_space<vmem>> -> memref<1x128xi32, #tpu.memory_space<vmem>>
        %dma_start3A_529 = arith.constant 0 : i32
        %dma_start3A_530 = tpu.memref_slice %arg4[%add3A_521, %dma_start3A_529] : memref<2500x128xi32, #tpu.memory_space<hbm>> -> memref<1x128xi32, #tpu.memory_space<hbm>>
        %dma_start3A_531 = arith.constant 78 : i32
        %dma_start3A_532 = arith.constant 0 : i32
        %dma_start3A_533 = tpu.memref_slice %arg7[%dma_start3A_531, %dma_start3A_532] : memref<79x128xi32, #tpu.memory_space<vmem>> -> memref<1x128xi32, #tpu.memory_space<vmem>>
        %dma_start3A_534 = arith.constant 0 : i32
        %dma_start3A_535 = tpu.memref_slice %arg4[%add3A_521, %dma_start3A_534] : memref<2500x128xi32, #tpu.memory_space<hbm>> -> memref<1x128xi32, #tpu.memory_space<hbm>>
        tpu.enqueue_dma source(%dma_start3A_535 : memref<1x128xi32, #tpu.memory_space<hbm>>) target(%dma_start3A_533 : memref<1x128xi32, #tpu.memory_space<vmem>>) target_semaphore(%run_scoped3A_525 : memref<!tpu.dma_semaphore, #tpu.memory_space<semaphore_mem>>)
        %dma_wait3A_536 = arith.constant 78 : i32
        %dma_wait3A_537 = arith.constant 0 : i32
        %dma_wait3A_538 = tpu.memref_slice %arg7[%dma_wait3A_536, %dma_wait3A_537] : memref<79x128xi32, #tpu.memory_space<vmem>> -> memref<1x128xi32, #tpu.memory_space<vmem>>
        %dma_wait3A_539 = arith.constant 0 : i32
        %dma_wait3A_540 = tpu.memref_slice %arg4[%add3A_521, %dma_wait3A_539] : memref<2500x128xi32, #tpu.memory_space<hbm>> -> memref<1x128xi32, #tpu.memory_space<hbm>>
        %dma_wait3A_541 = arith.constant 78 : i32
        %dma_wait3A_542 = arith.constant 0 : i32
        %dma_wait3A_543 = tpu.memref_slice %arg7[%dma_wait3A_541, %dma_wait3A_542] : memref<79x128xi32, #tpu.memory_space<vmem>> -> memref<1x128xi32, #tpu.memory_space<vmem>>
        %dma_wait3A_544 = arith.constant 0 : i32
        %dma_wait3A_545 = tpu.memref_slice %arg4[%add3A_521, %dma_wait3A_544] : memref<2500x128xi32, #tpu.memory_space<hbm>> -> memref<1x128xi32, #tpu.memory_space<hbm>>
        tpu.wait_dma2 semaphore(%run_scoped3A_525 : memref<!tpu.dma_semaphore, #tpu.memory_space<semaphore_mem>>) src(%dma_wait3A_545 : memref<1x128xi32, #tpu.memory_space<hbm>>) dst(%dma_wait3A_543 : memref<1x128xi32, #tpu.memory_space<vmem>>)
        tpu.yield
      }) : () -> ()
      %run_scoped3A = arith.constant 78 : i32
      %run_scoped3A_522 = arith.constant 2 : i32
      "tpu.region"() ({
        %run_scoped3A_525 = tpu.sem_alloc : memref<!tpu.dma_semaphore, #tpu.memory_space<semaphore_mem>>
        %dma_start3A_526 = arith.constant 0 : i32
        %dma_start3A_527 = arith.constant 0 : i32
        %dma_start3A_528 = tpu.memref_slice %arg8[%run_scoped3A_522, %dma_start3A_526, %dma_start3A_527] : memref<4x128x64xf32, #tpu.memory_space<vmem>> -> memref<1x128x64xf32, #tpu.memory_space<vmem>>
        %dma_start3A_529 = tpu.memref_squeeze %dma_start3A_528 : memref<1x128x64xf32, #tpu.memory_space<vmem>> -> memref<128x64xf32, #tpu.memory_space<vmem>>
        %dma_start3A_530 = arith.constant 0 : i32
        %dma_start3A_531 = tpu.memref_slice %arg6[%run_scoped3A, %dma_start3A_530] : memref<79x128xi32, #tpu.memory_space<vmem>> -> memref<1x128xi32, #tpu.memory_space<vmem>>
        %dma_start3A_532 = tpu.memref_squeeze %dma_start3A_531 : memref<1x128xi32, #tpu.memory_space<vmem>> -> memref<128xi32, #tpu.memory_space<vmem>>
        %dma_start3A_533 = arith.constant 0 : i32
        %dma_start3A_534 = arith.constant 0 : i32
        %dma_start3A_535 = tpu.memref_slice %arg2[%dma_start3A_533, %dma_start3A_534] : memref<10240x64xf32, #tpu.memory_space<hbm>> -> memref<10240x64xf32, #tpu.memory_space<hbm>>
        tpu.enqueue_indirect_dma source(%dma_start3A_535 : memref<10240x64xf32, #tpu.memory_space<hbm>>) target(%dma_start3A_529 : memref<128x64xf32, #tpu.memory_space<vmem>>) offsets(%dma_start3A_532 : memref<128xi32, #tpu.memory_space<vmem>>) semaphore(%run_scoped3A_525 : memref<!tpu.dma_semaphore, #tpu.memory_space<semaphore_mem>>)
        %dma_wait3A_536 = arith.constant 0 : i32
        %dma_wait3A_537 = arith.constant 0 : i32
        %dma_wait3A_538 = tpu.memref_slice %arg8[%run_scoped3A_522, %dma_wait3A_536, %dma_wait3A_537] : memref<4x128x64xf32, #tpu.memory_space<vmem>> -> memref<1x128x64xf32, #tpu.memory_space<vmem>>
        %dma_wait3A_539 = tpu.memref_squeeze %dma_wait3A_538 : memref<1x128x64xf32, #tpu.memory_space<vmem>> -> memref<128x64xf32, #tpu.memory_space<vmem>>
        %dma_wait3A_540 = arith.constant 0 : i32
        %dma_wait3A_541 = tpu.memref_slice %arg6[%run_scoped3A, %dma_wait3A_540] : memref<79x128xi32, #tpu.memory_space<vmem>> -> memref<1x128xi32, #tpu.memory_space<vmem>>
        %dma_wait3A_542 = tpu.memref_squeeze %dma_wait3A_541 : memref<1x128xi32, #tpu.memory_space<vmem>> -> memref<128xi32, #tpu.memory_space<vmem>>
        %dma_wait3A_543 = arith.constant 0 : i32
        %dma_wait3A_544 = arith.constant 0 : i32
        %dma_wait3A_545 = tpu.memref_slice %arg2[%dma_wait3A_543, %dma_wait3A_544] : memref<10240x64xf32, #tpu.memory_space<hbm>> -> memref<10240x64xf32, #tpu.memory_space<hbm>>
        tpu.wait_indirect_dma semaphore(%run_scoped3A_525 : memref<!tpu.dma_semaphore, #tpu.memory_space<semaphore_mem>>) src(%dma_wait3A_545 : memref<10240x64xf32, #tpu.memory_space<hbm>>) dst(%dma_wait3A_539 : memref<128x64xf32, #tpu.memory_space<vmem>>)
        tpu.yield
      }) : () -> ()
      %run_scoped3A_523 = arith.constant 2 : i32
      %run_scoped3A_524 = arith.constant 78 : i32
      "tpu.region"() ({
        %run_scoped3A_525 = tpu.sem_alloc : memref<!tpu.dma_semaphore, #tpu.memory_space<semaphore_mem>>
        %dma_start3A_526 = arith.constant 0 : i32
        %dma_start3A_527 = arith.constant 0 : i32
        %dma_start3A_528 = tpu.memref_slice %arg8[%run_scoped3A_523, %dma_start3A_526, %dma_start3A_527] : memref<4x128x64xf32, #tpu.memory_space<vmem>> -> memref<1x128x64xf32, #tpu.memory_space<vmem>>
        %dma_start3A_529 = tpu.memref_squeeze %dma_start3A_528 : memref<1x128x64xf32, #tpu.memory_space<vmem>> -> memref<128x64xf32, #tpu.memory_space<vmem>>
        %dma_start3A_530 = arith.constant 0 : i32
        %dma_start3A_531 = tpu.memref_slice %arg7[%run_scoped3A_524, %dma_start3A_530] : memref<79x128xi32, #tpu.memory_space<vmem>> -> memref<1x128xi32, #tpu.memory_space<vmem>>
        %dma_start3A_532 = tpu.memref_squeeze %dma_start3A_531 : memref<1x128xi32, #tpu.memory_space<vmem>> -> memref<128xi32, #tpu.memory_space<vmem>>
        %dma_start3A_533 = arith.constant 0 : i32
        %dma_start3A_534 = arith.constant 0 : i32
        %dma_start3A_535 = tpu.memref_slice %arg9[%dma_start3A_533, %dma_start3A_534] : memref<10240x64xf32, #tpu.memory_space<vmem_shared>> -> memref<10240x64xf32, #tpu.memory_space<vmem_shared>>
        tpu.enqueue_indirect_dma source(%dma_start3A_529 : memref<128x64xf32, #tpu.memory_space<vmem>>) target(%dma_start3A_535 : memref<10240x64xf32, #tpu.memory_space<vmem_shared>>) offsets(%dma_start3A_532 : memref<128xi32, #tpu.memory_space<vmem>>) semaphore(%run_scoped3A_525 : memref<!tpu.dma_semaphore, #tpu.memory_space<semaphore_mem>>) {add = true}
        %dma_wait3A_536 = arith.constant 0 : i32
        %dma_wait3A_537 = arith.constant 0 : i32
        %dma_wait3A_538 = tpu.memref_slice %arg8[%run_scoped3A_523, %dma_wait3A_536, %dma_wait3A_537] : memref<4x128x64xf32, #tpu.memory_space<vmem>> -> memref<1x128x64xf32, #tpu.memory_space<vmem>>
        %dma_wait3A_539 = tpu.memref_squeeze %dma_wait3A_538 : memref<1x128x64xf32, #tpu.memory_space<vmem>> -> memref<128x64xf32, #tpu.memory_space<vmem>>
        %dma_wait3A_540 = arith.constant 0 : i32
        %dma_wait3A_541 = tpu.memref_slice %arg7[%run_scoped3A_524, %dma_wait3A_540] : memref<79x128xi32, #tpu.memory_space<vmem>> -> memref<1x128xi32, #tpu.memory_space<vmem>>
        %dma_wait3A_542 = tpu.memref_squeeze %dma_wait3A_541 : memref<1x128xi32, #tpu.memory_space<vmem>> -> memref<128xi32, #tpu.memory_space<vmem>>
        %dma_wait3A_543 = arith.constant 0 : i32
        %dma_wait3A_544 = arith.constant 0 : i32
        %dma_wait3A_545 = tpu.memref_slice %arg9[%dma_wait3A_543, %dma_wait3A_544] : memref<10240x64xf32, #tpu.memory_space<vmem_shared>> -> memref<10240x64xf32, #tpu.memory_space<vmem_shared>>
        tpu.wait_indirect_dma semaphore(%run_scoped3A_525 : memref<!tpu.dma_semaphore, #tpu.memory_space<semaphore_mem>>) src(%dma_wait3A_539 : memref<128x64xf32, #tpu.memory_space<vmem>>) dst(%dma_wait3A_545 : memref<10240x64xf32, #tpu.memory_space<vmem_shared>>)
        tpu.yield
      }) : () -> ()
    } else {
    }
    %barrier3A_512 = arith.constant 0 : index
    tpu.barrier barrier_id(%barrier3A_512)
    %mul3A_513 = arith.constant 640 : i32
    %mul3A_514 = arith.muli %arg1, %mul3A_513 : i32
    %mul3A_515 = arith.constant 10240 : i32
    %mul3A_516 = arith.muli %arg0, %mul3A_515 : i32
    %add3A_517 = arith.addi %mul3A_516, %mul3A_514 : i32
    "tpu.region"() ({
      %run_scoped3A = tpu.sem_alloc : memref<!tpu.dma_semaphore, #tpu.memory_space<semaphore_mem>>
      %dma_start3A_518 = arith.constant 0 : i32
      %dma_start3A_519 = tpu.memref_slice %arg5[%add3A_517, %dma_start3A_518] : memref<20480x64xf32, #tpu.memory_space<hbm>> -> memref<640x64xf32, #tpu.memory_space<hbm>>
      %dma_start3A_520 = arith.constant 0 : i32
      %dma_start3A_521 = tpu.memref_slice %arg9[%mul3A_514, %dma_start3A_520] : memref<10240x64xf32, #tpu.memory_space<vmem_shared>> -> memref<640x64xf32, #tpu.memory_space<vmem_shared>>
      tpu.enqueue_dma source(%dma_start3A_521 : memref<640x64xf32, #tpu.memory_space<vmem_shared>>) target(%dma_start3A_519 : memref<640x64xf32, #tpu.memory_space<hbm>>) target_semaphore(%run_scoped3A : memref<!tpu.dma_semaphore, #tpu.memory_space<semaphore_mem>>)
      %dma_wait3A_522 = arith.constant 0 : i32
      %dma_wait3A_523 = tpu.memref_slice %arg5[%add3A_517, %dma_wait3A_522] : memref<20480x64xf32, #tpu.memory_space<hbm>> -> memref<640x64xf32, #tpu.memory_space<hbm>>
      %dma_wait3A_524 = arith.constant 0 : i32
      %dma_wait3A_525 = tpu.memref_slice %arg9[%mul3A_514, %dma_wait3A_524] : memref<10240x64xf32, #tpu.memory_space<vmem_shared>> -> memref<640x64xf32, #tpu.memory_space<vmem_shared>>
      tpu.wait_dma2 semaphore(%run_scoped3A : memref<!tpu.dma_semaphore, #tpu.memory_space<semaphore_mem>>) src(%dma_wait3A_525 : memref<640x64xf32, #tpu.memory_space<vmem_shared>>) dst(%dma_wait3A_523 : memref<640x64xf32, #tpu.memory_space<hbm>>)
      tpu.yield
    }) : () -> ()
    return
  }
}

module attributes {stable_mosaic.version = 14 : i64} {
  func.func @body(%arg0: i32, %arg1: memref<640x2x128xf32, #tpu.memory_space<vmem>>, %arg2: memref<64x128xf32, #tpu.memory_space<vmem>>, %arg3: memref<640x128xf32, #tpu.memory_space<vmem>>, %arg4: memref<640x128xf32, #tpu.memory_space<vmem>>, %arg5: memref<640x128xf32, #tpu.memory_space<vmem>>) attributes {dimension_semantics = [#tpu.dimension_semantics<arbitrary>], iteration_bounds = array<i64: 8>, scalar_prefetch = 0 : i64, scratch_operands = 0 : i64, tpu.core_type = #tpu.core_type<tc>, window_params = [{transform_indices = @transform_0, window_bounds = array<i64: 640, 2, 128>}, {pipeline_mode = #tpu.pipeline_mode<synchronous>, transform_indices = @transform_1, window_bounds = array<i64: 64, 128>}, {transform_indices = @transform_2, window_bounds = array<i64: 640, 128>}, {transform_indices = @transform_3, window_bounds = array<i64: 640, 128>}, {transform_indices = @transform_4, window_bounds = array<i64: 640, 128>}]} {
    %get3A = arith.constant 0 : index
    %get3A_0 = arith.constant 0 : index
    %get3A_1 = vector.load %arg3[%get3A, %get3A_0] : memref<640x128xf32, #tpu.memory_space<vmem>>, vector<640x128xf32>
    %get3A_2 = arith.constant 0 : index
    %get3A_3 = arith.constant 0 : index
    %get3A_4 = vector.load %arg4[%get3A_2, %get3A_3] : memref<640x128xf32, #tpu.memory_space<vmem>>, vector<640x128xf32>
    %add3A = arith.addf %get3A_1, %get3A_4 : vector<640x128xf32>
    %mul3A = arith.constant 640 : i32
    %mul3A_5 = arith.muli %arg0, %mul3A : i32
    %add3A_6 = arith.constant 1.000000e+00 : f32
    %add3A_7 = vector.broadcast %add3A_6 : f32 to vector<640x128xf32>
    %add3A_8 = arith.addf %add3A, %add3A_7 : vector<640x128xf32>
    %iota3A = tpu.iota {dimensions = array<i32: 0>} : vector<640x1xi32>
    %add3A_9 = vector.broadcast %mul3A_5 : i32 to vector<640x1xi32>
    %add3A_10 = arith.addi %iota3A, %add3A_9 : vector<640x1xi32>
    %lt3A = arith.constant 5000 : i32
    %lt3A_11 = vector.broadcast %lt3A : i32 to vector<640x1xi32>
    %lt3A_12 = arith.cmpi slt, %add3A_10, %lt3A_11 : vector<640x1xi32>
    %rsqrt3A = math.rsqrt %add3A_8 : vector<640x128xf32>
    %jit3A = arith.constant 0.000000e+00 : f32
    %broadcast_in_dim3A = vector.shape_cast %lt3A_12 : vector<640x1xi1> to vector<640x1xi1>
    %broadcast_in_dim3A_13 = vector.broadcast %broadcast_in_dim3A : vector<640x1xi1> to vector<640x128xi1>
    %broadcast_in_dim3A_14 = vector.broadcast %jit3A : f32 to vector<640x128xf32>
    %select_n3A = arith.select %broadcast_in_dim3A_13, %rsqrt3A, %broadcast_in_dim3A_14 : vector<640x128xi1>, vector<640x128xf32>
    %get3A_15 = arith.constant 0 : index
    %get3A_16 = arith.constant 0 : index
    %get3A_17 = arith.constant 0 : index
    %get3A_18 = vector.load %arg1[%get3A_15, %get3A_16, %get3A_17] : memref<640x2x128xf32, #tpu.memory_space<vmem>>, vector<640x1x128xf32>
    %get3A_19 = vector.shape_cast %get3A_18 : vector<640x1x128xf32> to vector<640x128xf32>
    %get3A_20 = arith.constant 0 : index
    %get3A_21 = arith.constant 0 : index
    %get3A_22 = vector.load %arg2[%get3A_20, %get3A_21] : memref<64x128xf32, #tpu.memory_space<vmem>>, vector<64x128xf32>
    %dot_general3A = arith.constant dense<0.000000e+00> : vector<640x64xf32>
    %dot_general3A_23 = tpu.matmul %get3A_19, %get3A_22, %dot_general3A {dimension_numbers = #tpu.dot_dimension_numbers<[1], [1], [0], [0], [0, 0, 1, 0], [], []>, transpose_lhs_hint = false} : vector<640x128xf32>, vector<64x128xf32>, vector<640x64xf32> -> vector<640x64xf32>
    %get3A_24 = arith.constant 0 : index
    %get3A_25 = arith.constant 1 : index
    %get3A_26 = arith.constant 0 : index
    %get3A_27 = vector.load %arg1[%get3A_24, %get3A_25, %get3A_26] : memref<640x2x128xf32, #tpu.memory_space<vmem>>, vector<640x1x128xf32>
    %get3A_28 = vector.shape_cast %get3A_27 : vector<640x1x128xf32> to vector<640x128xf32>
    %get3A_29 = arith.constant 0 : index
    %get3A_30 = arith.constant 0 : index
    %get3A_31 = vector.load %arg2[%get3A_29, %get3A_30] : memref<64x128xf32, #tpu.memory_space<vmem>>, vector<64x128xf32>
    %dot_general3A_32 = arith.constant dense<0.000000e+00> : vector<640x64xf32>
    %dot_general3A_33 = tpu.matmul %get3A_28, %get3A_31, %dot_general3A_32 {dimension_numbers = #tpu.dot_dimension_numbers<[1], [1], [0], [0], [0, 0, 1, 0], [], []>, transpose_lhs_hint = false} : vector<640x128xf32>, vector<64x128xf32>, vector<640x64xf32> -> vector<640x64xf32>
    %concatenate3A = tpu.concatenate %dot_general3A_23, %dot_general3A_33 in 1 : vector<640x64xf32>, vector<640x64xf32> -> vector<640x128xf32>
    %mul3A_34 = arith.mulf %concatenate3A, %select_n3A : vector<640x128xf32>
    %swap3A = arith.constant 0 : index
    %swap3A_35 = arith.constant 0 : index
    %swap3A_36 = vector.load %arg5[%swap3A, %swap3A_35] : memref<640x128xf32, #tpu.memory_space<vmem>>, vector<640x128xf32>
    tpu.vector_store %arg5[%swap3A, %swap3A_35], %mul3A_34 {strides = array<i32>} : memref<640x128xf32, #tpu.memory_space<vmem>>, vector<640x128xf32>,
    return
  }
  func.func @transform_0(%arg0: i32) -> (i32, i32, i32) {
    %c0_i32 = arith.constant 0 : i32
    %c0_i32_0 = arith.constant 0 : i32
    %c0_i32_1 = arith.constant 0 : i32
    return %arg0, %c0_i32, %c0_i32_0 : i32, i32, i32
  }
  func.func @transform_1(%arg0: i32) -> (i32, i32) {
    %c0_i32 = arith.constant 0 : i32
    %c0_i32_0 = arith.constant 0 : i32
    %c0_i32_1 = arith.constant 0 : i32
    return %c0_i32, %c0_i32_0 : i32, i32
  }
  func.func @transform_2(%arg0: i32) -> (i32, i32) {
    %c0_i32 = arith.constant 0 : i32
    %c0_i32_0 = arith.constant 0 : i32
    return %arg0, %c0_i32 : i32, i32
  }
  func.func @transform_3(%arg0: i32) -> (i32, i32) {
    %add3A = arith.constant 8 : i32
    %add3A_0 = arith.addi %add3A, %arg0 : i32
    %c0_i32 = arith.constant 0 : i32
    %c0_i32_1 = arith.constant 0 : i32
    return %add3A_0, %c0_i32 : i32, i32
  }
  func.func @transform_4(%arg0: i32) -> (i32, i32) {
    %c0_i32 = arith.constant 0 : i32
    %c0_i32_0 = arith.constant 0 : i32
    return %arg0, %c0_i32 : i32, i32
  }
}

module attributes {stable_mosaic.version = 14 : i64} {
  func.func @body(%arg0: i32, %arg1: memref<640x128xf32, #tpu.memory_space<vmem>>, %arg2: memref<640x128xf32, #tpu.memory_space<vmem>>, %arg3: memref<640x128xf32, #tpu.memory_space<vmem>>, %arg4: memref<640x128xf32, #tpu.memory_space<vmem>>, %arg5: memref<640x128xf32, #tpu.memory_space<vmem>>, %arg6: memref<640x128xf32, #tpu.memory_space<vmem>>) attributes {dimension_semantics = [#tpu.dimension_semantics<arbitrary>], iteration_bounds = array<i64: 8>, scalar_prefetch = 0 : i64, scratch_operands = 0 : i64, tpu.core_type = #tpu.core_type<tc>, window_params = [{transform_indices = @transform_0, window_bounds = array<i64: 640, 128>}, {transform_indices = @transform_1, window_bounds = array<i64: 640, 128>}, {transform_indices = @transform_2, window_bounds = array<i64: 640, 128>}, {transform_indices = @transform_3, window_bounds = array<i64: 640, 128>}, {transform_indices = @transform_4, window_bounds = array<i64: 640, 128>}, {transform_indices = @transform_5, window_bounds = array<i64: 640, 128>}]} {
    %get3A = arith.constant 0 : index
    %get3A_0 = arith.constant 0 : index
    %get3A_1 = vector.load %arg4[%get3A, %get3A_0] : memref<640x128xf32, #tpu.memory_space<vmem>>, vector<640x128xf32>
    %get3A_2 = arith.constant 0 : index
    %get3A_3 = arith.constant 0 : index
    %get3A_4 = vector.load %arg5[%get3A_2, %get3A_3] : memref<640x128xf32, #tpu.memory_space<vmem>>, vector<640x128xf32>
    %add3A = arith.addf %get3A_1, %get3A_4 : vector<640x128xf32>
    %mul3A = arith.constant 640 : i32
    %mul3A_5 = arith.muli %arg0, %mul3A : i32
    %add3A_6 = arith.constant 1.000000e+00 : f32
    %add3A_7 = vector.broadcast %add3A_6 : f32 to vector<640x128xf32>
    %add3A_8 = arith.addf %add3A, %add3A_7 : vector<640x128xf32>
    %iota3A = tpu.iota {dimensions = array<i32: 0>} : vector<640x1xi32>
    %add3A_9 = vector.broadcast %mul3A_5 : i32 to vector<640x1xi32>
    %add3A_10 = arith.addi %iota3A, %add3A_9 : vector<640x1xi32>
    %lt3A = arith.constant 5000 : i32
    %lt3A_11 = vector.broadcast %lt3A : i32 to vector<640x1xi32>
    %lt3A_12 = arith.cmpi slt, %add3A_10, %lt3A_11 : vector<640x1xi32>
    %rsqrt3A = math.rsqrt %add3A_8 : vector<640x128xf32>
    %jit3A = arith.constant 0.000000e+00 : f32
    %broadcast_in_dim3A = vector.shape_cast %lt3A_12 : vector<640x1xi1> to vector<640x1xi1>
    %broadcast_in_dim3A_13 = vector.broadcast %broadcast_in_dim3A : vector<640x1xi1> to vector<640x128xi1>
    %broadcast_in_dim3A_14 = vector.broadcast %jit3A : f32 to vector<640x128xf32>
    %select_n3A = arith.select %broadcast_in_dim3A_13, %rsqrt3A, %broadcast_in_dim3A_14 : vector<640x128xi1>, vector<640x128xf32>
    %get3A_15 = arith.constant 0 : index
    %get3A_16 = arith.constant 0 : index
    %get3A_17 = vector.load %arg1[%get3A_15, %get3A_16] : memref<640x128xf32, #tpu.memory_space<vmem>>, vector<640x128xf32>
    %get3A_18 = arith.constant 0 : index
    %get3A_19 = arith.constant 0 : index
    %get3A_20 = vector.load %arg2[%get3A_18, %get3A_19] : memref<640x128xf32, #tpu.memory_space<vmem>>, vector<640x128xf32>
    %add3A_21 = arith.addf %get3A_17, %get3A_20 : vector<640x128xf32>
    %get3A_22 = arith.constant 0 : index
    %get3A_23 = arith.constant 0 : index
    %get3A_24 = vector.load %arg3[%get3A_22, %get3A_23] : memref<640x128xf32, #tpu.memory_space<vmem>>, vector<640x128xf32>
    %add3A_25 = arith.addf %add3A_21, %get3A_24 : vector<640x128xf32>
    %mul3A_26 = arith.mulf %select_n3A, %select_n3A : vector<640x128xf32>
    %mul3A_27 = arith.mulf %add3A_25, %mul3A_26 : vector<640x128xf32>
    %swap3A = arith.constant 0 : index
    %swap3A_28 = arith.constant 0 : index
    %swap3A_29 = vector.load %arg6[%swap3A, %swap3A_28] : memref<640x128xf32, #tpu.memory_space<vmem>>, vector<640x128xf32>
    tpu.vector_store %arg6[%swap3A, %swap3A_28], %mul3A_27 {strides = array<i32>} : memref<640x128xf32, #tpu.memory_space<vmem>>, vector<640x128xf32>,
    return
  }
  func.func @transform_0(%arg0: i32) -> (i32, i32) {
    %c0_i32 = arith.constant 0 : i32
    %c0_i32_0 = arith.constant 0 : i32
    return %arg0, %c0_i32 : i32, i32
  }
  func.func @transform_1(%arg0: i32) -> (i32, i32) {
    %add3A = arith.constant 8 : i32
    %add3A_0 = arith.addi %add3A, %arg0 : i32
    %c0_i32 = arith.constant 0 : i32
    %c0_i32_1 = arith.constant 0 : i32
    return %add3A_0, %c0_i32 : i32, i32
  }
  func.func @transform_2(%arg0: i32) -> (i32, i32) {
    %c0_i32 = arith.constant 0 : i32
    %c0_i32_0 = arith.constant 0 : i32
    return %arg0, %c0_i32 : i32, i32
  }
  func.func @transform_3(%arg0: i32) -> (i32, i32) {
    %c0_i32 = arith.constant 0 : i32
    %c0_i32_0 = arith.constant 0 : i32
    return %arg0, %c0_i32 : i32, i32
  }
  func.func @transform_4(%arg0: i32) -> (i32, i32) {
    %add3A = arith.constant 8 : i32
    %add3A_0 = arith.addi %add3A, %arg0 : i32
    %c0_i32 = arith.constant 0 : i32
    %c0_i32_1 = arith.constant 0 : i32
    return %add3A_0, %c0_i32 : i32, i32
  }
  func.func @transform_5(%arg0: i32) -> (i32, i32) {
    %c0_i32 = arith.constant 0 : i32
    %c0_i32_0 = arith.constant 0 : i32
    return %arg0, %c0_i32 : i32, i32
  }
}

module attributes {stable_mosaic.version = 14 : i64} {
  func.func @body(%arg0: i32, %arg1: memref<640x128xf32, #tpu.memory_space<vmem>>, %arg2: memref<640x128xf32, #tpu.memory_space<vmem>>, %arg3: memref<640x128xf32, #tpu.memory_space<vmem>>, %arg4: memref<640x128xf32, #tpu.memory_space<vmem>>, %arg5: memref<640x128xf32, #tpu.memory_space<vmem>>, %arg6: memref<1x128xf32, #tpu.memory_space<vmem>>, %arg7: memref<640x128xf32, #tpu.memory_space<vmem>>) attributes {dimension_semantics = [#tpu.dimension_semantics<arbitrary>], iteration_bounds = array<i64: 8>, scalar_prefetch = 0 : i64, scratch_operands = 0 : i64, tpu.core_type = #tpu.core_type<tc>, window_params = [{transform_indices = @transform_0, window_bounds = array<i64: 640, 128>}, {transform_indices = @transform_1, window_bounds = array<i64: 640, 128>}, {transform_indices = @transform_2, window_bounds = array<i64: 640, 128>}, {transform_indices = @transform_3, window_bounds = array<i64: 640, 128>}, {transform_indices = @transform_4, window_bounds = array<i64: 640, 128>}, {pipeline_mode = #tpu.pipeline_mode<synchronous>, transform_indices = @transform_5, window_bounds = array<i64: 1, 128>}, {transform_indices = @transform_6, window_bounds = array<i64: 640, 128>}]} {
    %get3A = arith.constant 0 : index
    %get3A_0 = arith.constant 0 : index
    %get3A_1 = vector.load %arg4[%get3A, %get3A_0] : memref<640x128xf32, #tpu.memory_space<vmem>>, vector<640x128xf32>
    %get3A_2 = arith.constant 0 : index
    %get3A_3 = arith.constant 0 : index
    %get3A_4 = vector.load %arg5[%get3A_2, %get3A_3] : memref<640x128xf32, #tpu.memory_space<vmem>>, vector<640x128xf32>
    %add3A = arith.addf %get3A_1, %get3A_4 : vector<640x128xf32>
    %mul3A = arith.constant 640 : i32
    %mul3A_5 = arith.muli %arg0, %mul3A : i32
    %add3A_6 = arith.constant 1.000000e+00 : f32
    %add3A_7 = vector.broadcast %add3A_6 : f32 to vector<640x128xf32>
    %add3A_8 = arith.addf %add3A, %add3A_7 : vector<640x128xf32>
    %iota3A = tpu.iota {dimensions = array<i32: 0>} : vector<640x1xi32>
    %add3A_9 = vector.broadcast %mul3A_5 : i32 to vector<640x1xi32>
    %add3A_10 = arith.addi %iota3A, %add3A_9 : vector<640x1xi32>
    %lt3A = arith.constant 5000 : i32
    %lt3A_11 = vector.broadcast %lt3A : i32 to vector<640x1xi32>
    %lt3A_12 = arith.cmpi slt, %add3A_10, %lt3A_11 : vector<640x1xi32>
    %rsqrt3A = math.rsqrt %add3A_8 : vector<640x128xf32>
    %jit3A = arith.constant 0.000000e+00 : f32
    %broadcast_in_dim3A = vector.shape_cast %lt3A_12 : vector<640x1xi1> to vector<640x1xi1>
    %broadcast_in_dim3A_13 = vector.broadcast %broadcast_in_dim3A : vector<640x1xi1> to vector<640x128xi1>
    %broadcast_in_dim3A_14 = vector.broadcast %jit3A : f32 to vector<640x128xf32>
    %select_n3A = arith.select %broadcast_in_dim3A_13, %rsqrt3A, %broadcast_in_dim3A_14 : vector<640x128xi1>, vector<640x128xf32>
    %get3A_15 = arith.constant 0 : index
    %get3A_16 = arith.constant 0 : index
    %get3A_17 = vector.load %arg1[%get3A_15, %get3A_16] : memref<640x128xf32, #tpu.memory_space<vmem>>, vector<640x128xf32>
    %get3A_18 = arith.constant 0 : index
    %get3A_19 = arith.constant 0 : index
    %get3A_20 = vector.load %arg2[%get3A_18, %get3A_19] : memref<640x128xf32, #tpu.memory_space<vmem>>, vector<640x128xf32>
    %add3A_21 = arith.addf %get3A_17, %get3A_20 : vector<640x128xf32>
    %get3A_22 = arith.constant 0 : index
    %get3A_23 = arith.constant 0 : index
    %get3A_24 = vector.load %arg3[%get3A_22, %get3A_23] : memref<640x128xf32, #tpu.memory_space<vmem>>, vector<640x128xf32>
    %add3A_25 = arith.addf %add3A_21, %get3A_24 : vector<640x128xf32>
    %mul3A_26 = arith.mulf %add3A_25, %select_n3A : vector<640x128xf32>
    %get3A_27 = arith.constant 0 : index
    %get3A_28 = arith.constant 0 : index
    %get3A_29 = vector.load %arg6[%get3A_27, %get3A_28] : memref<1x128xf32, #tpu.memory_space<vmem>>, vector<1x128xf32>
    %add3A_30 = vector.broadcast %get3A_29 : vector<1x128xf32> to vector<640x128xf32>
    %add3A_31 = arith.addf %mul3A_26, %add3A_30 : vector<640x128xf32>
    %slice3A = vector.extract_strided_slice %add3A_31 {offsets = [0, 0], sizes = [640, 64], strides = [1, 1]} : vector<640x128xf32> to vector<640x64xf32>
    %slice3A_32 = vector.extract_strided_slice %add3A_31 {offsets = [0, 64], sizes = [640, 64], strides = [1, 1]} : vector<640x128xf32> to vector<640x64xf32>
    %reduce_max3A = arith.constant dense<0xFF800000> : vector<640xf32>
    %reduce_max3A_33 = vector.multi_reduction <maximumf>, %slice3A, %reduce_max3A [1] : vector<640x64xf32> to vector<640xf32>
    %broadcast_in_dim3A_34 = vector.shape_cast %reduce_max3A_33 : vector<640xf32> to vector<640x1xf32>
    %reduce_max3A_35 = arith.constant dense<0xFF800000> : vector<640xf32>
    %reduce_max3A_36 = vector.multi_reduction <maximumf>, %slice3A_32, %reduce_max3A_35 [1] : vector<640x64xf32> to vector<640xf32>
    %broadcast_in_dim3A_37 = vector.shape_cast %reduce_max3A_36 : vector<640xf32> to vector<640x1xf32>
    %sub3A = vector.broadcast %broadcast_in_dim3A_34 : vector<640x1xf32> to vector<640x64xf32>
    %sub3A_38 = arith.subf %slice3A, %sub3A : vector<640x64xf32>
    %exp3A = math.exp %sub3A_38 : vector<640x64xf32>
    %reduce_sum3A = arith.constant dense<0.000000e+00> : vector<640xf32>
    %reduce_sum3A_39 = vector.multi_reduction <add>, %exp3A, %reduce_sum3A [1] : vector<640x64xf32> to vector<640xf32>
    %broadcast_in_dim3A_40 = vector.shape_cast %reduce_sum3A_39 : vector<640xf32> to vector<640x1xf32>
    %log3A = math.log %broadcast_in_dim3A_40 : vector<640x1xf32>
    %add3A_41 = arith.addf %broadcast_in_dim3A_34, %log3A : vector<640x1xf32>
    %sub3A_42 = vector.broadcast %broadcast_in_dim3A_37 : vector<640x1xf32> to vector<640x64xf32>
    %sub3A_43 = arith.subf %slice3A_32, %sub3A_42 : vector<640x64xf32>
    %exp3A_44 = math.exp %sub3A_43 : vector<640x64xf32>
    %reduce_sum3A_45 = arith.constant dense<0.000000e+00> : vector<640xf32>
    %reduce_sum3A_46 = vector.multi_reduction <add>, %exp3A_44, %reduce_sum3A_45 [1] : vector<640x64xf32> to vector<640xf32>
    %broadcast_in_dim3A_47 = vector.shape_cast %reduce_sum3A_46 : vector<640xf32> to vector<640x1xf32>
    %log3A_48 = math.log %broadcast_in_dim3A_47 : vector<640x1xf32>
    %add3A_49 = arith.addf %broadcast_in_dim3A_37, %log3A_48 : vector<640x1xf32>
    %sub3A_50 = vector.broadcast %add3A_41 : vector<640x1xf32> to vector<640x64xf32>
    %sub3A_51 = arith.subf %slice3A, %sub3A_50 : vector<640x64xf32>
    %sub3A_52 = vector.broadcast %add3A_49 : vector<640x1xf32> to vector<640x64xf32>
    %sub3A_53 = arith.subf %slice3A_32, %sub3A_52 : vector<640x64xf32>
    %concatenate3A = tpu.concatenate %sub3A_51, %sub3A_53 in 1 : vector<640x64xf32>, vector<640x64xf32> -> vector<640x128xf32>
    %swap3A = arith.constant 0 : index
    %swap3A_54 = arith.constant 0 : index
    %swap3A_55 = vector.load %arg7[%swap3A, %swap3A_54] : memref<640x128xf32, #tpu.memory_space<vmem>>, vector<640x128xf32>
    tpu.vector_store %arg7[%swap3A, %swap3A_54], %concatenate3A {strides = array<i32>} : memref<640x128xf32, #tpu.memory_space<vmem>>, vector<640x128xf32>,
    return
  }
  func.func @transform_0(%arg0: i32) -> (i32, i32) {
    %c0_i32 = arith.constant 0 : i32
    %c0_i32_0 = arith.constant 0 : i32
    return %arg0, %c0_i32 : i32, i32
  }
  func.func @transform_1(%arg0: i32) -> (i32, i32) {
    %add3A = arith.constant 8 : i32
    %add3A_0 = arith.addi %add3A, %arg0 : i32
    %c0_i32 = arith.constant 0 : i32
    %c0_i32_1 = arith.constant 0 : i32
    return %add3A_0, %c0_i32 : i32, i32
  }
  func.func @transform_2(%arg0: i32) -> (i32, i32) {
    %c0_i32 = arith.constant 0 : i32
    %c0_i32_0 = arith.constant 0 : i32
    return %arg0, %c0_i32 : i32, i32
  }
  func.func @transform_3(%arg0: i32) -> (i32, i32) {
    %c0_i32 = arith.constant 0 : i32
    %c0_i32_0 = arith.constant 0 : i32
    return %arg0, %c0_i32 : i32, i32
  }
  func.func @transform_4(%arg0: i32) -> (i32, i32) {
    %add3A = arith.constant 8 : i32
    %add3A_0 = arith.addi %add3A, %arg0 : i32
    %c0_i32 = arith.constant 0 : i32
    %c0_i32_1 = arith.constant 0 : i32
    return %add3A_0, %c0_i32 : i32, i32
  }
  func.func @transform_5(%arg0: i32) -> (i32, i32) {
    %c0_i32 = arith.constant 0 : i32
    %c0_i32_0 = arith.constant 0 : i32
    %c0_i32_1 = arith.constant 0 : i32
    return %c0_i32, %c0_i32_0 : i32, i32
  }
  func.func @transform_6(%arg0: i32) -> (i32, i32) {
    %c0_i32 = arith.constant 0 : i32
    %c0_i32_0 = arith.constant 0 : i32
    return %arg0, %c0_i32 : i32, i32
  }
}

</mosaic_0001>

<sc_bundles>
// kernel: kernel.11.cloned.1.call-start
scs
__scs_entry_jumppad:
0x0: {  	(pc) =	sbr.rel $0x88, $3  }
0x1: {  	(tag) =	ssettag $0x0;
	lr =	simm.s32 $0x1  }
0x2: {  	[smem:$0x3F9D] =	sst lr;
	_ =	strace $0xD0000000  }
0x3: {  	_ = 	snop  }
0x4: {  	_ = 	snop  }
0x5: {  	_ = 	snop  }
0x6: {  	_ = 	snop  }
0x7: {  	_ = 	snop  }
__scs_overlays_trampoline_lowered:
0x8: {  	[smem:$0x3FAC] =	sst s0  }
0x9: {  	[smem:$0x3FAD] =	sst s1  }
0xa: {  	[smem:$0x3FAE] =	sst s2  }
0xb: {  	[smem:$0x3FAF] =	sst s3  }
0xc: {  	[smem:$0x3FB0] =	sst s4  }
0xd: {  	[smem:$0x3FB1] =	sst s5  }
0xe: {  	[smem:$0x3FB2] =	sst s6  }
0xf: {  	[smem:$0x3FB3] =	sst s7  }
0x10: {  	[smem:$0x3FB4] =	sst s8  }
0x11: {  	[smem:$0x3FB5] =	sst s9;
	s0 =	simm.s32 @!p0 $0x0  }
0x12: {  	s1 =	sld [smem:$0x3F9B];
	s0 =	simm.s32 @p0 $0x1  }
0x13: {  	[smem:$0x3FB6] =	sst s0;
	s0 =	simm.s32 @!p1 $0x0  }
0x14: {  	s2 =	sld [smem:$0x3F9A];
	s0 =	simm.s32 @p1 $0x1  }
0x15: {  	[smem:$0x3FB7] =	sst s0;
	s0 =	simm.s32 @!p2 $0x0  }
0x16: {  	s3 =	sld [smem:$0x3FDB];
	s0 =	simm.s32 @p2 $0x1  }
0x17: {  	s4 =	simm.s32 $0x1BF5;
	[smem:$0x3FB9] =	sst s0  }
0x18: {  	s0 =	sld [smem:$0x3F9C];
	_ =	swait.ge [sflag:s4], $0x0  }
0x19: {  	s7 =	sld [smem:$0x3F9D]  }
0x1a: {  	s8 =	sadd.s32 $0xFFFFE003, lr  }
0x1b: {  	s9 =	sadd.s32 $0xFFFFFEF7, lr;
	s5 =	simm.s32 $0xFFFFFFFF;
	p2 =	slt.u32 s8, $0xFFFFF086  }
0x1c: {  	p1 =	slt.u32 s9, $0xF7A;
	s5 =	simm.s32 @!p2 $0x0  }
0x1d: {  	s5 =	simm.s32 @p1 $0x1;
	p0 =	seq.s32 s7, s2  }
0x1e: {  	s7 =	smul.u32 @!p0 $0xF7A, s2;
	p2 =	seq.s32 @!p0 s5, $0x0  }
0x1f: {  	s9 =	smul.u32 $0xF7A, s1;
	s8 =	simm.s32 @!p0 $0x1BF5;
	p2 =	por !p2, p0  }
0x20: {  	[sflag:s8] =	ssyncset.s32 @!p0 $0xFFFFF086;
	s6 =	sadd.s32 @!p0 s3, s7;
	s7 =	simm.s32 @!p0 $0x108  }
0x21: {  	s3 =	sadd.s32 s3, s9;
	s6 =	sadd.s32 @!p0 $0x88, s6;
	s7 =	simm.s32 @p2 $0x1082  }
0x22: {  	[simem:s7], [sflag:s8] =	dma.local @!p0 [hbm:s6], $0xF7A  }
0x23: {  	s9 =	sor.u32 $0xD0000000, s2;
	s6 =	simm.s32 $0x108;
	_ =	swait.ge @!p0 [sflag:s8], $0x0  }
0x24: {  	s3 =	sadd.s32 $0x88, s3;
	s6 =	simm.s32 @!p1 $0x1082;
	[sflag:s4] =	ssyncset.s32 $0xFFFFF086  }
0x25: {  	[simem:s6], [sflag:s4] =	dma.local [hbm:s3], $0xF7A  }
0x26: {  	[smem:$0x3F9D] =	sst s1;
	(tag) =	ssettag s2;
	_ =	strace s9  }
0x27: {  	s1 =	sld [smem:$0x3FAD]  }
0x28: {  	s2 =	sld [smem:$0x3FAE]  }
0x29: {  	s4 =	sld [smem:$0x3FB0]  }
0x2a: {  	p0 =	seq.s32 s5, $0x0;
	s5 =	sld [smem:$0x3FB1]  }
0x2b: {  	s6 =	sld [smem:$0x3FB2]  }
0x2c: {  	s7 =	sld [smem:$0x3FB3]  }
0x2d: {  	s3 =	simm.s32 $0x108;
	s8 =	sld [smem:$0x3FB4]  }
0x2e: {  	s3 =	simm.s32 @!p0 $0x1082;
	s9 =	sld [smem:$0x3FB5]  }
0x2f: {  	lr =	sadd.s32 s0, s3;
	s0 =	sld [smem:$0x3FAC]  }
0x30: {  	s3 =	sld [smem:$0x3FAF]  }
0x31: {  	[smem:$0x3FB8] =	sst s10  }
0x32: {  	s10 =	sld [smem:$0x3FB6];
	_ =	sdelay $0x3  }
0x33: {  	p0 =	seq.s32 s10, $0x1;
	s10 =	sld [smem:$0x3FB8];
	_ =	sdelay $0x3  }
0x34: {  	[smem:$0x3FB8] =	sst s10  }
0x35: {  	s10 =	sld [smem:$0x3FB7];
	_ =	sdelay $0x3  }
0x36: {  	p1 =	seq.s32 s10, $0x1;
	s10 =	sld [smem:$0x3FB8];
	_ =	sdelay $0x3  }
0x37: {  	[smem:$0x3FB8] =	sst s10  }
0x38: {  	s10 =	sld [smem:$0x3FB9]  }
0x39: {  	_ = 	snop;
	(pc) =	sbr.ind lr, $3  }
0x3a: {  	_ = 	snop  }
0x3b: {  	_ = 	snop  }
0x3c: {  	p2 =	seq.s32 s10, $0x1;
	s10 =	sld [smem:$0x3FB8]  }
0x3d: {  	_ =	shalt  }
0x3e: {  	_ =	shalt  }
0x3f: {  	_ =	shalt  }
0x40: {  	_ =	shalt  }
0x41: {  	_ =	shalt  }
0x42: {  	_ =	shalt  }
0x43: {  	_ =	shalt  }
0x44: {  	_ =	shalt  }
0x45: {  	_ =	shalt  }
0x46: {  	_ =	shalt  }
0x47: {  	_ =	shalt  }
0x48: {  	_ =	shalt  }
0x49: {  	_ =	shalt  }
0x4a: {  	_ =	shalt  }
0x4b: {  	_ =	shalt  }
0x4c: {  	_ =	shalt  }
0x4d: {  	_ =	shalt  }
0x4e: {  	_ =	shalt  }
0x4f: {  	_ =	shalt  }
0x50: {  	_ =	shalt  }
0x51: {  	_ =	shalt  }
0x52: {  	_ =	shalt  }
0x53: {  	_ =	shalt  }
0x54: {  	_ =	shalt  }
0x55: {  	_ =	shalt  }
0x56: {  	_ =	shalt  }
0x57: {  	_ =	shalt  }
0x58: {  	_ =	shalt  }
0x59: {  	_ =	shalt  }
0x5a: {  	_ =	shalt  }
0x5b: {  	_ =	shalt  }
0x5c: {  	_ =	shalt  }
0x5d: {  	_ =	shalt  }
0x5e: {  	_ =	shalt  }
0x5f: {  	_ =	shalt  }
0x60: {  	_ =	shalt  }
0x61: {  	_ =	shalt  }
0x62: {  	_ =	shalt  }
0x63: {  	_ =	shalt  }
0x64: {  	_ =	shalt  }
0x65: {  	_ =	shalt  }
0x66: {  	_ =	shalt  }
0x67: {  	_ =	shalt  }
0x68: {  	_ =	shalt  }
0x69: {  	_ =	shalt  }
0x6a: {  	_ =	shalt  }
0x6b: {  	_ =	shalt  }
0x6c: {  	_ =	shalt  }
0x6d: {  	_ =	shalt  }
0x6e: {  	_ =	shalt  }
0x6f: {  	_ =	shalt  }
0x70: {  	_ =	shalt  }
0x71: {  	_ =	shalt  }
0x72: {  	_ =	shalt  }
0x73: {  	_ =	shalt  }
0x74: {  	_ =	shalt  }
0x75: {  	_ =	shalt  }
0x76: {  	_ =	shalt  }
0x77: {  	_ =	shalt  }
0x78: {  	_ =	shalt  }
0x79: {  	_ =	shalt  }
0x7a: {  	_ =	shalt  }
0x7b: {  	_ =	shalt  }
0x7c: {  	_ =	shalt  }
0x7d: {  	_ =	shalt  }
0x7e: {  	_ =	shalt  }
0x7f: {  	_ =	shalt  }
0x80: {  	_ =	shalt  }
0x81: {  	_ =	shalt  }
0x82: {  	_ =	shalt  }
0x83: {  	_ =	shalt  }
0x84: {  	_ =	shalt  }
0x85: {  	_ =	shalt  }
0x86: {  	_ =	shalt  }
0x87: {  	_ =	shalt  }
.Lfunc_end0:
.L_simem_size_0:
called_computation.1_lowered:
.L_overlay_start_0:
0x88: {  	s2 =	sld [smem:$0x3FD9]  }
0x89: {  	s3 =	sld [smem:$0x3FFE];
	_ =	sdelay $0x1  }
0x8a: {  	s1 =	srdreg.scid  }
0x8b: {  	s0 =	sand.u32 $0x1, s1  }
0x8c: {  	s17 =	sshll.u32 s0, $0xA;
	s2 =	sadd.s32 s3, s2  }
0x8d: {  	s2 =	sadd.s32 s2, s17  }
0x8e: {  	[smem:$0x3FC4] =	sst s2  }
0x8f: {  	_ = 	snop  }
0x90: {  	s2 =	sld [smem:$0x3FD0];
	(tm) =	ssettm $0x1  }
0x91: {  	s18 =	sld [smem:$0x3FFB];
	_ =	sdelay $0x3  }
0x92: {  	_ =	strace s18  }
0x93: {  	s3 =	sld [smem:$0x3FFC];
	_ =	sdelay $0x3  }
0x94: {  	_ =	strace s3  }
0x95: {  	s3 =	sld [smem:$0x3FFD];
	_ =	sdelay $0x3  }
0x96: {  	_ =	strace s3  }
0x97: {  	_ =	strace $0x8FFFFFFF  }
0x98: {  	s19 =	sld [smem:$0x3FDB];
	_ =	sdelay $0x1  }
0x99: {  	s4 =	simm.s32 $_scs_section_size  }
0x9a: {  	s5 =	simm.s32 $_size__tile_overlayer_lowered;
	s6 =	simm.s32 $_tile_overlayer_lowered  }
0x9b: {  	s22 =	simm.s32 $0x1BFF;
	s21 =	sshll.u32 s6, $0x1;
	s3 =	sadd.s32 s4, s19  }
0x9c: {  	s7 =	simm.s32 $0x0;
	s20 =	sshll.u32 s5, $0x1;
	s5 =	sadd.s32 s21, s3  }
0x9d: {  	[timem:s7], [sflag:s22] =	dma.local [hbm:s5], s20  }
0x9e: {  	_ =	swait.ge [sflag:s22], s20  }
0x9f: {  	s4 =	ssub.s32 $0x0, s20;
	[sflag:s22] =	ssyncset.done $0x0  }
0xa0: {  	[sflag:s22] =	ssyncadd.s32 s4;
	_ =	sdelay $0x1  }
0xa1: {  	s23 =	simm.s32 $0x1B8B  }
0xa2: {  	_ =	swait.ge [sflag:s23], $0x1  }
0xa3: {  	[sflag:s23] =	ssyncset.done $0x0  }
0xa4: {  	s25 =	simm.s32 $0x1B8E;
	s24 =	sld [smem:$0x3FFE];
	[sflag:s23] =	ssyncadd.s32 $0xFFFFFFFF  }
0xa5: {  	s26 =	simm.s32 $execute0_lowered;
	[smem:$0x3FD2] =	sst s25  }
0xa6: {  	s5 =	sshll.u32 s26, $0x1;
	_ =	strace $0x80000049;
	[dreg:$0x1] =	wrdreg $0xFFFFFFFF  }
0xa7: {  	s28 =	simm.s32 $_size_execute0_lowered;
	s3 =	sadd.s32 s3, s5;
	[dreg:$0x0] =	wrdreg $0x0  }
0xa8: {  	s5 =	sshll.u32 s28, $0x1;
	[dreg:$0x2] =	wrdreg s3  }
0xa9: {  	[dreg:$0x3] =	wrdreg s5  }
0xaa: {  	[dreg:$0x4] =	wrdreg $0xC0  }
0xab: {  	_ =	task [dreg:s7], $0x5FFFF  }
0xac: {  	[dreg:$0x1] =	wrdreg $0xFFFFFFFF  }
0xad: {  	[dreg:$0x0] =	wrdreg $0x60  }
0xae: {  	[dreg:$0x2] =	wrdreg s24  }
0xaf: {  	[dreg:$0x3] =	wrdreg s2  }
0xb0: {  	[dreg:$0x4] =	wrdreg $0xCF000  }
0xb1: {  	[dreg:$0x5] =	wrdreg $0x9  }
0xb2: {  	_ =	task.clear_ibuf [dreg:s7], $0x6FFFF;
	_ =	strace $0x90000049  }
0xb3: {  	s29 =	simm.s32 $0x9;
	_ =	strace $0x8000004B  }
0xb4: {  	_ =	swait.ge [sflag:s29], $0x1  }
0xb5: {  	[sflag:s29] =	ssyncadd.s32 $0xFFFFFFFF  }
0xb6: {  	_ =	strace $0x9000004B  }
0xb7: {  	_ =	sfence  }
0xb8: {  	s30 =	sld [smem:$0x0];
	_ =	sdelay $0x2  }
0xb9: {  	s31 =	sshll.u32 s1, $0xD;
	s1 =	sshrl.u32 s1, $0x2  }
0xba: {  	s3 =	sand.u32 $0x4000, s31;
	s1 =	sadd.s32 s1, s30  }
0xbb: {  	s0 =	sor.u32 s3, s0;
	s1 =	sshll.u32 s1, $0x11  }
0xbc: {  	s0 =	sor.u32 s1, s0  }
0xbd: {  	s0 =	sadd.s32 $0x8F2B, s0  }
0xbe: {  	[sflag:s0] =	ssyncadd.remote.s32 $0x1  }
0xbf: {  	_ =	sfence.sel $0xFFFF  }
0xc0: {  	[dreg:$0x0] =	wrdreg $0xFFFFFFFF;
	(pc) =	sbr.abs _section_cstart, $3  }
0xc1: {  	[dreg:$0x1] =	wrdreg $0xFFFFFFFF  }
0xc2: {  	_ =	task.clear_ibuf [dreg:s7], $0x2FFFF;
	_ =	strace $0x9FFFFFFF  }
0xc3: {  	(tm) =	ssettm $0x7FFFFFFF  }
tec
execute0_lowered:
.L_overlay_start_1:
0x0: {  	(tag) =	ssettag $0x1  }
0x1: {  	s0 =	rddreg [dreg:$0x0]  }
0x2: {  	s2 =	rddreg [dreg:$0x1]  }
0x3: {  	s1 =	rddreg [dreg:$0x2];
	s3 =	simm.s32 $0x0;
	s20 =	srdreg.scid  }
0x4: {  	s10 =	stileid.u32;
	s16 =	simm.s32 $0x2780;
	s17 =	simm.s32 $0x4F00  }
0x5: {  	s18 =	simm.s32 $0x5;
	s19 =	simm.s32 $0x3;
	s30 =	simm.s32 $0xAF00  }
0x6: {  	s28 =	simm.s32 $0x6;
	s29 =	simm.s32 $0x7;
	s31 =	simm.s32 $0x8  }
0x7: {  	[smem:$0x7FF] =	sst s3;
	s4 =	sadd.s32 $0x1E00, s0;
	s5 =	smul.u32 $0x1400, s10  }
0x8: {  	s3 =	sand.u32 $0x1, s20;
	s12 =	sadd.s32 $0x29E00, s0;
	s21 =	smul.u32 $0x28000, s10  }
0x9: {  	s13 =	sshll.u32 s10, $0x4;
	s20 =	simm.s32 $0x4;
	_ =	strace $0x8000004A  }
0xa: {  	s6 =	smul.u32 $0x14000, s3;
	s7 =	sshll.u32 s3, $0x4;
	s3 =	ssub.s32 $0x2, s3  }
0xb: {  	s13 =	sor.u32 $0x9C00, s13;
	s24 =	sor.u32 s10, s7;
	s22 =	sshrl.u32 s3, $0x1  }
0xc: {  	s7 =	sshrl.u32 s21, $0x2;
	s21 =	simm.s32 $0x80;
	s5 =	sadd.s32 s5, s6  }
0xd: {  	s8 =	smul.u32 $0x4E0, s24;
	s3 =	ssub.s32 s3, s22;
	s7 =	sadd.s32 s7, s1  }
0xe: {  	s22 =	simm.s32 $0x6F00;
	p0 =	sgt.u32 s24, $0x3;
	s0 =	sadd.s32 s5, s0  }
0xf: {  	s26 =	sadd.s32 $0x2000, s7;
	s9 =	sadd.s32 $0x4000, s7;
	s10 =	sadd.s32 $0x6000, s7  }
0x10: {  	s11 =	sadd.s32 $0x8000, s7;
	s15 =	smax.u32 s3, $0x1;
	s23 =	sadd.s32 s12, s8  }
0x11: {  	s25 =	sadd.s32 s2, s8;
	[dreg:$0x6] =	wrdreg s26;
	s12 =	sadd.s32 s12, s13  }
0x12: {  	s13 =	sadd.s32 s2, s13;
	s14 =	sadd.s32 $0x33C00, s0;
	s26 =	simm.s32 $0x2  }
0x13: {  	s2 =	simm.s32 $0x9;
	s0 =	simm.s32 $0x0;
	[dreg:$0x4] =	wrdreg s23  }
0x14: {  	v0 =	vimm.f32 $0.0e+00;
	[dreg:$0x5] =	wrdreg s25;
	s23 =	simm.s32 $0x1;
	s25 =	simm.s32 $0x8F00  }
.LBB2_1:
0x15: {  	s3 =	simm.s32 $0x0;
	s5 =	rddreg [dreg:$0x4]  }
0x16: {  	[tilespmem:s3], [sflag:$0x3] =	stream.linear.gather [hbm4b:s5+s3], $0x2700, $0x38;
	[tilespmem:$0x16F00] =	vst v63  }
0x17: {  	s24 =	rddreg [dreg:$0x5]  }
0x18: {  	[tilespmem:s16], [sflag:$0x4] =	stream.linear.gather [hbm4b:s24+s3], $0x2700, $0x38;
	[tilespmem:$0x16F00] =	vst v63  }
0x19: {  	s24 =	simm.s32 $0x100;
	s3 =	simm.s32 $0x0  }
.LBB2_2:
0x1a: {  	p1 =	sne.s32 s24, $0x7F00;
	[tilespmem:s3+$0x4F30] =	vst v0;
	s5 =	smov.u32 s24;
	s24 =	sadd.s32 $0x100, s24  }
.Ltmp0:
0x1b: {  	[tilespmem:s3+$0x4F20] =	vst v0;
	(pc) =	sbr.rel @p1 .LBB2_2-.Ltmp0, $3  }
0x1c: {  	[tilespmem:s3+$0x4F00] =	vst v0  }
0x1d: {  	[tilespmem:s3+$0x4F10] =	vst v0;
	_ =	sdelay $0x1  }
0x1e: {  	s3 =	sshra.s32 s5, $0x2  }
0x1f: {  	[tilespmem:s3+$0x4F30] =	vst v0  }
0x20: {  	[tilespmem:s3+$0x4F20] =	vst v0  }
0x21: {  	[tilespmem:s3+$0x4F00] =	vst v0  }
0x22: {  	[tilespmem:s3+$0x4F10] =	vst v0  }
0x23: {  	[spmem:s7] =	stream.linear.scatter [tilespmem:s17], [sflag:$0x5], $0x2000, $0x38;
	[tilespmem:$0x16F00] =	vst v63  }
0x24: {  	s5 =	rddreg [dreg:$0x6]  }
0x25: {  	[spmem:s5] =	stream.linear.scatter [tilespmem:s17], [sflag:$0x5], $0x2000, $0x38;
	[tilespmem:$0x16F00] =	vst v63  }
0x26: {  	_ = 	snop  }
0x27: {  	[spmem:s9] =	stream.linear.scatter [tilespmem:s17], [sflag:$0x5], $0x2000, $0x38;
	[tilespmem:$0x16F00] =	vst v63  }
0x28: {  	_ = 	snop  }
0x29: {  	[spmem:s10] =	stream.linear.scatter [tilespmem:s17], [sflag:$0x5], $0x2000, $0x38;
	[tilespmem:$0x16F00] =	vst v63  }
0x2a: {  	_ = 	snop  }
0x2b: {  	[spmem:s11] =	stream.linear.scatter [tilespmem:s17], [sflag:$0x5], $0x2000, $0x38;
	[tilespmem:$0x16F00] =	vst v63  }
0x2c: {  	_ =	swait.ge [sflag:s18], $0x2000  }
0x2d: {  	[sflag:s18] =	ssyncset.done $0x0  }
0x2e: {  	[sflag:s18] =	ssyncadd.s32 $0xFFFFE000  }
0x2f: {  	_ =	swait.ge [sflag:s18], $0x2000  }
0x30: {  	[sflag:s18] =	ssyncset.done $0x0  }
0x31: {  	[sflag:s18] =	ssyncadd.s32 $0xFFFFE000  }
0x32: {  	_ =	swait.ge [sflag:s18], $0x2000  }
0x33: {  	[sflag:s18] =	ssyncset.done $0x0  }
0x34: {  	[sflag:s18] =	ssyncadd.s32 $0xFFFFE000  }
0x35: {  	_ =	swait.ge [sflag:s18], $0x2000  }
0x36: {  	[sflag:s18] =	ssyncset.done $0x0  }
0x37: {  	[sflag:s18] =	ssyncadd.s32 $0xFFFFE000  }
0x38: {  	_ =	swait.ge [sflag:s18], $0x2000  }
0x39: {  	[sflag:s18] =	ssyncset.done $0x0  }
0x3a: {  	[sflag:s18] =	ssyncadd.s32 $0xFFFFE000  }
0x3b: {  	_ =	swait.ge [sflag:s19], $0x2700  }
0x3c: {  	[sflag:s19] =	ssyncset.done $0x0  }
0x3d: {  	[sflag:s19] =	ssyncadd.s32 $0xFFFFD900  }
0x3e: {  	_ =	swait.ge [sflag:s20], $0x2700  }
0x3f: {  	[sflag:s20] =	ssyncset.done $0x0  }
0x40: {  	s6 =	simm.s32 $0x0;
	[sflag:s20] =	ssyncadd.s32 $0xFFFFD900  }
0x41: {  	[tilespmem:s17], [sflag:$0x1] =	stream.indirect.gather [hbm4b:s4+s21], $0x40, s6, s21, $0xb8;
	[tilespmem:$0x16F00] =	vst v63  }
0x42: {  	_ = 	snop  }
0x43: {  	[tilespmem:s22], [sflag:$0x2] =	stream.indirect.gather [hbm4b:s4+s21], $0x40, s21, s21, $0xb8;
	[tilespmem:$0x16F00] =	vst v63  }
0x44: {  	[bflag:$0x0] =	sbarrier.arrive $0xFFFF  }
0x45: {  	_ =	swait.ge [sflag:s23], $0x2000  }
0x46: {  	[sflag:s23] =	ssyncset.done $0x0  }
0x47: {  	[sflag:s23] =	ssyncadd.s32 $0xFFFFE000  }
0x48: {  	[spmem:s1] =	stream.indirect.scatter.add.f32 [tilespmem:s17], [sflag:$0x5], $0x40, s16, s21, $0xb8;
	[tilespmem:$0x16F00] =	vst v63  }
0x49: {  	s8 =	simm.s32 $0x100  }
0x4a: {  	[tilespmem:s25], [sflag:$0x3] =	stream.indirect.gather [hbm4b:s4+s21], $0x40, s8, s21, $0xb8;
	[tilespmem:$0x16F00] =	vst v63  }
0x4b: {  	_ =	swait.ge [sflag:s26], $0x2000  }
0x4c: {  	[sflag:s26] =	ssyncset.done $0x0  }
0x4d: {  	s24 =	simm.s32 $0x2800;
	[sflag:s26] =	ssyncadd.s32 $0xFFFFE000  }
0x4e: {  	[spmem:s1] =	stream.indirect.scatter.add.f32 [tilespmem:s22], [sflag:$0x6], $0x40, s24, s21, $0xb8;
	[tilespmem:$0x16F00] =	vst v63  }
0x4f: {  	s5 =	simm.s32 $0x180  }
0x50: {  	[tilespmem:s30], [sflag:$0x4] =	stream.indirect.gather [hbm4b:s4+s21], $0x40, s5, s21, $0xb8;
	[tilespmem:$0x16F00] =	vst v63  }
0x51: {  	_ =	swait.ge [sflag:s19], $0x2000  }
0x52: {  	[sflag:s19] =	ssyncset.done $0x0  }
0x53: {  	s6 =	simm.s32 $0x2880;
	[sflag:s19] =	ssyncadd.s32 $0xFFFFE000  }
0x54: {  	[spmem:s1] =	stream.indirect.scatter.add.f32 [tilespmem:s25], [sflag:$0x7], $0x40, s6, s21, $0xb8;
	[tilespmem:$0x16F00] =	vst v63  }
0x55: {  	_ =	swait.ge [sflag:s18], $0x2000  }
0x56: {  	[sflag:s18] =	ssyncset.done $0x0  }
0x57: {  	s8 =	simm.s32 $0x200;
	[sflag:s18] =	ssyncadd.s32 $0xFFFFE000  }
0x58: {  	[tilespmem:s17], [sflag:$0x1] =	stream.indirect.gather [hbm4b:s4+s21], $0x40, s8, s21, $0xb8;
	[tilespmem:$0x16F00] =	vst v63  }
0x59: {  	_ =	swait.ge [sflag:s20], $0x2000  }
0x5a: {  	[sflag:s20] =	ssyncset.done $0x0  }
0x5b: {  	s24 =	simm.s32 $0x2900;
	[sflag:s20] =	ssyncadd.s32 $0xFFFFE000  }
0x5c: {  	[spmem:s1] =	stream.indirect.scatter.add.f32 [tilespmem:s30], [sflag:$0x8], $0x40, s24, s21, $0xb8;
	[tilespmem:$0x16F00] =	vst v63  }
0x5d: {  	_ =	swait.ge [sflag:s28], $0x2000  }
0x5e: {  	[sflag:s28] =	ssyncset.done $0x0  }
0x5f: {  	s5 =	simm.s32 $0x280;
	[sflag:s28] =	ssyncadd.s32 $0xFFFFE000  }
0x60: {  	[tilespmem:s22], [sflag:$0x2] =	stream.indirect.gather [hbm4b:s4+s21], $0x40, s5, s21, $0xb8;
	[tilespmem:$0x16F00] =	vst v63  }
0x61: {  	_ =	swait.ge [sflag:s23], $0x2000  }
0x62: {  	[sflag:s23] =	ssyncset.done $0x0  }
0x63: {  	s6 =	simm.s32 $0x2980;
	[sflag:s23] =	ssyncadd.s32 $0xFFFFE000  }
0x64: {  	[spmem:s1] =	stream.indirect.scatter.add.f32 [tilespmem:s17], [sflag:$0x5], $0x40, s6, s21, $0xb8;
	[tilespmem:$0x16F00] =	vst v63  }
0x65: {  	_ =	swait.ge [sflag:s29], $0x2000  }
0x66: {  	[sflag:s29] =	ssyncset.done $0x0  }
0x67: {  	s8 =	simm.s32 $0x300;
	[sflag:s29] =	ssyncadd.s32 $0xFFFFE000  }
0x68: {  	[tilespmem:s25], [sflag:$0x3] =	stream.indirect.gather [hbm4b:s4+s21], $0x40, s8, s21, $0xb8;
	[tilespmem:$0x16F00] =	vst v63  }
0x69: {  	_ =	swait.ge [sflag:s26], $0x2000  }
0x6a: {  	[sflag:s26] =	ssyncset.done $0x0  }
0x6b: {  	s24 =	simm.s32 $0x2A00;
	[sflag:s26] =	ssyncadd.s32 $0xFFFFE000  }
0x6c: {  	[spmem:s1] =	stream.indirect.scatter.add.f32 [tilespmem:s22], [sflag:$0x6], $0x40, s24, s21, $0xb8;
	[tilespmem:$0x16F00] =	vst v63  }
0x6d: {  	_ =	swait.ge [sflag:s31], $0x2000  }
0x6e: {  	[sflag:s31] =	ssyncset.done $0x0  }
0x6f: {  	s5 =	simm.s32 $0x380;
	[sflag:s31] =	ssyncadd.s32 $0xFFFFE000  }
0x70: {  	[tilespmem:s30], [sflag:$0x4] =	stream.indirect.gather [hbm4b:s4+s21], $0x40, s5, s21, $0xb8;
	[tilespmem:$0x16F00] =	vst v63  }
0x71: {  	_ =	swait.ge [sflag:s19], $0x2000  }
0x72: {  	[sflag:s19] =	ssyncset.done $0x0  }
0x73: {  	s6 =	simm.s32 $0x2A80;
	[sflag:s19] =	ssyncadd.s32 $0xFFFFE000  }
0x74: {  	[spmem:s1] =	stream.indirect.scatter.add.f32 [tilespmem:s25], [sflag:$0x7], $0x40, s6, s21, $0xb8;
	[tilespmem:$0x16F00] =	vst v63  }
0x75: {  	_ =	swait.ge [sflag:s18], $0x2000  }
0x76: {  	[sflag:s18] =	ssyncset.done $0x0  }
0x77: {  	s8 =	simm.s32 $0x400;
	[sflag:s18] =	ssyncadd.s32 $0xFFFFE000  }
0x78: {  	[tilespmem:s17], [sflag:$0x1] =	stream.indirect.gather [hbm4b:s4+s21], $0x40, s8, s21, $0xb8;
	[tilespmem:$0x16F00] =	vst v63  }
0x79: {  	_ =	swait.ge [sflag:s20], $0x2000  }
0x7a: {  	[sflag:s20] =	ssyncset.done $0x0  }
0x7b: {  	s24 =	simm.s32 $0x2B00;
	[sflag:s20] =	ssyncadd.s32 $0xFFFFE000  }
0x7c: {  	[spmem:s1] =	stream.indirect.scatter.add.f32 [tilespmem:s30], [sflag:$0x8], $0x40, s24, s21, $0xb8;
	[tilespmem:$0x16F00] =	vst v63  }
0x7d: {  	_ =	swait.ge [sflag:s28], $0x2000  }
0x7e: {  	[sflag:s28] =	ssyncset.done $0x0  }
0x7f: {  	s3 =	simm.s32 $0x480;
	s24 =	simm.s32 $0x800;
	[sflag:s28] =	ssyncadd.s32 $0xFFFFE000  }
.LBB2_4:
0x80: {  	[tilespmem:s22], [sflag:$0x2] =	stream.indirect.gather [hbm4b:s4+s21], $0x40, s3, s21, $0xb8;
	[tilespmem:$0x16F00] =	vst v63  }
0x81: {  	s3 =	smov.u32 s24  }
0x82: {  	p1 =	sne.s32 s24, $0x8800;
	s24 =	sadd.s32 $0x800, s24;
	_ =	swait.ge [sflag:s23], $0x2000  }
0x83: {  	s3 =	sshra.s32 s3, $0x2;
	[sflag:s23] =	ssyncset.done $0x0  }
0x84: {  	s5 =	sadd.s32 $0x2980, s3;
	[sflag:s23] =	ssyncadd.s32 $0xFFFFE000  }
0x85: {  	[spmem:s1] =	stream.indirect.scatter.add.f32 [tilespmem:s17], [sflag:$0x5], $0x40, s5, s21, $0xb8;
	[tilespmem:$0x16F00] =	vst v63  }
0x86: {  	_ =	swait.ge [sflag:s29], $0x2000  }
0x87: {  	[sflag:s29] =	ssyncset.done $0x0  }
0x88: {  	s5 =	sadd.s32 $0x300, s3;
	[sflag:s29] =	ssyncadd.s32 $0xFFFFE000  }
0x89: {  	[tilespmem:s25], [sflag:$0x3] =	stream.indirect.gather [hbm4b:s4+s21], $0x40, s5, s21, $0xb8;
	[tilespmem:$0x16F00] =	vst v63  }
0x8a: {  	_ =	swait.ge [sflag:s26], $0x2000  }
0x8b: {  	[sflag:s26] =	ssyncset.done $0x0  }
0x8c: {  	s5 =	sadd.s32 $0x2A00, s3;
	[sflag:s26] =	ssyncadd.s32 $0xFFFFE000  }
0x8d: {  	[spmem:s1] =	stream.indirect.scatter.add.f32 [tilespmem:s22], [sflag:$0x6], $0x40, s5, s21, $0xb8;
	[tilespmem:$0x16F00] =	vst v63  }
0x8e: {  	_ =	swait.ge [sflag:s31], $0x2000  }
0x8f: {  	[sflag:s31] =	ssyncset.done $0x0  }
0x90: {  	s5 =	sadd.s32 $0x380, s3;
	[sflag:s31] =	ssyncadd.s32 $0xFFFFE000  }
0x91: {  	[tilespmem:s30], [sflag:$0x4] =	stream.indirect.gather [hbm4b:s4+s21], $0x40, s5, s21, $0xb8;
	[tilespmem:$0x16F00] =	vst v63  }
0x92: {  	_ =	swait.ge [sflag:s19], $0x2000  }
0x93: {  	[sflag:s19] =	ssyncset.done $0x0  }
0x94: {  	s5 =	sadd.s32 $0x2A80, s3;
	[sflag:s19] =	ssyncadd.s32 $0xFFFFE000  }
0x95: {  	[spmem:s1] =	stream.indirect.scatter.add.f32 [tilespmem:s25], [sflag:$0x7], $0x40, s5, s21, $0xb8;
	[tilespmem:$0x16F00] =	vst v63  }
0x96: {  	_ =	swait.ge [sflag:s18], $0x2000  }
0x97: {  	[sflag:s18] =	ssyncset.done $0x0  }
0x98: {  	s5 =	sadd.s32 $0x400, s3;
	[sflag:s18] =	ssyncadd.s32 $0xFFFFE000  }
0x99: {  	[tilespmem:s17], [sflag:$0x1] =	stream.indirect.gather [hbm4b:s4+s21], $0x40, s5, s21, $0xb8;
	[tilespmem:$0x16F00] =	vst v63  }
0x9a: {  	_ =	swait.ge [sflag:s20], $0x2000  }
0x9b: {  	[sflag:s20] =	ssyncset.done $0x0  }
.Ltmp1:
0x9c: {  	s5 =	sadd.s32 $0x2B00, s3;
	[sflag:s20] =	ssyncadd.s32 $0xFFFFE000;
	(pc) =	sbr.rel @p1 .LBB2_4-.Ltmp1, $4  }
0x9d: {  	[spmem:s1] =	stream.indirect.scatter.add.f32 [tilespmem:s30], [sflag:$0x8], $0x40, s5, s21, $0xb8;
	[tilespmem:$0x16F00] =	vst v63  }
0x9e: {  	_ =	swait.ge [sflag:s28], $0x2000  }
0x9f: {  	[sflag:s28] =	ssyncset.done $0x0  }
0xa0: {  	s3 =	sadd.s32 $0x480, s3;
	[sflag:s28] =	ssyncadd.s32 $0xFFFFE000  }
0xa1: {  	[tilespmem:s22], [sflag:$0x2] =	stream.indirect.gather [hbm4b:s4+s21], $0x40, s3, s21, $0xb8;
	[tilespmem:$0x16F00] =	vst v63  }
0xa2: {  	_ =	swait.ge [sflag:s23], $0x2000  }
0xa3: {  	[sflag:s23] =	ssyncset.done $0x0  }
0xa4: {  	s5 =	simm.s32 $0x4D80;
	[sflag:s23] =	ssyncadd.s32 $0xFFFFE000  }
0xa5: {  	[spmem:s1] =	stream.indirect.scatter.add.f32 [tilespmem:s17], [sflag:$0x5], $0x40, s5, s21, $0xb8;
	[tilespmem:$0x16F00] =	vst v63  }
0xa6: {  	_ =	swait.ge [sflag:s29], $0x2000  }
0xa7: {  	[sflag:s29] =	ssyncset.done $0x0  }
0xa8: {  	[sflag:s29] =	ssyncadd.s32 $0xFFFFE000  }
0xa9: {  	_ =	swait.ge [sflag:s26], $0x2000  }
0xaa: {  	[sflag:s26] =	ssyncset.done $0x0  }
0xab: {  	s6 =	simm.s32 $0x4E00;
	[sflag:s26] =	ssyncadd.s32 $0xFFFFE000  }
0xac: {  	[spmem:s1] =	stream.indirect.scatter.add.f32 [tilespmem:s22], [sflag:$0x6], $0x40, s6, s21, $0xb8;
	[tilespmem:$0x16F00] =	vst v63  }
0xad: {  	_ =	swait.ge [sflag:s31], $0x2000  }
0xae: {  	[sflag:s31] =	ssyncset.done $0x0  }
0xaf: {  	[sflag:s31] =	ssyncadd.s32 $0xFFFFE000  }
0xb0: {  	_ =	swait.ge [sflag:s18], $0x2000  }
0xb1: {  	[sflag:s18] =	ssyncset.done $0x0  }
0xb2: {  	[sflag:s18] =	ssyncadd.s32 $0xFFFFE000  }
0xb3: {  	_ =	swait.ge [sflag:s28], $0x2000  }
0xb4: {  	s3 =	simm.s32 @!p0 $0x0;
	[sflag:s28] =	ssyncset.done $0x0  }
0xb5: {  	s24 =	simm.s32 @!p0 $0x9;
	s5 =	simm.s32 @!p0 $0x2700;
	[sflag:s28] =	ssyncadd.s32 $0xFFFFE000  }
0xb6: {  	[tilespmem:s5], [sflag:$0x9] =	stream.linear.gather @!p0 [hbm4b:s12+s3], $0x80, $0x38;
	[tilespmem:$0x16F00] =	vst v63  }
0xb7: {  	_ =	swait.ge @!p0 [sflag:s24], $0x80  }
0xb8: {  	[sflag:s24] =	ssyncset.done @!p0 $0x0  }
0xb9: {  	s6 =	simm.s32 @!p0 $0x4E80;
	[sflag:s24] =	ssyncadd.s32 @!p0 $0xFFFFFF80  }
0xba: {  	[tilespmem:s6], [sflag:$0x9] =	stream.linear.gather @!p0 [hbm4b:s13+s3], $0x80, $0x38;
	[tilespmem:$0x16F00] =	vst v63  }
0xbb: {  	_ =	swait.ge @!p0 [sflag:s24], $0x80  }
0xbc: {  	[sflag:s24] =	ssyncset.done @!p0 $0x0  }
0xbd: {  	s8 =	simm.s32 @!p0 $0x8F00;
	s3 =	simm.s32 @!p0 $0x80;
	[sflag:s24] =	ssyncadd.s32 @!p0 $0xFFFFFF80  }
0xbe: {  	[tilespmem:s8], [sflag:$0x9] =	stream.indirect.gather @!p0 [hbm4b:s4+s3], $0x40, s5, s3, $0xb8;
	[tilespmem:$0x16F00] =	vst v63  }
0xbf: {  	_ =	swait.ge @!p0 [sflag:s24], $0x2000  }
0xc0: {  	[sflag:s24] =	ssyncset.done @!p0 $0x0  }
0xc1: {  	[sflag:s24] =	ssyncadd.s32 @!p0 $0xFFFFE000  }
0xc2: {  	[spmem:s1] =	stream.indirect.scatter.add.f32 @!p0 [tilespmem:s8], [sflag:$0x9], $0x40, s6, s3, $0xb8;
	[tilespmem:$0x16F00] =	vst v63  }
0xc3: {  	s8 =	stileid.u32;
	_ =	swait.ge @!p0 [sflag:s24], $0x2000  }
0xc4: {  	s0 =	sadd.s32 $0x1, s0;
	s3 =	sshll.u32 s8, $0x6;
	[sflag:s24] =	ssyncset.done @!p0 $0x0  }
0xc5: {  	p1 =	sne.s32 s0, s15;
	s3 =	sor.u32 $0x1C09, s3;
	[sflag:s24] =	ssyncadd.s32 @!p0 $0xFFFFE000  }
.Ltmp2:
0xc6: {  	s24 =	sshrl.u32 s7, $0x3;
	[bflag:$0x0] =	sbarrier.arrive $0xFFFF;
	(pc) =	sbr.rel @p1 .LBB2_1-.Ltmp2, $4  }
0xc7: {  	[hbm:s14], [sflag:s3] =	dma.local [spmem:s24], $0x1400  }
0xc8: {  	_ =	swait.ge [sflag:s2], $0x1400  }
0xc9: {  	[sflag:s2] =	ssyncset.done $0x0  }
0xca: {  	[sflag:s2] =	ssyncadd.s32 $0xFFFFEC00  }
0xcb: {  	_ =	sfence.sel $0x180000  }
0xcc: {  	[bflag:$0x0] =	sbarrier.arrive $0xFFFF  }
0xcd: {  	_ =	strace $0x9000004A  }
0xce: {  	s0 =	stileid.u32;
	[bflag:$0x2] =	sbarrier.arrive $0xFFFF  }
0xcf: {  	p0 =	sne.s32 s0, $0x0;
	s0 =	rddreg [dreg:$0x3]  }
0xd0: {  	s0 =	sadd.s32 @!p0 $0x100000, s0  }
0xd1: {  	[sflag:s0] =	ssyncadd.tile.s32 @!p0 $0x1;
	_ =	shalt  }
.Lfunc_end2:
_tile_overlayer_lowered:
.L_overlay_start_2:
0xd2: {  	(tag) =	ssettag $0x2  }
0xd3: {  	s0 =	rddreg [dreg:$0x0];
	s2 =	stileid.u32  }
0xd4: {  	s1 =	rddreg [dreg:$0x1];
	p0 =	sne.s32 s2, $0x0  }
0xd5: {  	s3 =	rddreg [dreg:$0x2];
	[bflag:$0x3] =	sbarrier.arrive $0xFFFF;
	s2 =	simm.s32 @!p0 $0x1C09  }
0xd6: {  	[timem:s3], [sflag:s2] =	dma.local @!p0 [hbm:s0], s1  }
0xd7: {  	s0 =	simm.s32 @!p0 $0x9  }
0xd8: {  	_ =	swait.ge @!p0 [sflag:s0], s1  }
0xd9: {  	s1 =	ssub.s32 @!p0 $0x0, s1;
	[sflag:s0] =	ssyncset.done @!p0 $0x0  }
0xda: {  	[sflag:s0] =	ssyncadd.s32 @!p0 s1  }
0xdb: {  	[bflag:$0x3] =	sbarrier.arrive $0xFFFF  }
0xdc: {  	_ =	shalt  }

// kernel: kernel.14.cloned.1.call-start
scs
__scs_entry_jumppad:
0x0: {  	(pc) =	sbr.rel $0x88, $3  }
0x1: {  	(tag) =	ssettag $0x0;
	lr =	simm.s32 $0x1  }
0x2: {  	[smem:$0x3F9D] =	sst lr;
	_ =	strace $0xD0000000  }
0x3: {  	_ = 	snop  }
0x4: {  	_ = 	snop  }
0x5: {  	_ = 	snop  }
0x6: {  	_ = 	snop  }
0x7: {  	_ = 	snop  }
__scs_overlays_trampoline_lowered:
0x8: {  	[smem:$0x3FAC] =	sst s0  }
0x9: {  	[smem:$0x3FAD] =	sst s1  }
0xa: {  	[smem:$0x3FAE] =	sst s2  }
0xb: {  	[smem:$0x3FAF] =	sst s3  }
0xc: {  	[smem:$0x3FB0] =	sst s4  }
0xd: {  	[smem:$0x3FB1] =	sst s5  }
0xe: {  	[smem:$0x3FB2] =	sst s6  }
0xf: {  	[smem:$0x3FB3] =	sst s7  }
0x10: {  	[smem:$0x3FB4] =	sst s8  }
0x11: {  	[smem:$0x3FB5] =	sst s9;
	s0 =	simm.s32 @!p0 $0x0  }
0x12: {  	s1 =	sld [smem:$0x3F9B];
	s0 =	simm.s32 @p0 $0x1  }
0x13: {  	[smem:$0x3FB6] =	sst s0;
	s0 =	simm.s32 @!p1 $0x0  }
0x14: {  	s2 =	sld [smem:$0x3F9A];
	s0 =	simm.s32 @p1 $0x1  }
0x15: {  	[smem:$0x3FB7] =	sst s0;
	s0 =	simm.s32 @!p2 $0x0  }
0x16: {  	s3 =	sld [smem:$0x3FDB];
	s0 =	simm.s32 @p2 $0x1  }
0x17: {  	s4 =	simm.s32 $0x1BF5;
	[smem:$0x3FB9] =	sst s0  }
0x18: {  	s0 =	sld [smem:$0x3F9C];
	_ =	swait.ge [sflag:s4], $0x0  }
0x19: {  	s7 =	sld [smem:$0x3F9D]  }
0x1a: {  	s8 =	sadd.s32 $0xFFFFE003, lr  }
0x1b: {  	s9 =	sadd.s32 $0xFFFFFEF7, lr;
	s5 =	simm.s32 $0xFFFFFFFF;
	p2 =	slt.u32 s8, $0xFFFFF086  }
0x1c: {  	p1 =	slt.u32 s9, $0xF7A;
	s5 =	simm.s32 @!p2 $0x0  }
0x1d: {  	s5 =	simm.s32 @p1 $0x1;
	p0 =	seq.s32 s7, s2  }
0x1e: {  	s7 =	smul.u32 @!p0 $0xF7A, s2;
	p2 =	seq.s32 @!p0 s5, $0x0  }
0x1f: {  	s9 =	smul.u32 $0xF7A, s1;
	s8 =	simm.s32 @!p0 $0x1BF5;
	p2 =	por !p2, p0  }
0x20: {  	[sflag:s8] =	ssyncset.s32 @!p0 $0xFFFFF086;
	s6 =	sadd.s32 @!p0 s3, s7;
	s7 =	simm.s32 @!p0 $0x108  }
0x21: {  	s3 =	sadd.s32 s3, s9;
	s6 =	sadd.s32 @!p0 $0x88, s6;
	s7 =	simm.s32 @p2 $0x1082  }
0x22: {  	[simem:s7], [sflag:s8] =	dma.local @!p0 [hbm:s6], $0xF7A  }
0x23: {  	s9 =	sor.u32 $0xD0000000, s2;
	s6 =	simm.s32 $0x108;
	_ =	swait.ge @!p0 [sflag:s8], $0x0  }
0x24: {  	s3 =	sadd.s32 $0x88, s3;
	s6 =	simm.s32 @!p1 $0x1082;
	[sflag:s4] =	ssyncset.s32 $0xFFFFF086  }
0x25: {  	[simem:s6], [sflag:s4] =	dma.local [hbm:s3], $0xF7A  }
0x26: {  	[smem:$0x3F9D] =	sst s1;
	(tag) =	ssettag s2;
	_ =	strace s9  }
0x27: {  	s1 =	sld [smem:$0x3FAD]  }
0x28: {  	s2 =	sld [smem:$0x3FAE]  }
0x29: {  	s4 =	sld [smem:$0x3FB0]  }
0x2a: {  	p0 =	seq.s32 s5, $0x0;
	s5 =	sld [smem:$0x3FB1]  }
0x2b: {  	s6 =	sld [smem:$0x3FB2]  }
0x2c: {  	s7 =	sld [smem:$0x3FB3]  }
0x2d: {  	s3 =	simm.s32 $0x108;
	s8 =	sld [smem:$0x3FB4]  }
0x2e: {  	s3 =	simm.s32 @!p0 $0x1082;
	s9 =	sld [smem:$0x3FB5]  }
0x2f: {  	lr =	sadd.s32 s0, s3;
	s0 =	sld [smem:$0x3FAC]  }
0x30: {  	s3 =	sld [smem:$0x3FAF]  }
0x31: {  	[smem:$0x3FB8] =	sst s10  }
0x32: {  	s10 =	sld [smem:$0x3FB6];
	_ =	sdelay $0x3  }
0x33: {  	p0 =	seq.s32 s10, $0x1;
	s10 =	sld [smem:$0x3FB8];
	_ =	sdelay $0x3  }
0x34: {  	[smem:$0x3FB8] =	sst s10  }
0x35: {  	s10 =	sld [smem:$0x3FB7];
	_ =	sdelay $0x3  }
0x36: {  	p1 =	seq.s32 s10, $0x1;
	s10 =	sld [smem:$0x3FB8];
	_ =	sdelay $0x3  }
0x37: {  	[smem:$0x3FB8] =	sst s10  }
0x38: {  	s10 =	sld [smem:$0x3FB9]  }
0x39: {  	_ = 	snop;
	(pc) =	sbr.ind lr, $3  }
0x3a: {  	_ = 	snop  }
0x3b: {  	_ = 	snop  }
0x3c: {  	p2 =	seq.s32 s10, $0x1;
	s10 =	sld [smem:$0x3FB8]  }
0x3d: {  	_ =	shalt  }
0x3e: {  	_ =	shalt  }
0x3f: {  	_ =	shalt  }
0x40: {  	_ =	shalt  }
0x41: {  	_ =	shalt  }
0x42: {  	_ =	shalt  }
0x43: {  	_ =	shalt  }
0x44: {  	_ =	shalt  }
0x45: {  	_ =	shalt  }
0x46: {  	_ =	shalt  }
0x47: {  	_ =	shalt  }
0x48: {  	_ =	shalt  }
0x49: {  	_ =	shalt  }
0x4a: {  	_ =	shalt  }
0x4b: {  	_ =	shalt  }
0x4c: {  	_ =	shalt  }
0x4d: {  	_ =	shalt  }
0x4e: {  	_ =	shalt  }
0x4f: {  	_ =	shalt  }
0x50: {  	_ =	shalt  }
0x51: {  	_ =	shalt  }
0x52: {  	_ =	shalt  }
0x53: {  	_ =	shalt  }
0x54: {  	_ =	shalt  }
0x55: {  	_ =	shalt  }
0x56: {  	_ =	shalt  }
0x57: {  	_ =	shalt  }
0x58: {  	_ =	shalt  }
0x59: {  	_ =	shalt  }
0x5a: {  	_ =	shalt  }
0x5b: {  	_ =	shalt  }
0x5c: {  	_ =	shalt  }
0x5d: {  	_ =	shalt  }
0x5e: {  	_ =	shalt  }
0x5f: {  	_ =	shalt  }
0x60: {  	_ =	shalt  }
0x61: {  	_ =	shalt  }
0x62: {  	_ =	shalt  }
0x63: {  	_ =	shalt  }
0x64: {  	_ =	shalt  }
0x65: {  	_ =	shalt  }
0x66: {  	_ =	shalt  }
0x67: {  	_ =	shalt  }
0x68: {  	_ =	shalt  }
0x69: {  	_ =	shalt  }
0x6a: {  	_ =	shalt  }
0x6b: {  	_ =	shalt  }
0x6c: {  	_ =	shalt  }
0x6d: {  	_ =	shalt  }
0x6e: {  	_ =	shalt  }
0x6f: {  	_ =	shalt  }
0x70: {  	_ =	shalt  }
0x71: {  	_ =	shalt  }
0x72: {  	_ =	shalt  }
0x73: {  	_ =	shalt  }
0x74: {  	_ =	shalt  }
0x75: {  	_ =	shalt  }
0x76: {  	_ =	shalt  }
0x77: {  	_ =	shalt  }
0x78: {  	_ =	shalt  }
0x79: {  	_ =	shalt  }
0x7a: {  	_ =	shalt  }
0x7b: {  	_ =	shalt  }
0x7c: {  	_ =	shalt  }
0x7d: {  	_ =	shalt  }
0x7e: {  	_ =	shalt  }
0x7f: {  	_ =	shalt  }
0x80: {  	_ =	shalt  }
0x81: {  	_ =	shalt  }
0x82: {  	_ =	shalt  }
0x83: {  	_ =	shalt  }
0x84: {  	_ =	shalt  }
0x85: {  	_ =	shalt  }
0x86: {  	_ =	shalt  }
0x87: {  	_ =	shalt  }
.Lfunc_end0:
.L_simem_size_0:
called_computation.2_lowered:
.L_overlay_start_0:
0x88: {  	s2 =	sld [smem:$0x3FD9]  }
0x89: {  	s3 =	sld [smem:$0x3FFE];
	_ =	sdelay $0x1  }
0x8a: {  	s1 =	srdreg.scid  }
0x8b: {  	s0 =	sand.u32 $0x1, s1  }
0x8c: {  	s17 =	sshll.u32 s0, $0xA;
	s2 =	sadd.s32 s3, s2  }
0x8d: {  	s2 =	sadd.s32 s2, s17  }
0x8e: {  	[smem:$0x3FC4] =	sst s2  }
0x8f: {  	_ = 	snop  }
0x90: {  	s2 =	sld [smem:$0x3FD0];
	(tm) =	ssettm $0x1  }
0x91: {  	s18 =	sld [smem:$0x3FFB];
	_ =	sdelay $0x3  }
0x92: {  	_ =	strace s18  }
0x93: {  	s3 =	sld [smem:$0x3FFC];
	_ =	sdelay $0x3  }
0x94: {  	_ =	strace s3  }
0x95: {  	s3 =	sld [smem:$0x3FFD];
	_ =	sdelay $0x3  }
0x96: {  	_ =	strace s3  }
0x97: {  	_ =	strace $0x8FFFFFFF  }
0x98: {  	s19 =	sld [smem:$0x3FDB];
	_ =	sdelay $0x1  }
0x99: {  	s4 =	simm.s32 $_scs_section_size  }
0x9a: {  	s5 =	simm.s32 $_size__tile_overlayer_lowered;
	s6 =	simm.s32 $_tile_overlayer_lowered  }
0x9b: {  	s22 =	simm.s32 $0x1BFF;
	s21 =	sshll.u32 s6, $0x1;
	s3 =	sadd.s32 s4, s19  }
0x9c: {  	s7 =	simm.s32 $0x0;
	s20 =	sshll.u32 s5, $0x1;
	s5 =	sadd.s32 s21, s3  }
0x9d: {  	[timem:s7], [sflag:s22] =	dma.local [hbm:s5], s20  }
0x9e: {  	_ =	swait.ge [sflag:s22], s20  }
0x9f: {  	s4 =	ssub.s32 $0x0, s20;
	[sflag:s22] =	ssyncset.done $0x0  }
0xa0: {  	[sflag:s22] =	ssyncadd.s32 s4;
	_ =	sdelay $0x1  }
0xa1: {  	s23 =	simm.s32 $0x1B8B  }
0xa2: {  	_ =	swait.ge [sflag:s23], $0x1  }
0xa3: {  	[sflag:s23] =	ssyncset.done $0x0  }
0xa4: {  	s25 =	simm.s32 $0x1B8E;
	s24 =	sld [smem:$0x3FFE];
	[sflag:s23] =	ssyncadd.s32 $0xFFFFFFFF  }
0xa5: {  	s26 =	simm.s32 $execute0_lowered;
	[smem:$0x3FD2] =	sst s25  }
0xa6: {  	s5 =	sshll.u32 s26, $0x1;
	_ =	strace $0x8000004C;
	[dreg:$0x1] =	wrdreg $0xFFFFFFFF  }
0xa7: {  	s28 =	simm.s32 $_size_execute0_lowered;
	s3 =	sadd.s32 s3, s5;
	[dreg:$0x0] =	wrdreg $0x0  }
0xa8: {  	s5 =	sshll.u32 s28, $0x1;
	[dreg:$0x2] =	wrdreg s3  }
0xa9: {  	[dreg:$0x3] =	wrdreg s5  }
0xaa: {  	[dreg:$0x4] =	wrdreg $0xC0  }
0xab: {  	_ =	task [dreg:s7], $0x5FFFF  }
0xac: {  	[dreg:$0x1] =	wrdreg $0xFFFFFFFF  }
0xad: {  	[dreg:$0x0] =	wrdreg $0x60  }
0xae: {  	[dreg:$0x2] =	wrdreg s24  }
0xaf: {  	[dreg:$0x3] =	wrdreg s2  }
0xb0: {  	[dreg:$0x4] =	wrdreg $0xCF000  }
0xb1: {  	[dreg:$0x5] =	wrdreg $0x9  }
0xb2: {  	_ =	task.clear_ibuf [dreg:s7], $0x6FFFF;
	_ =	strace $0x9000004C  }
0xb3: {  	s29 =	simm.s32 $0x9;
	_ =	strace $0x8000004E  }
0xb4: {  	_ =	swait.ge [sflag:s29], $0x1  }
0xb5: {  	[sflag:s29] =	ssyncadd.s32 $0xFFFFFFFF  }
0xb6: {  	_ =	strace $0x9000004E  }
0xb7: {  	_ =	sfence  }
0xb8: {  	s30 =	sld [smem:$0x0];
	_ =	sdelay $0x2  }
0xb9: {  	s31 =	sshll.u32 s1, $0xD;
	s1 =	sshrl.u32 s1, $0x2  }
0xba: {  	s3 =	sand.u32 $0x4000, s31;
	s1 =	sadd.s32 s1, s30  }
0xbb: {  	s0 =	sor.u32 s3, s0;
	s1 =	sshll.u32 s1, $0x11  }
0xbc: {  	s0 =	sor.u32 s1, s0  }
0xbd: {  	s0 =	sadd.s32 $0x8F2B, s0  }
0xbe: {  	[sflag:s0] =	ssyncadd.remote.s32 $0x1  }
0xbf: {  	_ =	sfence.sel $0xFFFF  }
0xc0: {  	[dreg:$0x0] =	wrdreg $0xFFFFFFFF;
	(pc) =	sbr.abs _section_cstart, $3  }
0xc1: {  	[dreg:$0x1] =	wrdreg $0xFFFFFFFF  }
0xc2: {  	_ =	task.clear_ibuf [dreg:s7], $0x2FFFF;
	_ =	strace $0x9FFFFFFF  }
0xc3: {  	(tm) =	ssettm $0x7FFFFFFF  }
tec
execute0_lowered:
.L_overlay_start_1:
0x0: {  	(tag) =	ssettag $0x1  }
0x1: {  	s0 =	rddreg [dreg:$0x0]  }
0x2: {  	s2 =	rddreg [dreg:$0x1]  }
0x3: {  	s1 =	rddreg [dreg:$0x2];
	s3 =	simm.s32 $0x0;
	s20 =	srdreg.scid  }
0x4: {  	s10 =	stileid.u32;
	s16 =	simm.s32 $0x2780;
	s17 =	simm.s32 $0x4F00  }
0x5: {  	s18 =	simm.s32 $0x5;
	s19 =	simm.s32 $0x3;
	s30 =	simm.s32 $0xAF00  }
0x6: {  	s28 =	simm.s32 $0x6;
	s29 =	simm.s32 $0x7;
	s31 =	simm.s32 $0x8  }
0x7: {  	[smem:$0x7FF] =	sst s3;
	s4 =	sadd.s32 $0x1E00, s0;
	s5 =	smul.u32 $0x1400, s10  }
0x8: {  	s3 =	sand.u32 $0x1, s20;
	s12 =	sadd.s32 $0x29E00, s0;
	s21 =	smul.u32 $0x28000, s10  }
0x9: {  	s13 =	sshll.u32 s10, $0x4;
	s20 =	simm.s32 $0x4;
	_ =	strace $0x8000004D  }
0xa: {  	s6 =	smul.u32 $0x14000, s3;
	s7 =	sshll.u32 s3, $0x4;
	s3 =	ssub.s32 $0x2, s3  }
0xb: {  	s13 =	sor.u32 $0x9C00, s13;
	s24 =	sor.u32 s10, s7;
	s22 =	sshrl.u32 s3, $0x1  }
0xc: {  	s7 =	sshrl.u32 s21, $0x2;
	s21 =	simm.s32 $0x80;
	s5 =	sadd.s32 s5, s6  }
0xd: {  	s8 =	smul.u32 $0x4E0, s24;
	s3 =	ssub.s32 s3, s22;
	s7 =	sadd.s32 s7, s1  }
0xe: {  	s22 =	simm.s32 $0x6F00;
	p0 =	sgt.u32 s24, $0x3;
	s0 =	sadd.s32 s5, s0  }
0xf: {  	s26 =	sadd.s32 $0x2000, s7;
	s9 =	sadd.s32 $0x4000, s7;
	s10 =	sadd.s32 $0x6000, s7  }
0x10: {  	s11 =	sadd.s32 $0x8000, s7;
	s15 =	smax.u32 s3, $0x1;
	s23 =	sadd.s32 s12, s8  }
0x11: {  	s25 =	sadd.s32 s2, s8;
	[dreg:$0x6] =	wrdreg s26;
	s12 =	sadd.s32 s12, s13  }
0x12: {  	s13 =	sadd.s32 s2, s13;
	s14 =	sadd.s32 $0x33C00, s0;
	s26 =	simm.s32 $0x2  }
0x13: {  	s2 =	simm.s32 $0x9;
	s0 =	simm.s32 $0x0;
	[dreg:$0x4] =	wrdreg s23  }
0x14: {  	v0 =	vimm.f32 $0.0e+00;
	[dreg:$0x5] =	wrdreg s25;
	s23 =	simm.s32 $0x1;
	s25 =	simm.s32 $0x8F00  }
.LBB2_1:
0x15: {  	s3 =	simm.s32 $0x0;
	s5 =	rddreg [dreg:$0x4]  }
0x16: {  	[tilespmem:s3], [sflag:$0x3] =	stream.linear.gather [hbm4b:s5+s3], $0x2700, $0x38;
	[tilespmem:$0x16F00] =	vst v63  }
0x17: {  	s24 =	rddreg [dreg:$0x5]  }
0x18: {  	[tilespmem:s16], [sflag:$0x4] =	stream.linear.gather [hbm4b:s24+s3], $0x2700, $0x38;
	[tilespmem:$0x16F00] =	vst v63  }
0x19: {  	s24 =	simm.s32 $0x100;
	s3 =	simm.s32 $0x0  }
.LBB2_2:
0x1a: {  	p1 =	sne.s32 s24, $0x7F00;
	[tilespmem:s3+$0x4F30] =	vst v0;
	s5 =	smov.u32 s24;
	s24 =	sadd.s32 $0x100, s24  }
.Ltmp0:
0x1b: {  	[tilespmem:s3+$0x4F20] =	vst v0;
	(pc) =	sbr.rel @p1 .LBB2_2-.Ltmp0, $3  }
0x1c: {  	[tilespmem:s3+$0x4F00] =	vst v0  }
0x1d: {  	[tilespmem:s3+$0x4F10] =	vst v0;
	_ =	sdelay $0x1  }
0x1e: {  	s3 =	sshra.s32 s5, $0x2  }
0x1f: {  	[tilespmem:s3+$0x4F30] =	vst v0  }
0x20: {  	[tilespmem:s3+$0x4F20] =	vst v0  }
0x21: {  	[tilespmem:s3+$0x4F00] =	vst v0  }
0x22: {  	[tilespmem:s3+$0x4F10] =	vst v0  }
0x23: {  	[spmem:s7] =	stream.linear.scatter [tilespmem:s17], [sflag:$0x5], $0x2000, $0x38;
	[tilespmem:$0x16F00] =	vst v63  }
0x24: {  	s5 =	rddreg [dreg:$0x6]  }
0x25: {  	[spmem:s5] =	stream.linear.scatter [tilespmem:s17], [sflag:$0x5], $0x2000, $0x38;
	[tilespmem:$0x16F00] =	vst v63  }
0x26: {  	_ = 	snop  }
0x27: {  	[spmem:s9] =	stream.linear.scatter [tilespmem:s17], [sflag:$0x5], $0x2000, $0x38;
	[tilespmem:$0x16F00] =	vst v63  }
0x28: {  	_ = 	snop  }
0x29: {  	[spmem:s10] =	stream.linear.scatter [tilespmem:s17], [sflag:$0x5], $0x2000, $0x38;
	[tilespmem:$0x16F00] =	vst v63  }
0x2a: {  	_ = 	snop  }
0x2b: {  	[spmem:s11] =	stream.linear.scatter [tilespmem:s17], [sflag:$0x5], $0x2000, $0x38;
	[tilespmem:$0x16F00] =	vst v63  }
0x2c: {  	_ =	swait.ge [sflag:s18], $0x2000  }
0x2d: {  	[sflag:s18] =	ssyncset.done $0x0  }
0x2e: {  	[sflag:s18] =	ssyncadd.s32 $0xFFFFE000  }
0x2f: {  	_ =	swait.ge [sflag:s18], $0x2000  }
0x30: {  	[sflag:s18] =	ssyncset.done $0x0  }
0x31: {  	[sflag:s18] =	ssyncadd.s32 $0xFFFFE000  }
0x32: {  	_ =	swait.ge [sflag:s18], $0x2000  }
0x33: {  	[sflag:s18] =	ssyncset.done $0x0  }
0x34: {  	[sflag:s18] =	ssyncadd.s32 $0xFFFFE000  }
0x35: {  	_ =	swait.ge [sflag:s18], $0x2000  }
0x36: {  	[sflag:s18] =	ssyncset.done $0x0  }
0x37: {  	[sflag:s18] =	ssyncadd.s32 $0xFFFFE000  }
0x38: {  	_ =	swait.ge [sflag:s18], $0x2000  }
0x39: {  	[sflag:s18] =	ssyncset.done $0x0  }
0x3a: {  	[sflag:s18] =	ssyncadd.s32 $0xFFFFE000  }
0x3b: {  	_ =	swait.ge [sflag:s19], $0x2700  }
0x3c: {  	[sflag:s19] =	ssyncset.done $0x0  }
0x3d: {  	[sflag:s19] =	ssyncadd.s32 $0xFFFFD900  }
0x3e: {  	_ =	swait.ge [sflag:s20], $0x2700  }
0x3f: {  	[sflag:s20] =	ssyncset.done $0x0  }
0x40: {  	s6 =	simm.s32 $0x0;
	[sflag:s20] =	ssyncadd.s32 $0xFFFFD900  }
0x41: {  	[tilespmem:s17], [sflag:$0x1] =	stream.indirect.gather [hbm4b:s4+s21], $0x40, s6, s21, $0xb8;
	[tilespmem:$0x16F00] =	vst v63  }
0x42: {  	_ = 	snop  }
0x43: {  	[tilespmem:s22], [sflag:$0x2] =	stream.indirect.gather [hbm4b:s4+s21], $0x40, s21, s21, $0xb8;
	[tilespmem:$0x16F00] =	vst v63  }
0x44: {  	[bflag:$0x0] =	sbarrier.arrive $0xFFFF  }
0x45: {  	_ =	swait.ge [sflag:s23], $0x2000  }
0x46: {  	[sflag:s23] =	ssyncset.done $0x0  }
0x47: {  	[sflag:s23] =	ssyncadd.s32 $0xFFFFE000  }
0x48: {  	[spmem:s1] =	stream.indirect.scatter.add.f32 [tilespmem:s17], [sflag:$0x5], $0x40, s16, s21, $0xb8;
	[tilespmem:$0x16F00] =	vst v63  }
0x49: {  	s8 =	simm.s32 $0x100  }
0x4a: {  	[tilespmem:s25], [sflag:$0x3] =	stream.indirect.gather [hbm4b:s4+s21], $0x40, s8, s21, $0xb8;
	[tilespmem:$0x16F00] =	vst v63  }
0x4b: {  	_ =	swait.ge [sflag:s26], $0x2000  }
0x4c: {  	[sflag:s26] =	ssyncset.done $0x0  }
0x4d: {  	s24 =	simm.s32 $0x2800;
	[sflag:s26] =	ssyncadd.s32 $0xFFFFE000  }
0x4e: {  	[spmem:s1] =	stream.indirect.scatter.add.f32 [tilespmem:s22], [sflag:$0x6], $0x40, s24, s21, $0xb8;
	[tilespmem:$0x16F00] =	vst v63  }
0x4f: {  	s5 =	simm.s32 $0x180  }
0x50: {  	[tilespmem:s30], [sflag:$0x4] =	stream.indirect.gather [hbm4b:s4+s21], $0x40, s5, s21, $0xb8;
	[tilespmem:$0x16F00] =	vst v63  }
0x51: {  	_ =	swait.ge [sflag:s19], $0x2000  }
0x52: {  	[sflag:s19] =	ssyncset.done $0x0  }
0x53: {  	s6 =	simm.s32 $0x2880;
	[sflag:s19] =	ssyncadd.s32 $0xFFFFE000  }
0x54: {  	[spmem:s1] =	stream.indirect.scatter.add.f32 [tilespmem:s25], [sflag:$0x7], $0x40, s6, s21, $0xb8;
	[tilespmem:$0x16F00] =	vst v63  }
0x55: {  	_ =	swait.ge [sflag:s18], $0x2000  }
0x56: {  	[sflag:s18] =	ssyncset.done $0x0  }
0x57: {  	s8 =	simm.s32 $0x200;
	[sflag:s18] =	ssyncadd.s32 $0xFFFFE000  }
0x58: {  	[tilespmem:s17], [sflag:$0x1] =	stream.indirect.gather [hbm4b:s4+s21], $0x40, s8, s21, $0xb8;
	[tilespmem:$0x16F00] =	vst v63  }
0x59: {  	_ =	swait.ge [sflag:s20], $0x2000  }
0x5a: {  	[sflag:s20] =	ssyncset.done $0x0  }
0x5b: {  	s24 =	simm.s32 $0x2900;
	[sflag:s20] =	ssyncadd.s32 $0xFFFFE000  }
0x5c: {  	[spmem:s1] =	stream.indirect.scatter.add.f32 [tilespmem:s30], [sflag:$0x8], $0x40, s24, s21, $0xb8;
	[tilespmem:$0x16F00] =	vst v63  }
0x5d: {  	_ =	swait.ge [sflag:s28], $0x2000  }
0x5e: {  	[sflag:s28] =	ssyncset.done $0x0  }
0x5f: {  	s5 =	simm.s32 $0x280;
	[sflag:s28] =	ssyncadd.s32 $0xFFFFE000  }
0x60: {  	[tilespmem:s22], [sflag:$0x2] =	stream.indirect.gather [hbm4b:s4+s21], $0x40, s5, s21, $0xb8;
	[tilespmem:$0x16F00] =	vst v63  }
0x61: {  	_ =	swait.ge [sflag:s23], $0x2000  }
0x62: {  	[sflag:s23] =	ssyncset.done $0x0  }
0x63: {  	s6 =	simm.s32 $0x2980;
	[sflag:s23] =	ssyncadd.s32 $0xFFFFE000  }
0x64: {  	[spmem:s1] =	stream.indirect.scatter.add.f32 [tilespmem:s17], [sflag:$0x5], $0x40, s6, s21, $0xb8;
	[tilespmem:$0x16F00] =	vst v63  }
0x65: {  	_ =	swait.ge [sflag:s29], $0x2000  }
0x66: {  	[sflag:s29] =	ssyncset.done $0x0  }
0x67: {  	s8 =	simm.s32 $0x300;
	[sflag:s29] =	ssyncadd.s32 $0xFFFFE000  }
0x68: {  	[tilespmem:s25], [sflag:$0x3] =	stream.indirect.gather [hbm4b:s4+s21], $0x40, s8, s21, $0xb8;
	[tilespmem:$0x16F00] =	vst v63  }
0x69: {  	_ =	swait.ge [sflag:s26], $0x2000  }
0x6a: {  	[sflag:s26] =	ssyncset.done $0x0  }
0x6b: {  	s24 =	simm.s32 $0x2A00;
	[sflag:s26] =	ssyncadd.s32 $0xFFFFE000  }
0x6c: {  	[spmem:s1] =	stream.indirect.scatter.add.f32 [tilespmem:s22], [sflag:$0x6], $0x40, s24, s21, $0xb8;
	[tilespmem:$0x16F00] =	vst v63  }
0x6d: {  	_ =	swait.ge [sflag:s31], $0x2000  }
0x6e: {  	[sflag:s31] =	ssyncset.done $0x0  }
0x6f: {  	s5 =	simm.s32 $0x380;
	[sflag:s31] =	ssyncadd.s32 $0xFFFFE000  }
0x70: {  	[tilespmem:s30], [sflag:$0x4] =	stream.indirect.gather [hbm4b:s4+s21], $0x40, s5, s21, $0xb8;
	[tilespmem:$0x16F00] =	vst v63  }
0x71: {  	_ =	swait.ge [sflag:s19], $0x2000  }
0x72: {  	[sflag:s19] =	ssyncset.done $0x0  }
0x73: {  	s6 =	simm.s32 $0x2A80;
	[sflag:s19] =	ssyncadd.s32 $0xFFFFE000  }
0x74: {  	[spmem:s1] =	stream.indirect.scatter.add.f32 [tilespmem:s25], [sflag:$0x7], $0x40, s6, s21, $0xb8;
	[tilespmem:$0x16F00] =	vst v63  }
0x75: {  	_ =	swait.ge [sflag:s18], $0x2000  }
0x76: {  	[sflag:s18] =	ssyncset.done $0x0  }
0x77: {  	s8 =	simm.s32 $0x400;
	[sflag:s18] =	ssyncadd.s32 $0xFFFFE000  }
0x78: {  	[tilespmem:s17], [sflag:$0x1] =	stream.indirect.gather [hbm4b:s4+s21], $0x40, s8, s21, $0xb8;
	[tilespmem:$0x16F00] =	vst v63  }
0x79: {  	_ =	swait.ge [sflag:s20], $0x2000  }
0x7a: {  	[sflag:s20] =	ssyncset.done $0x0  }
0x7b: {  	s24 =	simm.s32 $0x2B00;
	[sflag:s20] =	ssyncadd.s32 $0xFFFFE000  }
0x7c: {  	[spmem:s1] =	stream.indirect.scatter.add.f32 [tilespmem:s30], [sflag:$0x8], $0x40, s24, s21, $0xb8;
	[tilespmem:$0x16F00] =	vst v63  }
0x7d: {  	_ =	swait.ge [sflag:s28], $0x2000  }
0x7e: {  	[sflag:s28] =	ssyncset.done $0x0  }
0x7f: {  	s3 =	simm.s32 $0x480;
	s24 =	simm.s32 $0x800;
	[sflag:s28] =	ssyncadd.s32 $0xFFFFE000  }
.LBB2_4:
0x80: {  	[tilespmem:s22], [sflag:$0x2] =	stream.indirect.gather [hbm4b:s4+s21], $0x40, s3, s21, $0xb8;
	[tilespmem:$0x16F00] =	vst v63  }
0x81: {  	s3 =	smov.u32 s24  }
0x82: {  	p1 =	sne.s32 s24, $0x8800;
	s24 =	sadd.s32 $0x800, s24;
	_ =	swait.ge [sflag:s23], $0x2000  }
0x83: {  	s3 =	sshra.s32 s3, $0x2;
	[sflag:s23] =	ssyncset.done $0x0  }
0x84: {  	s5 =	sadd.s32 $0x2980, s3;
	[sflag:s23] =	ssyncadd.s32 $0xFFFFE000  }
0x85: {  	[spmem:s1] =	stream.indirect.scatter.add.f32 [tilespmem:s17], [sflag:$0x5], $0x40, s5, s21, $0xb8;
	[tilespmem:$0x16F00] =	vst v63  }
0x86: {  	_ =	swait.ge [sflag:s29], $0x2000  }
0x87: {  	[sflag:s29] =	ssyncset.done $0x0  }
0x88: {  	s5 =	sadd.s32 $0x300, s3;
	[sflag:s29] =	ssyncadd.s32 $0xFFFFE000  }
0x89: {  	[tilespmem:s25], [sflag:$0x3] =	stream.indirect.gather [hbm4b:s4+s21], $0x40, s5, s21, $0xb8;
	[tilespmem:$0x16F00] =	vst v63  }
0x8a: {  	_ =	swait.ge [sflag:s26], $0x2000  }
0x8b: {  	[sflag:s26] =	ssyncset.done $0x0  }
0x8c: {  	s5 =	sadd.s32 $0x2A00, s3;
	[sflag:s26] =	ssyncadd.s32 $0xFFFFE000  }
0x8d: {  	[spmem:s1] =	stream.indirect.scatter.add.f32 [tilespmem:s22], [sflag:$0x6], $0x40, s5, s21, $0xb8;
	[tilespmem:$0x16F00] =	vst v63  }
0x8e: {  	_ =	swait.ge [sflag:s31], $0x2000  }
0x8f: {  	[sflag:s31] =	ssyncset.done $0x0  }
0x90: {  	s5 =	sadd.s32 $0x380, s3;
	[sflag:s31] =	ssyncadd.s32 $0xFFFFE000  }
0x91: {  	[tilespmem:s30], [sflag:$0x4] =	stream.indirect.gather [hbm4b:s4+s21], $0x40, s5, s21, $0xb8;
	[tilespmem:$0x16F00] =	vst v63  }
0x92: {  	_ =	swait.ge [sflag:s19], $0x2000  }
0x93: {  	[sflag:s19] =	ssyncset.done $0x0  }
0x94: {  	s5 =	sadd.s32 $0x2A80, s3;
	[sflag:s19] =	ssyncadd.s32 $0xFFFFE000  }
0x95: {  	[spmem:s1] =	stream.indirect.scatter.add.f32 [tilespmem:s25], [sflag:$0x7], $0x40, s5, s21, $0xb8;
	[tilespmem:$0x16F00] =	vst v63  }
0x96: {  	_ =	swait.ge [sflag:s18], $0x2000  }
0x97: {  	[sflag:s18] =	ssyncset.done $0x0  }
0x98: {  	s5 =	sadd.s32 $0x400, s3;
	[sflag:s18] =	ssyncadd.s32 $0xFFFFE000  }
0x99: {  	[tilespmem:s17], [sflag:$0x1] =	stream.indirect.gather [hbm4b:s4+s21], $0x40, s5, s21, $0xb8;
	[tilespmem:$0x16F00] =	vst v63  }
0x9a: {  	_ =	swait.ge [sflag:s20], $0x2000  }
0x9b: {  	[sflag:s20] =	ssyncset.done $0x0  }
.Ltmp1:
0x9c: {  	s5 =	sadd.s32 $0x2B00, s3;
	[sflag:s20] =	ssyncadd.s32 $0xFFFFE000;
	(pc) =	sbr.rel @p1 .LBB2_4-.Ltmp1, $4  }
0x9d: {  	[spmem:s1] =	stream.indirect.scatter.add.f32 [tilespmem:s30], [sflag:$0x8], $0x40, s5, s21, $0xb8;
	[tilespmem:$0x16F00] =	vst v63  }
0x9e: {  	_ =	swait.ge [sflag:s28], $0x2000  }
0x9f: {  	[sflag:s28] =	ssyncset.done $0x0  }
0xa0: {  	s3 =	sadd.s32 $0x480, s3;
	[sflag:s28] =	ssyncadd.s32 $0xFFFFE000  }
0xa1: {  	[tilespmem:s22], [sflag:$0x2] =	stream.indirect.gather [hbm4b:s4+s21], $0x40, s3, s21, $0xb8;
	[tilespmem:$0x16F00] =	vst v63  }
0xa2: {  	_ =	swait.ge [sflag:s23], $0x2000  }
0xa3: {  	[sflag:s23] =	ssyncset.done $0x0  }
0xa4: {  	s5 =	simm.s32 $0x4D80;
	[sflag:s23] =	ssyncadd.s32 $0xFFFFE000  }
0xa5: {  	[spmem:s1] =	stream.indirect.scatter.add.f32 [tilespmem:s17], [sflag:$0x5], $0x40, s5, s21, $0xb8;
	[tilespmem:$0x16F00] =	vst v63  }
0xa6: {  	_ =	swait.ge [sflag:s29], $0x2000  }
0xa7: {  	[sflag:s29] =	ssyncset.done $0x0  }
0xa8: {  	[sflag:s29] =	ssyncadd.s32 $0xFFFFE000  }
0xa9: {  	_ =	swait.ge [sflag:s26], $0x2000  }
0xaa: {  	[sflag:s26] =	ssyncset.done $0x0  }
0xab: {  	s6 =	simm.s32 $0x4E00;
	[sflag:s26] =	ssyncadd.s32 $0xFFFFE000  }
0xac: {  	[spmem:s1] =	stream.indirect.scatter.add.f32 [tilespmem:s22], [sflag:$0x6], $0x40, s6, s21, $0xb8;
	[tilespmem:$0x16F00] =	vst v63  }
0xad: {  	_ =	swait.ge [sflag:s31], $0x2000  }
0xae: {  	[sflag:s31] =	ssyncset.done $0x0  }
0xaf: {  	[sflag:s31] =	ssyncadd.s32 $0xFFFFE000  }
0xb0: {  	_ =	swait.ge [sflag:s18], $0x2000  }
0xb1: {  	[sflag:s18] =	ssyncset.done $0x0  }
0xb2: {  	[sflag:s18] =	ssyncadd.s32 $0xFFFFE000  }
0xb3: {  	_ =	swait.ge [sflag:s28], $0x2000  }
0xb4: {  	s3 =	simm.s32 @!p0 $0x0;
	[sflag:s28] =	ssyncset.done $0x0  }
0xb5: {  	s24 =	simm.s32 @!p0 $0x9;
	s5 =	simm.s32 @!p0 $0x2700;
	[sflag:s28] =	ssyncadd.s32 $0xFFFFE000  }
0xb6: {  	[tilespmem:s5], [sflag:$0x9] =	stream.linear.gather @!p0 [hbm4b:s12+s3], $0x80, $0x38;
	[tilespmem:$0x16F00] =	vst v63  }
0xb7: {  	_ =	swait.ge @!p0 [sflag:s24], $0x80  }
0xb8: {  	[sflag:s24] =	ssyncset.done @!p0 $0x0  }
0xb9: {  	s6 =	simm.s32 @!p0 $0x4E80;
	[sflag:s24] =	ssyncadd.s32 @!p0 $0xFFFFFF80  }
0xba: {  	[tilespmem:s6], [sflag:$0x9] =	stream.linear.gather @!p0 [hbm4b:s13+s3], $0x80, $0x38;
	[tilespmem:$0x16F00] =	vst v63  }
0xbb: {  	_ =	swait.ge @!p0 [sflag:s24], $0x80  }
0xbc: {  	[sflag:s24] =	ssyncset.done @!p0 $0x0  }
0xbd: {  	s8 =	simm.s32 @!p0 $0x8F00;
	s3 =	simm.s32 @!p0 $0x80;
	[sflag:s24] =	ssyncadd.s32 @!p0 $0xFFFFFF80  }
0xbe: {  	[tilespmem:s8], [sflag:$0x9] =	stream.indirect.gather @!p0 [hbm4b:s4+s3], $0x40, s5, s3, $0xb8;
	[tilespmem:$0x16F00] =	vst v63  }
0xbf: {  	_ =	swait.ge @!p0 [sflag:s24], $0x2000  }
0xc0: {  	[sflag:s24] =	ssyncset.done @!p0 $0x0  }
0xc1: {  	[sflag:s24] =	ssyncadd.s32 @!p0 $0xFFFFE000  }
0xc2: {  	[spmem:s1] =	stream.indirect.scatter.add.f32 @!p0 [tilespmem:s8], [sflag:$0x9], $0x40, s6, s3, $0xb8;
	[tilespmem:$0x16F00] =	vst v63  }
0xc3: {  	s8 =	stileid.u32;
	_ =	swait.ge @!p0 [sflag:s24], $0x2000  }
0xc4: {  	s0 =	sadd.s32 $0x1, s0;
	s3 =	sshll.u32 s8, $0x6;
	[sflag:s24] =	ssyncset.done @!p0 $0x0  }
0xc5: {  	p1 =	sne.s32 s0, s15;
	s3 =	sor.u32 $0x1C09, s3;
	[sflag:s24] =	ssyncadd.s32 @!p0 $0xFFFFE000  }
.Ltmp2:
0xc6: {  	s24 =	sshrl.u32 s7, $0x3;
	[bflag:$0x0] =	sbarrier.arrive $0xFFFF;
	(pc) =	sbr.rel @p1 .LBB2_1-.Ltmp2, $4  }
0xc7: {  	[hbm:s14], [sflag:s3] =	dma.local [spmem:s24], $0x1400  }
0xc8: {  	_ =	swait.ge [sflag:s2], $0x1400  }
0xc9: {  	[sflag:s2] =	ssyncset.done $0x0  }
0xca: {  	[sflag:s2] =	ssyncadd.s32 $0xFFFFEC00  }
0xcb: {  	_ =	sfence.sel $0x180000  }
0xcc: {  	[bflag:$0x0] =	sbarrier.arrive $0xFFFF  }
0xcd: {  	_ =	strace $0x9000004D  }
0xce: {  	s0 =	stileid.u32;
	[bflag:$0x2] =	sbarrier.arrive $0xFFFF  }
0xcf: {  	p0 =	sne.s32 s0, $0x0;
	s0 =	rddreg [dreg:$0x3]  }
0xd0: {  	s0 =	sadd.s32 @!p0 $0x100000, s0  }
0xd1: {  	[sflag:s0] =	ssyncadd.tile.s32 @!p0 $0x1;
	_ =	shalt  }
.Lfunc_end2:
_tile_overlayer_lowered:
.L_overlay_start_2:
0xd2: {  	(tag) =	ssettag $0x2  }
0xd3: {  	s0 =	rddreg [dreg:$0x0];
	s2 =	stileid.u32  }
0xd4: {  	s1 =	rddreg [dreg:$0x1];
	p0 =	sne.s32 s2, $0x0  }
0xd5: {  	s3 =	rddreg [dreg:$0x2];
	[bflag:$0x3] =	sbarrier.arrive $0xFFFF;
	s2 =	simm.s32 @!p0 $0x1C09  }
0xd6: {  	[timem:s3], [sflag:s2] =	dma.local @!p0 [hbm:s0], s1  }
0xd7: {  	s0 =	simm.s32 @!p0 $0x9  }
0xd8: {  	_ =	swait.ge @!p0 [sflag:s0], s1  }
0xd9: {  	s1 =	ssub.s32 @!p0 $0x0, s1;
	[sflag:s0] =	ssyncset.done @!p0 $0x0  }
0xda: {  	[sflag:s0] =	ssyncadd.s32 @!p0 s1  }
0xdb: {  	[bflag:$0x3] =	sbarrier.arrive $0xFFFF  }
0xdc: {  	_ =	shalt  }

// kernel: kernel.8.cloned.1.call-start
scs
__scs_entry_jumppad:
0x0: {  	(pc) =	sbr.rel $0x88, $3  }
0x1: {  	(tag) =	ssettag $0x0;
	lr =	simm.s32 $0x1  }
0x2: {  	[smem:$0x3F9D] =	sst lr;
	_ =	strace $0xD0000000  }
0x3: {  	_ = 	snop  }
0x4: {  	_ = 	snop  }
0x5: {  	_ = 	snop  }
0x6: {  	_ = 	snop  }
0x7: {  	_ = 	snop  }
__scs_overlays_trampoline_lowered:
0x8: {  	[smem:$0x3FAC] =	sst s0  }
0x9: {  	[smem:$0x3FAD] =	sst s1  }
0xa: {  	[smem:$0x3FAE] =	sst s2  }
0xb: {  	[smem:$0x3FAF] =	sst s3  }
0xc: {  	[smem:$0x3FB0] =	sst s4  }
0xd: {  	[smem:$0x3FB1] =	sst s5  }
0xe: {  	[smem:$0x3FB2] =	sst s6  }
0xf: {  	[smem:$0x3FB3] =	sst s7  }
0x10: {  	[smem:$0x3FB4] =	sst s8  }
0x11: {  	[smem:$0x3FB5] =	sst s9;
	s0 =	simm.s32 @!p0 $0x0  }
0x12: {  	s1 =	sld [smem:$0x3F9B];
	s0 =	simm.s32 @p0 $0x1  }
0x13: {  	[smem:$0x3FB6] =	sst s0;
	s0 =	simm.s32 @!p1 $0x0  }
0x14: {  	s2 =	sld [smem:$0x3F9A];
	s0 =	simm.s32 @p1 $0x1  }
0x15: {  	[smem:$0x3FB7] =	sst s0;
	s0 =	simm.s32 @!p2 $0x0  }
0x16: {  	s3 =	sld [smem:$0x3FDB];
	s0 =	simm.s32 @p2 $0x1  }
0x17: {  	s4 =	simm.s32 $0x1BF5;
	[smem:$0x3FB9] =	sst s0  }
0x18: {  	s0 =	sld [smem:$0x3F9C];
	_ =	swait.ge [sflag:s4], $0x0  }
0x19: {  	s7 =	sld [smem:$0x3F9D]  }
0x1a: {  	s8 =	sadd.s32 $0xFFFFE003, lr  }
0x1b: {  	s9 =	sadd.s32 $0xFFFFFEF7, lr;
	s5 =	simm.s32 $0xFFFFFFFF;
	p2 =	slt.u32 s8, $0xFFFFF086  }
0x1c: {  	p1 =	slt.u32 s9, $0xF7A;
	s5 =	simm.s32 @!p2 $0x0  }
0x1d: {  	s5 =	simm.s32 @p1 $0x1;
	p0 =	seq.s32 s7, s2  }
0x1e: {  	s7 =	smul.u32 @!p0 $0xF7A, s2;
	p2 =	seq.s32 @!p0 s5, $0x0  }
0x1f: {  	s9 =	smul.u32 $0xF7A, s1;
	s8 =	simm.s32 @!p0 $0x1BF5;
	p2 =	por !p2, p0  }
0x20: {  	[sflag:s8] =	ssyncset.s32 @!p0 $0xFFFFF086;
	s6 =	sadd.s32 @!p0 s3, s7;
	s7 =	simm.s32 @!p0 $0x108  }
0x21: {  	s3 =	sadd.s32 s3, s9;
	s6 =	sadd.s32 @!p0 $0x88, s6;
	s7 =	simm.s32 @p2 $0x1082  }
0x22: {  	[simem:s7], [sflag:s8] =	dma.local @!p0 [hbm:s6], $0xF7A  }
0x23: {  	s9 =	sor.u32 $0xD0000000, s2;
	s6 =	simm.s32 $0x108;
	_ =	swait.ge @!p0 [sflag:s8], $0x0  }
0x24: {  	s3 =	sadd.s32 $0x88, s3;
	s6 =	simm.s32 @!p1 $0x1082;
	[sflag:s4] =	ssyncset.s32 $0xFFFFF086  }
0x25: {  	[simem:s6], [sflag:s4] =	dma.local [hbm:s3], $0xF7A  }
0x26: {  	[smem:$0x3F9D] =	sst s1;
	(tag) =	ssettag s2;
	_ =	strace s9  }
0x27: {  	s1 =	sld [smem:$0x3FAD]  }
0x28: {  	s2 =	sld [smem:$0x3FAE]  }
0x29: {  	s4 =	sld [smem:$0x3FB0]  }
0x2a: {  	p0 =	seq.s32 s5, $0x0;
	s5 =	sld [smem:$0x3FB1]  }
0x2b: {  	s6 =	sld [smem:$0x3FB2]  }
0x2c: {  	s7 =	sld [smem:$0x3FB3]  }
0x2d: {  	s3 =	simm.s32 $0x108;
	s8 =	sld [smem:$0x3FB4]  }
0x2e: {  	s3 =	simm.s32 @!p0 $0x1082;
	s9 =	sld [smem:$0x3FB5]  }
0x2f: {  	lr =	sadd.s32 s0, s3;
	s0 =	sld [smem:$0x3FAC]  }
0x30: {  	s3 =	sld [smem:$0x3FAF]  }
0x31: {  	[smem:$0x3FB8] =	sst s10  }
0x32: {  	s10 =	sld [smem:$0x3FB6];
	_ =	sdelay $0x3  }
0x33: {  	p0 =	seq.s32 s10, $0x1;
	s10 =	sld [smem:$0x3FB8];
	_ =	sdelay $0x3  }
0x34: {  	[smem:$0x3FB8] =	sst s10  }
0x35: {  	s10 =	sld [smem:$0x3FB7];
	_ =	sdelay $0x3  }
0x36: {  	p1 =	seq.s32 s10, $0x1;
	s10 =	sld [smem:$0x3FB8];
	_ =	sdelay $0x3  }
0x37: {  	[smem:$0x3FB8] =	sst s10  }
0x38: {  	s10 =	sld [smem:$0x3FB9]  }
0x39: {  	_ = 	snop;
	(pc) =	sbr.ind lr, $3  }
0x3a: {  	_ = 	snop  }
0x3b: {  	_ = 	snop  }
0x3c: {  	p2 =	seq.s32 s10, $0x1;
	s10 =	sld [smem:$0x3FB8]  }
0x3d: {  	_ =	shalt  }
0x3e: {  	_ =	shalt  }
0x3f: {  	_ =	shalt  }
0x40: {  	_ =	shalt  }
0x41: {  	_ =	shalt  }
0x42: {  	_ =	shalt  }
0x43: {  	_ =	shalt  }
0x44: {  	_ =	shalt  }
0x45: {  	_ =	shalt  }
0x46: {  	_ =	shalt  }
0x47: {  	_ =	shalt  }
0x48: {  	_ =	shalt  }
0x49: {  	_ =	shalt  }
0x4a: {  	_ =	shalt  }
0x4b: {  	_ =	shalt  }
0x4c: {  	_ =	shalt  }
0x4d: {  	_ =	shalt  }
0x4e: {  	_ =	shalt  }
0x4f: {  	_ =	shalt  }
0x50: {  	_ =	shalt  }
0x51: {  	_ =	shalt  }
0x52: {  	_ =	shalt  }
0x53: {  	_ =	shalt  }
0x54: {  	_ =	shalt  }
0x55: {  	_ =	shalt  }
0x56: {  	_ =	shalt  }
0x57: {  	_ =	shalt  }
0x58: {  	_ =	shalt  }
0x59: {  	_ =	shalt  }
0x5a: {  	_ =	shalt  }
0x5b: {  	_ =	shalt  }
0x5c: {  	_ =	shalt  }
0x5d: {  	_ =	shalt  }
0x5e: {  	_ =	shalt  }
0x5f: {  	_ =	shalt  }
0x60: {  	_ =	shalt  }
0x61: {  	_ =	shalt  }
0x62: {  	_ =	shalt  }
0x63: {  	_ =	shalt  }
0x64: {  	_ =	shalt  }
0x65: {  	_ =	shalt  }
0x66: {  	_ =	shalt  }
0x67: {  	_ =	shalt  }
0x68: {  	_ =	shalt  }
0x69: {  	_ =	shalt  }
0x6a: {  	_ =	shalt  }
0x6b: {  	_ =	shalt  }
0x6c: {  	_ =	shalt  }
0x6d: {  	_ =	shalt  }
0x6e: {  	_ =	shalt  }
0x6f: {  	_ =	shalt  }
0x70: {  	_ =	shalt  }
0x71: {  	_ =	shalt  }
0x72: {  	_ =	shalt  }
0x73: {  	_ =	shalt  }
0x74: {  	_ =	shalt  }
0x75: {  	_ =	shalt  }
0x76: {  	_ =	shalt  }
0x77: {  	_ =	shalt  }
0x78: {  	_ =	shalt  }
0x79: {  	_ =	shalt  }
0x7a: {  	_ =	shalt  }
0x7b: {  	_ =	shalt  }
0x7c: {  	_ =	shalt  }
0x7d: {  	_ =	shalt  }
0x7e: {  	_ =	shalt  }
0x7f: {  	_ =	shalt  }
0x80: {  	_ =	shalt  }
0x81: {  	_ =	shalt  }
0x82: {  	_ =	shalt  }
0x83: {  	_ =	shalt  }
0x84: {  	_ =	shalt  }
0x85: {  	_ =	shalt  }
0x86: {  	_ =	shalt  }
0x87: {  	_ =	shalt  }
.Lfunc_end0:
.L_simem_size_0:
called_computation_lowered:
.L_overlay_start_0:
0x88: {  	s2 =	sld [smem:$0x3FD9]  }
0x89: {  	s3 =	sld [smem:$0x3FFE];
	_ =	sdelay $0x1  }
0x8a: {  	s1 =	srdreg.scid  }
0x8b: {  	s0 =	sand.u32 $0x1, s1  }
0x8c: {  	s17 =	sshll.u32 s0, $0xA;
	s2 =	sadd.s32 s3, s2  }
0x8d: {  	s2 =	sadd.s32 s2, s17  }
0x8e: {  	[smem:$0x3FC4] =	sst s2  }
0x8f: {  	_ = 	snop  }
0x90: {  	s2 =	sld [smem:$0x3FD0];
	(tm) =	ssettm $0x1  }
0x91: {  	s18 =	sld [smem:$0x3FFB];
	_ =	sdelay $0x3  }
0x92: {  	_ =	strace s18  }
0x93: {  	s3 =	sld [smem:$0x3FFC];
	_ =	sdelay $0x3  }
0x94: {  	_ =	strace s3  }
0x95: {  	s3 =	sld [smem:$0x3FFD];
	_ =	sdelay $0x3  }
0x96: {  	_ =	strace s3  }
0x97: {  	_ =	strace $0x8FFFFFFF  }
0x98: {  	s19 =	sld [smem:$0x3FDB];
	_ =	sdelay $0x1  }
0x99: {  	s4 =	simm.s32 $_scs_section_size  }
0x9a: {  	s5 =	simm.s32 $_size__tile_overlayer_lowered;
	s6 =	simm.s32 $_tile_overlayer_lowered  }
0x9b: {  	s22 =	simm.s32 $0x1BFF;
	s21 =	sshll.u32 s6, $0x1;
	s3 =	sadd.s32 s4, s19  }
0x9c: {  	s7 =	simm.s32 $0x0;
	s20 =	sshll.u32 s5, $0x1;
	s5 =	sadd.s32 s21, s3  }
0x9d: {  	[timem:s7], [sflag:s22] =	dma.local [hbm:s5], s20  }
0x9e: {  	_ =	swait.ge [sflag:s22], s20  }
0x9f: {  	s4 =	ssub.s32 $0x0, s20;
	[sflag:s22] =	ssyncset.done $0x0  }
0xa0: {  	[sflag:s22] =	ssyncadd.s32 s4;
	_ =	sdelay $0x1  }
0xa1: {  	s23 =	simm.s32 $0x1B8B  }
0xa2: {  	_ =	swait.ge [sflag:s23], $0x1  }
0xa3: {  	[sflag:s23] =	ssyncset.done $0x0  }
0xa4: {  	s25 =	simm.s32 $0x1B8E;
	s24 =	sld [smem:$0x3FFE];
	[sflag:s23] =	ssyncadd.s32 $0xFFFFFFFF  }
0xa5: {  	s26 =	simm.s32 $execute0_lowered;
	[smem:$0x3FD2] =	sst s25  }
0xa6: {  	s5 =	sshll.u32 s26, $0x1;
	_ =	strace $0x80000046;
	[dreg:$0x1] =	wrdreg $0xFFFFFFFF  }
0xa7: {  	s28 =	simm.s32 $_size_execute0_lowered;
	s3 =	sadd.s32 s3, s5;
	[dreg:$0x0] =	wrdreg $0x0  }
0xa8: {  	s5 =	sshll.u32 s28, $0x1;
	[dreg:$0x2] =	wrdreg s3  }
0xa9: {  	[dreg:$0x3] =	wrdreg s5  }
0xaa: {  	[dreg:$0x4] =	wrdreg $0xC0  }
0xab: {  	_ =	task [dreg:s7], $0x5FFFF  }
0xac: {  	[dreg:$0x1] =	wrdreg $0xFFFFFFFF  }
0xad: {  	[dreg:$0x0] =	wrdreg $0x60  }
0xae: {  	[dreg:$0x2] =	wrdreg s2  }
0xaf: {  	[dreg:$0x3] =	wrdreg s24  }
0xb0: {  	[dreg:$0x4] =	wrdreg $0xFF800  }
0xb1: {  	[dreg:$0x5] =	wrdreg $0x9  }
0xb2: {  	_ =	task.clear_ibuf [dreg:s7], $0x6FFFF;
	_ =	strace $0x90000046  }
0xb3: {  	s29 =	simm.s32 $0x9;
	_ =	strace $0x80000048  }
0xb4: {  	_ =	swait.ge [sflag:s29], $0x1  }
0xb5: {  	[sflag:s29] =	ssyncadd.s32 $0xFFFFFFFF  }
0xb6: {  	_ =	strace $0x90000048  }
0xb7: {  	_ =	sfence  }
0xb8: {  	s30 =	sld [smem:$0x0];
	_ =	sdelay $0x2  }
0xb9: {  	s31 =	sshll.u32 s1, $0xD;
	s1 =	sshrl.u32 s1, $0x2  }
0xba: {  	s3 =	sand.u32 $0x4000, s31;
	s1 =	sadd.s32 s1, s30  }
0xbb: {  	s0 =	sor.u32 s3, s0;
	s1 =	sshll.u32 s1, $0x11  }
0xbc: {  	s0 =	sor.u32 s1, s0  }
0xbd: {  	s0 =	sadd.s32 $0x8F2B, s0  }
0xbe: {  	[sflag:s0] =	ssyncadd.remote.s32 $0x1  }
0xbf: {  	_ =	sfence.sel $0xFFFF  }
0xc0: {  	[dreg:$0x0] =	wrdreg $0xFFFFFFFF;
	(pc) =	sbr.abs _section_cstart, $3  }
0xc1: {  	[dreg:$0x1] =	wrdreg $0xFFFFFFFF  }
0xc2: {  	_ =	task.clear_ibuf [dreg:s7], $0x2FFFF;
	_ =	strace $0x9FFFFFFF  }
0xc3: {  	(tm) =	ssettm $0x7FFFFFFF  }
tec
execute0_lowered:
.L_overlay_start_1:
0x0: {  	(tag) =	ssettag $0x1  }
0x1: {  	s8 =	rddreg [dreg:$0x0]  }
0x2: {  	s4 =	rddreg [dreg:$0x1]  }
0x3: {  	s2 =	rddreg [dreg:$0x2]  }
0x4: {  	s0 =	rddreg [dreg:$0x3]  }
0x5: {  	s3 =	simm.s32 $0x0;
	s5 =	srdreg.scid;
	s1 =	stileid.u32  }
0x6: {  	s13 =	simm.s32 $0x2F80;
	s14 =	simm.s32 $0x2;
	s15 =	simm.s32 $0x1  }
0x7: {  	s16 =	simm.s32 $0x80;
	s17 =	simm.s32 $0x2780;
	s18 =	simm.s32 $0x3  }
0x8: {  	s20 =	simm.s32 $0x5F80;
	s21 =	simm.s32 $0x0;
	s6 =	smul.u32 $0x1400, s1  }
0x9: {  	[smem:$0x7FF] =	sst s3;
	s5 =	sand.u32 $0x1, s5;
	s26 =	smul.u32 $0xA000, s1  }
0xa: {  	s30 =	sshll.u32 s1, $0x4;
	_ =	strace $0x80000047;
	s7 =	smul.u32 $0x14000, s5  }
0xb: {  	s9 =	sshll.u32 s5, $0x4;
	s5 =	ssub.s32 $0x2, s5;
	s31 =	sadd.s32 s30, s8  }
0xc: {  	s19 =	sor.u32 s1, s9;
	s28 =	sshrl.u32 s5, $0x1;
	s29 =	sshrl.u32 s26, $0x2  }
0xd: {  	s6 =	sadd.s32 s6, s7;
	s10 =	smul.u32 $0x4E0, s19;
	s12 =	ssub.s32 s5, s28  }
0xe: {  	s5 =	sadd.s32 s29, s2;
	p0 =	sgt.u32 s19, $0x3;
	s19 =	simm.s32 $0x3780  }
0xf: {  	s11 =	sadd.s32 s6, s4;
	s6 =	sadd.s32 $0x800, s5;
	s7 =	sadd.s32 $0x1000, s5  }
0x10: {  	s9 =	sadd.s32 $0x2000, s5;
	s12 =	smax.u32 s12, $0x1;
	s4 =	sadd.s32 s8, s10  }
0x11: {  	v0 =	vimm.f32 $0.0e+00;
	v1 =	vimm.f32 $1.000000000e+00;
	s8 =	sadd.s32 $0x1800, s5;
	s10 =	sadd.s32 $0x9C00, s31;
	s11 =	sadd.s32 $0x1E00, s11  }
.LBB2_1:
0x12: {  	[tilespmem:s3], [sflag:$0x1] =	stream.linear.gather [hbm4b:s4+s3], $0x2700, $0x38;
	[tilespmem:$0x12780] =	vst v63  }
0x13: {  	s22 =	simm.s32 $0x40;
	s23 =	simm.s32 $0x0  }
.LBB2_2:
0x14: {  	p1 =	sne.s32 s22, $0x1FC0;
	[tilespmem:s23+$0x2F80] =	vst v0;
	s24 =	smov.u32 s22;
	s22 =	sadd.s32 $0x40, s22  }
.Ltmp0:
0x15: {  	[tilespmem:s23+$0x2780] =	vst v1;
	(pc) =	sbr.rel @p1 .LBB2_2-.Ltmp0, $2  }
0x16: {  	_ =	sdelay $0x2  }
0x17: {  	s23 =	sshra.s32 s24, $0x2  }
0x18: {  	[tilespmem:s23+$0x2F80] =	vst v0  }
0x19: {  	[tilespmem:s23+$0x2780] =	vst v1  }
0x1a: {  	[spmem:s5] =	stream.linear.scatter [tilespmem:s13], [sflag:$0x2], $0x800, $0x38;
	[tilespmem:$0x12780] =	vst v63  }
0x1b: {  	_ = 	snop  }
0x1c: {  	[spmem:s6] =	stream.linear.scatter [tilespmem:s13], [sflag:$0x2], $0x800, $0x38;
	[tilespmem:$0x12780] =	vst v63  }
0x1d: {  	_ = 	snop  }
0x1e: {  	[spmem:s7] =	stream.linear.scatter [tilespmem:s13], [sflag:$0x2], $0x800, $0x38;
	[tilespmem:$0x12780] =	vst v63  }
0x1f: {  	_ = 	snop  }
0x20: {  	[spmem:s8] =	stream.linear.scatter [tilespmem:s13], [sflag:$0x2], $0x800, $0x38;
	[tilespmem:$0x12780] =	vst v63  }
0x21: {  	_ = 	snop  }
0x22: {  	[spmem:s9] =	stream.linear.scatter [tilespmem:s13], [sflag:$0x2], $0x800, $0x38;
	[tilespmem:$0x12780] =	vst v63  }
0x23: {  	_ =	swait.ge [sflag:s14], $0x800  }
0x24: {  	[sflag:s14] =	ssyncset.done $0x0  }
0x25: {  	[sflag:s14] =	ssyncadd.s32 $0xFFFFF800  }
0x26: {  	_ =	swait.ge [sflag:s14], $0x800  }
0x27: {  	[sflag:s14] =	ssyncset.done $0x0  }
0x28: {  	[sflag:s14] =	ssyncadd.s32 $0xFFFFF800  }
0x29: {  	_ =	swait.ge [sflag:s14], $0x800  }
0x2a: {  	[sflag:s14] =	ssyncset.done $0x0  }
0x2b: {  	[sflag:s14] =	ssyncadd.s32 $0xFFFFF800  }
0x2c: {  	_ =	swait.ge [sflag:s14], $0x800  }
0x2d: {  	[sflag:s14] =	ssyncset.done $0x0  }
0x2e: {  	[sflag:s14] =	ssyncadd.s32 $0xFFFFF800  }
0x2f: {  	_ =	swait.ge [sflag:s14], $0x800  }
0x30: {  	[sflag:s14] =	ssyncset.done $0x0  }
0x31: {  	[sflag:s14] =	ssyncadd.s32 $0xFFFFF800  }
0x32: {  	_ =	swait.ge [sflag:s15], $0x2700  }
0x33: {  	[sflag:s15] =	ssyncset.done $0x0  }
0x34: {  	[sflag:s15] =	ssyncadd.s32 $0xFFFFD900  }
0x35: {  	s22 =	simm.s32 $0x0;
	[bflag:$0x0] =	sbarrier.arrive $0xFFFF  }
0x36: {  	[spmem:s2] =	stream.indirect.scatter.add.f32 [tilespmem:s17], [sflag:$0x3], $0x10, s22, s16, $0xb8;
	[tilespmem:$0x12780] =	vst v63  }
0x37: {  	_ =	swait.ge [sflag:s18], $0x800  }
0x38: {  	s22 =	simm.s32 $0x200;
	[sflag:s18] =	ssyncset.done $0x0  }
.LBB2_4:
0x39: {  	s23 =	sshra.s32 s22, $0x2;
	[sflag:s18] =	ssyncadd.s32 $0xFFFFF800;
	p1 =	sne.s32 s22, $0x9A00  }
0x3a: {  	[spmem:s2] =	stream.indirect.scatter.add.f32 [tilespmem:s17], [sflag:$0x3], $0x10, s23, s16, $0xb8;
	[tilespmem:$0x12780] =	vst v63  }
.Ltmp1:
0x3b: {  	_ = 	snop;
	(pc) =	sbr.rel @p1 .LBB2_4-.Ltmp1, $4  }
0x3c: {  	_ = 	snop  }
0x3d: {  	s22 =	sadd.s32 $0x200, s22  }
0x3e: {  	_ =	swait.ge [sflag:s18], $0x800  }
0x3f: {  	[sflag:s18] =	ssyncset.done $0x0  }
0x40: {  	[sflag:s18] =	ssyncadd.s32 $0xFFFFF800;
	s22 =	simm.s32 @!p0 $0x0;
	s23 =	simm.s32 @!p0 $0x2700  }
0x41: {  	[tilespmem:s23], [sflag:$0x3] =	stream.linear.gather @!p0 [hbm4b:s10+s22], $0x80, $0x38;
	[tilespmem:$0x12780] =	vst v63  }
0x42: {  	s22 =	simm.s32 @!p0 $0x3  }
0x43: {  	_ =	swait.ge @!p0 [sflag:s22], $0x80  }
0x44: {  	[sflag:s22] =	ssyncset.done @!p0 $0x0  }
0x45: {  	s24 =	simm.s32 @!p0 $0x80;
	s25 =	simm.s32 @!p0 $0x2780;
	[sflag:s22] =	ssyncadd.s32 @!p0 $0xFFFFFF80  }
0x46: {  	[spmem:s2] =	stream.indirect.scatter.add.f32 @!p0 [tilespmem:s25], [sflag:$0x3], $0x10, s23, s24, $0xb8;
	[tilespmem:$0x12780] =	vst v63  }
0x47: {  	_ =	swait.ge @!p0 [sflag:s22], $0x800  }
0x48: {  	[sflag:s22] =	ssyncset.done @!p0 $0x0  }
0x49: {  	[sflag:s22] =	ssyncadd.s32 @!p0 $0xFFFFF800  }
0x4a: {  	[bflag:$0x0] =	sbarrier.arrive $0xFFFF  }
0x4b: {  	[tilespmem:s19], [sflag:$0x3] =	stream.linear.gather [spmem:s5], $0x2800, $0x38;
	[tilespmem:$0x12780] =	vst v63  }
0x4c: {  	_ =	swait.ge [sflag:s18], $0x2800  }
0x4d: {  	[sflag:s18] =	ssyncset.done $0x0  }
0x4e: {  	s31 =	simm.s32 $0x0;
	[sflag:s18] =	ssyncadd.s32 $0xFFFFD800  }
0x4f: {  	v2 =	vld [tilespmem:s31+$0x3780];
	_ =	sdelay $0x3  }
0x50: {  	s22 =	simm.s32 $0x5FA0  }
0x51: {  	[tilespmem:s22+$0xFFFFFFE0] =	vst v2  }
0x52: {  	[tilespmem:s22+$0xFFFFFFF0] =	vst v2  }
0x53: {  	[tilespmem:s22+$0x0] =	vst v2  }
0x54: {  	s24 =	simm.s32 $0x10;
	s23 =	simm.s32 $0x80;
	[tilespmem:s22+$0x10] =	vst v2  }
.LBB2_6:
0x55: {  	p1 =	sne.s32 s23, $0x9FC0;
	v2 =	vld [tilespmem:s24+$0x3780];
	_ =	sdelay $0x3  }
.Ltmp2:
0x56: {  	s22 =	sadd.s32 $0x40, s22;
	(pc) =	sbr.rel @p1 .LBB2_6-.Ltmp2, $4  }
0x57: {  	[tilespmem:s22+$0xFFFFFFE0] =	vst v2  }
0x58: {  	[tilespmem:s22+$0xFFFFFFF0] =	vst v2  }
0x59: {  	[tilespmem:s22+$0x0] =	vst v2  }
0x5a: {  	s24 =	sshra.s32 s23, $0x2;
	s23 =	sadd.s32 $0x40, s23;
	[tilespmem:s22+$0x10] =	vst v2  }
0x5b: {  	v2 =	vld [tilespmem:s24+$0x3780];
	_ =	sdelay $0x3  }
0x5c: {  	s22 =	sadd.s32 $0x40, s22  }
0x5d: {  	[tilespmem:s22+$0xFFFFFFE0] =	vst v2  }
0x5e: {  	s21 =	sadd.s32 $0x1, s21;
	[tilespmem:s22+$0xFFFFFFF0] =	vst v2  }
0x5f: {  	p1 =	sne.s32 s21, s12;
	[tilespmem:s22+$0x0] =	vst v2  }
.Ltmp3:
0x60: {  	[tilespmem:s22+$0x10] =	vst v2;
	(pc) =	sbr.rel @p1 .LBB2_1-.Ltmp3, $4  }
0x61: {  	[hbm4b:s11+s3] =	stream.linear.scatter [tilespmem:s20], [sflag:$0x3], $0xA000, $0x38;
	[tilespmem:$0x12780] =	vst v63  }
0x62: {  	_ =	swait.ge [sflag:s18], $0xA000  }
0x63: {  	[sflag:s18] =	ssyncset.done $0x0  }
0x64: {  	[sflag:s18] =	ssyncadd.s32 $0xFFFF6000  }
0x65: {  	_ =	sfence.sel $0x180000  }
0x66: {  	[bflag:$0x0] =	sbarrier.arrive $0xFFFF  }
0x67: {  	p0 =	sne.s32 s1, $0x0;
	_ =	strace $0x90000047  }
0x68: {  	s0 =	sadd.s32 @!p0 $0x100000, s0;
	[bflag:$0x2] =	sbarrier.arrive $0xFFFF  }
0x69: {  	[sflag:s0] =	ssyncadd.tile.s32 @!p0 $0x1;
	_ =	shalt  }
.Lfunc_end2:
_tile_overlayer_lowered:
.L_overlay_start_2:
0x6a: {  	(tag) =	ssettag $0x2  }
0x6b: {  	s0 =	rddreg [dreg:$0x0];
	s2 =	stileid.u32  }
0x6c: {  	s1 =	rddreg [dreg:$0x1];
	p0 =	sne.s32 s2, $0x0  }
0x6d: {  	s3 =	rddreg [dreg:$0x2];
	[bflag:$0x3] =	sbarrier.arrive $0xFFFF;
	s2 =	simm.s32 @!p0 $0x1C03  }
0x6e: {  	[timem:s3], [sflag:s2] =	dma.local @!p0 [hbm:s0], s1  }
0x6f: {  	s0 =	simm.s32 @!p0 $0x3  }
0x70: {  	_ =	swait.ge @!p0 [sflag:s0], s1  }
0x71: {  	s1 =	ssub.s32 @!p0 $0x0, s1;
	[sflag:s0] =	ssyncset.done @!p0 $0x0  }
0x72: {  	[sflag:s0] =	ssyncadd.s32 @!p0 s1  }
0x73: {  	[bflag:$0x3] =	sbarrier.arrive $0xFFFF  }
0x74: {  	_ =	shalt  }

</sc_bundles>
